<compile_context>
chip_gen: v7x
topology: tpu7x:2x2x1
jax: 0.10.2.dev20260603
libtpu: 0.0.44.dev20260713+nightly
codegen_flags: <defaults>
</compile_context>

<pallas_src>
import functools

import jax
import jax.numpy as jnp
from jax import lax
from jax.experimental import pallas as pl
from jax.experimental.pallas import tpu as pltpu
from jax.experimental.pallas import tpu_sc as plsc

_NC, _NS = 2, 16
_NW = _NC * _NS
_B = 32768
_D = 128
_TPW = _B // _NW
_C = 128
_NCHUNK = _TPW // _C
_EPS = 1e-12
_MARGIN = 0.2


def _sc_distances(embeddings, tri_r):
    mesh = plsc.VectorSubcoreMesh(core_axis_name="c", subcore_axis_name="s")
    out_type = (
        jax.ShapeDtypeStruct((_B,), jnp.float32),
        jax.ShapeDtypeStruct((_B,), jnp.float32),
    )
    scratch = [
        pltpu.VMEM((3, _NCHUNK, _C), jnp.int32),
        pltpu.VMEM((_C, _D), jnp.float32),
        pltpu.VMEM((_C, _D), jnp.float32),
        pltpu.VMEM((_C, _D), jnp.float32),
        pltpu.VMEM((_C, _D), jnp.float32),
        pltpu.VMEM((_C, _D), jnp.float32),
        pltpu.VMEM((_C, _D), jnp.float32),
        pltpu.VMEM((_TPW,), jnp.float32),
        pltpu.VMEM((_TPW,), jnp.float32),
        pltpu.SemaphoreType.DMA,
        pltpu.SemaphoreType.DMA,
    ]

    @functools.partial(pl.kernel, out_type=out_type, mesh=mesh,
                       scratch_types=scratch,
                       compiler_params=pltpu.CompilerParams(
                           needs_layout_passes=False))
    def k(emb_hbm, tri_hbm, ap2_hbm, an2_hbm,
          idx_v, a0, p0, n0, a1, p1, n1, ap2_v, an2_v, sem0, sem1):
        wid = lax.axis_index("s") * _NC + lax.axis_index("c")
        base = wid * _TPW
        bufs = ((a0, p0, n0), (a1, p1, n1))
        sems = (sem0, sem1)

        for comp in range(3):
            pltpu.sync_copy(tri_hbm.at[comp, wid], idx_v.at[comp])

        def fire(c, bs):
            return [
                pltpu.async_copy(emb_hbm.at[idx_v.at[comp, c]],
                                 bufs[bs][comp], sems[bs])
                for comp in range(3)
            ]

        def compute(c, bs):
            ba, bp, bn = bufs[bs]

            def group_body(g, _):
                def t_body(i, res):
                    res_ap, res_an = res
                    t = g * 16 + i
                    aap = jnp.zeros((16,), jnp.float32)
                    aan = jnp.zeros((16,), jnp.float32)
                    for dd in range(_D // 16):
                        sl = pl.ds(dd * 16, 16)
                        va = ba[t, sl]
                        vp = bp[t, sl]
                        vn = bn[t, sl]
                        vae = va + _EPS
                        dap = vae - vp
                        dan = vae - vn
                        aap = aap + dap * dap
                        aan = aan + dan * dan
                    lane = lax.iota(jnp.int32, 16) == i
                    res_ap = jnp.where(lane, jnp.sum(aap), res_ap)
                    res_an = jnp.where(lane, jnp.sum(aan), res_an)
                    return (res_ap, res_an)

                z = jnp.zeros((16,), jnp.float32)
                res_ap, res_an = lax.fori_loop(0, 16, t_body, (z, z))
                off = c * _C + g * 16
                ap2_v[pl.ds(off, 16)] = res_ap
                an2_v[pl.ds(off, 16)] = res_an
                return 0

            lax.fori_loop(0, _C // 16, group_body, 0)

        cps = fire(0, 0)
        for c in range(_NCHUNK):
            nxt = fire(c + 1, (c + 1) % 2) if c + 1 < _NCHUNK else None
            for cp in cps:
                cp.wait()
            compute(c, c % 2)
            cps = nxt

        pltpu.sync_copy(ap2_v, ap2_hbm.at[pl.ds(base, _TPW)])
        pltpu.sync_copy(an2_v, an2_hbm.at[pl.ds(base, _TPW)])

    return k(embeddings, tri_r)


def _tc_finish(ap_sq, an_sq):
    rows = _B // _D

    def body(ap2_ref, an2_ref, ap_ref, an_ref, loss_ref):
        ap = jnp.sqrt(ap2_ref[...])
        an = jnp.sqrt(an2_ref[...])
        ap_ref[...] = ap
        an_ref[...] = an
        loss_ref[0, 0] = jnp.sum(jnp.maximum(ap - an + _MARGIN, 0.0)) / _B

    ap_m, an_m, loss = pl.pallas_call(
        body,
        out_shape=(
            jax.ShapeDtypeStruct((rows, _D), jnp.float32),
            jax.ShapeDtypeStruct((rows, _D), jnp.float32),
            jax.ShapeDtypeStruct((1, 1), jnp.float32),
        ),
        out_specs=(
            pl.BlockSpec(memory_space=pltpu.VMEM),
            pl.BlockSpec(memory_space=pltpu.VMEM),
            pl.BlockSpec(memory_space=pltpu.SMEM),
        ),
    )(ap_sq.reshape(rows, _D), an_sq.reshape(rows, _D))
    return ap_m.reshape(_B), an_m.reshape(_B), loss[0, 0]


def kernel(embeddings, target, triplets):
    tri = triplets.astype(jnp.int32)
    tri_r = tri.T.reshape(3, _NW, _NCHUNK, _C)
    ap_sq, an_sq = _sc_distances(embeddings, tri_r)
    ap_d, an_d, loss = _tc_finish(ap_sq, an_sq)
    tdist = jnp.concatenate([ap_d, an_d], axis=0)
    ttarg = jnp.concatenate(
        [jnp.ones((_B,), jnp.float32), jnp.zeros((_B,), jnp.float32)], axis=0)
    return (loss, ap_d, an_d, tdist, ttarg)

# --- scband reference (transcript-rebuilt; emitter-appended) ---
"""Pipeline reference for scband-online-triplet-loss-7842610283400 (READ-ONLY COPY).

The authoritative reference and input builder live on the scoring server;
editing this copy changes nothing except your own understanding.
"""

import jax, jax.numpy as jnp
import numpy as np

MARGIN = 0.2
EPS = 1e-12


def setup_inputs(seed: int = 0) -> dict:
    key = jax.random.key(seed)
    k1, k2, k3 = jax.random.split(key, 3)
    embeddings = jax.random.normal(k1, (16384, 128), dtype=jnp.float32)
    target = jax.random.randint(k2, (16384,), 0, 1000)
    triplets = jax.random.randint(k3, (32768, 3), 0, 16384)
    return {"embeddings": embeddings, "target": target, "triplets": triplets}


def reference(embeddings, target, triplets):
    # triplets are precomputed (anchor, positive, negative) index rows, standing in
    # for triplet_selector.get_triplets(embeddings, target).
    a = jnp.take(embeddings, triplets[:, 0], axis=0)
    p = jnp.take(embeddings, triplets[:, 1], axis=0)
    n = jnp.take(embeddings, triplets[:, 2], axis=0)
    # F.pairwise_distance with eps: ||x1 - x2 + eps||_2
    ap_distances = jnp.sqrt(jnp.sum((a - p + EPS) ** 2, axis=1))
    an_distances = jnp.sqrt(jnp.sum((a - n + EPS) ** 2, axis=1))
    losses = jnp.maximum(ap_distances - an_distances + MARGIN, 0.0)
    loss = jnp.mean(losses)
    triplet_distances = jnp.concatenate([ap_distances, an_distances], axis=0)
    triplet_targets = jnp.concatenate(
        [jnp.ones(ap_distances.shape[0], dtype=jnp.float32),
         jnp.zeros(an_distances.shape[0], dtype=jnp.float32)], axis=0)
    return (loss, ap_distances, an_distances, triplet_distances, triplet_targets)

if __name__ == "__main__":
    import jax
    _d = setup_inputs()
    print(jax.jit(kernel)(*tuple(_d.values())))

</pallas_src>

<mosaic_0001>
#map = affine_map<(d0, d1) -> (0, 0)>
#map1 = affine_map<(d0, d1) -> (0, 0, 0, 0)>
#map2 = affine_map<(d0, d1) -> (0)>
module attributes {stable_mosaic.version = 14 : i64} {
  func.func @k(%arg0: i32, %arg1: i32, %arg2: memref<16384x128xf32, #tpu.memory_space<hbm>>, %arg3: memref<3x32x8x128xi32, #tpu.memory_space<hbm>>, %arg4: memref<32768xf32, #tpu.memory_space<hbm>>, %arg5: memref<32768xf32, #tpu.memory_space<hbm>>, %arg6: memref<3x8x128xi32, #tpu.memory_space<vmem>>, %arg7: memref<128x128xf32, #tpu.memory_space<vmem>>, %arg8: memref<128x128xf32, #tpu.memory_space<vmem>>, %arg9: memref<128x128xf32, #tpu.memory_space<vmem>>, %arg10: memref<128x128xf32, #tpu.memory_space<vmem>>, %arg11: memref<128x128xf32, #tpu.memory_space<vmem>>, %arg12: memref<128x128xf32, #tpu.memory_space<vmem>>, %arg13: memref<1024xf32, #tpu.memory_space<vmem>>, %arg14: memref<1024xf32, #tpu.memory_space<vmem>>, %arg15: memref<!tpu.dma_semaphore, #tpu.memory_space<semaphore_mem>>, %arg16: memref<!tpu.dma_semaphore, #tpu.memory_space<semaphore_mem>>) attributes {dimension_semantics = [#tpu.dimension_semantics<core_parallel>, #tpu.dimension_semantics<subcore_parallel>], iteration_bounds = array<i64: 2, 16>, scalar_prefetch = 0 : i64, scratch_operands = 11 : i64, tpu.core_type = #tpu.core_type<sc_vector_subcore>, window_params = [{transform_indices = #map}, {transform_indices = #map1}, {transform_indices = #map2}, {transform_indices = #map2}]} {
    %mul3A = arith.constant 2 : i32
    %mul3A_0 = arith.muli %arg1, %mul3A : i32
    %add3A = arith.addi %mul3A_0, %arg0 : i32
    %mul3A_1 = arith.constant 1024 : i32
    %mul3A_2 = arith.muli %add3A, %mul3A_1 : i32
    %run_scoped3A = arith.constant 0 : i32
    %run_scoped3A_3 = arith.constant 0 : i32
    "tpu.region"() ({
      %run_scoped3A_445 = tpu.sem_alloc : memref<!tpu.dma_semaphore, #tpu.memory_space<semaphore_mem>>
      %dma_start3A_446 = arith.constant 0 : i32
      %dma_start3A_447 = arith.constant 0 : i32
      %dma_start3A_448 = tpu.memref_slice %arg6[%run_scoped3A_3, %dma_start3A_446, %dma_start3A_447] : memref<3x8x128xi32, #tpu.memory_space<vmem>> -> memref<1x8x128xi32, #tpu.memory_space<vmem>>
      %dma_start3A_449 = tpu.memref_squeeze %dma_start3A_448 : memref<1x8x128xi32, #tpu.memory_space<vmem>> -> memref<8x128xi32, #tpu.memory_space<vmem>>
      %dma_start3A_450 = arith.constant 0 : i32
      %dma_start3A_451 = arith.constant 0 : i32
      %dma_start3A_452 = tpu.memref_slice %arg3[%run_scoped3A, %add3A, %dma_start3A_450, %dma_start3A_451] : memref<3x32x8x128xi32, #tpu.memory_space<hbm>> -> memref<1x1x8x128xi32, #tpu.memory_space<hbm>>
      %dma_start3A_453 = tpu.memref_squeeze %dma_start3A_452 : memref<1x1x8x128xi32, #tpu.memory_space<hbm>> -> memref<8x128xi32, #tpu.memory_space<hbm>>
      %dma_start3A_454 = arith.constant 0 : i32
      %dma_start3A_455 = arith.constant 0 : i32
      %dma_start3A_456 = tpu.memref_slice %arg6[%run_scoped3A_3, %dma_start3A_454, %dma_start3A_455] : memref<3x8x128xi32, #tpu.memory_space<vmem>> -> memref<1x8x128xi32, #tpu.memory_space<vmem>>
      %dma_start3A_457 = tpu.memref_squeeze %dma_start3A_456 : memref<1x8x128xi32, #tpu.memory_space<vmem>> -> memref<8x128xi32, #tpu.memory_space<vmem>>
      %dma_start3A_458 = arith.constant 0 : i32
      %dma_start3A_459 = arith.constant 0 : i32
      %dma_start3A_460 = tpu.memref_slice %arg3[%run_scoped3A, %add3A, %dma_start3A_458, %dma_start3A_459] : memref<3x32x8x128xi32, #tpu.memory_space<hbm>> -> memref<1x1x8x128xi32, #tpu.memory_space<hbm>>
      %dma_start3A_461 = tpu.memref_squeeze %dma_start3A_460 : memref<1x1x8x128xi32, #tpu.memory_space<hbm>> -> memref<8x128xi32, #tpu.memory_space<hbm>>
      tpu.enqueue_dma source(%dma_start3A_461 : memref<8x128xi32, #tpu.memory_space<hbm>>) target(%dma_start3A_457 : memref<8x128xi32, #tpu.memory_space<vmem>>) target_semaphore(%run_scoped3A_445 : memref<!tpu.dma_semaphore, #tpu.memory_space<semaphore_mem>>)
      %dma_wait3A_462 = arith.constant 0 : i32
      %dma_wait3A_463 = arith.constant 0 : i32
      %dma_wait3A_464 = tpu.memref_slice %arg6[%run_scoped3A_3, %dma_wait3A_462, %dma_wait3A_463] : memref<3x8x128xi32, #tpu.memory_space<vmem>> -> memref<1x8x128xi32, #tpu.memory_space<vmem>>
      %dma_wait3A_465 = tpu.memref_squeeze %dma_wait3A_464 : memref<1x8x128xi32, #tpu.memory_space<vmem>> -> memref<8x128xi32, #tpu.memory_space<vmem>>
      %dma_wait3A_466 = arith.constant 0 : i32
      %dma_wait3A_467 = arith.constant 0 : i32
      %dma_wait3A_468 = tpu.memref_slice %arg3[%run_scoped3A, %add3A, %dma_wait3A_466, %dma_wait3A_467] : memref<3x32x8x128xi32, #tpu.memory_space<hbm>> -> memref<1x1x8x128xi32, #tpu.memory_space<hbm>>
      %dma_wait3A_469 = tpu.memref_squeeze %dma_wait3A_468 : memref<1x1x8x128xi32, #tpu.memory_space<hbm>> -> memref<8x128xi32, #tpu.memory_space<hbm>>
      %dma_wait3A_470 = arith.constant 0 : i32
      %dma_wait3A_471 = arith.constant 0 : i32
      %dma_wait3A_472 = tpu.memref_slice %arg6[%run_scoped3A_3, %dma_wait3A_470, %dma_wait3A_471] : memref<3x8x128xi32, #tpu.memory_space<vmem>> -> memref<1x8x128xi32, #tpu.memory_space<vmem>>
      %dma_wait3A_473 = tpu.memref_squeeze %dma_wait3A_472 : memref<1x8x128xi32, #tpu.memory_space<vmem>> -> memref<8x128xi32, #tpu.memory_space<vmem>>
      %dma_wait3A_474 = arith.constant 0 : i32
      %dma_wait3A_475 = arith.constant 0 : i32
      %dma_wait3A_476 = tpu.memref_slice %arg3[%run_scoped3A, %add3A, %dma_wait3A_474, %dma_wait3A_475] : memref<3x32x8x128xi32, #tpu.memory_space<hbm>> -> memref<1x1x8x128xi32, #tpu.memory_space<hbm>>
      %dma_wait3A_477 = tpu.memref_squeeze %dma_wait3A_476 : memref<1x1x8x128xi32, #tpu.memory_space<hbm>> -> memref<8x128xi32, #tpu.memory_space<hbm>>
      tpu.wait_dma2 semaphore(%run_scoped3A_445 : memref<!tpu.dma_semaphore, #tpu.memory_space<semaphore_mem>>) src(%dma_wait3A_477 : memref<8x128xi32, #tpu.memory_space<hbm>>) dst(%dma_wait3A_473 : memref<8x128xi32, #tpu.memory_space<vmem>>)
      tpu.yield
    }) : () -> ()
    %run_scoped3A_4 = arith.constant 1 : i32
    %run_scoped3A_5 = arith.constant 1 : i32
    "tpu.region"() ({
      %run_scoped3A_445 = tpu.sem_alloc : memref<!tpu.dma_semaphore, #tpu.memory_space<semaphore_mem>>
      %dma_start3A_446 = arith.constant 0 : i32
      %dma_start3A_447 = arith.constant 0 : i32
      %dma_start3A_448 = tpu.memref_slice %arg6[%run_scoped3A_5, %dma_start3A_446, %dma_start3A_447] : memref<3x8x128xi32, #tpu.memory_space<vmem>> -> memref<1x8x128xi32, #tpu.memory_space<vmem>>
      %dma_start3A_449 = tpu.memref_squeeze %dma_start3A_448 : memref<1x8x128xi32, #tpu.memory_space<vmem>> -> memref<8x128xi32, #tpu.memory_space<vmem>>
      %dma_start3A_450 = arith.constant 0 : i32
      %dma_start3A_451 = arith.constant 0 : i32
      %dma_start3A_452 = tpu.memref_slice %arg3[%run_scoped3A_4, %add3A, %dma_start3A_450, %dma_start3A_451] : memref<3x32x8x128xi32, #tpu.memory_space<hbm>> -> memref<1x1x8x128xi32, #tpu.memory_space<hbm>>
      %dma_start3A_453 = tpu.memref_squeeze %dma_start3A_452 : memref<1x1x8x128xi32, #tpu.memory_space<hbm>> -> memref<8x128xi32, #tpu.memory_space<hbm>>
      %dma_start3A_454 = arith.constant 0 : i32
      %dma_start3A_455 = arith.constant 0 : i32
      %dma_start3A_456 = tpu.memref_slice %arg6[%run_scoped3A_5, %dma_start3A_454, %dma_start3A_455] : memref<3x8x128xi32, #tpu.memory_space<vmem>> -> memref<1x8x128xi32, #tpu.memory_space<vmem>>
      %dma_start3A_457 = tpu.memref_squeeze %dma_start3A_456 : memref<1x8x128xi32, #tpu.memory_space<vmem>> -> memref<8x128xi32, #tpu.memory_space<vmem>>
      %dma_start3A_458 = arith.constant 0 : i32
      %dma_start3A_459 = arith.constant 0 : i32
      %dma_start3A_460 = tpu.memref_slice %arg3[%run_scoped3A_4, %add3A, %dma_start3A_458, %dma_start3A_459] : memref<3x32x8x128xi32, #tpu.memory_space<hbm>> -> memref<1x1x8x128xi32, #tpu.memory_space<hbm>>
      %dma_start3A_461 = tpu.memref_squeeze %dma_start3A_460 : memref<1x1x8x128xi32, #tpu.memory_space<hbm>> -> memref<8x128xi32, #tpu.memory_space<hbm>>
      tpu.enqueue_dma source(%dma_start3A_461 : memref<8x128xi32, #tpu.memory_space<hbm>>) target(%dma_start3A_457 : memref<8x128xi32, #tpu.memory_space<vmem>>) target_semaphore(%run_scoped3A_445 : memref<!tpu.dma_semaphore, #tpu.memory_space<semaphore_mem>>)
      %dma_wait3A_462 = arith.constant 0 : i32
      %dma_wait3A_463 = arith.constant 0 : i32
      %dma_wait3A_464 = tpu.memref_slice %arg6[%run_scoped3A_5, %dma_wait3A_462, %dma_wait3A_463] : memref<3x8x128xi32, #tpu.memory_space<vmem>> -> memref<1x8x128xi32, #tpu.memory_space<vmem>>
      %dma_wait3A_465 = tpu.memref_squeeze %dma_wait3A_464 : memref<1x8x128xi32, #tpu.memory_space<vmem>> -> memref<8x128xi32, #tpu.memory_space<vmem>>
      %dma_wait3A_466 = arith.constant 0 : i32
      %dma_wait3A_467 = arith.constant 0 : i32
      %dma_wait3A_468 = tpu.memref_slice %arg3[%run_scoped3A_4, %add3A, %dma_wait3A_466, %dma_wait3A_467] : memref<3x32x8x128xi32, #tpu.memory_space<hbm>> -> memref<1x1x8x128xi32, #tpu.memory_space<hbm>>
      %dma_wait3A_469 = tpu.memref_squeeze %dma_wait3A_468 : memref<1x1x8x128xi32, #tpu.memory_space<hbm>> -> memref<8x128xi32, #tpu.memory_space<hbm>>
      %dma_wait3A_470 = arith.constant 0 : i32
      %dma_wait3A_471 = arith.constant 0 : i32
      %dma_wait3A_472 = tpu.memref_slice %arg6[%run_scoped3A_5, %dma_wait3A_470, %dma_wait3A_471] : memref<3x8x128xi32, #tpu.memory_space<vmem>> -> memref<1x8x128xi32, #tpu.memory_space<vmem>>
      %dma_wait3A_473 = tpu.memref_squeeze %dma_wait3A_472 : memref<1x8x128xi32, #tpu.memory_space<vmem>> -> memref<8x128xi32, #tpu.memory_space<vmem>>
      %dma_wait3A_474 = arith.constant 0 : i32
      %dma_wait3A_475 = arith.constant 0 : i32
      %dma_wait3A_476 = tpu.memref_slice %arg3[%run_scoped3A_4, %add3A, %dma_wait3A_474, %dma_wait3A_475] : memref<3x32x8x128xi32, #tpu.memory_space<hbm>> -> memref<1x1x8x128xi32, #tpu.memory_space<hbm>>
      %dma_wait3A_477 = tpu.memref_squeeze %dma_wait3A_476 : memref<1x1x8x128xi32, #tpu.memory_space<hbm>> -> memref<8x128xi32, #tpu.memory_space<hbm>>
      tpu.wait_dma2 semaphore(%run_scoped3A_445 : memref<!tpu.dma_semaphore, #tpu.memory_space<semaphore_mem>>) src(%dma_wait3A_477 : memref<8x128xi32, #tpu.memory_space<hbm>>) dst(%dma_wait3A_473 : memref<8x128xi32, #tpu.memory_space<vmem>>)
      tpu.yield
    }) : () -> ()
    %run_scoped3A_6 = arith.constant 2 : i32
    %run_scoped3A_7 = arith.constant 2 : i32
    "tpu.region"() ({
      %run_scoped3A_445 = tpu.sem_alloc : memref<!tpu.dma_semaphore, #tpu.memory_space<semaphore_mem>>
      %dma_start3A_446 = arith.constant 0 : i32
      %dma_start3A_447 = arith.constant 0 : i32
      %dma_start3A_448 = tpu.memref_slice %arg6[%run_scoped3A_7, %dma_start3A_446, %dma_start3A_447] : memref<3x8x128xi32, #tpu.memory_space<vmem>> -> memref<1x8x128xi32, #tpu.memory_space<vmem>>
      %dma_start3A_449 = tpu.memref_squeeze %dma_start3A_448 : memref<1x8x128xi32, #tpu.memory_space<vmem>> -> memref<8x128xi32, #tpu.memory_space<vmem>>
      %dma_start3A_450 = arith.constant 0 : i32
      %dma_start3A_451 = arith.constant 0 : i32
      %dma_start3A_452 = tpu.memref_slice %arg3[%run_scoped3A_6, %add3A, %dma_start3A_450, %dma_start3A_451] : memref<3x32x8x128xi32, #tpu.memory_space<hbm>> -> memref<1x1x8x128xi32, #tpu.memory_space<hbm>>
      %dma_start3A_453 = tpu.memref_squeeze %dma_start3A_452 : memref<1x1x8x128xi32, #tpu.memory_space<hbm>> -> memref<8x128xi32, #tpu.memory_space<hbm>>
      %dma_start3A_454 = arith.constant 0 : i32
      %dma_start3A_455 = arith.constant 0 : i32
      %dma_start3A_456 = tpu.memref_slice %arg6[%run_scoped3A_7, %dma_start3A_454, %dma_start3A_455] : memref<3x8x128xi32, #tpu.memory_space<vmem>> -> memref<1x8x128xi32, #tpu.memory_space<vmem>>
      %dma_start3A_457 = tpu.memref_squeeze %dma_start3A_456 : memref<1x8x128xi32, #tpu.memory_space<vmem>> -> memref<8x128xi32, #tpu.memory_space<vmem>>
      %dma_start3A_458 = arith.constant 0 : i32
      %dma_start3A_459 = arith.constant 0 : i32
      %dma_start3A_460 = tpu.memref_slice %arg3[%run_scoped3A_6, %add3A, %dma_start3A_458, %dma_start3A_459] : memref<3x32x8x128xi32, #tpu.memory_space<hbm>> -> memref<1x1x8x128xi32, #tpu.memory_space<hbm>>
      %dma_start3A_461 = tpu.memref_squeeze %dma_start3A_460 : memref<1x1x8x128xi32, #tpu.memory_space<hbm>> -> memref<8x128xi32, #tpu.memory_space<hbm>>
      tpu.enqueue_dma source(%dma_start3A_461 : memref<8x128xi32, #tpu.memory_space<hbm>>) target(%dma_start3A_457 : memref<8x128xi32, #tpu.memory_space<vmem>>) target_semaphore(%run_scoped3A_445 : memref<!tpu.dma_semaphore, #tpu.memory_space<semaphore_mem>>)
      %dma_wait3A_462 = arith.constant 0 : i32
      %dma_wait3A_463 = arith.constant 0 : i32
      %dma_wait3A_464 = tpu.memref_slice %arg6[%run_scoped3A_7, %dma_wait3A_462, %dma_wait3A_463] : memref<3x8x128xi32, #tpu.memory_space<vmem>> -> memref<1x8x128xi32, #tpu.memory_space<vmem>>
      %dma_wait3A_465 = tpu.memref_squeeze %dma_wait3A_464 : memref<1x8x128xi32, #tpu.memory_space<vmem>> -> memref<8x128xi32, #tpu.memory_space<vmem>>
      %dma_wait3A_466 = arith.constant 0 : i32
      %dma_wait3A_467 = arith.constant 0 : i32
      %dma_wait3A_468 = tpu.memref_slice %arg3[%run_scoped3A_6, %add3A, %dma_wait3A_466, %dma_wait3A_467] : memref<3x32x8x128xi32, #tpu.memory_space<hbm>> -> memref<1x1x8x128xi32, #tpu.memory_space<hbm>>
      %dma_wait3A_469 = tpu.memref_squeeze %dma_wait3A_468 : memref<1x1x8x128xi32, #tpu.memory_space<hbm>> -> memref<8x128xi32, #tpu.memory_space<hbm>>
      %dma_wait3A_470 = arith.constant 0 : i32
      %dma_wait3A_471 = arith.constant 0 : i32
      %dma_wait3A_472 = tpu.memref_slice %arg6[%run_scoped3A_7, %dma_wait3A_470, %dma_wait3A_471] : memref<3x8x128xi32, #tpu.memory_space<vmem>> -> memref<1x8x128xi32, #tpu.memory_space<vmem>>
      %dma_wait3A_473 = tpu.memref_squeeze %dma_wait3A_472 : memref<1x8x128xi32, #tpu.memory_space<vmem>> -> memref<8x128xi32, #tpu.memory_space<vmem>>
      %dma_wait3A_474 = arith.constant 0 : i32
      %dma_wait3A_475 = arith.constant 0 : i32
      %dma_wait3A_476 = tpu.memref_slice %arg3[%run_scoped3A_6, %add3A, %dma_wait3A_474, %dma_wait3A_475] : memref<3x32x8x128xi32, #tpu.memory_space<hbm>> -> memref<1x1x8x128xi32, #tpu.memory_space<hbm>>
      %dma_wait3A_477 = tpu.memref_squeeze %dma_wait3A_476 : memref<1x1x8x128xi32, #tpu.memory_space<hbm>> -> memref<8x128xi32, #tpu.memory_space<hbm>>
      tpu.wait_dma2 semaphore(%run_scoped3A_445 : memref<!tpu.dma_semaphore, #tpu.memory_space<semaphore_mem>>) src(%dma_wait3A_477 : memref<8x128xi32, #tpu.memory_space<hbm>>) dst(%dma_wait3A_473 : memref<8x128xi32, #tpu.memory_space<vmem>>)
      tpu.yield
    }) : () -> ()
    %dma_start3A = arith.constant 0 : i32
    %dma_start3A_8 = arith.constant 0 : i32
    %dma_start3A_9 = arith.constant 0 : i32
    %dma_start3A_10 = tpu.memref_slice %arg6[%dma_start3A, %dma_start3A_8, %dma_start3A_9] : memref<3x8x128xi32, #tpu.memory_space<vmem>> -> memref<1x1x128xi32, #tpu.memory_space<vmem>>
    %dma_start3A_11 = tpu.memref_squeeze %dma_start3A_10 : memref<1x1x128xi32, #tpu.memory_space<vmem>> -> memref<128xi32, #tpu.memory_space<vmem>>
    %dma_start3A_12 = arith.constant 0 : i32
    %dma_start3A_13 = arith.constant 0 : i32
    %dma_start3A_14 = tpu.memref_slice %arg2[%dma_start3A_12, %dma_start3A_13] : memref<16384x128xf32, #tpu.memory_space<hbm>> -> memref<16384x128xf32, #tpu.memory_space<hbm>>
    tpu.enqueue_indirect_dma source(%dma_start3A_14 : memref<16384x128xf32, #tpu.memory_space<hbm>>) target(%arg7 : memref<128x128xf32, #tpu.memory_space<vmem>>) offsets(%dma_start3A_11 : memref<128xi32, #tpu.memory_space<vmem>>) semaphore(%arg15 : memref<!tpu.dma_semaphore, #tpu.memory_space<semaphore_mem>>)
    %dma_start3A_15 = arith.constant 1 : i32
    %dma_start3A_16 = arith.constant 0 : i32
    %dma_start3A_17 = arith.constant 0 : i32
    %dma_start3A_18 = tpu.memref_slice %arg6[%dma_start3A_15, %dma_start3A_16, %dma_start3A_17] : memref<3x8x128xi32, #tpu.memory_space<vmem>> -> memref<1x1x128xi32, #tpu.memory_space<vmem>>
    %dma_start3A_19 = tpu.memref_squeeze %dma_start3A_18 : memref<1x1x128xi32, #tpu.memory_space<vmem>> -> memref<128xi32, #tpu.memory_space<vmem>>
    %dma_start3A_20 = arith.constant 0 : i32
    %dma_start3A_21 = arith.constant 0 : i32
    %dma_start3A_22 = tpu.memref_slice %arg2[%dma_start3A_20, %dma_start3A_21] : memref<16384x128xf32, #tpu.memory_space<hbm>> -> memref<16384x128xf32, #tpu.memory_space<hbm>>
    tpu.enqueue_indirect_dma source(%dma_start3A_22 : memref<16384x128xf32, #tpu.memory_space<hbm>>) target(%arg8 : memref<128x128xf32, #tpu.memory_space<vmem>>) offsets(%dma_start3A_19 : memref<128xi32, #tpu.memory_space<vmem>>) semaphore(%arg15 : memref<!tpu.dma_semaphore, #tpu.memory_space<semaphore_mem>>)
    %dma_start3A_23 = arith.constant 2 : i32
    %dma_start3A_24 = arith.constant 0 : i32
    %dma_start3A_25 = arith.constant 0 : i32
    %dma_start3A_26 = tpu.memref_slice %arg6[%dma_start3A_23, %dma_start3A_24, %dma_start3A_25] : memref<3x8x128xi32, #tpu.memory_space<vmem>> -> memref<1x1x128xi32, #tpu.memory_space<vmem>>
    %dma_start3A_27 = tpu.memref_squeeze %dma_start3A_26 : memref<1x1x128xi32, #tpu.memory_space<vmem>> -> memref<128xi32, #tpu.memory_space<vmem>>
    %dma_start3A_28 = arith.constant 0 : i32
    %dma_start3A_29 = arith.constant 0 : i32
    %dma_start3A_30 = tpu.memref_slice %arg2[%dma_start3A_28, %dma_start3A_29] : memref<16384x128xf32, #tpu.memory_space<hbm>> -> memref<16384x128xf32, #tpu.memory_space<hbm>>
    tpu.enqueue_indirect_dma source(%dma_start3A_30 : memref<16384x128xf32, #tpu.memory_space<hbm>>) target(%arg9 : memref<128x128xf32, #tpu.memory_space<vmem>>) offsets(%dma_start3A_27 : memref<128xi32, #tpu.memory_space<vmem>>) semaphore(%arg15 : memref<!tpu.dma_semaphore, #tpu.memory_space<semaphore_mem>>)
    %dma_start3A_31 = arith.constant 0 : i32
    %dma_start3A_32 = arith.constant 1 : i32
    %dma_start3A_33 = arith.constant 0 : i32
    %dma_start3A_34 = tpu.memref_slice %arg6[%dma_start3A_31, %dma_start3A_32, %dma_start3A_33] : memref<3x8x128xi32, #tpu.memory_space<vmem>> -> memref<1x1x128xi32, #tpu.memory_space<vmem>>
    %dma_start3A_35 = tpu.memref_squeeze %dma_start3A_34 : memref<1x1x128xi32, #tpu.memory_space<vmem>> -> memref<128xi32, #tpu.memory_space<vmem>>
    %dma_start3A_36 = arith.constant 0 : i32
    %dma_start3A_37 = arith.constant 0 : i32
    %dma_start3A_38 = tpu.memref_slice %arg2[%dma_start3A_36, %dma_start3A_37] : memref<16384x128xf32, #tpu.memory_space<hbm>> -> memref<16384x128xf32, #tpu.memory_space<hbm>>
    tpu.enqueue_indirect_dma source(%dma_start3A_38 : memref<16384x128xf32, #tpu.memory_space<hbm>>) target(%arg10 : memref<128x128xf32, #tpu.memory_space<vmem>>) offsets(%dma_start3A_35 : memref<128xi32, #tpu.memory_space<vmem>>) semaphore(%arg16 : memref<!tpu.dma_semaphore, #tpu.memory_space<semaphore_mem>>)
    %dma_start3A_39 = arith.constant 1 : i32
    %dma_start3A_40 = arith.constant 1 : i32
    %dma_start3A_41 = arith.constant 0 : i32
    %dma_start3A_42 = tpu.memref_slice %arg6[%dma_start3A_39, %dma_start3A_40, %dma_start3A_41] : memref<3x8x128xi32, #tpu.memory_space<vmem>> -> memref<1x1x128xi32, #tpu.memory_space<vmem>>
    %dma_start3A_43 = tpu.memref_squeeze %dma_start3A_42 : memref<1x1x128xi32, #tpu.memory_space<vmem>> -> memref<128xi32, #tpu.memory_space<vmem>>
    %dma_start3A_44 = arith.constant 0 : i32
    %dma_start3A_45 = arith.constant 0 : i32
    %dma_start3A_46 = tpu.memref_slice %arg2[%dma_start3A_44, %dma_start3A_45] : memref<16384x128xf32, #tpu.memory_space<hbm>> -> memref<16384x128xf32, #tpu.memory_space<hbm>>
    tpu.enqueue_indirect_dma source(%dma_start3A_46 : memref<16384x128xf32, #tpu.memory_space<hbm>>) target(%arg11 : memref<128x128xf32, #tpu.memory_space<vmem>>) offsets(%dma_start3A_43 : memref<128xi32, #tpu.memory_space<vmem>>) semaphore(%arg16 : memref<!tpu.dma_semaphore, #tpu.memory_space<semaphore_mem>>)
    %dma_start3A_47 = arith.constant 2 : i32
    %dma_start3A_48 = arith.constant 1 : i32
    %dma_start3A_49 = arith.constant 0 : i32
    %dma_start3A_50 = tpu.memref_slice %arg6[%dma_start3A_47, %dma_start3A_48, %dma_start3A_49] : memref<3x8x128xi32, #tpu.memory_space<vmem>> -> memref<1x1x128xi32, #tpu.memory_space<vmem>>
    %dma_start3A_51 = tpu.memref_squeeze %dma_start3A_50 : memref<1x1x128xi32, #tpu.memory_space<vmem>> -> memref<128xi32, #tpu.memory_space<vmem>>
    %dma_start3A_52 = arith.constant 0 : i32
    %dma_start3A_53 = arith.constant 0 : i32
    %dma_start3A_54 = tpu.memref_slice %arg2[%dma_start3A_52, %dma_start3A_53] : memref<16384x128xf32, #tpu.memory_space<hbm>> -> memref<16384x128xf32, #tpu.memory_space<hbm>>
    tpu.enqueue_indirect_dma source(%dma_start3A_54 : memref<16384x128xf32, #tpu.memory_space<hbm>>) target(%arg12 : memref<128x128xf32, #tpu.memory_space<vmem>>) offsets(%dma_start3A_51 : memref<128xi32, #tpu.memory_space<vmem>>) semaphore(%arg16 : memref<!tpu.dma_semaphore, #tpu.memory_space<semaphore_mem>>)
    %dma_wait3A = arith.constant 0 : i32
    %dma_wait3A_55 = arith.constant 0 : i32
    %dma_wait3A_56 = arith.constant 0 : i32
    %dma_wait3A_57 = tpu.memref_slice %arg6[%dma_wait3A, %dma_wait3A_55, %dma_wait3A_56] : memref<3x8x128xi32, #tpu.memory_space<vmem>> -> memref<1x1x128xi32, #tpu.memory_space<vmem>>
    %dma_wait3A_58 = tpu.memref_squeeze %dma_wait3A_57 : memref<1x1x128xi32, #tpu.memory_space<vmem>> -> memref<128xi32, #tpu.memory_space<vmem>>
    %dma_wait3A_59 = arith.constant 0 : i32
    %dma_wait3A_60 = arith.constant 0 : i32
    %dma_wait3A_61 = tpu.memref_slice %arg2[%dma_wait3A_59, %dma_wait3A_60] : memref<16384x128xf32, #tpu.memory_space<hbm>> -> memref<16384x128xf32, #tpu.memory_space<hbm>>
    tpu.wait_indirect_dma semaphore(%arg15 : memref<!tpu.dma_semaphore, #tpu.memory_space<semaphore_mem>>) src(%dma_wait3A_61 : memref<16384x128xf32, #tpu.memory_space<hbm>>) dst(%arg7 : memref<128x128xf32, #tpu.memory_space<vmem>>)
    %dma_wait3A_62 = arith.constant 1 : i32
    %dma_wait3A_63 = arith.constant 0 : i32
    %dma_wait3A_64 = arith.constant 0 : i32
    %dma_wait3A_65 = tpu.memref_slice %arg6[%dma_wait3A_62, %dma_wait3A_63, %dma_wait3A_64] : memref<3x8x128xi32, #tpu.memory_space<vmem>> -> memref<1x1x128xi32, #tpu.memory_space<vmem>>
    %dma_wait3A_66 = tpu.memref_squeeze %dma_wait3A_65 : memref<1x1x128xi32, #tpu.memory_space<vmem>> -> memref<128xi32, #tpu.memory_space<vmem>>
    %dma_wait3A_67 = arith.constant 0 : i32
    %dma_wait3A_68 = arith.constant 0 : i32
    %dma_wait3A_69 = tpu.memref_slice %arg2[%dma_wait3A_67, %dma_wait3A_68] : memref<16384x128xf32, #tpu.memory_space<hbm>> -> memref<16384x128xf32, #tpu.memory_space<hbm>>
    tpu.wait_indirect_dma semaphore(%arg15 : memref<!tpu.dma_semaphore, #tpu.memory_space<semaphore_mem>>) src(%dma_wait3A_69 : memref<16384x128xf32, #tpu.memory_space<hbm>>) dst(%arg8 : memref<128x128xf32, #tpu.memory_space<vmem>>)
    %dma_wait3A_70 = arith.constant 2 : i32
    %dma_wait3A_71 = arith.constant 0 : i32
    %dma_wait3A_72 = arith.constant 0 : i32
    %dma_wait3A_73 = tpu.memref_slice %arg6[%dma_wait3A_70, %dma_wait3A_71, %dma_wait3A_72] : memref<3x8x128xi32, #tpu.memory_space<vmem>> -> memref<1x1x128xi32, #tpu.memory_space<vmem>>
    %dma_wait3A_74 = tpu.memref_squeeze %dma_wait3A_73 : memref<1x1x128xi32, #tpu.memory_space<vmem>> -> memref<128xi32, #tpu.memory_space<vmem>>
    %dma_wait3A_75 = arith.constant 0 : i32
    %dma_wait3A_76 = arith.constant 0 : i32
    %dma_wait3A_77 = tpu.memref_slice %arg2[%dma_wait3A_75, %dma_wait3A_76] : memref<16384x128xf32, #tpu.memory_space<hbm>> -> memref<16384x128xf32, #tpu.memory_space<hbm>>
    tpu.wait_indirect_dma semaphore(%arg15 : memref<!tpu.dma_semaphore, #tpu.memory_space<semaphore_mem>>) src(%dma_wait3A_77 : memref<16384x128xf32, #tpu.memory_space<hbm>>) dst(%arg9 : memref<128x128xf32, #tpu.memory_space<vmem>>)
    %scan3A = arith.constant 0 : i32
    %scan3A_78 = arith.constant 0 : i32
    %scan3A_79 = arith.constant 8 : i32
    %scan3A_80 = arith.addi %scan3A_78, %scan3A_79 : i32
    %scan3A_81 = arith.constant 1 : i32
    %scan3A_82 = scf.for %scan3A_445 = %scan3A_78 to %scan3A_80 step %scan3A_81 iter_args(%scan3A_446 = %scan3A) -> (i32)  : i32 {
      %broadcast_in_dim3A = arith.constant 0.000000e+00 : f32
      %broadcast_in_dim3A_447 = vector.broadcast %broadcast_in_dim3A : f32 to vector<16xf32>
      %scan3A_448 = arith.constant 0 : i32
      %scan3A_449 = arith.constant 16 : i32
      %scan3A_450 = arith.addi %scan3A_448, %scan3A_449 : i32
      %scan3A_451 = arith.constant 1 : i32
      %scan3A_452:2 = scf.for %scan3A_462 = %scan3A_448 to %scan3A_450 step %scan3A_451 iter_args(%scan3A_463 = %broadcast_in_dim3A_447, %scan3A_464 = %broadcast_in_dim3A_447) -> (vector<16xf32>, vector<16xf32>)  : i32 {
        %mul3A_465 = arith.constant 16 : i32
        %mul3A_466 = arith.muli %scan3A_445, %mul3A_465 : i32
        %add3A_467 = arith.addi %mul3A_466, %scan3A_462 : i32
        %broadcast_in_dim3A_468 = arith.constant 0.000000e+00 : f32
        %broadcast_in_dim3A_469 = vector.broadcast %broadcast_in_dim3A_468 : f32 to vector<16xf32>
        %broadcast_in_dim3A_470 = arith.constant 0.000000e+00 : f32
        %broadcast_in_dim3A_471 = vector.broadcast %broadcast_in_dim3A_470 : f32 to vector<16xf32>
        %get3A = arith.index_cast %add3A_467 : i32 to index
        %get3A_472 = arith.constant 0 : index
        %get3A_473 = tpu.vector_load %arg7[%get3A, %get3A_472] {strides = array<i32>} : memref<128x128xf32, #tpu.memory_space<vmem>>, vector<16xf32>,
        %get3A_474 = arith.index_cast %add3A_467 : i32 to index
        %get3A_475 = arith.constant 0 : index
        %get3A_476 = tpu.vector_load %arg8[%get3A_474, %get3A_475] {strides = array<i32>} : memref<128x128xf32, #tpu.memory_space<vmem>>, vector<16xf32>,
        %get3A_477 = arith.index_cast %add3A_467 : i32 to index
        %get3A_478 = arith.constant 0 : index
        %get3A_479 = tpu.vector_load %arg9[%get3A_477, %get3A_478] {strides = array<i32>} : memref<128x128xf32, #tpu.memory_space<vmem>>, vector<16xf32>,
        %add3A_480 = arith.constant 9.99999996E-13 : f32
        %add3A_481 = vector.broadcast %add3A_480 : f32 to vector<16xf32>
        %add3A_482 = arith.addf %get3A_473, %add3A_481 : vector<16xf32>
        %sub3A = arith.subf %add3A_482, %get3A_476 : vector<16xf32>
        %sub3A_483 = arith.subf %add3A_482, %get3A_479 : vector<16xf32>
        %mul3A_484 = arith.mulf %sub3A, %sub3A : vector<16xf32>
        %add3A_485 = arith.addf %broadcast_in_dim3A_469, %mul3A_484 : vector<16xf32>
        %mul3A_486 = arith.mulf %sub3A_483, %sub3A_483 : vector<16xf32>
        %add3A_487 = arith.addf %broadcast_in_dim3A_471, %mul3A_486 : vector<16xf32>
        %get3A_488 = arith.index_cast %add3A_467 : i32 to index
        %get3A_489 = arith.constant 16 : index
        %get3A_490 = tpu.vector_load %arg7[%get3A_488, %get3A_489] {strides = array<i32>} : memref<128x128xf32, #tpu.memory_space<vmem>>, vector<16xf32>,
        %get3A_491 = arith.index_cast %add3A_467 : i32 to index
        %get3A_492 = arith.constant 16 : index
        %get3A_493 = tpu.vector_load %arg8[%get3A_491, %get3A_492] {strides = array<i32>} : memref<128x128xf32, #tpu.memory_space<vmem>>, vector<16xf32>,
        %get3A_494 = arith.index_cast %add3A_467 : i32 to index
        %get3A_495 = arith.constant 16 : index
        %get3A_496 = tpu.vector_load %arg9[%get3A_494, %get3A_495] {strides = array<i32>} : memref<128x128xf32, #tpu.memory_space<vmem>>, vector<16xf32>,
        %add3A_497 = arith.constant 9.99999996E-13 : f32
        %add3A_498 = vector.broadcast %add3A_497 : f32 to vector<16xf32>
        %add3A_499 = arith.addf %get3A_490, %add3A_498 : vector<16xf32>
        %sub3A_500 = arith.subf %add3A_499, %get3A_493 : vector<16xf32>
        %sub3A_501 = arith.subf %add3A_499, %get3A_496 : vector<16xf32>
        %mul3A_502 = arith.mulf %sub3A_500, %sub3A_500 : vector<16xf32>
        %add3A_503 = arith.addf %add3A_485, %mul3A_502 : vector<16xf32>
        %mul3A_504 = arith.mulf %sub3A_501, %sub3A_501 : vector<16xf32>
        %add3A_505 = arith.addf %add3A_487, %mul3A_504 : vector<16xf32>
        %get3A_506 = arith.index_cast %add3A_467 : i32 to index
        %get3A_507 = arith.constant 32 : index
        %get3A_508 = tpu.vector_load %arg7[%get3A_506, %get3A_507] {strides = array<i32>} : memref<128x128xf32, #tpu.memory_space<vmem>>, vector<16xf32>,
        %get3A_509 = arith.index_cast %add3A_467 : i32 to index
        %get3A_510 = arith.constant 32 : index
        %get3A_511 = tpu.vector_load %arg8[%get3A_509, %get3A_510] {strides = array<i32>} : memref<128x128xf32, #tpu.memory_space<vmem>>, vector<16xf32>,
        %get3A_512 = arith.index_cast %add3A_467 : i32 to index
        %get3A_513 = arith.constant 32 : index
        %get3A_514 = tpu.vector_load %arg9[%get3A_512, %get3A_513] {strides = array<i32>} : memref<128x128xf32, #tpu.memory_space<vmem>>, vector<16xf32>,
        %add3A_515 = arith.constant 9.99999996E-13 : f32
        %add3A_516 = vector.broadcast %add3A_515 : f32 to vector<16xf32>
        %add3A_517 = arith.addf %get3A_508, %add3A_516 : vector<16xf32>
        %sub3A_518 = arith.subf %add3A_517, %get3A_511 : vector<16xf32>
        %sub3A_519 = arith.subf %add3A_517, %get3A_514 : vector<16xf32>
        %mul3A_520 = arith.mulf %sub3A_518, %sub3A_518 : vector<16xf32>
        %add3A_521 = arith.addf %add3A_503, %mul3A_520 : vector<16xf32>
        %mul3A_522 = arith.mulf %sub3A_519, %sub3A_519 : vector<16xf32>
        %add3A_523 = arith.addf %add3A_505, %mul3A_522 : vector<16xf32>
        %get3A_524 = arith.index_cast %add3A_467 : i32 to index
        %get3A_525 = arith.constant 48 : index
        %get3A_526 = tpu.vector_load %arg7[%get3A_524, %get3A_525] {strides = array<i32>} : memref<128x128xf32, #tpu.memory_space<vmem>>, vector<16xf32>,
        %get3A_527 = arith.index_cast %add3A_467 : i32 to index
        %get3A_528 = arith.constant 48 : index
        %get3A_529 = tpu.vector_load %arg8[%get3A_527, %get3A_528] {strides = array<i32>} : memref<128x128xf32, #tpu.memory_space<vmem>>, vector<16xf32>,
        %get3A_530 = arith.index_cast %add3A_467 : i32 to index
        %get3A_531 = arith.constant 48 : index
        %get3A_532 = tpu.vector_load %arg9[%get3A_530, %get3A_531] {strides = array<i32>} : memref<128x128xf32, #tpu.memory_space<vmem>>, vector<16xf32>,
        %add3A_533 = arith.constant 9.99999996E-13 : f32
        %add3A_534 = vector.broadcast %add3A_533 : f32 to vector<16xf32>
        %add3A_535 = arith.addf %get3A_526, %add3A_534 : vector<16xf32>
        %sub3A_536 = arith.subf %add3A_535, %get3A_529 : vector<16xf32>
        %sub3A_537 = arith.subf %add3A_535, %get3A_532 : vector<16xf32>
        %mul3A_538 = arith.mulf %sub3A_536, %sub3A_536 : vector<16xf32>
        %add3A_539 = arith.addf %add3A_521, %mul3A_538 : vector<16xf32>
        %mul3A_540 = arith.mulf %sub3A_537, %sub3A_537 : vector<16xf32>
        %add3A_541 = arith.addf %add3A_523, %mul3A_540 : vector<16xf32>
        %get3A_542 = arith.index_cast %add3A_467 : i32 to index
        %get3A_543 = arith.constant 64 : index
        %get3A_544 = tpu.vector_load %arg7[%get3A_542, %get3A_543] {strides = array<i32>} : memref<128x128xf32, #tpu.memory_space<vmem>>, vector<16xf32>,
        %get3A_545 = arith.index_cast %add3A_467 : i32 to index
        %get3A_546 = arith.constant 64 : index
        %get3A_547 = tpu.vector_load %arg8[%get3A_545, %get3A_546] {strides = array<i32>} : memref<128x128xf32, #tpu.memory_space<vmem>>, vector<16xf32>,
        %get3A_548 = arith.index_cast %add3A_467 : i32 to index
        %get3A_549 = arith.constant 64 : index
        %get3A_550 = tpu.vector_load %arg9[%get3A_548, %get3A_549] {strides = array<i32>} : memref<128x128xf32, #tpu.memory_space<vmem>>, vector<16xf32>,
        %add3A_551 = arith.constant 9.99999996E-13 : f32
        %add3A_552 = vector.broadcast %add3A_551 : f32 to vector<16xf32>
        %add3A_553 = arith.addf %get3A_544, %add3A_552 : vector<16xf32>
        %sub3A_554 = arith.subf %add3A_553, %get3A_547 : vector<16xf32>
        %sub3A_555 = arith.subf %add3A_553, %get3A_550 : vector<16xf32>
        %mul3A_556 = arith.mulf %sub3A_554, %sub3A_554 : vector<16xf32>
        %add3A_557 = arith.addf %add3A_539, %mul3A_556 : vector<16xf32>
        %mul3A_558 = arith.mulf %sub3A_555, %sub3A_555 : vector<16xf32>
        %add3A_559 = arith.addf %add3A_541, %mul3A_558 : vector<16xf32>
        %get3A_560 = arith.index_cast %add3A_467 : i32 to index
        %get3A_561 = arith.constant 80 : index
        %get3A_562 = tpu.vector_load %arg7[%get3A_560, %get3A_561] {strides = array<i32>} : memref<128x128xf32, #tpu.memory_space<vmem>>, vector<16xf32>,
        %get3A_563 = arith.index_cast %add3A_467 : i32 to index
        %get3A_564 = arith.constant 80 : index
        %get3A_565 = tpu.vector_load %arg8[%get3A_563, %get3A_564] {strides = array<i32>} : memref<128x128xf32, #tpu.memory_space<vmem>>, vector<16xf32>,
        %get3A_566 = arith.index_cast %add3A_467 : i32 to index
        %get3A_567 = arith.constant 80 : index
        %get3A_568 = tpu.vector_load %arg9[%get3A_566, %get3A_567] {strides = array<i32>} : memref<128x128xf32, #tpu.memory_space<vmem>>, vector<16xf32>,
        %add3A_569 = arith.constant 9.99999996E-13 : f32
        %add3A_570 = vector.broadcast %add3A_569 : f32 to vector<16xf32>
        %add3A_571 = arith.addf %get3A_562, %add3A_570 : vector<16xf32>
        %sub3A_572 = arith.subf %add3A_571, %get3A_565 : vector<16xf32>
        %sub3A_573 = arith.subf %add3A_571, %get3A_568 : vector<16xf32>
        %mul3A_574 = arith.mulf %sub3A_572, %sub3A_572 : vector<16xf32>
        %add3A_575 = arith.addf %add3A_557, %mul3A_574 : vector<16xf32>
        %mul3A_576 = arith.mulf %sub3A_573, %sub3A_573 : vector<16xf32>
        %add3A_577 = arith.addf %add3A_559, %mul3A_576 : vector<16xf32>
        %get3A_578 = arith.index_cast %add3A_467 : i32 to index
        %get3A_579 = arith.constant 96 : index
        %get3A_580 = tpu.vector_load %arg7[%get3A_578, %get3A_579] {strides = array<i32>} : memref<128x128xf32, #tpu.memory_space<vmem>>, vector<16xf32>,
        %get3A_581 = arith.index_cast %add3A_467 : i32 to index
        %get3A_582 = arith.constant 96 : index
        %get3A_583 = tpu.vector_load %arg8[%get3A_581, %get3A_582] {strides = array<i32>} : memref<128x128xf32, #tpu.memory_space<vmem>>, vector<16xf32>,
        %get3A_584 = arith.index_cast %add3A_467 : i32 to index
        %get3A_585 = arith.constant 96 : index
        %get3A_586 = tpu.vector_load %arg9[%get3A_584, %get3A_585] {strides = array<i32>} : memref<128x128xf32, #tpu.memory_space<vmem>>, vector<16xf32>,
        %add3A_587 = arith.constant 9.99999996E-13 : f32
        %add3A_588 = vector.broadcast %add3A_587 : f32 to vector<16xf32>
        %add3A_589 = arith.addf %get3A_580, %add3A_588 : vector<16xf32>
        %sub3A_590 = arith.subf %add3A_589, %get3A_583 : vector<16xf32>
        %sub3A_591 = arith.subf %add3A_589, %get3A_586 : vector<16xf32>
        %mul3A_592 = arith.mulf %sub3A_590, %sub3A_590 : vector<16xf32>
        %add3A_593 = arith.addf %add3A_575, %mul3A_592 : vector<16xf32>
        %mul3A_594 = arith.mulf %sub3A_591, %sub3A_591 : vector<16xf32>
        %add3A_595 = arith.addf %add3A_577, %mul3A_594 : vector<16xf32>
        %get3A_596 = arith.index_cast %add3A_467 : i32 to index
        %get3A_597 = arith.constant 112 : index
        %get3A_598 = tpu.vector_load %arg7[%get3A_596, %get3A_597] {strides = array<i32>} : memref<128x128xf32, #tpu.memory_space<vmem>>, vector<16xf32>,
        %get3A_599 = arith.index_cast %add3A_467 : i32 to index
        %get3A_600 = arith.constant 112 : index
        %get3A_601 = tpu.vector_load %arg8[%get3A_599, %get3A_600] {strides = array<i32>} : memref<128x128xf32, #tpu.memory_space<vmem>>, vector<16xf32>,
        %get3A_602 = arith.index_cast %add3A_467 : i32 to index
        %get3A_603 = arith.constant 112 : index
        %get3A_604 = tpu.vector_load %arg9[%get3A_602, %get3A_603] {strides = array<i32>} : memref<128x128xf32, #tpu.memory_space<vmem>>, vector<16xf32>,
        %add3A_605 = arith.constant 9.99999996E-13 : f32
        %add3A_606 = vector.broadcast %add3A_605 : f32 to vector<16xf32>
        %add3A_607 = arith.addf %get3A_598, %add3A_606 : vector<16xf32>
        %sub3A_608 = arith.subf %add3A_607, %get3A_601 : vector<16xf32>
        %sub3A_609 = arith.subf %add3A_607, %get3A_604 : vector<16xf32>
        %mul3A_610 = arith.mulf %sub3A_608, %sub3A_608 : vector<16xf32>
        %add3A_611 = arith.addf %add3A_593, %mul3A_610 : vector<16xf32>
        %mul3A_612 = arith.mulf %sub3A_609, %sub3A_609 : vector<16xf32>
        %add3A_613 = arith.addf %add3A_595, %mul3A_612 : vector<16xf32>
        %iota3A = tpu.iota {dimensions = array<i32: 0>} : vector<16xi32>
        %eq3A = vector.broadcast %scan3A_462 : i32 to vector<16xi32>
        %eq3A_614 = arith.cmpi eq, %iota3A, %eq3A : vector<16xi32>
        %reduce_sum3A = arith.constant true
        %reduce_sum3A_615 = vector.broadcast %reduce_sum3A : i1 to vector<16xi1>
        %reduce_sum3A_616 = tpu.scan <sum>, %add3A_611 masked %reduce_sum3A_615 : vector<16xf32>, vector<16xi1> -> vector<16xf32>
        %reduce_sum3A_617 = vector.extract %reduce_sum3A_616[15] : f32 from vector<16xf32>
        %broadcast_in_dim3A_618 = vector.broadcast %reduce_sum3A_617 : f32 to vector<16xf32>
        %select_n3A = arith.select %eq3A_614, %broadcast_in_dim3A_618, %scan3A_463 : vector<16xi1>, vector<16xf32>
        %reduce_sum3A_619 = arith.constant true
        %reduce_sum3A_620 = vector.broadcast %reduce_sum3A_619 : i1 to vector<16xi1>
        %reduce_sum3A_621 = tpu.scan <sum>, %add3A_613 masked %reduce_sum3A_620 : vector<16xf32>, vector<16xi1> -> vector<16xf32>
        %reduce_sum3A_622 = vector.extract %reduce_sum3A_621[15] : f32 from vector<16xf32>
        %broadcast_in_dim3A_623 = vector.broadcast %reduce_sum3A_622 : f32 to vector<16xf32>
        %select_n3A_624 = arith.select %eq3A_614, %broadcast_in_dim3A_623, %scan3A_464 : vector<16xi1>, vector<16xf32>
        scf.yield %select_n3A, %select_n3A_624 : vector<16xf32>, vector<16xf32>
      }
      %scan3A_453 = arith.constant 16 : i32
      %mul3A_454 = arith.constant 16 : i32
      %mul3A_455 = arith.muli %scan3A_445, %mul3A_454 : i32
      %add3A_456 = arith.constant 0 : i32
      %add3A_457 = arith.addi %add3A_456, %mul3A_455 : i32
      %swap3A = arith.index_cast %add3A_457 : i32 to index
      %swap3A_458 = tpu.vector_load %arg13[%swap3A] {strides = array<i32>} : memref<1024xf32, #tpu.memory_space<vmem>>, vector<16xf32>,
      tpu.vector_store %arg13[%swap3A], %scan3A_452#0 {strides = array<i32>} : memref<1024xf32, #tpu.memory_space<vmem>>, vector<16xf32>,
      %swap3A_459 = arith.index_cast %add3A_457 : i32 to index
      %swap3A_460 = tpu.vector_load %arg14[%swap3A_459] {strides = array<i32>} : memref<1024xf32, #tpu.memory_space<vmem>>, vector<16xf32>,
      tpu.vector_store %arg14[%swap3A_459], %scan3A_452#1 {strides = array<i32>} : memref<1024xf32, #tpu.memory_space<vmem>>, vector<16xf32>,
      %scan3A_461 = arith.constant 0 : i32
      scf.yield %scan3A_461 : i32
    }
    %scan3A_83 = arith.constant 8 : i32
    %dma_start3A_84 = arith.constant 0 : i32
    %dma_start3A_85 = arith.constant 2 : i32
    %dma_start3A_86 = arith.constant 0 : i32
    %dma_start3A_87 = tpu.memref_slice %arg6[%dma_start3A_84, %dma_start3A_85, %dma_start3A_86] : memref<3x8x128xi32, #tpu.memory_space<vmem>> -> memref<1x1x128xi32, #tpu.memory_space<vmem>>
    %dma_start3A_88 = tpu.memref_squeeze %dma_start3A_87 : memref<1x1x128xi32, #tpu.memory_space<vmem>> -> memref<128xi32, #tpu.memory_space<vmem>>
    %dma_start3A_89 = arith.constant 0 : i32
    %dma_start3A_90 = arith.constant 0 : i32
    %dma_start3A_91 = tpu.memref_slice %arg2[%dma_start3A_89, %dma_start3A_90] : memref<16384x128xf32, #tpu.memory_space<hbm>> -> memref<16384x128xf32, #tpu.memory_space<hbm>>
    tpu.enqueue_indirect_dma source(%dma_start3A_91 : memref<16384x128xf32, #tpu.memory_space<hbm>>) target(%arg7 : memref<128x128xf32, #tpu.memory_space<vmem>>) offsets(%dma_start3A_88 : memref<128xi32, #tpu.memory_space<vmem>>) semaphore(%arg15 : memref<!tpu.dma_semaphore, #tpu.memory_space<semaphore_mem>>)
    %dma_start3A_92 = arith.constant 1 : i32
    %dma_start3A_93 = arith.constant 2 : i32
    %dma_start3A_94 = arith.constant 0 : i32
    %dma_start3A_95 = tpu.memref_slice %arg6[%dma_start3A_92, %dma_start3A_93, %dma_start3A_94] : memref<3x8x128xi32, #tpu.memory_space<vmem>> -> memref<1x1x128xi32, #tpu.memory_space<vmem>>
    %dma_start3A_96 = tpu.memref_squeeze %dma_start3A_95 : memref<1x1x128xi32, #tpu.memory_space<vmem>> -> memref<128xi32, #tpu.memory_space<vmem>>
    %dma_start3A_97 = arith.constant 0 : i32
    %dma_start3A_98 = arith.constant 0 : i32
    %dma_start3A_99 = tpu.memref_slice %arg2[%dma_start3A_97, %dma_start3A_98] : memref<16384x128xf32, #tpu.memory_space<hbm>> -> memref<16384x128xf32, #tpu.memory_space<hbm>>
    tpu.enqueue_indirect_dma source(%dma_start3A_99 : memref<16384x128xf32, #tpu.memory_space<hbm>>) target(%arg8 : memref<128x128xf32, #tpu.memory_space<vmem>>) offsets(%dma_start3A_96 : memref<128xi32, #tpu.memory_space<vmem>>) semaphore(%arg15 : memref<!tpu.dma_semaphore, #tpu.memory_space<semaphore_mem>>)
    %dma_start3A_100 = arith.constant 2 : i32
    %dma_start3A_101 = arith.constant 2 : i32
    %dma_start3A_102 = arith.constant 0 : i32
    %dma_start3A_103 = tpu.memref_slice %arg6[%dma_start3A_100, %dma_start3A_101, %dma_start3A_102] : memref<3x8x128xi32, #tpu.memory_space<vmem>> -> memref<1x1x128xi32, #tpu.memory_space<vmem>>
    %dma_start3A_104 = tpu.memref_squeeze %dma_start3A_103 : memref<1x1x128xi32, #tpu.memory_space<vmem>> -> memref<128xi32, #tpu.memory_space<vmem>>
    %dma_start3A_105 = arith.constant 0 : i32
    %dma_start3A_106 = arith.constant 0 : i32
    %dma_start3A_107 = tpu.memref_slice %arg2[%dma_start3A_105, %dma_start3A_106] : memref<16384x128xf32, #tpu.memory_space<hbm>> -> memref<16384x128xf32, #tpu.memory_space<hbm>>
    tpu.enqueue_indirect_dma source(%dma_start3A_107 : memref<16384x128xf32, #tpu.memory_space<hbm>>) target(%arg9 : memref<128x128xf32, #tpu.memory_space<vmem>>) offsets(%dma_start3A_104 : memref<128xi32, #tpu.memory_space<vmem>>) semaphore(%arg15 : memref<!tpu.dma_semaphore, #tpu.memory_space<semaphore_mem>>)
    %dma_wait3A_108 = arith.constant 0 : i32
    %dma_wait3A_109 = arith.constant 1 : i32
    %dma_wait3A_110 = arith.constant 0 : i32
    %dma_wait3A_111 = tpu.memref_slice %arg6[%dma_wait3A_108, %dma_wait3A_109, %dma_wait3A_110] : memref<3x8x128xi32, #tpu.memory_space<vmem>> -> memref<1x1x128xi32, #tpu.memory_space<vmem>>
    %dma_wait3A_112 = tpu.memref_squeeze %dma_wait3A_111 : memref<1x1x128xi32, #tpu.memory_space<vmem>> -> memref<128xi32, #tpu.memory_space<vmem>>
    %dma_wait3A_113 = arith.constant 0 : i32
    %dma_wait3A_114 = arith.constant 0 : i32
    %dma_wait3A_115 = tpu.memref_slice %arg2[%dma_wait3A_113, %dma_wait3A_114] : memref<16384x128xf32, #tpu.memory_space<hbm>> -> memref<16384x128xf32, #tpu.memory_space<hbm>>
    tpu.wait_indirect_dma semaphore(%arg16 : memref<!tpu.dma_semaphore, #tpu.memory_space<semaphore_mem>>) src(%dma_wait3A_115 : memref<16384x128xf32, #tpu.memory_space<hbm>>) dst(%arg10 : memref<128x128xf32, #tpu.memory_space<vmem>>)
    %dma_wait3A_116 = arith.constant 1 : i32
    %dma_wait3A_117 = arith.constant 1 : i32
    %dma_wait3A_118 = arith.constant 0 : i32
    %dma_wait3A_119 = tpu.memref_slice %arg6[%dma_wait3A_116, %dma_wait3A_117, %dma_wait3A_118] : memref<3x8x128xi32, #tpu.memory_space<vmem>> -> memref<1x1x128xi32, #tpu.memory_space<vmem>>
    %dma_wait3A_120 = tpu.memref_squeeze %dma_wait3A_119 : memref<1x1x128xi32, #tpu.memory_space<vmem>> -> memref<128xi32, #tpu.memory_space<vmem>>
    %dma_wait3A_121 = arith.constant 0 : i32
    %dma_wait3A_122 = arith.constant 0 : i32
    %dma_wait3A_123 = tpu.memref_slice %arg2[%dma_wait3A_121, %dma_wait3A_122] : memref<16384x128xf32, #tpu.memory_space<hbm>> -> memref<16384x128xf32, #tpu.memory_space<hbm>>
    tpu.wait_indirect_dma semaphore(%arg16 : memref<!tpu.dma_semaphore, #tpu.memory_space<semaphore_mem>>) src(%dma_wait3A_123 : memref<16384x128xf32, #tpu.memory_space<hbm>>) dst(%arg11 : memref<128x128xf32, #tpu.memory_space<vmem>>)
    %dma_wait3A_124 = arith.constant 2 : i32
    %dma_wait3A_125 = arith.constant 1 : i32
    %dma_wait3A_126 = arith.constant 0 : i32
    %dma_wait3A_127 = tpu.memref_slice %arg6[%dma_wait3A_124, %dma_wait3A_125, %dma_wait3A_126] : memref<3x8x128xi32, #tpu.memory_space<vmem>> -> memref<1x1x128xi32, #tpu.memory_space<vmem>>
    %dma_wait3A_128 = tpu.memref_squeeze %dma_wait3A_127 : memref<1x1x128xi32, #tpu.memory_space<vmem>> -> memref<128xi32, #tpu.memory_space<vmem>>
    %dma_wait3A_129 = arith.constant 0 : i32
    %dma_wait3A_130 = arith.constant 0 : i32
    %dma_wait3A_131 = tpu.memref_slice %arg2[%dma_wait3A_129, %dma_wait3A_130] : memref<16384x128xf32, #tpu.memory_space<hbm>> -> memref<16384x128xf32, #tpu.memory_space<hbm>>
    tpu.wait_indirect_dma semaphore(%arg16 : memref<!tpu.dma_semaphore, #tpu.memory_space<semaphore_mem>>) src(%dma_wait3A_131 : memref<16384x128xf32, #tpu.memory_space<hbm>>) dst(%arg12 : memref<128x128xf32, #tpu.memory_space<vmem>>)
    %scan3A_132 = arith.constant 0 : i32
    %scan3A_133 = arith.constant 0 : i32
    %scan3A_134 = arith.constant 8 : i32
    %scan3A_135 = arith.addi %scan3A_133, %scan3A_134 : i32
    %scan3A_136 = arith.constant 1 : i32
    %scan3A_137 = scf.for %scan3A_445 = %scan3A_133 to %scan3A_135 step %scan3A_136 iter_args(%scan3A_446 = %scan3A_132) -> (i32)  : i32 {
      %broadcast_in_dim3A = arith.constant 0.000000e+00 : f32
      %broadcast_in_dim3A_447 = vector.broadcast %broadcast_in_dim3A : f32 to vector<16xf32>
      %scan3A_448 = arith.constant 0 : i32
      %scan3A_449 = arith.constant 16 : i32
      %scan3A_450 = arith.addi %scan3A_448, %scan3A_449 : i32
      %scan3A_451 = arith.constant 1 : i32
      %scan3A_452:2 = scf.for %scan3A_462 = %scan3A_448 to %scan3A_450 step %scan3A_451 iter_args(%scan3A_463 = %broadcast_in_dim3A_447, %scan3A_464 = %broadcast_in_dim3A_447) -> (vector<16xf32>, vector<16xf32>)  : i32 {
        %mul3A_465 = arith.constant 16 : i32
        %mul3A_466 = arith.muli %scan3A_445, %mul3A_465 : i32
        %add3A_467 = arith.addi %mul3A_466, %scan3A_462 : i32
        %broadcast_in_dim3A_468 = arith.constant 0.000000e+00 : f32
        %broadcast_in_dim3A_469 = vector.broadcast %broadcast_in_dim3A_468 : f32 to vector<16xf32>
        %broadcast_in_dim3A_470 = arith.constant 0.000000e+00 : f32
        %broadcast_in_dim3A_471 = vector.broadcast %broadcast_in_dim3A_470 : f32 to vector<16xf32>
        %get3A = arith.index_cast %add3A_467 : i32 to index
        %get3A_472 = arith.constant 0 : index
        %get3A_473 = tpu.vector_load %arg10[%get3A, %get3A_472] {strides = array<i32>} : memref<128x128xf32, #tpu.memory_space<vmem>>, vector<16xf32>,
        %get3A_474 = arith.index_cast %add3A_467 : i32 to index
        %get3A_475 = arith.constant 0 : index
        %get3A_476 = tpu.vector_load %arg11[%get3A_474, %get3A_475] {strides = array<i32>} : memref<128x128xf32, #tpu.memory_space<vmem>>, vector<16xf32>,
        %get3A_477 = arith.index_cast %add3A_467 : i32 to index
        %get3A_478 = arith.constant 0 : index
        %get3A_479 = tpu.vector_load %arg12[%get3A_477, %get3A_478] {strides = array<i32>} : memref<128x128xf32, #tpu.memory_space<vmem>>, vector<16xf32>,
        %add3A_480 = arith.constant 9.99999996E-13 : f32
        %add3A_481 = vector.broadcast %add3A_480 : f32 to vector<16xf32>
        %add3A_482 = arith.addf %get3A_473, %add3A_481 : vector<16xf32>
        %sub3A = arith.subf %add3A_482, %get3A_476 : vector<16xf32>
        %sub3A_483 = arith.subf %add3A_482, %get3A_479 : vector<16xf32>
        %mul3A_484 = arith.mulf %sub3A, %sub3A : vector<16xf32>
        %add3A_485 = arith.addf %broadcast_in_dim3A_469, %mul3A_484 : vector<16xf32>
        %mul3A_486 = arith.mulf %sub3A_483, %sub3A_483 : vector<16xf32>
        %add3A_487 = arith.addf %broadcast_in_dim3A_471, %mul3A_486 : vector<16xf32>
        %get3A_488 = arith.index_cast %add3A_467 : i32 to index
        %get3A_489 = arith.constant 16 : index
        %get3A_490 = tpu.vector_load %arg10[%get3A_488, %get3A_489] {strides = array<i32>} : memref<128x128xf32, #tpu.memory_space<vmem>>, vector<16xf32>,
        %get3A_491 = arith.index_cast %add3A_467 : i32 to index
        %get3A_492 = arith.constant 16 : index
        %get3A_493 = tpu.vector_load %arg11[%get3A_491, %get3A_492] {strides = array<i32>} : memref<128x128xf32, #tpu.memory_space<vmem>>, vector<16xf32>,
        %get3A_494 = arith.index_cast %add3A_467 : i32 to index
        %get3A_495 = arith.constant 16 : index
        %get3A_496 = tpu.vector_load %arg12[%get3A_494, %get3A_495] {strides = array<i32>} : memref<128x128xf32, #tpu.memory_space<vmem>>, vector<16xf32>,
        %add3A_497 = arith.constant 9.99999996E-13 : f32
        %add3A_498 = vector.broadcast %add3A_497 : f32 to vector<16xf32>
        %add3A_499 = arith.addf %get3A_490, %add3A_498 : vector<16xf32>
        %sub3A_500 = arith.subf %add3A_499, %get3A_493 : vector<16xf32>
        %sub3A_501 = arith.subf %add3A_499, %get3A_496 : vector<16xf32>
        %mul3A_502 = arith.mulf %sub3A_500, %sub3A_500 : vector<16xf32>
        %add3A_503 = arith.addf %add3A_485, %mul3A_502 : vector<16xf32>
        %mul3A_504 = arith.mulf %sub3A_501, %sub3A_501 : vector<16xf32>
        %add3A_505 = arith.addf %add3A_487, %mul3A_504 : vector<16xf32>
        %get3A_506 = arith.index_cast %add3A_467 : i32 to index
        %get3A_507 = arith.constant 32 : index
        %get3A_508 = tpu.vector_load %arg10[%get3A_506, %get3A_507] {strides = array<i32>} : memref<128x128xf32, #tpu.memory_space<vmem>>, vector<16xf32>,
        %get3A_509 = arith.index_cast %add3A_467 : i32 to index
        %get3A_510 = arith.constant 32 : index
        %get3A_511 = tpu.vector_load %arg11[%get3A_509, %get3A_510] {strides = array<i32>} : memref<128x128xf32, #tpu.memory_space<vmem>>, vector<16xf32>,
        %get3A_512 = arith.index_cast %add3A_467 : i32 to index
        %get3A_513 = arith.constant 32 : index
        %get3A_514 = tpu.vector_load %arg12[%get3A_512, %get3A_513] {strides = array<i32>} : memref<128x128xf32, #tpu.memory_space<vmem>>, vector<16xf32>,
        %add3A_515 = arith.constant 9.99999996E-13 : f32
        %add3A_516 = vector.broadcast %add3A_515 : f32 to vector<16xf32>
        %add3A_517 = arith.addf %get3A_508, %add3A_516 : vector<16xf32>
        %sub3A_518 = arith.subf %add3A_517, %get3A_511 : vector<16xf32>
        %sub3A_519 = arith.subf %add3A_517, %get3A_514 : vector<16xf32>
        %mul3A_520 = arith.mulf %sub3A_518, %sub3A_518 : vector<16xf32>
        %add3A_521 = arith.addf %add3A_503, %mul3A_520 : vector<16xf32>
        %mul3A_522 = arith.mulf %sub3A_519, %sub3A_519 : vector<16xf32>
        %add3A_523 = arith.addf %add3A_505, %mul3A_522 : vector<16xf32>
        %get3A_524 = arith.index_cast %add3A_467 : i32 to index
        %get3A_525 = arith.constant 48 : index
        %get3A_526 = tpu.vector_load %arg10[%get3A_524, %get3A_525] {strides = array<i32>} : memref<128x128xf32, #tpu.memory_space<vmem>>, vector<16xf32>,
        %get3A_527 = arith.index_cast %add3A_467 : i32 to index
        %get3A_528 = arith.constant 48 : index
        %get3A_529 = tpu.vector_load %arg11[%get3A_527, %get3A_528] {strides = array<i32>} : memref<128x128xf32, #tpu.memory_space<vmem>>, vector<16xf32>,
        %get3A_530 = arith.index_cast %add3A_467 : i32 to index
        %get3A_531 = arith.constant 48 : index
        %get3A_532 = tpu.vector_load %arg12[%get3A_530, %get3A_531] {strides = array<i32>} : memref<128x128xf32, #tpu.memory_space<vmem>>, vector<16xf32>,
        %add3A_533 = arith.constant 9.99999996E-13 : f32
        %add3A_534 = vector.broadcast %add3A_533 : f32 to vector<16xf32>
        %add3A_535 = arith.addf %get3A_526, %add3A_534 : vector<16xf32>
        %sub3A_536 = arith.subf %add3A_535, %get3A_529 : vector<16xf32>
        %sub3A_537 = arith.subf %add3A_535, %get3A_532 : vector<16xf32>
        %mul3A_538 = arith.mulf %sub3A_536, %sub3A_536 : vector<16xf32>
        %add3A_539 = arith.addf %add3A_521, %mul3A_538 : vector<16xf32>
        %mul3A_540 = arith.mulf %sub3A_537, %sub3A_537 : vector<16xf32>
        %add3A_541 = arith.addf %add3A_523, %mul3A_540 : vector<16xf32>
        %get3A_542 = arith.index_cast %add3A_467 : i32 to index
        %get3A_543 = arith.constant 64 : index
        %get3A_544 = tpu.vector_load %arg10[%get3A_542, %get3A_543] {strides = array<i32>} : memref<128x128xf32, #tpu.memory_space<vmem>>, vector<16xf32>,
        %get3A_545 = arith.index_cast %add3A_467 : i32 to index
        %get3A_546 = arith.constant 64 : index
        %get3A_547 = tpu.vector_load %arg11[%get3A_545, %get3A_546] {strides = array<i32>} : memref<128x128xf32, #tpu.memory_space<vmem>>, vector<16xf32>,
        %get3A_548 = arith.index_cast %add3A_467 : i32 to index
        %get3A_549 = arith.constant 64 : index
        %get3A_550 = tpu.vector_load %arg12[%get3A_548, %get3A_549] {strides = array<i32>} : memref<128x128xf32, #tpu.memory_space<vmem>>, vector<16xf32>,
        %add3A_551 = arith.constant 9.99999996E-13 : f32
        %add3A_552 = vector.broadcast %add3A_551 : f32 to vector<16xf32>
        %add3A_553 = arith.addf %get3A_544, %add3A_552 : vector<16xf32>
        %sub3A_554 = arith.subf %add3A_553, %get3A_547 : vector<16xf32>
        %sub3A_555 = arith.subf %add3A_553, %get3A_550 : vector<16xf32>
        %mul3A_556 = arith.mulf %sub3A_554, %sub3A_554 : vector<16xf32>
        %add3A_557 = arith.addf %add3A_539, %mul3A_556 : vector<16xf32>
        %mul3A_558 = arith.mulf %sub3A_555, %sub3A_555 : vector<16xf32>
        %add3A_559 = arith.addf %add3A_541, %mul3A_558 : vector<16xf32>
        %get3A_560 = arith.index_cast %add3A_467 : i32 to index
        %get3A_561 = arith.constant 80 : index
        %get3A_562 = tpu.vector_load %arg10[%get3A_560, %get3A_561] {strides = array<i32>} : memref<128x128xf32, #tpu.memory_space<vmem>>, vector<16xf32>,
        %get3A_563 = arith.index_cast %add3A_467 : i32 to index
        %get3A_564 = arith.constant 80 : index
        %get3A_565 = tpu.vector_load %arg11[%get3A_563, %get3A_564] {strides = array<i32>} : memref<128x128xf32, #tpu.memory_space<vmem>>, vector<16xf32>,
        %get3A_566 = arith.index_cast %add3A_467 : i32 to index
        %get3A_567 = arith.constant 80 : index
        %get3A_568 = tpu.vector_load %arg12[%get3A_566, %get3A_567] {strides = array<i32>} : memref<128x128xf32, #tpu.memory_space<vmem>>, vector<16xf32>,
        %add3A_569 = arith.constant 9.99999996E-13 : f32
        %add3A_570 = vector.broadcast %add3A_569 : f32 to vector<16xf32>
        %add3A_571 = arith.addf %get3A_562, %add3A_570 : vector<16xf32>
        %sub3A_572 = arith.subf %add3A_571, %get3A_565 : vector<16xf32>
        %sub3A_573 = arith.subf %add3A_571, %get3A_568 : vector<16xf32>
        %mul3A_574 = arith.mulf %sub3A_572, %sub3A_572 : vector<16xf32>
        %add3A_575 = arith.addf %add3A_557, %mul3A_574 : vector<16xf32>
        %mul3A_576 = arith.mulf %sub3A_573, %sub3A_573 : vector<16xf32>
        %add3A_577 = arith.addf %add3A_559, %mul3A_576 : vector<16xf32>
        %get3A_578 = arith.index_cast %add3A_467 : i32 to index
        %get3A_579 = arith.constant 96 : index
        %get3A_580 = tpu.vector_load %arg10[%get3A_578, %get3A_579] {strides = array<i32>} : memref<128x128xf32, #tpu.memory_space<vmem>>, vector<16xf32>,
        %get3A_581 = arith.index_cast %add3A_467 : i32 to index
        %get3A_582 = arith.constant 96 : index
        %get3A_583 = tpu.vector_load %arg11[%get3A_581, %get3A_582] {strides = array<i32>} : memref<128x128xf32, #tpu.memory_space<vmem>>, vector<16xf32>,
        %get3A_584 = arith.index_cast %add3A_467 : i32 to index
        %get3A_585 = arith.constant 96 : index
        %get3A_586 = tpu.vector_load %arg12[%get3A_584, %get3A_585] {strides = array<i32>} : memref<128x128xf32, #tpu.memory_space<vmem>>, vector<16xf32>,
        %add3A_587 = arith.constant 9.99999996E-13 : f32
        %add3A_588 = vector.broadcast %add3A_587 : f32 to vector<16xf32>
        %add3A_589 = arith.addf %get3A_580, %add3A_588 : vector<16xf32>
        %sub3A_590 = arith.subf %add3A_589, %get3A_583 : vector<16xf32>
        %sub3A_591 = arith.subf %add3A_589, %get3A_586 : vector<16xf32>
        %mul3A_592 = arith.mulf %sub3A_590, %sub3A_590 : vector<16xf32>
        %add3A_593 = arith.addf %add3A_575, %mul3A_592 : vector<16xf32>
        %mul3A_594 = arith.mulf %sub3A_591, %sub3A_591 : vector<16xf32>
        %add3A_595 = arith.addf %add3A_577, %mul3A_594 : vector<16xf32>
        %get3A_596 = arith.index_cast %add3A_467 : i32 to index
        %get3A_597 = arith.constant 112 : index
        %get3A_598 = tpu.vector_load %arg10[%get3A_596, %get3A_597] {strides = array<i32>} : memref<128x128xf32, #tpu.memory_space<vmem>>, vector<16xf32>,
        %get3A_599 = arith.index_cast %add3A_467 : i32 to index
        %get3A_600 = arith.constant 112 : index
        %get3A_601 = tpu.vector_load %arg11[%get3A_599, %get3A_600] {strides = array<i32>} : memref<128x128xf32, #tpu.memory_space<vmem>>, vector<16xf32>,
        %get3A_602 = arith.index_cast %add3A_467 : i32 to index
        %get3A_603 = arith.constant 112 : index
        %get3A_604 = tpu.vector_load %arg12[%get3A_602, %get3A_603] {strides = array<i32>} : memref<128x128xf32, #tpu.memory_space<vmem>>, vector<16xf32>,
        %add3A_605 = arith.constant 9.99999996E-13 : f32
        %add3A_606 = vector.broadcast %add3A_605 : f32 to vector<16xf32>
        %add3A_607 = arith.addf %get3A_598, %add3A_606 : vector<16xf32>
        %sub3A_608 = arith.subf %add3A_607, %get3A_601 : vector<16xf32>
        %sub3A_609 = arith.subf %add3A_607, %get3A_604 : vector<16xf32>
        %mul3A_610 = arith.mulf %sub3A_608, %sub3A_608 : vector<16xf32>
        %add3A_611 = arith.addf %add3A_593, %mul3A_610 : vector<16xf32>
        %mul3A_612 = arith.mulf %sub3A_609, %sub3A_609 : vector<16xf32>
        %add3A_613 = arith.addf %add3A_595, %mul3A_612 : vector<16xf32>
        %iota3A = tpu.iota {dimensions = array<i32: 0>} : vector<16xi32>
        %eq3A = vector.broadcast %scan3A_462 : i32 to vector<16xi32>
        %eq3A_614 = arith.cmpi eq, %iota3A, %eq3A : vector<16xi32>
        %reduce_sum3A = arith.constant true
        %reduce_sum3A_615 = vector.broadcast %reduce_sum3A : i1 to vector<16xi1>
        %reduce_sum3A_616 = tpu.scan <sum>, %add3A_611 masked %reduce_sum3A_615 : vector<16xf32>, vector<16xi1> -> vector<16xf32>
        %reduce_sum3A_617 = vector.extract %reduce_sum3A_616[15] : f32 from vector<16xf32>
        %broadcast_in_dim3A_618 = vector.broadcast %reduce_sum3A_617 : f32 to vector<16xf32>
        %select_n3A = arith.select %eq3A_614, %broadcast_in_dim3A_618, %scan3A_463 : vector<16xi1>, vector<16xf32>
        %reduce_sum3A_619 = arith.constant true
        %reduce_sum3A_620 = vector.broadcast %reduce_sum3A_619 : i1 to vector<16xi1>
        %reduce_sum3A_621 = tpu.scan <sum>, %add3A_613 masked %reduce_sum3A_620 : vector<16xf32>, vector<16xi1> -> vector<16xf32>
        %reduce_sum3A_622 = vector.extract %reduce_sum3A_621[15] : f32 from vector<16xf32>
        %broadcast_in_dim3A_623 = vector.broadcast %reduce_sum3A_622 : f32 to vector<16xf32>
        %select_n3A_624 = arith.select %eq3A_614, %broadcast_in_dim3A_623, %scan3A_464 : vector<16xi1>, vector<16xf32>
        scf.yield %select_n3A, %select_n3A_624 : vector<16xf32>, vector<16xf32>
      }
      %scan3A_453 = arith.constant 16 : i32
      %mul3A_454 = arith.constant 16 : i32
      %mul3A_455 = arith.muli %scan3A_445, %mul3A_454 : i32
      %add3A_456 = arith.constant 128 : i32
      %add3A_457 = arith.addi %add3A_456, %mul3A_455 : i32
      %swap3A = arith.index_cast %add3A_457 : i32 to index
      %swap3A_458 = tpu.vector_load %arg13[%swap3A] {strides = array<i32>} : memref<1024xf32, #tpu.memory_space<vmem>>, vector<16xf32>,
      tpu.vector_store %arg13[%swap3A], %scan3A_452#0 {strides = array<i32>} : memref<1024xf32, #tpu.memory_space<vmem>>, vector<16xf32>,
      %swap3A_459 = arith.index_cast %add3A_457 : i32 to index
      %swap3A_460 = tpu.vector_load %arg14[%swap3A_459] {strides = array<i32>} : memref<1024xf32, #tpu.memory_space<vmem>>, vector<16xf32>,
      tpu.vector_store %arg14[%swap3A_459], %scan3A_452#1 {strides = array<i32>} : memref<1024xf32, #tpu.memory_space<vmem>>, vector<16xf32>,
      %scan3A_461 = arith.constant 0 : i32
      scf.yield %scan3A_461 : i32
    }
    %scan3A_138 = arith.constant 8 : i32
    %dma_start3A_139 = arith.constant 0 : i32
    %dma_start3A_140 = arith.constant 3 : i32
    %dma_start3A_141 = arith.constant 0 : i32
    %dma_start3A_142 = tpu.memref_slice %arg6[%dma_start3A_139, %dma_start3A_140, %dma_start3A_141] : memref<3x8x128xi32, #tpu.memory_space<vmem>> -> memref<1x1x128xi32, #tpu.memory_space<vmem>>
    %dma_start3A_143 = tpu.memref_squeeze %dma_start3A_142 : memref<1x1x128xi32, #tpu.memory_space<vmem>> -> memref<128xi32, #tpu.memory_space<vmem>>
    %dma_start3A_144 = arith.constant 0 : i32
    %dma_start3A_145 = arith.constant 0 : i32
    %dma_start3A_146 = tpu.memref_slice %arg2[%dma_start3A_144, %dma_start3A_145] : memref<16384x128xf32, #tpu.memory_space<hbm>> -> memref<16384x128xf32, #tpu.memory_space<hbm>>
    tpu.enqueue_indirect_dma source(%dma_start3A_146 : memref<16384x128xf32, #tpu.memory_space<hbm>>) target(%arg10 : memref<128x128xf32, #tpu.memory_space<vmem>>) offsets(%dma_start3A_143 : memref<128xi32, #tpu.memory_space<vmem>>) semaphore(%arg16 : memref<!tpu.dma_semaphore, #tpu.memory_space<semaphore_mem>>)
    %dma_start3A_147 = arith.constant 1 : i32
    %dma_start3A_148 = arith.constant 3 : i32
    %dma_start3A_149 = arith.constant 0 : i32
    %dma_start3A_150 = tpu.memref_slice %arg6[%dma_start3A_147, %dma_start3A_148, %dma_start3A_149] : memref<3x8x128xi32, #tpu.memory_space<vmem>> -> memref<1x1x128xi32, #tpu.memory_space<vmem>>
    %dma_start3A_151 = tpu.memref_squeeze %dma_start3A_150 : memref<1x1x128xi32, #tpu.memory_space<vmem>> -> memref<128xi32, #tpu.memory_space<vmem>>
    %dma_start3A_152 = arith.constant 0 : i32
    %dma_start3A_153 = arith.constant 0 : i32
    %dma_start3A_154 = tpu.memref_slice %arg2[%dma_start3A_152, %dma_start3A_153] : memref<16384x128xf32, #tpu.memory_space<hbm>> -> memref<16384x128xf32, #tpu.memory_space<hbm>>
    tpu.enqueue_indirect_dma source(%dma_start3A_154 : memref<16384x128xf32, #tpu.memory_space<hbm>>) target(%arg11 : memref<128x128xf32, #tpu.memory_space<vmem>>) offsets(%dma_start3A_151 : memref<128xi32, #tpu.memory_space<vmem>>) semaphore(%arg16 : memref<!tpu.dma_semaphore, #tpu.memory_space<semaphore_mem>>)
    %dma_start3A_155 = arith.constant 2 : i32
    %dma_start3A_156 = arith.constant 3 : i32
    %dma_start3A_157 = arith.constant 0 : i32
    %dma_start3A_158 = tpu.memref_slice %arg6[%dma_start3A_155, %dma_start3A_156, %dma_start3A_157] : memref<3x8x128xi32, #tpu.memory_space<vmem>> -> memref<1x1x128xi32, #tpu.memory_space<vmem>>
    %dma_start3A_159 = tpu.memref_squeeze %dma_start3A_158 : memref<1x1x128xi32, #tpu.memory_space<vmem>> -> memref<128xi32, #tpu.memory_space<vmem>>
    %dma_start3A_160 = arith.constant 0 : i32
    %dma_start3A_161 = arith.constant 0 : i32
    %dma_start3A_162 = tpu.memref_slice %arg2[%dma_start3A_160, %dma_start3A_161] : memref<16384x128xf32, #tpu.memory_space<hbm>> -> memref<16384x128xf32, #tpu.memory_space<hbm>>
    tpu.enqueue_indirect_dma source(%dma_start3A_162 : memref<16384x128xf32, #tpu.memory_space<hbm>>) target(%arg12 : memref<128x128xf32, #tpu.memory_space<vmem>>) offsets(%dma_start3A_159 : memref<128xi32, #tpu.memory_space<vmem>>) semaphore(%arg16 : memref<!tpu.dma_semaphore, #tpu.memory_space<semaphore_mem>>)
    %dma_wait3A_163 = arith.constant 0 : i32
    %dma_wait3A_164 = arith.constant 2 : i32
    %dma_wait3A_165 = arith.constant 0 : i32
    %dma_wait3A_166 = tpu.memref_slice %arg6[%dma_wait3A_163, %dma_wait3A_164, %dma_wait3A_165] : memref<3x8x128xi32, #tpu.memory_space<vmem>> -> memref<1x1x128xi32, #tpu.memory_space<vmem>>
    %dma_wait3A_167 = tpu.memref_squeeze %dma_wait3A_166 : memref<1x1x128xi32, #tpu.memory_space<vmem>> -> memref<128xi32, #tpu.memory_space<vmem>>
    %dma_wait3A_168 = arith.constant 0 : i32
    %dma_wait3A_169 = arith.constant 0 : i32
    %dma_wait3A_170 = tpu.memref_slice %arg2[%dma_wait3A_168, %dma_wait3A_169] : memref<16384x128xf32, #tpu.memory_space<hbm>> -> memref<16384x128xf32, #tpu.memory_space<hbm>>
    tpu.wait_indirect_dma semaphore(%arg15 : memref<!tpu.dma_semaphore, #tpu.memory_space<semaphore_mem>>) src(%dma_wait3A_170 : memref<16384x128xf32, #tpu.memory_space<hbm>>) dst(%arg7 : memref<128x128xf32, #tpu.memory_space<vmem>>)
    %dma_wait3A_171 = arith.constant 1 : i32
    %dma_wait3A_172 = arith.constant 2 : i32
    %dma_wait3A_173 = arith.constant 0 : i32
    %dma_wait3A_174 = tpu.memref_slice %arg6[%dma_wait3A_171, %dma_wait3A_172, %dma_wait3A_173] : memref<3x8x128xi32, #tpu.memory_space<vmem>> -> memref<1x1x128xi32, #tpu.memory_space<vmem>>
    %dma_wait3A_175 = tpu.memref_squeeze %dma_wait3A_174 : memref<1x1x128xi32, #tpu.memory_space<vmem>> -> memref<128xi32, #tpu.memory_space<vmem>>
    %dma_wait3A_176 = arith.constant 0 : i32
    %dma_wait3A_177 = arith.constant 0 : i32
    %dma_wait3A_178 = tpu.memref_slice %arg2[%dma_wait3A_176, %dma_wait3A_177] : memref<16384x128xf32, #tpu.memory_space<hbm>> -> memref<16384x128xf32, #tpu.memory_space<hbm>>
    tpu.wait_indirect_dma semaphore(%arg15 : memref<!tpu.dma_semaphore, #tpu.memory_space<semaphore_mem>>) src(%dma_wait3A_178 : memref<16384x128xf32, #tpu.memory_space<hbm>>) dst(%arg8 : memref<128x128xf32, #tpu.memory_space<vmem>>)
    %dma_wait3A_179 = arith.constant 2 : i32
    %dma_wait3A_180 = arith.constant 2 : i32
    %dma_wait3A_181 = arith.constant 0 : i32
    %dma_wait3A_182 = tpu.memref_slice %arg6[%dma_wait3A_179, %dma_wait3A_180, %dma_wait3A_181] : memref<3x8x128xi32, #tpu.memory_space<vmem>> -> memref<1x1x128xi32, #tpu.memory_space<vmem>>
    %dma_wait3A_183 = tpu.memref_squeeze %dma_wait3A_182 : memref<1x1x128xi32, #tpu.memory_space<vmem>> -> memref<128xi32, #tpu.memory_space<vmem>>
    %dma_wait3A_184 = arith.constant 0 : i32
    %dma_wait3A_185 = arith.constant 0 : i32
    %dma_wait3A_186 = tpu.memref_slice %arg2[%dma_wait3A_184, %dma_wait3A_185] : memref<16384x128xf32, #tpu.memory_space<hbm>> -> memref<16384x128xf32, #tpu.memory_space<hbm>>
    tpu.wait_indirect_dma semaphore(%arg15 : memref<!tpu.dma_semaphore, #tpu.memory_space<semaphore_mem>>) src(%dma_wait3A_186 : memref<16384x128xf32, #tpu.memory_space<hbm>>) dst(%arg9 : memref<128x128xf32, #tpu.memory_space<vmem>>)
    %scan3A_187 = arith.constant 0 : i32
    %scan3A_188 = arith.constant 0 : i32
    %scan3A_189 = arith.constant 8 : i32
    %scan3A_190 = arith.addi %scan3A_188, %scan3A_189 : i32
    %scan3A_191 = arith.constant 1 : i32
    %scan3A_192 = scf.for %scan3A_445 = %scan3A_188 to %scan3A_190 step %scan3A_191 iter_args(%scan3A_446 = %scan3A_187) -> (i32)  : i32 {
      %broadcast_in_dim3A = arith.constant 0.000000e+00 : f32
      %broadcast_in_dim3A_447 = vector.broadcast %broadcast_in_dim3A : f32 to vector<16xf32>
      %scan3A_448 = arith.constant 0 : i32
      %scan3A_449 = arith.constant 16 : i32
      %scan3A_450 = arith.addi %scan3A_448, %scan3A_449 : i32
      %scan3A_451 = arith.constant 1 : i32
      %scan3A_452:2 = scf.for %scan3A_462 = %scan3A_448 to %scan3A_450 step %scan3A_451 iter_args(%scan3A_463 = %broadcast_in_dim3A_447, %scan3A_464 = %broadcast_in_dim3A_447) -> (vector<16xf32>, vector<16xf32>)  : i32 {
        %mul3A_465 = arith.constant 16 : i32
        %mul3A_466 = arith.muli %scan3A_445, %mul3A_465 : i32
        %add3A_467 = arith.addi %mul3A_466, %scan3A_462 : i32
        %broadcast_in_dim3A_468 = arith.constant 0.000000e+00 : f32
        %broadcast_in_dim3A_469 = vector.broadcast %broadcast_in_dim3A_468 : f32 to vector<16xf32>
        %broadcast_in_dim3A_470 = arith.constant 0.000000e+00 : f32
        %broadcast_in_dim3A_471 = vector.broadcast %broadcast_in_dim3A_470 : f32 to vector<16xf32>
        %get3A = arith.index_cast %add3A_467 : i32 to index
        %get3A_472 = arith.constant 0 : index
        %get3A_473 = tpu.vector_load %arg7[%get3A, %get3A_472] {strides = array<i32>} : memref<128x128xf32, #tpu.memory_space<vmem>>, vector<16xf32>,
        %get3A_474 = arith.index_cast %add3A_467 : i32 to index
        %get3A_475 = arith.constant 0 : index
        %get3A_476 = tpu.vector_load %arg8[%get3A_474, %get3A_475] {strides = array<i32>} : memref<128x128xf32, #tpu.memory_space<vmem>>, vector<16xf32>,
        %get3A_477 = arith.index_cast %add3A_467 : i32 to index
        %get3A_478 = arith.constant 0 : index
        %get3A_479 = tpu.vector_load %arg9[%get3A_477, %get3A_478] {strides = array<i32>} : memref<128x128xf32, #tpu.memory_space<vmem>>, vector<16xf32>,
        %add3A_480 = arith.constant 9.99999996E-13 : f32
        %add3A_481 = vector.broadcast %add3A_480 : f32 to vector<16xf32>
        %add3A_482 = arith.addf %get3A_473, %add3A_481 : vector<16xf32>
        %sub3A = arith.subf %add3A_482, %get3A_476 : vector<16xf32>
        %sub3A_483 = arith.subf %add3A_482, %get3A_479 : vector<16xf32>
        %mul3A_484 = arith.mulf %sub3A, %sub3A : vector<16xf32>
        %add3A_485 = arith.addf %broadcast_in_dim3A_469, %mul3A_484 : vector<16xf32>
        %mul3A_486 = arith.mulf %sub3A_483, %sub3A_483 : vector<16xf32>
        %add3A_487 = arith.addf %broadcast_in_dim3A_471, %mul3A_486 : vector<16xf32>
        %get3A_488 = arith.index_cast %add3A_467 : i32 to index
        %get3A_489 = arith.constant 16 : index
        %get3A_490 = tpu.vector_load %arg7[%get3A_488, %get3A_489] {strides = array<i32>} : memref<128x128xf32, #tpu.memory_space<vmem>>, vector<16xf32>,
        %get3A_491 = arith.index_cast %add3A_467 : i32 to index
        %get3A_492 = arith.constant 16 : index
        %get3A_493 = tpu.vector_load %arg8[%get3A_491, %get3A_492] {strides = array<i32>} : memref<128x128xf32, #tpu.memory_space<vmem>>, vector<16xf32>,
        %get3A_494 = arith.index_cast %add3A_467 : i32 to index
        %get3A_495 = arith.constant 16 : index
        %get3A_496 = tpu.vector_load %arg9[%get3A_494, %get3A_495] {strides = array<i32>} : memref<128x128xf32, #tpu.memory_space<vmem>>, vector<16xf32>,
        %add3A_497 = arith.constant 9.99999996E-13 : f32
        %add3A_498 = vector.broadcast %add3A_497 : f32 to vector<16xf32>
        %add3A_499 = arith.addf %get3A_490, %add3A_498 : vector<16xf32>
        %sub3A_500 = arith.subf %add3A_499, %get3A_493 : vector<16xf32>
        %sub3A_501 = arith.subf %add3A_499, %get3A_496 : vector<16xf32>
        %mul3A_502 = arith.mulf %sub3A_500, %sub3A_500 : vector<16xf32>
        %add3A_503 = arith.addf %add3A_485, %mul3A_502 : vector<16xf32>
        %mul3A_504 = arith.mulf %sub3A_501, %sub3A_501 : vector<16xf32>
        %add3A_505 = arith.addf %add3A_487, %mul3A_504 : vector<16xf32>
        %get3A_506 = arith.index_cast %add3A_467 : i32 to index
        %get3A_507 = arith.constant 32 : index
        %get3A_508 = tpu.vector_load %arg7[%get3A_506, %get3A_507] {strides = array<i32>} : memref<128x128xf32, #tpu.memory_space<vmem>>, vector<16xf32>,
        %get3A_509 = arith.index_cast %add3A_467 : i32 to index
        %get3A_510 = arith.constant 32 : index
        %get3A_511 = tpu.vector_load %arg8[%get3A_509, %get3A_510] {strides = array<i32>} : memref<128x128xf32, #tpu.memory_space<vmem>>, vector<16xf32>,
        %get3A_512 = arith.index_cast %add3A_467 : i32 to index
        %get3A_513 = arith.constant 32 : index
        %get3A_514 = tpu.vector_load %arg9[%get3A_512, %get3A_513] {strides = array<i32>} : memref<128x128xf32, #tpu.memory_space<vmem>>, vector<16xf32>,
        %add3A_515 = arith.constant 9.99999996E-13 : f32
        %add3A_516 = vector.broadcast %add3A_515 : f32 to vector<16xf32>
        %add3A_517 = arith.addf %get3A_508, %add3A_516 : vector<16xf32>
        %sub3A_518 = arith.subf %add3A_517, %get3A_511 : vector<16xf32>
        %sub3A_519 = arith.subf %add3A_517, %get3A_514 : vector<16xf32>
        %mul3A_520 = arith.mulf %sub3A_518, %sub3A_518 : vector<16xf32>
        %add3A_521 = arith.addf %add3A_503, %mul3A_520 : vector<16xf32>
        %mul3A_522 = arith.mulf %sub3A_519, %sub3A_519 : vector<16xf32>
        %add3A_523 = arith.addf %add3A_505, %mul3A_522 : vector<16xf32>
        %get3A_524 = arith.index_cast %add3A_467 : i32 to index
        %get3A_525 = arith.constant 48 : index
        %get3A_526 = tpu.vector_load %arg7[%get3A_524, %get3A_525] {strides = array<i32>} : memref<128x128xf32, #tpu.memory_space<vmem>>, vector<16xf32>,
        %get3A_527 = arith.index_cast %add3A_467 : i32 to index
        %get3A_528 = arith.constant 48 : index
        %get3A_529 = tpu.vector_load %arg8[%get3A_527, %get3A_528] {strides = array<i32>} : memref<128x128xf32, #tpu.memory_space<vmem>>, vector<16xf32>,
        %get3A_530 = arith.index_cast %add3A_467 : i32 to index
        %get3A_531 = arith.constant 48 : index
        %get3A_532 = tpu.vector_load %arg9[%get3A_530, %get3A_531] {strides = array<i32>} : memref<128x128xf32, #tpu.memory_space<vmem>>, vector<16xf32>,
        %add3A_533 = arith.constant 9.99999996E-13 : f32
        %add3A_534 = vector.broadcast %add3A_533 : f32 to vector<16xf32>
        %add3A_535 = arith.addf %get3A_526, %add3A_534 : vector<16xf32>
        %sub3A_536 = arith.subf %add3A_535, %get3A_529 : vector<16xf32>
        %sub3A_537 = arith.subf %add3A_535, %get3A_532 : vector<16xf32>
        %mul3A_538 = arith.mulf %sub3A_536, %sub3A_536 : vector<16xf32>
        %add3A_539 = arith.addf %add3A_521, %mul3A_538 : vector<16xf32>
        %mul3A_540 = arith.mulf %sub3A_537, %sub3A_537 : vector<16xf32>
        %add3A_541 = arith.addf %add3A_523, %mul3A_540 : vector<16xf32>
        %get3A_542 = arith.index_cast %add3A_467 : i32 to index
        %get3A_543 = arith.constant 64 : index
        %get3A_544 = tpu.vector_load %arg7[%get3A_542, %get3A_543] {strides = array<i32>} : memref<128x128xf32, #tpu.memory_space<vmem>>, vector<16xf32>,
        %get3A_545 = arith.index_cast %add3A_467 : i32 to index
        %get3A_546 = arith.constant 64 : index
        %get3A_547 = tpu.vector_load %arg8[%get3A_545, %get3A_546] {strides = array<i32>} : memref<128x128xf32, #tpu.memory_space<vmem>>, vector<16xf32>,
        %get3A_548 = arith.index_cast %add3A_467 : i32 to index
        %get3A_549 = arith.constant 64 : index
        %get3A_550 = tpu.vector_load %arg9[%get3A_548, %get3A_549] {strides = array<i32>} : memref<128x128xf32, #tpu.memory_space<vmem>>, vector<16xf32>,
        %add3A_551 = arith.constant 9.99999996E-13 : f32
        %add3A_552 = vector.broadcast %add3A_551 : f32 to vector<16xf32>
        %add3A_553 = arith.addf %get3A_544, %add3A_552 : vector<16xf32>
        %sub3A_554 = arith.subf %add3A_553, %get3A_547 : vector<16xf32>
        %sub3A_555 = arith.subf %add3A_553, %get3A_550 : vector<16xf32>
        %mul3A_556 = arith.mulf %sub3A_554, %sub3A_554 : vector<16xf32>
        %add3A_557 = arith.addf %add3A_539, %mul3A_556 : vector<16xf32>
        %mul3A_558 = arith.mulf %sub3A_555, %sub3A_555 : vector<16xf32>
        %add3A_559 = arith.addf %add3A_541, %mul3A_558 : vector<16xf32>
        %get3A_560 = arith.index_cast %add3A_467 : i32 to index
        %get3A_561 = arith.constant 80 : index
        %get3A_562 = tpu.vector_load %arg7[%get3A_560, %get3A_561] {strides = array<i32>} : memref<128x128xf32, #tpu.memory_space<vmem>>, vector<16xf32>,
        %get3A_563 = arith.index_cast %add3A_467 : i32 to index
        %get3A_564 = arith.constant 80 : index
        %get3A_565 = tpu.vector_load %arg8[%get3A_563, %get3A_564] {strides = array<i32>} : memref<128x128xf32, #tpu.memory_space<vmem>>, vector<16xf32>,
        %get3A_566 = arith.index_cast %add3A_467 : i32 to index
        %get3A_567 = arith.constant 80 : index
        %get3A_568 = tpu.vector_load %arg9[%get3A_566, %get3A_567] {strides = array<i32>} : memref<128x128xf32, #tpu.memory_space<vmem>>, vector<16xf32>,
        %add3A_569 = arith.constant 9.99999996E-13 : f32
        %add3A_570 = vector.broadcast %add3A_569 : f32 to vector<16xf32>
        %add3A_571 = arith.addf %get3A_562, %add3A_570 : vector<16xf32>
        %sub3A_572 = arith.subf %add3A_571, %get3A_565 : vector<16xf32>
        %sub3A_573 = arith.subf %add3A_571, %get3A_568 : vector<16xf32>
        %mul3A_574 = arith.mulf %sub3A_572, %sub3A_572 : vector<16xf32>
        %add3A_575 = arith.addf %add3A_557, %mul3A_574 : vector<16xf32>
        %mul3A_576 = arith.mulf %sub3A_573, %sub3A_573 : vector<16xf32>
        %add3A_577 = arith.addf %add3A_559, %mul3A_576 : vector<16xf32>
        %get3A_578 = arith.index_cast %add3A_467 : i32 to index
        %get3A_579 = arith.constant 96 : index
        %get3A_580 = tpu.vector_load %arg7[%get3A_578, %get3A_579] {strides = array<i32>} : memref<128x128xf32, #tpu.memory_space<vmem>>, vector<16xf32>,
        %get3A_581 = arith.index_cast %add3A_467 : i32 to index
        %get3A_582 = arith.constant 96 : index
        %get3A_583 = tpu.vector_load %arg8[%get3A_581, %get3A_582] {strides = array<i32>} : memref<128x128xf32, #tpu.memory_space<vmem>>, vector<16xf32>,
        %get3A_584 = arith.index_cast %add3A_467 : i32 to index
        %get3A_585 = arith.constant 96 : index
        %get3A_586 = tpu.vector_load %arg9[%get3A_584, %get3A_585] {strides = array<i32>} : memref<128x128xf32, #tpu.memory_space<vmem>>, vector<16xf32>,
        %add3A_587 = arith.constant 9.99999996E-13 : f32
        %add3A_588 = vector.broadcast %add3A_587 : f32 to vector<16xf32>
        %add3A_589 = arith.addf %get3A_580, %add3A_588 : vector<16xf32>
        %sub3A_590 = arith.subf %add3A_589, %get3A_583 : vector<16xf32>
        %sub3A_591 = arith.subf %add3A_589, %get3A_586 : vector<16xf32>
        %mul3A_592 = arith.mulf %sub3A_590, %sub3A_590 : vector<16xf32>
        %add3A_593 = arith.addf %add3A_575, %mul3A_592 : vector<16xf32>
        %mul3A_594 = arith.mulf %sub3A_591, %sub3A_591 : vector<16xf32>
        %add3A_595 = arith.addf %add3A_577, %mul3A_594 : vector<16xf32>
        %get3A_596 = arith.index_cast %add3A_467 : i32 to index
        %get3A_597 = arith.constant 112 : index
        %get3A_598 = tpu.vector_load %arg7[%get3A_596, %get3A_597] {strides = array<i32>} : memref<128x128xf32, #tpu.memory_space<vmem>>, vector<16xf32>,
        %get3A_599 = arith.index_cast %add3A_467 : i32 to index
        %get3A_600 = arith.constant 112 : index
        %get3A_601 = tpu.vector_load %arg8[%get3A_599, %get3A_600] {strides = array<i32>} : memref<128x128xf32, #tpu.memory_space<vmem>>, vector<16xf32>,
        %get3A_602 = arith.index_cast %add3A_467 : i32 to index
        %get3A_603 = arith.constant 112 : index
        %get3A_604 = tpu.vector_load %arg9[%get3A_602, %get3A_603] {strides = array<i32>} : memref<128x128xf32, #tpu.memory_space<vmem>>, vector<16xf32>,
        %add3A_605 = arith.constant 9.99999996E-13 : f32
        %add3A_606 = vector.broadcast %add3A_605 : f32 to vector<16xf32>
        %add3A_607 = arith.addf %get3A_598, %add3A_606 : vector<16xf32>
        %sub3A_608 = arith.subf %add3A_607, %get3A_601 : vector<16xf32>
        %sub3A_609 = arith.subf %add3A_607, %get3A_604 : vector<16xf32>
        %mul3A_610 = arith.mulf %sub3A_608, %sub3A_608 : vector<16xf32>
        %add3A_611 = arith.addf %add3A_593, %mul3A_610 : vector<16xf32>
        %mul3A_612 = arith.mulf %sub3A_609, %sub3A_609 : vector<16xf32>
        %add3A_613 = arith.addf %add3A_595, %mul3A_612 : vector<16xf32>
        %iota3A = tpu.iota {dimensions = array<i32: 0>} : vector<16xi32>
        %eq3A = vector.broadcast %scan3A_462 : i32 to vector<16xi32>
        %eq3A_614 = arith.cmpi eq, %iota3A, %eq3A : vector<16xi32>
        %reduce_sum3A = arith.constant true
        %reduce_sum3A_615 = vector.broadcast %reduce_sum3A : i1 to vector<16xi1>
        %reduce_sum3A_616 = tpu.scan <sum>, %add3A_611 masked %reduce_sum3A_615 : vector<16xf32>, vector<16xi1> -> vector<16xf32>
        %reduce_sum3A_617 = vector.extract %reduce_sum3A_616[15] : f32 from vector<16xf32>
        %broadcast_in_dim3A_618 = vector.broadcast %reduce_sum3A_617 : f32 to vector<16xf32>
        %select_n3A = arith.select %eq3A_614, %broadcast_in_dim3A_618, %scan3A_463 : vector<16xi1>, vector<16xf32>
        %reduce_sum3A_619 = arith.constant true
        %reduce_sum3A_620 = vector.broadcast %reduce_sum3A_619 : i1 to vector<16xi1>
        %reduce_sum3A_621 = tpu.scan <sum>, %add3A_613 masked %reduce_sum3A_620 : vector<16xf32>, vector<16xi1> -> vector<16xf32>
        %reduce_sum3A_622 = vector.extract %reduce_sum3A_621[15] : f32 from vector<16xf32>
        %broadcast_in_dim3A_623 = vector.broadcast %reduce_sum3A_622 : f32 to vector<16xf32>
        %select_n3A_624 = arith.select %eq3A_614, %broadcast_in_dim3A_623, %scan3A_464 : vector<16xi1>, vector<16xf32>
        scf.yield %select_n3A, %select_n3A_624 : vector<16xf32>, vector<16xf32>
      }
      %scan3A_453 = arith.constant 16 : i32
      %mul3A_454 = arith.constant 16 : i32
      %mul3A_455 = arith.muli %scan3A_445, %mul3A_454 : i32
      %add3A_456 = arith.constant 256 : i32
      %add3A_457 = arith.addi %add3A_456, %mul3A_455 : i32
      %swap3A = arith.index_cast %add3A_457 : i32 to index
      %swap3A_458 = tpu.vector_load %arg13[%swap3A] {strides = array<i32>} : memref<1024xf32, #tpu.memory_space<vmem>>, vector<16xf32>,
      tpu.vector_store %arg13[%swap3A], %scan3A_452#0 {strides = array<i32>} : memref<1024xf32, #tpu.memory_space<vmem>>, vector<16xf32>,
      %swap3A_459 = arith.index_cast %add3A_457 : i32 to index
      %swap3A_460 = tpu.vector_load %arg14[%swap3A_459] {strides = array<i32>} : memref<1024xf32, #tpu.memory_space<vmem>>, vector<16xf32>,
      tpu.vector_store %arg14[%swap3A_459], %scan3A_452#1 {strides = array<i32>} : memref<1024xf32, #tpu.memory_space<vmem>>, vector<16xf32>,
      %scan3A_461 = arith.constant 0 : i32
      scf.yield %scan3A_461 : i32
    }
    %scan3A_193 = arith.constant 8 : i32
    %dma_start3A_194 = arith.constant 0 : i32
    %dma_start3A_195 = arith.constant 4 : i32
    %dma_start3A_196 = arith.constant 0 : i32
    %dma_start3A_197 = tpu.memref_slice %arg6[%dma_start3A_194, %dma_start3A_195, %dma_start3A_196] : memref<3x8x128xi32, #tpu.memory_space<vmem>> -> memref<1x1x128xi32, #tpu.memory_space<vmem>>
    %dma_start3A_198 = tpu.memref_squeeze %dma_start3A_197 : memref<1x1x128xi32, #tpu.memory_space<vmem>> -> memref<128xi32, #tpu.memory_space<vmem>>
    %dma_start3A_199 = arith.constant 0 : i32
    %dma_start3A_200 = arith.constant 0 : i32
    %dma_start3A_201 = tpu.memref_slice %arg2[%dma_start3A_199, %dma_start3A_200] : memref<16384x128xf32, #tpu.memory_space<hbm>> -> memref<16384x128xf32, #tpu.memory_space<hbm>>
    tpu.enqueue_indirect_dma source(%dma_start3A_201 : memref<16384x128xf32, #tpu.memory_space<hbm>>) target(%arg7 : memref<128x128xf32, #tpu.memory_space<vmem>>) offsets(%dma_start3A_198 : memref<128xi32, #tpu.memory_space<vmem>>) semaphore(%arg15 : memref<!tpu.dma_semaphore, #tpu.memory_space<semaphore_mem>>)
    %dma_start3A_202 = arith.constant 1 : i32
    %dma_start3A_203 = arith.constant 4 : i32
    %dma_start3A_204 = arith.constant 0 : i32
    %dma_start3A_205 = tpu.memref_slice %arg6[%dma_start3A_202, %dma_start3A_203, %dma_start3A_204] : memref<3x8x128xi32, #tpu.memory_space<vmem>> -> memref<1x1x128xi32, #tpu.memory_space<vmem>>
    %dma_start3A_206 = tpu.memref_squeeze %dma_start3A_205 : memref<1x1x128xi32, #tpu.memory_space<vmem>> -> memref<128xi32, #tpu.memory_space<vmem>>
    %dma_start3A_207 = arith.constant 0 : i32
    %dma_start3A_208 = arith.constant 0 : i32
    %dma_start3A_209 = tpu.memref_slice %arg2[%dma_start3A_207, %dma_start3A_208] : memref<16384x128xf32, #tpu.memory_space<hbm>> -> memref<16384x128xf32, #tpu.memory_space<hbm>>
    tpu.enqueue_indirect_dma source(%dma_start3A_209 : memref<16384x128xf32, #tpu.memory_space<hbm>>) target(%arg8 : memref<128x128xf32, #tpu.memory_space<vmem>>) offsets(%dma_start3A_206 : memref<128xi32, #tpu.memory_space<vmem>>) semaphore(%arg15 : memref<!tpu.dma_semaphore, #tpu.memory_space<semaphore_mem>>)
    %dma_start3A_210 = arith.constant 2 : i32
    %dma_start3A_211 = arith.constant 4 : i32
    %dma_start3A_212 = arith.constant 0 : i32
    %dma_start3A_213 = tpu.memref_slice %arg6[%dma_start3A_210, %dma_start3A_211, %dma_start3A_212] : memref<3x8x128xi32, #tpu.memory_space<vmem>> -> memref<1x1x128xi32, #tpu.memory_space<vmem>>
    %dma_start3A_214 = tpu.memref_squeeze %dma_start3A_213 : memref<1x1x128xi32, #tpu.memory_space<vmem>> -> memref<128xi32, #tpu.memory_space<vmem>>
    %dma_start3A_215 = arith.constant 0 : i32
    %dma_start3A_216 = arith.constant 0 : i32
    %dma_start3A_217 = tpu.memref_slice %arg2[%dma_start3A_215, %dma_start3A_216] : memref<16384x128xf32, #tpu.memory_space<hbm>> -> memref<16384x128xf32, #tpu.memory_space<hbm>>
    tpu.enqueue_indirect_dma source(%dma_start3A_217 : memref<16384x128xf32, #tpu.memory_space<hbm>>) target(%arg9 : memref<128x128xf32, #tpu.memory_space<vmem>>) offsets(%dma_start3A_214 : memref<128xi32, #tpu.memory_space<vmem>>) semaphore(%arg15 : memref<!tpu.dma_semaphore, #tpu.memory_space<semaphore_mem>>)
    %dma_wait3A_218 = arith.constant 0 : i32
    %dma_wait3A_219 = arith.constant 3 : i32
    %dma_wait3A_220 = arith.constant 0 : i32
    %dma_wait3A_221 = tpu.memref_slice %arg6[%dma_wait3A_218, %dma_wait3A_219, %dma_wait3A_220] : memref<3x8x128xi32, #tpu.memory_space<vmem>> -> memref<1x1x128xi32, #tpu.memory_space<vmem>>
    %dma_wait3A_222 = tpu.memref_squeeze %dma_wait3A_221 : memref<1x1x128xi32, #tpu.memory_space<vmem>> -> memref<128xi32, #tpu.memory_space<vmem>>
    %dma_wait3A_223 = arith.constant 0 : i32
    %dma_wait3A_224 = arith.constant 0 : i32
    %dma_wait3A_225 = tpu.memref_slice %arg2[%dma_wait3A_223, %dma_wait3A_224] : memref<16384x128xf32, #tpu.memory_space<hbm>> -> memref<16384x128xf32, #tpu.memory_space<hbm>>
    tpu.wait_indirect_dma semaphore(%arg16 : memref<!tpu.dma_semaphore, #tpu.memory_space<semaphore_mem>>) src(%dma_wait3A_225 : memref<16384x128xf32, #tpu.memory_space<hbm>>) dst(%arg10 : memref<128x128xf32, #tpu.memory_space<vmem>>)
    %dma_wait3A_226 = arith.constant 1 : i32
    %dma_wait3A_227 = arith.constant 3 : i32
    %dma_wait3A_228 = arith.constant 0 : i32
    %dma_wait3A_229 = tpu.memref_slice %arg6[%dma_wait3A_226, %dma_wait3A_227, %dma_wait3A_228] : memref<3x8x128xi32, #tpu.memory_space<vmem>> -> memref<1x1x128xi32, #tpu.memory_space<vmem>>
    %dma_wait3A_230 = tpu.memref_squeeze %dma_wait3A_229 : memref<1x1x128xi32, #tpu.memory_space<vmem>> -> memref<128xi32, #tpu.memory_space<vmem>>
    %dma_wait3A_231 = arith.constant 0 : i32
    %dma_wait3A_232 = arith.constant 0 : i32
    %dma_wait3A_233 = tpu.memref_slice %arg2[%dma_wait3A_231, %dma_wait3A_232] : memref<16384x128xf32, #tpu.memory_space<hbm>> -> memref<16384x128xf32, #tpu.memory_space<hbm>>
    tpu.wait_indirect_dma semaphore(%arg16 : memref<!tpu.dma_semaphore, #tpu.memory_space<semaphore_mem>>) src(%dma_wait3A_233 : memref<16384x128xf32, #tpu.memory_space<hbm>>) dst(%arg11 : memref<128x128xf32, #tpu.memory_space<vmem>>)
    %dma_wait3A_234 = arith.constant 2 : i32
    %dma_wait3A_235 = arith.constant 3 : i32
    %dma_wait3A_236 = arith.constant 0 : i32
    %dma_wait3A_237 = tpu.memref_slice %arg6[%dma_wait3A_234, %dma_wait3A_235, %dma_wait3A_236] : memref<3x8x128xi32, #tpu.memory_space<vmem>> -> memref<1x1x128xi32, #tpu.memory_space<vmem>>
    %dma_wait3A_238 = tpu.memref_squeeze %dma_wait3A_237 : memref<1x1x128xi32, #tpu.memory_space<vmem>> -> memref<128xi32, #tpu.memory_space<vmem>>
    %dma_wait3A_239 = arith.constant 0 : i32
    %dma_wait3A_240 = arith.constant 0 : i32
    %dma_wait3A_241 = tpu.memref_slice %arg2[%dma_wait3A_239, %dma_wait3A_240] : memref<16384x128xf32, #tpu.memory_space<hbm>> -> memref<16384x128xf32, #tpu.memory_space<hbm>>
    tpu.wait_indirect_dma semaphore(%arg16 : memref<!tpu.dma_semaphore, #tpu.memory_space<semaphore_mem>>) src(%dma_wait3A_241 : memref<16384x128xf32, #tpu.memory_space<hbm>>) dst(%arg12 : memref<128x128xf32, #tpu.memory_space<vmem>>)
    %scan3A_242 = arith.constant 0 : i32
    %scan3A_243 = arith.constant 0 : i32
    %scan3A_244 = arith.constant 8 : i32
    %scan3A_245 = arith.addi %scan3A_243, %scan3A_244 : i32
    %scan3A_246 = arith.constant 1 : i32
    %scan3A_247 = scf.for %scan3A_445 = %scan3A_243 to %scan3A_245 step %scan3A_246 iter_args(%scan3A_446 = %scan3A_242) -> (i32)  : i32 {
      %broadcast_in_dim3A = arith.constant 0.000000e+00 : f32
      %broadcast_in_dim3A_447 = vector.broadcast %broadcast_in_dim3A : f32 to vector<16xf32>
      %scan3A_448 = arith.constant 0 : i32
      %scan3A_449 = arith.constant 16 : i32
      %scan3A_450 = arith.addi %scan3A_448, %scan3A_449 : i32
      %scan3A_451 = arith.constant 1 : i32
      %scan3A_452:2 = scf.for %scan3A_462 = %scan3A_448 to %scan3A_450 step %scan3A_451 iter_args(%scan3A_463 = %broadcast_in_dim3A_447, %scan3A_464 = %broadcast_in_dim3A_447) -> (vector<16xf32>, vector<16xf32>)  : i32 {
        %mul3A_465 = arith.constant 16 : i32
        %mul3A_466 = arith.muli %scan3A_445, %mul3A_465 : i32
        %add3A_467 = arith.addi %mul3A_466, %scan3A_462 : i32
        %broadcast_in_dim3A_468 = arith.constant 0.000000e+00 : f32
        %broadcast_in_dim3A_469 = vector.broadcast %broadcast_in_dim3A_468 : f32 to vector<16xf32>
        %broadcast_in_dim3A_470 = arith.constant 0.000000e+00 : f32
        %broadcast_in_dim3A_471 = vector.broadcast %broadcast_in_dim3A_470 : f32 to vector<16xf32>
        %get3A = arith.index_cast %add3A_467 : i32 to index
        %get3A_472 = arith.constant 0 : index
        %get3A_473 = tpu.vector_load %arg10[%get3A, %get3A_472] {strides = array<i32>} : memref<128x128xf32, #tpu.memory_space<vmem>>, vector<16xf32>,
        %get3A_474 = arith.index_cast %add3A_467 : i32 to index
        %get3A_475 = arith.constant 0 : index
        %get3A_476 = tpu.vector_load %arg11[%get3A_474, %get3A_475] {strides = array<i32>} : memref<128x128xf32, #tpu.memory_space<vmem>>, vector<16xf32>,
        %get3A_477 = arith.index_cast %add3A_467 : i32 to index
        %get3A_478 = arith.constant 0 : index
        %get3A_479 = tpu.vector_load %arg12[%get3A_477, %get3A_478] {strides = array<i32>} : memref<128x128xf32, #tpu.memory_space<vmem>>, vector<16xf32>,
        %add3A_480 = arith.constant 9.99999996E-13 : f32
        %add3A_481 = vector.broadcast %add3A_480 : f32 to vector<16xf32>
        %add3A_482 = arith.addf %get3A_473, %add3A_481 : vector<16xf32>
        %sub3A = arith.subf %add3A_482, %get3A_476 : vector<16xf32>
        %sub3A_483 = arith.subf %add3A_482, %get3A_479 : vector<16xf32>
        %mul3A_484 = arith.mulf %sub3A, %sub3A : vector<16xf32>
        %add3A_485 = arith.addf %broadcast_in_dim3A_469, %mul3A_484 : vector<16xf32>
        %mul3A_486 = arith.mulf %sub3A_483, %sub3A_483 : vector<16xf32>
        %add3A_487 = arith.addf %broadcast_in_dim3A_471, %mul3A_486 : vector<16xf32>
        %get3A_488 = arith.index_cast %add3A_467 : i32 to index
        %get3A_489 = arith.constant 16 : index
        %get3A_490 = tpu.vector_load %arg10[%get3A_488, %get3A_489] {strides = array<i32>} : memref<128x128xf32, #tpu.memory_space<vmem>>, vector<16xf32>,
        %get3A_491 = arith.index_cast %add3A_467 : i32 to index
        %get3A_492 = arith.constant 16 : index
        %get3A_493 = tpu.vector_load %arg11[%get3A_491, %get3A_492] {strides = array<i32>} : memref<128x128xf32, #tpu.memory_space<vmem>>, vector<16xf32>,
        %get3A_494 = arith.index_cast %add3A_467 : i32 to index
        %get3A_495 = arith.constant 16 : index
        %get3A_496 = tpu.vector_load %arg12[%get3A_494, %get3A_495] {strides = array<i32>} : memref<128x128xf32, #tpu.memory_space<vmem>>, vector<16xf32>,
        %add3A_497 = arith.constant 9.99999996E-13 : f32
        %add3A_498 = vector.broadcast %add3A_497 : f32 to vector<16xf32>
        %add3A_499 = arith.addf %get3A_490, %add3A_498 : vector<16xf32>
        %sub3A_500 = arith.subf %add3A_499, %get3A_493 : vector<16xf32>
        %sub3A_501 = arith.subf %add3A_499, %get3A_496 : vector<16xf32>
        %mul3A_502 = arith.mulf %sub3A_500, %sub3A_500 : vector<16xf32>
        %add3A_503 = arith.addf %add3A_485, %mul3A_502 : vector<16xf32>
        %mul3A_504 = arith.mulf %sub3A_501, %sub3A_501 : vector<16xf32>
        %add3A_505 = arith.addf %add3A_487, %mul3A_504 : vector<16xf32>
        %get3A_506 = arith.index_cast %add3A_467 : i32 to index
        %get3A_507 = arith.constant 32 : index
        %get3A_508 = tpu.vector_load %arg10[%get3A_506, %get3A_507] {strides = array<i32>} : memref<128x128xf32, #tpu.memory_space<vmem>>, vector<16xf32>,
        %get3A_509 = arith.index_cast %add3A_467 : i32 to index
        %get3A_510 = arith.constant 32 : index
        %get3A_511 = tpu.vector_load %arg11[%get3A_509, %get3A_510] {strides = array<i32>} : memref<128x128xf32, #tpu.memory_space<vmem>>, vector<16xf32>,
        %get3A_512 = arith.index_cast %add3A_467 : i32 to index
        %get3A_513 = arith.constant 32 : index
        %get3A_514 = tpu.vector_load %arg12[%get3A_512, %get3A_513] {strides = array<i32>} : memref<128x128xf32, #tpu.memory_space<vmem>>, vector<16xf32>,
        %add3A_515 = arith.constant 9.99999996E-13 : f32
        %add3A_516 = vector.broadcast %add3A_515 : f32 to vector<16xf32>
        %add3A_517 = arith.addf %get3A_508, %add3A_516 : vector<16xf32>
        %sub3A_518 = arith.subf %add3A_517, %get3A_511 : vector<16xf32>
        %sub3A_519 = arith.subf %add3A_517, %get3A_514 : vector<16xf32>
        %mul3A_520 = arith.mulf %sub3A_518, %sub3A_518 : vector<16xf32>
        %add3A_521 = arith.addf %add3A_503, %mul3A_520 : vector<16xf32>
        %mul3A_522 = arith.mulf %sub3A_519, %sub3A_519 : vector<16xf32>
        %add3A_523 = arith.addf %add3A_505, %mul3A_522 : vector<16xf32>
        %get3A_524 = arith.index_cast %add3A_467 : i32 to index
        %get3A_525 = arith.constant 48 : index
        %get3A_526 = tpu.vector_load %arg10[%get3A_524, %get3A_525] {strides = array<i32>} : memref<128x128xf32, #tpu.memory_space<vmem>>, vector<16xf32>,
        %get3A_527 = arith.index_cast %add3A_467 : i32 to index
        %get3A_528 = arith.constant 48 : index
        %get3A_529 = tpu.vector_load %arg11[%get3A_527, %get3A_528] {strides = array<i32>} : memref<128x128xf32, #tpu.memory_space<vmem>>, vector<16xf32>,
        %get3A_530 = arith.index_cast %add3A_467 : i32 to index
        %get3A_531 = arith.constant 48 : index
        %get3A_532 = tpu.vector_load %arg12[%get3A_530, %get3A_531] {strides = array<i32>} : memref<128x128xf32, #tpu.memory_space<vmem>>, vector<16xf32>,
        %add3A_533 = arith.constant 9.99999996E-13 : f32
        %add3A_534 = vector.broadcast %add3A_533 : f32 to vector<16xf32>
        %add3A_535 = arith.addf %get3A_526, %add3A_534 : vector<16xf32>
        %sub3A_536 = arith.subf %add3A_535, %get3A_529 : vector<16xf32>
        %sub3A_537 = arith.subf %add3A_535, %get3A_532 : vector<16xf32>
        %mul3A_538 = arith.mulf %sub3A_536, %sub3A_536 : vector<16xf32>
        %add3A_539 = arith.addf %add3A_521, %mul3A_538 : vector<16xf32>
        %mul3A_540 = arith.mulf %sub3A_537, %sub3A_537 : vector<16xf32>
        %add3A_541 = arith.addf %add3A_523, %mul3A_540 : vector<16xf32>
        %get3A_542 = arith.index_cast %add3A_467 : i32 to index
        %get3A_543 = arith.constant 64 : index
        %get3A_544 = tpu.vector_load %arg10[%get3A_542, %get3A_543] {strides = array<i32>} : memref<128x128xf32, #tpu.memory_space<vmem>>, vector<16xf32>,
        %get3A_545 = arith.index_cast %add3A_467 : i32 to index
        %get3A_546 = arith.constant 64 : index
        %get3A_547 = tpu.vector_load %arg11[%get3A_545, %get3A_546] {strides = array<i32>} : memref<128x128xf32, #tpu.memory_space<vmem>>, vector<16xf32>,
        %get3A_548 = arith.index_cast %add3A_467 : i32 to index
        %get3A_549 = arith.constant 64 : index
        %get3A_550 = tpu.vector_load %arg12[%get3A_548, %get3A_549] {strides = array<i32>} : memref<128x128xf32, #tpu.memory_space<vmem>>, vector<16xf32>,
        %add3A_551 = arith.constant 9.99999996E-13 : f32
        %add3A_552 = vector.broadcast %add3A_551 : f32 to vector<16xf32>
        %add3A_553 = arith.addf %get3A_544, %add3A_552 : vector<16xf32>
        %sub3A_554 = arith.subf %add3A_553, %get3A_547 : vector<16xf32>
        %sub3A_555 = arith.subf %add3A_553, %get3A_550 : vector<16xf32>
        %mul3A_556 = arith.mulf %sub3A_554, %sub3A_554 : vector<16xf32>
        %add3A_557 = arith.addf %add3A_539, %mul3A_556 : vector<16xf32>
        %mul3A_558 = arith.mulf %sub3A_555, %sub3A_555 : vector<16xf32>
        %add3A_559 = arith.addf %add3A_541, %mul3A_558 : vector<16xf32>
        %get3A_560 = arith.index_cast %add3A_467 : i32 to index
        %get3A_561 = arith.constant 80 : index
        %get3A_562 = tpu.vector_load %arg10[%get3A_560, %get3A_561] {strides = array<i32>} : memref<128x128xf32, #tpu.memory_space<vmem>>, vector<16xf32>,
        %get3A_563 = arith.index_cast %add3A_467 : i32 to index
        %get3A_564 = arith.constant 80 : index
        %get3A_565 = tpu.vector_load %arg11[%get3A_563, %get3A_564] {strides = array<i32>} : memref<128x128xf32, #tpu.memory_space<vmem>>, vector<16xf32>,
        %get3A_566 = arith.index_cast %add3A_467 : i32 to index
        %get3A_567 = arith.constant 80 : index
        %get3A_568 = tpu.vector_load %arg12[%get3A_566, %get3A_567] {strides = array<i32>} : memref<128x128xf32, #tpu.memory_space<vmem>>, vector<16xf32>,
        %add3A_569 = arith.constant 9.99999996E-13 : f32
        %add3A_570 = vector.broadcast %add3A_569 : f32 to vector<16xf32>
        %add3A_571 = arith.addf %get3A_562, %add3A_570 : vector<16xf32>
        %sub3A_572 = arith.subf %add3A_571, %get3A_565 : vector<16xf32>
        %sub3A_573 = arith.subf %add3A_571, %get3A_568 : vector<16xf32>
        %mul3A_574 = arith.mulf %sub3A_572, %sub3A_572 : vector<16xf32>
        %add3A_575 = arith.addf %add3A_557, %mul3A_574 : vector<16xf32>
        %mul3A_576 = arith.mulf %sub3A_573, %sub3A_573 : vector<16xf32>
        %add3A_577 = arith.addf %add3A_559, %mul3A_576 : vector<16xf32>
        %get3A_578 = arith.index_cast %add3A_467 : i32 to index
        %get3A_579 = arith.constant 96 : index
        %get3A_580 = tpu.vector_load %arg10[%get3A_578, %get3A_579] {strides = array<i32>} : memref<128x128xf32, #tpu.memory_space<vmem>>, vector<16xf32>,
        %get3A_581 = arith.index_cast %add3A_467 : i32 to index
        %get3A_582 = arith.constant 96 : index
        %get3A_583 = tpu.vector_load %arg11[%get3A_581, %get3A_582] {strides = array<i32>} : memref<128x128xf32, #tpu.memory_space<vmem>>, vector<16xf32>,
        %get3A_584 = arith.index_cast %add3A_467 : i32 to index
        %get3A_585 = arith.constant 96 : index
        %get3A_586 = tpu.vector_load %arg12[%get3A_584, %get3A_585] {strides = array<i32>} : memref<128x128xf32, #tpu.memory_space<vmem>>, vector<16xf32>,
        %add3A_587 = arith.constant 9.99999996E-13 : f32
        %add3A_588 = vector.broadcast %add3A_587 : f32 to vector<16xf32>
        %add3A_589 = arith.addf %get3A_580, %add3A_588 : vector<16xf32>
        %sub3A_590 = arith.subf %add3A_589, %get3A_583 : vector<16xf32>
        %sub3A_591 = arith.subf %add3A_589, %get3A_586 : vector<16xf32>
        %mul3A_592 = arith.mulf %sub3A_590, %sub3A_590 : vector<16xf32>
        %add3A_593 = arith.addf %add3A_575, %mul3A_592 : vector<16xf32>
        %mul3A_594 = arith.mulf %sub3A_591, %sub3A_591 : vector<16xf32>
        %add3A_595 = arith.addf %add3A_577, %mul3A_594 : vector<16xf32>
        %get3A_596 = arith.index_cast %add3A_467 : i32 to index
        %get3A_597 = arith.constant 112 : index
        %get3A_598 = tpu.vector_load %arg10[%get3A_596, %get3A_597] {strides = array<i32>} : memref<128x128xf32, #tpu.memory_space<vmem>>, vector<16xf32>,
        %get3A_599 = arith.index_cast %add3A_467 : i32 to index
        %get3A_600 = arith.constant 112 : index
        %get3A_601 = tpu.vector_load %arg11[%get3A_599, %get3A_600] {strides = array<i32>} : memref<128x128xf32, #tpu.memory_space<vmem>>, vector<16xf32>,
        %get3A_602 = arith.index_cast %add3A_467 : i32 to index
        %get3A_603 = arith.constant 112 : index
        %get3A_604 = tpu.vector_load %arg12[%get3A_602, %get3A_603] {strides = array<i32>} : memref<128x128xf32, #tpu.memory_space<vmem>>, vector<16xf32>,
        %add3A_605 = arith.constant 9.99999996E-13 : f32
        %add3A_606 = vector.broadcast %add3A_605 : f32 to vector<16xf32>
        %add3A_607 = arith.addf %get3A_598, %add3A_606 : vector<16xf32>
        %sub3A_608 = arith.subf %add3A_607, %get3A_601 : vector<16xf32>
        %sub3A_609 = arith.subf %add3A_607, %get3A_604 : vector<16xf32>
        %mul3A_610 = arith.mulf %sub3A_608, %sub3A_608 : vector<16xf32>
        %add3A_611 = arith.addf %add3A_593, %mul3A_610 : vector<16xf32>
        %mul3A_612 = arith.mulf %sub3A_609, %sub3A_609 : vector<16xf32>
        %add3A_613 = arith.addf %add3A_595, %mul3A_612 : vector<16xf32>
        %iota3A = tpu.iota {dimensions = array<i32: 0>} : vector<16xi32>
        %eq3A = vector.broadcast %scan3A_462 : i32 to vector<16xi32>
        %eq3A_614 = arith.cmpi eq, %iota3A, %eq3A : vector<16xi32>
        %reduce_sum3A = arith.constant true
        %reduce_sum3A_615 = vector.broadcast %reduce_sum3A : i1 to vector<16xi1>
        %reduce_sum3A_616 = tpu.scan <sum>, %add3A_611 masked %reduce_sum3A_615 : vector<16xf32>, vector<16xi1> -> vector<16xf32>
        %reduce_sum3A_617 = vector.extract %reduce_sum3A_616[15] : f32 from vector<16xf32>
        %broadcast_in_dim3A_618 = vector.broadcast %reduce_sum3A_617 : f32 to vector<16xf32>
        %select_n3A = arith.select %eq3A_614, %broadcast_in_dim3A_618, %scan3A_463 : vector<16xi1>, vector<16xf32>
        %reduce_sum3A_619 = arith.constant true
        %reduce_sum3A_620 = vector.broadcast %reduce_sum3A_619 : i1 to vector<16xi1>
        %reduce_sum3A_621 = tpu.scan <sum>, %add3A_613 masked %reduce_sum3A_620 : vector<16xf32>, vector<16xi1> -> vector<16xf32>
        %reduce_sum3A_622 = vector.extract %reduce_sum3A_621[15] : f32 from vector<16xf32>
        %broadcast_in_dim3A_623 = vector.broadcast %reduce_sum3A_622 : f32 to vector<16xf32>
        %select_n3A_624 = arith.select %eq3A_614, %broadcast_in_dim3A_623, %scan3A_464 : vector<16xi1>, vector<16xf32>
        scf.yield %select_n3A, %select_n3A_624 : vector<16xf32>, vector<16xf32>
      }
      %scan3A_453 = arith.constant 16 : i32
      %mul3A_454 = arith.constant 16 : i32
      %mul3A_455 = arith.muli %scan3A_445, %mul3A_454 : i32
      %add3A_456 = arith.constant 384 : i32
      %add3A_457 = arith.addi %add3A_456, %mul3A_455 : i32
      %swap3A = arith.index_cast %add3A_457 : i32 to index
      %swap3A_458 = tpu.vector_load %arg13[%swap3A] {strides = array<i32>} : memref<1024xf32, #tpu.memory_space<vmem>>, vector<16xf32>,
      tpu.vector_store %arg13[%swap3A], %scan3A_452#0 {strides = array<i32>} : memref<1024xf32, #tpu.memory_space<vmem>>, vector<16xf32>,
      %swap3A_459 = arith.index_cast %add3A_457 : i32 to index
      %swap3A_460 = tpu.vector_load %arg14[%swap3A_459] {strides = array<i32>} : memref<1024xf32, #tpu.memory_space<vmem>>, vector<16xf32>,
      tpu.vector_store %arg14[%swap3A_459], %scan3A_452#1 {strides = array<i32>} : memref<1024xf32, #tpu.memory_space<vmem>>, vector<16xf32>,
      %scan3A_461 = arith.constant 0 : i32
      scf.yield %scan3A_461 : i32
    }
    %scan3A_248 = arith.constant 8 : i32
    %dma_start3A_249 = arith.constant 0 : i32
    %dma_start3A_250 = arith.constant 5 : i32
    %dma_start3A_251 = arith.constant 0 : i32
    %dma_start3A_252 = tpu.memref_slice %arg6[%dma_start3A_249, %dma_start3A_250, %dma_start3A_251] : memref<3x8x128xi32, #tpu.memory_space<vmem>> -> memref<1x1x128xi32, #tpu.memory_space<vmem>>
    %dma_start3A_253 = tpu.memref_squeeze %dma_start3A_252 : memref<1x1x128xi32, #tpu.memory_space<vmem>> -> memref<128xi32, #tpu.memory_space<vmem>>
    %dma_start3A_254 = arith.constant 0 : i32
    %dma_start3A_255 = arith.constant 0 : i32
    %dma_start3A_256 = tpu.memref_slice %arg2[%dma_start3A_254, %dma_start3A_255] : memref<16384x128xf32, #tpu.memory_space<hbm>> -> memref<16384x128xf32, #tpu.memory_space<hbm>>
    tpu.enqueue_indirect_dma source(%dma_start3A_256 : memref<16384x128xf32, #tpu.memory_space<hbm>>) target(%arg10 : memref<128x128xf32, #tpu.memory_space<vmem>>) offsets(%dma_start3A_253 : memref<128xi32, #tpu.memory_space<vmem>>) semaphore(%arg16 : memref<!tpu.dma_semaphore, #tpu.memory_space<semaphore_mem>>)
    %dma_start3A_257 = arith.constant 1 : i32
    %dma_start3A_258 = arith.constant 5 : i32
    %dma_start3A_259 = arith.constant 0 : i32
    %dma_start3A_260 = tpu.memref_slice %arg6[%dma_start3A_257, %dma_start3A_258, %dma_start3A_259] : memref<3x8x128xi32, #tpu.memory_space<vmem>> -> memref<1x1x128xi32, #tpu.memory_space<vmem>>
    %dma_start3A_261 = tpu.memref_squeeze %dma_start3A_260 : memref<1x1x128xi32, #tpu.memory_space<vmem>> -> memref<128xi32, #tpu.memory_space<vmem>>
    %dma_start3A_262 = arith.constant 0 : i32
    %dma_start3A_263 = arith.constant 0 : i32
    %dma_start3A_264 = tpu.memref_slice %arg2[%dma_start3A_262, %dma_start3A_263] : memref<16384x128xf32, #tpu.memory_space<hbm>> -> memref<16384x128xf32, #tpu.memory_space<hbm>>
    tpu.enqueue_indirect_dma source(%dma_start3A_264 : memref<16384x128xf32, #tpu.memory_space<hbm>>) target(%arg11 : memref<128x128xf32, #tpu.memory_space<vmem>>) offsets(%dma_start3A_261 : memref<128xi32, #tpu.memory_space<vmem>>) semaphore(%arg16 : memref<!tpu.dma_semaphore, #tpu.memory_space<semaphore_mem>>)
    %dma_start3A_265 = arith.constant 2 : i32
    %dma_start3A_266 = arith.constant 5 : i32
    %dma_start3A_267 = arith.constant 0 : i32
    %dma_start3A_268 = tpu.memref_slice %arg6[%dma_start3A_265, %dma_start3A_266, %dma_start3A_267] : memref<3x8x128xi32, #tpu.memory_space<vmem>> -> memref<1x1x128xi32, #tpu.memory_space<vmem>>
    %dma_start3A_269 = tpu.memref_squeeze %dma_start3A_268 : memref<1x1x128xi32, #tpu.memory_space<vmem>> -> memref<128xi32, #tpu.memory_space<vmem>>
    %dma_start3A_270 = arith.constant 0 : i32
    %dma_start3A_271 = arith.constant 0 : i32
    %dma_start3A_272 = tpu.memref_slice %arg2[%dma_start3A_270, %dma_start3A_271] : memref<16384x128xf32, #tpu.memory_space<hbm>> -> memref<16384x128xf32, #tpu.memory_space<hbm>>
    tpu.enqueue_indirect_dma source(%dma_start3A_272 : memref<16384x128xf32, #tpu.memory_space<hbm>>) target(%arg12 : memref<128x128xf32, #tpu.memory_space<vmem>>) offsets(%dma_start3A_269 : memref<128xi32, #tpu.memory_space<vmem>>) semaphore(%arg16 : memref<!tpu.dma_semaphore, #tpu.memory_space<semaphore_mem>>)
    %dma_wait3A_273 = arith.constant 0 : i32
    %dma_wait3A_274 = arith.constant 4 : i32
    %dma_wait3A_275 = arith.constant 0 : i32
    %dma_wait3A_276 = tpu.memref_slice %arg6[%dma_wait3A_273, %dma_wait3A_274, %dma_wait3A_275] : memref<3x8x128xi32, #tpu.memory_space<vmem>> -> memref<1x1x128xi32, #tpu.memory_space<vmem>>
    %dma_wait3A_277 = tpu.memref_squeeze %dma_wait3A_276 : memref<1x1x128xi32, #tpu.memory_space<vmem>> -> memref<128xi32, #tpu.memory_space<vmem>>
    %dma_wait3A_278 = arith.constant 0 : i32
    %dma_wait3A_279 = arith.constant 0 : i32
    %dma_wait3A_280 = tpu.memref_slice %arg2[%dma_wait3A_278, %dma_wait3A_279] : memref<16384x128xf32, #tpu.memory_space<hbm>> -> memref<16384x128xf32, #tpu.memory_space<hbm>>
    tpu.wait_indirect_dma semaphore(%arg15 : memref<!tpu.dma_semaphore, #tpu.memory_space<semaphore_mem>>) src(%dma_wait3A_280 : memref<16384x128xf32, #tpu.memory_space<hbm>>) dst(%arg7 : memref<128x128xf32, #tpu.memory_space<vmem>>)
    %dma_wait3A_281 = arith.constant 1 : i32
    %dma_wait3A_282 = arith.constant 4 : i32
    %dma_wait3A_283 = arith.constant 0 : i32
    %dma_wait3A_284 = tpu.memref_slice %arg6[%dma_wait3A_281, %dma_wait3A_282, %dma_wait3A_283] : memref<3x8x128xi32, #tpu.memory_space<vmem>> -> memref<1x1x128xi32, #tpu.memory_space<vmem>>
    %dma_wait3A_285 = tpu.memref_squeeze %dma_wait3A_284 : memref<1x1x128xi32, #tpu.memory_space<vmem>> -> memref<128xi32, #tpu.memory_space<vmem>>
    %dma_wait3A_286 = arith.constant 0 : i32
    %dma_wait3A_287 = arith.constant 0 : i32
    %dma_wait3A_288 = tpu.memref_slice %arg2[%dma_wait3A_286, %dma_wait3A_287] : memref<16384x128xf32, #tpu.memory_space<hbm>> -> memref<16384x128xf32, #tpu.memory_space<hbm>>
    tpu.wait_indirect_dma semaphore(%arg15 : memref<!tpu.dma_semaphore, #tpu.memory_space<semaphore_mem>>) src(%dma_wait3A_288 : memref<16384x128xf32, #tpu.memory_space<hbm>>) dst(%arg8 : memref<128x128xf32, #tpu.memory_space<vmem>>)
    %dma_wait3A_289 = arith.constant 2 : i32
    %dma_wait3A_290 = arith.constant 4 : i32
    %dma_wait3A_291 = arith.constant 0 : i32
    %dma_wait3A_292 = tpu.memref_slice %arg6[%dma_wait3A_289, %dma_wait3A_290, %dma_wait3A_291] : memref<3x8x128xi32, #tpu.memory_space<vmem>> -> memref<1x1x128xi32, #tpu.memory_space<vmem>>
    %dma_wait3A_293 = tpu.memref_squeeze %dma_wait3A_292 : memref<1x1x128xi32, #tpu.memory_space<vmem>> -> memref<128xi32, #tpu.memory_space<vmem>>
    %dma_wait3A_294 = arith.constant 0 : i32
    %dma_wait3A_295 = arith.constant 0 : i32
    %dma_wait3A_296 = tpu.memref_slice %arg2[%dma_wait3A_294, %dma_wait3A_295] : memref<16384x128xf32, #tpu.memory_space<hbm>> -> memref<16384x128xf32, #tpu.memory_space<hbm>>
    tpu.wait_indirect_dma semaphore(%arg15 : memref<!tpu.dma_semaphore, #tpu.memory_space<semaphore_mem>>) src(%dma_wait3A_296 : memref<16384x128xf32, #tpu.memory_space<hbm>>) dst(%arg9 : memref<128x128xf32, #tpu.memory_space<vmem>>)
    %scan3A_297 = arith.constant 0 : i32
    %scan3A_298 = arith.constant 0 : i32
    %scan3A_299 = arith.constant 8 : i32
    %scan3A_300 = arith.addi %scan3A_298, %scan3A_299 : i32
    %scan3A_301 = arith.constant 1 : i32
    %scan3A_302 = scf.for %scan3A_445 = %scan3A_298 to %scan3A_300 step %scan3A_301 iter_args(%scan3A_446 = %scan3A_297) -> (i32)  : i32 {
      %broadcast_in_dim3A = arith.constant 0.000000e+00 : f32
      %broadcast_in_dim3A_447 = vector.broadcast %broadcast_in_dim3A : f32 to vector<16xf32>
      %scan3A_448 = arith.constant 0 : i32
      %scan3A_449 = arith.constant 16 : i32
      %scan3A_450 = arith.addi %scan3A_448, %scan3A_449 : i32
      %scan3A_451 = arith.constant 1 : i32
      %scan3A_452:2 = scf.for %scan3A_462 = %scan3A_448 to %scan3A_450 step %scan3A_451 iter_args(%scan3A_463 = %broadcast_in_dim3A_447, %scan3A_464 = %broadcast_in_dim3A_447) -> (vector<16xf32>, vector<16xf32>)  : i32 {
        %mul3A_465 = arith.constant 16 : i32
        %mul3A_466 = arith.muli %scan3A_445, %mul3A_465 : i32
        %add3A_467 = arith.addi %mul3A_466, %scan3A_462 : i32
        %broadcast_in_dim3A_468 = arith.constant 0.000000e+00 : f32
        %broadcast_in_dim3A_469 = vector.broadcast %broadcast_in_dim3A_468 : f32 to vector<16xf32>
        %broadcast_in_dim3A_470 = arith.constant 0.000000e+00 : f32
        %broadcast_in_dim3A_471 = vector.broadcast %broadcast_in_dim3A_470 : f32 to vector<16xf32>
        %get3A = arith.index_cast %add3A_467 : i32 to index
        %get3A_472 = arith.constant 0 : index
        %get3A_473 = tpu.vector_load %arg7[%get3A, %get3A_472] {strides = array<i32>} : memref<128x128xf32, #tpu.memory_space<vmem>>, vector<16xf32>,
        %get3A_474 = arith.index_cast %add3A_467 : i32 to index
        %get3A_475 = arith.constant 0 : index
        %get3A_476 = tpu.vector_load %arg8[%get3A_474, %get3A_475] {strides = array<i32>} : memref<128x128xf32, #tpu.memory_space<vmem>>, vector<16xf32>,
        %get3A_477 = arith.index_cast %add3A_467 : i32 to index
        %get3A_478 = arith.constant 0 : index
        %get3A_479 = tpu.vector_load %arg9[%get3A_477, %get3A_478] {strides = array<i32>} : memref<128x128xf32, #tpu.memory_space<vmem>>, vector<16xf32>,
        %add3A_480 = arith.constant 9.99999996E-13 : f32
        %add3A_481 = vector.broadcast %add3A_480 : f32 to vector<16xf32>
        %add3A_482 = arith.addf %get3A_473, %add3A_481 : vector<16xf32>
        %sub3A = arith.subf %add3A_482, %get3A_476 : vector<16xf32>
        %sub3A_483 = arith.subf %add3A_482, %get3A_479 : vector<16xf32>
        %mul3A_484 = arith.mulf %sub3A, %sub3A : vector<16xf32>
        %add3A_485 = arith.addf %broadcast_in_dim3A_469, %mul3A_484 : vector<16xf32>
        %mul3A_486 = arith.mulf %sub3A_483, %sub3A_483 : vector<16xf32>
        %add3A_487 = arith.addf %broadcast_in_dim3A_471, %mul3A_486 : vector<16xf32>
        %get3A_488 = arith.index_cast %add3A_467 : i32 to index
        %get3A_489 = arith.constant 16 : index
        %get3A_490 = tpu.vector_load %arg7[%get3A_488, %get3A_489] {strides = array<i32>} : memref<128x128xf32, #tpu.memory_space<vmem>>, vector<16xf32>,
        %get3A_491 = arith.index_cast %add3A_467 : i32 to index
        %get3A_492 = arith.constant 16 : index
        %get3A_493 = tpu.vector_load %arg8[%get3A_491, %get3A_492] {strides = array<i32>} : memref<128x128xf32, #tpu.memory_space<vmem>>, vector<16xf32>,
        %get3A_494 = arith.index_cast %add3A_467 : i32 to index
        %get3A_495 = arith.constant 16 : index
        %get3A_496 = tpu.vector_load %arg9[%get3A_494, %get3A_495] {strides = array<i32>} : memref<128x128xf32, #tpu.memory_space<vmem>>, vector<16xf32>,
        %add3A_497 = arith.constant 9.99999996E-13 : f32
        %add3A_498 = vector.broadcast %add3A_497 : f32 to vector<16xf32>
        %add3A_499 = arith.addf %get3A_490, %add3A_498 : vector<16xf32>
        %sub3A_500 = arith.subf %add3A_499, %get3A_493 : vector<16xf32>
        %sub3A_501 = arith.subf %add3A_499, %get3A_496 : vector<16xf32>
        %mul3A_502 = arith.mulf %sub3A_500, %sub3A_500 : vector<16xf32>
        %add3A_503 = arith.addf %add3A_485, %mul3A_502 : vector<16xf32>
        %mul3A_504 = arith.mulf %sub3A_501, %sub3A_501 : vector<16xf32>
        %add3A_505 = arith.addf %add3A_487, %mul3A_504 : vector<16xf32>
        %get3A_506 = arith.index_cast %add3A_467 : i32 to index
        %get3A_507 = arith.constant 32 : index
        %get3A_508 = tpu.vector_load %arg7[%get3A_506, %get3A_507] {strides = array<i32>} : memref<128x128xf32, #tpu.memory_space<vmem>>, vector<16xf32>,
        %get3A_509 = arith.index_cast %add3A_467 : i32 to index
        %get3A_510 = arith.constant 32 : index
        %get3A_511 = tpu.vector_load %arg8[%get3A_509, %get3A_510] {strides = array<i32>} : memref<128x128xf32, #tpu.memory_space<vmem>>, vector<16xf32>,
        %get3A_512 = arith.index_cast %add3A_467 : i32 to index
        %get3A_513 = arith.constant 32 : index
        %get3A_514 = tpu.vector_load %arg9[%get3A_512, %get3A_513] {strides = array<i32>} : memref<128x128xf32, #tpu.memory_space<vmem>>, vector<16xf32>,
        %add3A_515 = arith.constant 9.99999996E-13 : f32
        %add3A_516 = vector.broadcast %add3A_515 : f32 to vector<16xf32>
        %add3A_517 = arith.addf %get3A_508, %add3A_516 : vector<16xf32>
        %sub3A_518 = arith.subf %add3A_517, %get3A_511 : vector<16xf32>
        %sub3A_519 = arith.subf %add3A_517, %get3A_514 : vector<16xf32>
        %mul3A_520 = arith.mulf %sub3A_518, %sub3A_518 : vector<16xf32>
        %add3A_521 = arith.addf %add3A_503, %mul3A_520 : vector<16xf32>
        %mul3A_522 = arith.mulf %sub3A_519, %sub3A_519 : vector<16xf32>
        %add3A_523 = arith.addf %add3A_505, %mul3A_522 : vector<16xf32>
        %get3A_524 = arith.index_cast %add3A_467 : i32 to index
        %get3A_525 = arith.constant 48 : index
        %get3A_526 = tpu.vector_load %arg7[%get3A_524, %get3A_525] {strides = array<i32>} : memref<128x128xf32, #tpu.memory_space<vmem>>, vector<16xf32>,
        %get3A_527 = arith.index_cast %add3A_467 : i32 to index
        %get3A_528 = arith.constant 48 : index
        %get3A_529 = tpu.vector_load %arg8[%get3A_527, %get3A_528] {strides = array<i32>} : memref<128x128xf32, #tpu.memory_space<vmem>>, vector<16xf32>,
        %get3A_530 = arith.index_cast %add3A_467 : i32 to index
        %get3A_531 = arith.constant 48 : index
        %get3A_532 = tpu.vector_load %arg9[%get3A_530, %get3A_531] {strides = array<i32>} : memref<128x128xf32, #tpu.memory_space<vmem>>, vector<16xf32>,
        %add3A_533 = arith.constant 9.99999996E-13 : f32
        %add3A_534 = vector.broadcast %add3A_533 : f32 to vector<16xf32>
        %add3A_535 = arith.addf %get3A_526, %add3A_534 : vector<16xf32>
        %sub3A_536 = arith.subf %add3A_535, %get3A_529 : vector<16xf32>
        %sub3A_537 = arith.subf %add3A_535, %get3A_532 : vector<16xf32>
        %mul3A_538 = arith.mulf %sub3A_536, %sub3A_536 : vector<16xf32>
        %add3A_539 = arith.addf %add3A_521, %mul3A_538 : vector<16xf32>
        %mul3A_540 = arith.mulf %sub3A_537, %sub3A_537 : vector<16xf32>
        %add3A_541 = arith.addf %add3A_523, %mul3A_540 : vector<16xf32>
        %get3A_542 = arith.index_cast %add3A_467 : i32 to index
        %get3A_543 = arith.constant 64 : index
        %get3A_544 = tpu.vector_load %arg7[%get3A_542, %get3A_543] {strides = array<i32>} : memref<128x128xf32, #tpu.memory_space<vmem>>, vector<16xf32>,
        %get3A_545 = arith.index_cast %add3A_467 : i32 to index
        %get3A_546 = arith.constant 64 : index
        %get3A_547 = tpu.vector_load %arg8[%get3A_545, %get3A_546] {strides = array<i32>} : memref<128x128xf32, #tpu.memory_space<vmem>>, vector<16xf32>,
        %get3A_548 = arith.index_cast %add3A_467 : i32 to index
        %get3A_549 = arith.constant 64 : index
        %get3A_550 = tpu.vector_load %arg9[%get3A_548, %get3A_549] {strides = array<i32>} : memref<128x128xf32, #tpu.memory_space<vmem>>, vector<16xf32>,
        %add3A_551 = arith.constant 9.99999996E-13 : f32
        %add3A_552 = vector.broadcast %add3A_551 : f32 to vector<16xf32>
        %add3A_553 = arith.addf %get3A_544, %add3A_552 : vector<16xf32>
        %sub3A_554 = arith.subf %add3A_553, %get3A_547 : vector<16xf32>
        %sub3A_555 = arith.subf %add3A_553, %get3A_550 : vector<16xf32>
        %mul3A_556 = arith.mulf %sub3A_554, %sub3A_554 : vector<16xf32>
        %add3A_557 = arith.addf %add3A_539, %mul3A_556 : vector<16xf32>
        %mul3A_558 = arith.mulf %sub3A_555, %sub3A_555 : vector<16xf32>
        %add3A_559 = arith.addf %add3A_541, %mul3A_558 : vector<16xf32>
        %get3A_560 = arith.index_cast %add3A_467 : i32 to index
        %get3A_561 = arith.constant 80 : index
        %get3A_562 = tpu.vector_load %arg7[%get3A_560, %get3A_561] {strides = array<i32>} : memref<128x128xf32, #tpu.memory_space<vmem>>, vector<16xf32>,
        %get3A_563 = arith.index_cast %add3A_467 : i32 to index
        %get3A_564 = arith.constant 80 : index
        %get3A_565 = tpu.vector_load %arg8[%get3A_563, %get3A_564] {strides = array<i32>} : memref<128x128xf32, #tpu.memory_space<vmem>>, vector<16xf32>,
        %get3A_566 = arith.index_cast %add3A_467 : i32 to index
        %get3A_567 = arith.constant 80 : index
        %get3A_568 = tpu.vector_load %arg9[%get3A_566, %get3A_567] {strides = array<i32>} : memref<128x128xf32, #tpu.memory_space<vmem>>, vector<16xf32>,
        %add3A_569 = arith.constant 9.99999996E-13 : f32
        %add3A_570 = vector.broadcast %add3A_569 : f32 to vector<16xf32>
        %add3A_571 = arith.addf %get3A_562, %add3A_570 : vector<16xf32>
        %sub3A_572 = arith.subf %add3A_571, %get3A_565 : vector<16xf32>
        %sub3A_573 = arith.subf %add3A_571, %get3A_568 : vector<16xf32>
        %mul3A_574 = arith.mulf %sub3A_572, %sub3A_572 : vector<16xf32>
        %add3A_575 = arith.addf %add3A_557, %mul3A_574 : vector<16xf32>
        %mul3A_576 = arith.mulf %sub3A_573, %sub3A_573 : vector<16xf32>
        %add3A_577 = arith.addf %add3A_559, %mul3A_576 : vector<16xf32>
        %get3A_578 = arith.index_cast %add3A_467 : i32 to index
        %get3A_579 = arith.constant 96 : index
        %get3A_580 = tpu.vector_load %arg7[%get3A_578, %get3A_579] {strides = array<i32>} : memref<128x128xf32, #tpu.memory_space<vmem>>, vector<16xf32>,
        %get3A_581 = arith.index_cast %add3A_467 : i32 to index
        %get3A_582 = arith.constant 96 : index
        %get3A_583 = tpu.vector_load %arg8[%get3A_581, %get3A_582] {strides = array<i32>} : memref<128x128xf32, #tpu.memory_space<vmem>>, vector<16xf32>,
        %get3A_584 = arith.index_cast %add3A_467 : i32 to index
        %get3A_585 = arith.constant 96 : index
        %get3A_586 = tpu.vector_load %arg9[%get3A_584, %get3A_585] {strides = array<i32>} : memref<128x128xf32, #tpu.memory_space<vmem>>, vector<16xf32>,
        %add3A_587 = arith.constant 9.99999996E-13 : f32
        %add3A_588 = vector.broadcast %add3A_587 : f32 to vector<16xf32>
        %add3A_589 = arith.addf %get3A_580, %add3A_588 : vector<16xf32>
        %sub3A_590 = arith.subf %add3A_589, %get3A_583 : vector<16xf32>
        %sub3A_591 = arith.subf %add3A_589, %get3A_586 : vector<16xf32>
        %mul3A_592 = arith.mulf %sub3A_590, %sub3A_590 : vector<16xf32>
        %add3A_593 = arith.addf %add3A_575, %mul3A_592 : vector<16xf32>
        %mul3A_594 = arith.mulf %sub3A_591, %sub3A_591 : vector<16xf32>
        %add3A_595 = arith.addf %add3A_577, %mul3A_594 : vector<16xf32>
        %get3A_596 = arith.index_cast %add3A_467 : i32 to index
        %get3A_597 = arith.constant 112 : index
        %get3A_598 = tpu.vector_load %arg7[%get3A_596, %get3A_597] {strides = array<i32>} : memref<128x128xf32, #tpu.memory_space<vmem>>, vector<16xf32>,
        %get3A_599 = arith.index_cast %add3A_467 : i32 to index
        %get3A_600 = arith.constant 112 : index
        %get3A_601 = tpu.vector_load %arg8[%get3A_599, %get3A_600] {strides = array<i32>} : memref<128x128xf32, #tpu.memory_space<vmem>>, vector<16xf32>,
        %get3A_602 = arith.index_cast %add3A_467 : i32 to index
        %get3A_603 = arith.constant 112 : index
        %get3A_604 = tpu.vector_load %arg9[%get3A_602, %get3A_603] {strides = array<i32>} : memref<128x128xf32, #tpu.memory_space<vmem>>, vector<16xf32>,
        %add3A_605 = arith.constant 9.99999996E-13 : f32
        %add3A_606 = vector.broadcast %add3A_605 : f32 to vector<16xf32>
        %add3A_607 = arith.addf %get3A_598, %add3A_606 : vector<16xf32>
        %sub3A_608 = arith.subf %add3A_607, %get3A_601 : vector<16xf32>
        %sub3A_609 = arith.subf %add3A_607, %get3A_604 : vector<16xf32>
        %mul3A_610 = arith.mulf %sub3A_608, %sub3A_608 : vector<16xf32>
        %add3A_611 = arith.addf %add3A_593, %mul3A_610 : vector<16xf32>
        %mul3A_612 = arith.mulf %sub3A_609, %sub3A_609 : vector<16xf32>
        %add3A_613 = arith.addf %add3A_595, %mul3A_612 : vector<16xf32>
        %iota3A = tpu.iota {dimensions = array<i32: 0>} : vector<16xi32>
        %eq3A = vector.broadcast %scan3A_462 : i32 to vector<16xi32>
        %eq3A_614 = arith.cmpi eq, %iota3A, %eq3A : vector<16xi32>
        %reduce_sum3A = arith.constant true
        %reduce_sum3A_615 = vector.broadcast %reduce_sum3A : i1 to vector<16xi1>
        %reduce_sum3A_616 = tpu.scan <sum>, %add3A_611 masked %reduce_sum3A_615 : vector<16xf32>, vector<16xi1> -> vector<16xf32>
        %reduce_sum3A_617 = vector.extract %reduce_sum3A_616[15] : f32 from vector<16xf32>
        %broadcast_in_dim3A_618 = vector.broadcast %reduce_sum3A_617 : f32 to vector<16xf32>
        %select_n3A = arith.select %eq3A_614, %broadcast_in_dim3A_618, %scan3A_463 : vector<16xi1>, vector<16xf32>
        %reduce_sum3A_619 = arith.constant true
        %reduce_sum3A_620 = vector.broadcast %reduce_sum3A_619 : i1 to vector<16xi1>
        %reduce_sum3A_621 = tpu.scan <sum>, %add3A_613 masked %reduce_sum3A_620 : vector<16xf32>, vector<16xi1> -> vector<16xf32>
        %reduce_sum3A_622 = vector.extract %reduce_sum3A_621[15] : f32 from vector<16xf32>
        %broadcast_in_dim3A_623 = vector.broadcast %reduce_sum3A_622 : f32 to vector<16xf32>
        %select_n3A_624 = arith.select %eq3A_614, %broadcast_in_dim3A_623, %scan3A_464 : vector<16xi1>, vector<16xf32>
        scf.yield %select_n3A, %select_n3A_624 : vector<16xf32>, vector<16xf32>
      }
      %scan3A_453 = arith.constant 16 : i32
      %mul3A_454 = arith.constant 16 : i32
      %mul3A_455 = arith.muli %scan3A_445, %mul3A_454 : i32
      %add3A_456 = arith.constant 512 : i32
      %add3A_457 = arith.addi %add3A_456, %mul3A_455 : i32
      %swap3A = arith.index_cast %add3A_457 : i32 to index
      %swap3A_458 = tpu.vector_load %arg13[%swap3A] {strides = array<i32>} : memref<1024xf32, #tpu.memory_space<vmem>>, vector<16xf32>,
      tpu.vector_store %arg13[%swap3A], %scan3A_452#0 {strides = array<i32>} : memref<1024xf32, #tpu.memory_space<vmem>>, vector<16xf32>,
      %swap3A_459 = arith.index_cast %add3A_457 : i32 to index
      %swap3A_460 = tpu.vector_load %arg14[%swap3A_459] {strides = array<i32>} : memref<1024xf32, #tpu.memory_space<vmem>>, vector<16xf32>,
      tpu.vector_store %arg14[%swap3A_459], %scan3A_452#1 {strides = array<i32>} : memref<1024xf32, #tpu.memory_space<vmem>>, vector<16xf32>,
      %scan3A_461 = arith.constant 0 : i32
      scf.yield %scan3A_461 : i32
    }
    %scan3A_303 = arith.constant 8 : i32
    %dma_start3A_304 = arith.constant 0 : i32
    %dma_start3A_305 = arith.constant 6 : i32
    %dma_start3A_306 = arith.constant 0 : i32
    %dma_start3A_307 = tpu.memref_slice %arg6[%dma_start3A_304, %dma_start3A_305, %dma_start3A_306] : memref<3x8x128xi32, #tpu.memory_space<vmem>> -> memref<1x1x128xi32, #tpu.memory_space<vmem>>
    %dma_start3A_308 = tpu.memref_squeeze %dma_start3A_307 : memref<1x1x128xi32, #tpu.memory_space<vmem>> -> memref<128xi32, #tpu.memory_space<vmem>>
    %dma_start3A_309 = arith.constant 0 : i32
    %dma_start3A_310 = arith.constant 0 : i32
    %dma_start3A_311 = tpu.memref_slice %arg2[%dma_start3A_309, %dma_start3A_310] : memref<16384x128xf32, #tpu.memory_space<hbm>> -> memref<16384x128xf32, #tpu.memory_space<hbm>>
    tpu.enqueue_indirect_dma source(%dma_start3A_311 : memref<16384x128xf32, #tpu.memory_space<hbm>>) target(%arg7 : memref<128x128xf32, #tpu.memory_space<vmem>>) offsets(%dma_start3A_308 : memref<128xi32, #tpu.memory_space<vmem>>) semaphore(%arg15 : memref<!tpu.dma_semaphore, #tpu.memory_space<semaphore_mem>>)
    %dma_start3A_312 = arith.constant 1 : i32
    %dma_start3A_313 = arith.constant 6 : i32
    %dma_start3A_314 = arith.constant 0 : i32
    %dma_start3A_315 = tpu.memref_slice %arg6[%dma_start3A_312, %dma_start3A_313, %dma_start3A_314] : memref<3x8x128xi32, #tpu.memory_space<vmem>> -> memref<1x1x128xi32, #tpu.memory_space<vmem>>
    %dma_start3A_316 = tpu.memref_squeeze %dma_start3A_315 : memref<1x1x128xi32, #tpu.memory_space<vmem>> -> memref<128xi32, #tpu.memory_space<vmem>>
    %dma_start3A_317 = arith.constant 0 : i32
    %dma_start3A_318 = arith.constant 0 : i32
    %dma_start3A_319 = tpu.memref_slice %arg2[%dma_start3A_317, %dma_start3A_318] : memref<16384x128xf32, #tpu.memory_space<hbm>> -> memref<16384x128xf32, #tpu.memory_space<hbm>>
    tpu.enqueue_indirect_dma source(%dma_start3A_319 : memref<16384x128xf32, #tpu.memory_space<hbm>>) target(%arg8 : memref<128x128xf32, #tpu.memory_space<vmem>>) offsets(%dma_start3A_316 : memref<128xi32, #tpu.memory_space<vmem>>) semaphore(%arg15 : memref<!tpu.dma_semaphore, #tpu.memory_space<semaphore_mem>>)
    %dma_start3A_320 = arith.constant 2 : i32
    %dma_start3A_321 = arith.constant 6 : i32
    %dma_start3A_322 = arith.constant 0 : i32
    %dma_start3A_323 = tpu.memref_slice %arg6[%dma_start3A_320, %dma_start3A_321, %dma_start3A_322] : memref<3x8x128xi32, #tpu.memory_space<vmem>> -> memref<1x1x128xi32, #tpu.memory_space<vmem>>
    %dma_start3A_324 = tpu.memref_squeeze %dma_start3A_323 : memref<1x1x128xi32, #tpu.memory_space<vmem>> -> memref<128xi32, #tpu.memory_space<vmem>>
    %dma_start3A_325 = arith.constant 0 : i32
    %dma_start3A_326 = arith.constant 0 : i32
    %dma_start3A_327 = tpu.memref_slice %arg2[%dma_start3A_325, %dma_start3A_326] : memref<16384x128xf32, #tpu.memory_space<hbm>> -> memref<16384x128xf32, #tpu.memory_space<hbm>>
    tpu.enqueue_indirect_dma source(%dma_start3A_327 : memref<16384x128xf32, #tpu.memory_space<hbm>>) target(%arg9 : memref<128x128xf32, #tpu.memory_space<vmem>>) offsets(%dma_start3A_324 : memref<128xi32, #tpu.memory_space<vmem>>) semaphore(%arg15 : memref<!tpu.dma_semaphore, #tpu.memory_space<semaphore_mem>>)
    %dma_wait3A_328 = arith.constant 0 : i32
    %dma_wait3A_329 = arith.constant 5 : i32
    %dma_wait3A_330 = arith.constant 0 : i32
    %dma_wait3A_331 = tpu.memref_slice %arg6[%dma_wait3A_328, %dma_wait3A_329, %dma_wait3A_330] : memref<3x8x128xi32, #tpu.memory_space<vmem>> -> memref<1x1x128xi32, #tpu.memory_space<vmem>>
    %dma_wait3A_332 = tpu.memref_squeeze %dma_wait3A_331 : memref<1x1x128xi32, #tpu.memory_space<vmem>> -> memref<128xi32, #tpu.memory_space<vmem>>
    %dma_wait3A_333 = arith.constant 0 : i32
    %dma_wait3A_334 = arith.constant 0 : i32
    %dma_wait3A_335 = tpu.memref_slice %arg2[%dma_wait3A_333, %dma_wait3A_334] : memref<16384x128xf32, #tpu.memory_space<hbm>> -> memref<16384x128xf32, #tpu.memory_space<hbm>>
    tpu.wait_indirect_dma semaphore(%arg16 : memref<!tpu.dma_semaphore, #tpu.memory_space<semaphore_mem>>) src(%dma_wait3A_335 : memref<16384x128xf32, #tpu.memory_space<hbm>>) dst(%arg10 : memref<128x128xf32, #tpu.memory_space<vmem>>)
    %dma_wait3A_336 = arith.constant 1 : i32
    %dma_wait3A_337 = arith.constant 5 : i32
    %dma_wait3A_338 = arith.constant 0 : i32
    %dma_wait3A_339 = tpu.memref_slice %arg6[%dma_wait3A_336, %dma_wait3A_337, %dma_wait3A_338] : memref<3x8x128xi32, #tpu.memory_space<vmem>> -> memref<1x1x128xi32, #tpu.memory_space<vmem>>
    %dma_wait3A_340 = tpu.memref_squeeze %dma_wait3A_339 : memref<1x1x128xi32, #tpu.memory_space<vmem>> -> memref<128xi32, #tpu.memory_space<vmem>>
    %dma_wait3A_341 = arith.constant 0 : i32
    %dma_wait3A_342 = arith.constant 0 : i32
    %dma_wait3A_343 = tpu.memref_slice %arg2[%dma_wait3A_341, %dma_wait3A_342] : memref<16384x128xf32, #tpu.memory_space<hbm>> -> memref<16384x128xf32, #tpu.memory_space<hbm>>
    tpu.wait_indirect_dma semaphore(%arg16 : memref<!tpu.dma_semaphore, #tpu.memory_space<semaphore_mem>>) src(%dma_wait3A_343 : memref<16384x128xf32, #tpu.memory_space<hbm>>) dst(%arg11 : memref<128x128xf32, #tpu.memory_space<vmem>>)
    %dma_wait3A_344 = arith.constant 2 : i32
    %dma_wait3A_345 = arith.constant 5 : i32
    %dma_wait3A_346 = arith.constant 0 : i32
    %dma_wait3A_347 = tpu.memref_slice %arg6[%dma_wait3A_344, %dma_wait3A_345, %dma_wait3A_346] : memref<3x8x128xi32, #tpu.memory_space<vmem>> -> memref<1x1x128xi32, #tpu.memory_space<vmem>>
    %dma_wait3A_348 = tpu.memref_squeeze %dma_wait3A_347 : memref<1x1x128xi32, #tpu.memory_space<vmem>> -> memref<128xi32, #tpu.memory_space<vmem>>
    %dma_wait3A_349 = arith.constant 0 : i32
    %dma_wait3A_350 = arith.constant 0 : i32
    %dma_wait3A_351 = tpu.memref_slice %arg2[%dma_wait3A_349, %dma_wait3A_350] : memref<16384x128xf32, #tpu.memory_space<hbm>> -> memref<16384x128xf32, #tpu.memory_space<hbm>>
    tpu.wait_indirect_dma semaphore(%arg16 : memref<!tpu.dma_semaphore, #tpu.memory_space<semaphore_mem>>) src(%dma_wait3A_351 : memref<16384x128xf32, #tpu.memory_space<hbm>>) dst(%arg12 : memref<128x128xf32, #tpu.memory_space<vmem>>)
    %scan3A_352 = arith.constant 0 : i32
    %scan3A_353 = arith.constant 0 : i32
    %scan3A_354 = arith.constant 8 : i32
    %scan3A_355 = arith.addi %scan3A_353, %scan3A_354 : i32
    %scan3A_356 = arith.constant 1 : i32
    %scan3A_357 = scf.for %scan3A_445 = %scan3A_353 to %scan3A_355 step %scan3A_356 iter_args(%scan3A_446 = %scan3A_352) -> (i32)  : i32 {
      %broadcast_in_dim3A = arith.constant 0.000000e+00 : f32
      %broadcast_in_dim3A_447 = vector.broadcast %broadcast_in_dim3A : f32 to vector<16xf32>
      %scan3A_448 = arith.constant 0 : i32
      %scan3A_449 = arith.constant 16 : i32
      %scan3A_450 = arith.addi %scan3A_448, %scan3A_449 : i32
      %scan3A_451 = arith.constant 1 : i32
      %scan3A_452:2 = scf.for %scan3A_462 = %scan3A_448 to %scan3A_450 step %scan3A_451 iter_args(%scan3A_463 = %broadcast_in_dim3A_447, %scan3A_464 = %broadcast_in_dim3A_447) -> (vector<16xf32>, vector<16xf32>)  : i32 {
        %mul3A_465 = arith.constant 16 : i32
        %mul3A_466 = arith.muli %scan3A_445, %mul3A_465 : i32
        %add3A_467 = arith.addi %mul3A_466, %scan3A_462 : i32
        %broadcast_in_dim3A_468 = arith.constant 0.000000e+00 : f32
        %broadcast_in_dim3A_469 = vector.broadcast %broadcast_in_dim3A_468 : f32 to vector<16xf32>
        %broadcast_in_dim3A_470 = arith.constant 0.000000e+00 : f32
        %broadcast_in_dim3A_471 = vector.broadcast %broadcast_in_dim3A_470 : f32 to vector<16xf32>
        %get3A = arith.index_cast %add3A_467 : i32 to index
        %get3A_472 = arith.constant 0 : index
        %get3A_473 = tpu.vector_load %arg10[%get3A, %get3A_472] {strides = array<i32>} : memref<128x128xf32, #tpu.memory_space<vmem>>, vector<16xf32>,
        %get3A_474 = arith.index_cast %add3A_467 : i32 to index
        %get3A_475 = arith.constant 0 : index
        %get3A_476 = tpu.vector_load %arg11[%get3A_474, %get3A_475] {strides = array<i32>} : memref<128x128xf32, #tpu.memory_space<vmem>>, vector<16xf32>,
        %get3A_477 = arith.index_cast %add3A_467 : i32 to index
        %get3A_478 = arith.constant 0 : index
        %get3A_479 = tpu.vector_load %arg12[%get3A_477, %get3A_478] {strides = array<i32>} : memref<128x128xf32, #tpu.memory_space<vmem>>, vector<16xf32>,
        %add3A_480 = arith.constant 9.99999996E-13 : f32
        %add3A_481 = vector.broadcast %add3A_480 : f32 to vector<16xf32>
        %add3A_482 = arith.addf %get3A_473, %add3A_481 : vector<16xf32>
        %sub3A = arith.subf %add3A_482, %get3A_476 : vector<16xf32>
        %sub3A_483 = arith.subf %add3A_482, %get3A_479 : vector<16xf32>
        %mul3A_484 = arith.mulf %sub3A, %sub3A : vector<16xf32>
        %add3A_485 = arith.addf %broadcast_in_dim3A_469, %mul3A_484 : vector<16xf32>
        %mul3A_486 = arith.mulf %sub3A_483, %sub3A_483 : vector<16xf32>
        %add3A_487 = arith.addf %broadcast_in_dim3A_471, %mul3A_486 : vector<16xf32>
        %get3A_488 = arith.index_cast %add3A_467 : i32 to index
        %get3A_489 = arith.constant 16 : index
        %get3A_490 = tpu.vector_load %arg10[%get3A_488, %get3A_489] {strides = array<i32>} : memref<128x128xf32, #tpu.memory_space<vmem>>, vector<16xf32>,
        %get3A_491 = arith.index_cast %add3A_467 : i32 to index
        %get3A_492 = arith.constant 16 : index
        %get3A_493 = tpu.vector_load %arg11[%get3A_491, %get3A_492] {strides = array<i32>} : memref<128x128xf32, #tpu.memory_space<vmem>>, vector<16xf32>,
        %get3A_494 = arith.index_cast %add3A_467 : i32 to index
        %get3A_495 = arith.constant 16 : index
        %get3A_496 = tpu.vector_load %arg12[%get3A_494, %get3A_495] {strides = array<i32>} : memref<128x128xf32, #tpu.memory_space<vmem>>, vector<16xf32>,
        %add3A_497 = arith.constant 9.99999996E-13 : f32
        %add3A_498 = vector.broadcast %add3A_497 : f32 to vector<16xf32>
        %add3A_499 = arith.addf %get3A_490, %add3A_498 : vector<16xf32>
        %sub3A_500 = arith.subf %add3A_499, %get3A_493 : vector<16xf32>
        %sub3A_501 = arith.subf %add3A_499, %get3A_496 : vector<16xf32>
        %mul3A_502 = arith.mulf %sub3A_500, %sub3A_500 : vector<16xf32>
        %add3A_503 = arith.addf %add3A_485, %mul3A_502 : vector<16xf32>
        %mul3A_504 = arith.mulf %sub3A_501, %sub3A_501 : vector<16xf32>
        %add3A_505 = arith.addf %add3A_487, %mul3A_504 : vector<16xf32>
        %get3A_506 = arith.index_cast %add3A_467 : i32 to index
        %get3A_507 = arith.constant 32 : index
        %get3A_508 = tpu.vector_load %arg10[%get3A_506, %get3A_507] {strides = array<i32>} : memref<128x128xf32, #tpu.memory_space<vmem>>, vector<16xf32>,
        %get3A_509 = arith.index_cast %add3A_467 : i32 to index
        %get3A_510 = arith.constant 32 : index
        %get3A_511 = tpu.vector_load %arg11[%get3A_509, %get3A_510] {strides = array<i32>} : memref<128x128xf32, #tpu.memory_space<vmem>>, vector<16xf32>,
        %get3A_512 = arith.index_cast %add3A_467 : i32 to index
        %get3A_513 = arith.constant 32 : index
        %get3A_514 = tpu.vector_load %arg12[%get3A_512, %get3A_513] {strides = array<i32>} : memref<128x128xf32, #tpu.memory_space<vmem>>, vector<16xf32>,
        %add3A_515 = arith.constant 9.99999996E-13 : f32
        %add3A_516 = vector.broadcast %add3A_515 : f32 to vector<16xf32>
        %add3A_517 = arith.addf %get3A_508, %add3A_516 : vector<16xf32>
        %sub3A_518 = arith.subf %add3A_517, %get3A_511 : vector<16xf32>
        %sub3A_519 = arith.subf %add3A_517, %get3A_514 : vector<16xf32>
        %mul3A_520 = arith.mulf %sub3A_518, %sub3A_518 : vector<16xf32>
        %add3A_521 = arith.addf %add3A_503, %mul3A_520 : vector<16xf32>
        %mul3A_522 = arith.mulf %sub3A_519, %sub3A_519 : vector<16xf32>
        %add3A_523 = arith.addf %add3A_505, %mul3A_522 : vector<16xf32>
        %get3A_524 = arith.index_cast %add3A_467 : i32 to index
        %get3A_525 = arith.constant 48 : index
        %get3A_526 = tpu.vector_load %arg10[%get3A_524, %get3A_525] {strides = array<i32>} : memref<128x128xf32, #tpu.memory_space<vmem>>, vector<16xf32>,
        %get3A_527 = arith.index_cast %add3A_467 : i32 to index
        %get3A_528 = arith.constant 48 : index
        %get3A_529 = tpu.vector_load %arg11[%get3A_527, %get3A_528] {strides = array<i32>} : memref<128x128xf32, #tpu.memory_space<vmem>>, vector<16xf32>,
        %get3A_530 = arith.index_cast %add3A_467 : i32 to index
        %get3A_531 = arith.constant 48 : index
        %get3A_532 = tpu.vector_load %arg12[%get3A_530, %get3A_531] {strides = array<i32>} : memref<128x128xf32, #tpu.memory_space<vmem>>, vector<16xf32>,
        %add3A_533 = arith.constant 9.99999996E-13 : f32
        %add3A_534 = vector.broadcast %add3A_533 : f32 to vector<16xf32>
        %add3A_535 = arith.addf %get3A_526, %add3A_534 : vector<16xf32>
        %sub3A_536 = arith.subf %add3A_535, %get3A_529 : vector<16xf32>
        %sub3A_537 = arith.subf %add3A_535, %get3A_532 : vector<16xf32>
        %mul3A_538 = arith.mulf %sub3A_536, %sub3A_536 : vector<16xf32>
        %add3A_539 = arith.addf %add3A_521, %mul3A_538 : vector<16xf32>
        %mul3A_540 = arith.mulf %sub3A_537, %sub3A_537 : vector<16xf32>
        %add3A_541 = arith.addf %add3A_523, %mul3A_540 : vector<16xf32>
        %get3A_542 = arith.index_cast %add3A_467 : i32 to index
        %get3A_543 = arith.constant 64 : index
        %get3A_544 = tpu.vector_load %arg10[%get3A_542, %get3A_543] {strides = array<i32>} : memref<128x128xf32, #tpu.memory_space<vmem>>, vector<16xf32>,
        %get3A_545 = arith.index_cast %add3A_467 : i32 to index
        %get3A_546 = arith.constant 64 : index
        %get3A_547 = tpu.vector_load %arg11[%get3A_545, %get3A_546] {strides = array<i32>} : memref<128x128xf32, #tpu.memory_space<vmem>>, vector<16xf32>,
        %get3A_548 = arith.index_cast %add3A_467 : i32 to index
        %get3A_549 = arith.constant 64 : index
        %get3A_550 = tpu.vector_load %arg12[%get3A_548, %get3A_549] {strides = array<i32>} : memref<128x128xf32, #tpu.memory_space<vmem>>, vector<16xf32>,
        %add3A_551 = arith.constant 9.99999996E-13 : f32
        %add3A_552 = vector.broadcast %add3A_551 : f32 to vector<16xf32>
        %add3A_553 = arith.addf %get3A_544, %add3A_552 : vector<16xf32>
        %sub3A_554 = arith.subf %add3A_553, %get3A_547 : vector<16xf32>
        %sub3A_555 = arith.subf %add3A_553, %get3A_550 : vector<16xf32>
        %mul3A_556 = arith.mulf %sub3A_554, %sub3A_554 : vector<16xf32>
        %add3A_557 = arith.addf %add3A_539, %mul3A_556 : vector<16xf32>
        %mul3A_558 = arith.mulf %sub3A_555, %sub3A_555 : vector<16xf32>
        %add3A_559 = arith.addf %add3A_541, %mul3A_558 : vector<16xf32>
        %get3A_560 = arith.index_cast %add3A_467 : i32 to index
        %get3A_561 = arith.constant 80 : index
        %get3A_562 = tpu.vector_load %arg10[%get3A_560, %get3A_561] {strides = array<i32>} : memref<128x128xf32, #tpu.memory_space<vmem>>, vector<16xf32>,
        %get3A_563 = arith.index_cast %add3A_467 : i32 to index
        %get3A_564 = arith.constant 80 : index
        %get3A_565 = tpu.vector_load %arg11[%get3A_563, %get3A_564] {strides = array<i32>} : memref<128x128xf32, #tpu.memory_space<vmem>>, vector<16xf32>,
        %get3A_566 = arith.index_cast %add3A_467 : i32 to index
        %get3A_567 = arith.constant 80 : index
        %get3A_568 = tpu.vector_load %arg12[%get3A_566, %get3A_567] {strides = array<i32>} : memref<128x128xf32, #tpu.memory_space<vmem>>, vector<16xf32>,
        %add3A_569 = arith.constant 9.99999996E-13 : f32
        %add3A_570 = vector.broadcast %add3A_569 : f32 to vector<16xf32>
        %add3A_571 = arith.addf %get3A_562, %add3A_570 : vector<16xf32>
        %sub3A_572 = arith.subf %add3A_571, %get3A_565 : vector<16xf32>
        %sub3A_573 = arith.subf %add3A_571, %get3A_568 : vector<16xf32>
        %mul3A_574 = arith.mulf %sub3A_572, %sub3A_572 : vector<16xf32>
        %add3A_575 = arith.addf %add3A_557, %mul3A_574 : vector<16xf32>
        %mul3A_576 = arith.mulf %sub3A_573, %sub3A_573 : vector<16xf32>
        %add3A_577 = arith.addf %add3A_559, %mul3A_576 : vector<16xf32>
        %get3A_578 = arith.index_cast %add3A_467 : i32 to index
        %get3A_579 = arith.constant 96 : index
        %get3A_580 = tpu.vector_load %arg10[%get3A_578, %get3A_579] {strides = array<i32>} : memref<128x128xf32, #tpu.memory_space<vmem>>, vector<16xf32>,
        %get3A_581 = arith.index_cast %add3A_467 : i32 to index
        %get3A_582 = arith.constant 96 : index
        %get3A_583 = tpu.vector_load %arg11[%get3A_581, %get3A_582] {strides = array<i32>} : memref<128x128xf32, #tpu.memory_space<vmem>>, vector<16xf32>,
        %get3A_584 = arith.index_cast %add3A_467 : i32 to index
        %get3A_585 = arith.constant 96 : index
        %get3A_586 = tpu.vector_load %arg12[%get3A_584, %get3A_585] {strides = array<i32>} : memref<128x128xf32, #tpu.memory_space<vmem>>, vector<16xf32>,
        %add3A_587 = arith.constant 9.99999996E-13 : f32
        %add3A_588 = vector.broadcast %add3A_587 : f32 to vector<16xf32>
        %add3A_589 = arith.addf %get3A_580, %add3A_588 : vector<16xf32>
        %sub3A_590 = arith.subf %add3A_589, %get3A_583 : vector<16xf32>
        %sub3A_591 = arith.subf %add3A_589, %get3A_586 : vector<16xf32>
        %mul3A_592 = arith.mulf %sub3A_590, %sub3A_590 : vector<16xf32>
        %add3A_593 = arith.addf %add3A_575, %mul3A_592 : vector<16xf32>
        %mul3A_594 = arith.mulf %sub3A_591, %sub3A_591 : vector<16xf32>
        %add3A_595 = arith.addf %add3A_577, %mul3A_594 : vector<16xf32>
        %get3A_596 = arith.index_cast %add3A_467 : i32 to index
        %get3A_597 = arith.constant 112 : index
        %get3A_598 = tpu.vector_load %arg10[%get3A_596, %get3A_597] {strides = array<i32>} : memref<128x128xf32, #tpu.memory_space<vmem>>, vector<16xf32>,
        %get3A_599 = arith.index_cast %add3A_467 : i32 to index
        %get3A_600 = arith.constant 112 : index
        %get3A_601 = tpu.vector_load %arg11[%get3A_599, %get3A_600] {strides = array<i32>} : memref<128x128xf32, #tpu.memory_space<vmem>>, vector<16xf32>,
        %get3A_602 = arith.index_cast %add3A_467 : i32 to index
        %get3A_603 = arith.constant 112 : index
        %get3A_604 = tpu.vector_load %arg12[%get3A_602, %get3A_603] {strides = array<i32>} : memref<128x128xf32, #tpu.memory_space<vmem>>, vector<16xf32>,
        %add3A_605 = arith.constant 9.99999996E-13 : f32
        %add3A_606 = vector.broadcast %add3A_605 : f32 to vector<16xf32>
        %add3A_607 = arith.addf %get3A_598, %add3A_606 : vector<16xf32>
        %sub3A_608 = arith.subf %add3A_607, %get3A_601 : vector<16xf32>
        %sub3A_609 = arith.subf %add3A_607, %get3A_604 : vector<16xf32>
        %mul3A_610 = arith.mulf %sub3A_608, %sub3A_608 : vector<16xf32>
        %add3A_611 = arith.addf %add3A_593, %mul3A_610 : vector<16xf32>
        %mul3A_612 = arith.mulf %sub3A_609, %sub3A_609 : vector<16xf32>
        %add3A_613 = arith.addf %add3A_595, %mul3A_612 : vector<16xf32>
        %iota3A = tpu.iota {dimensions = array<i32: 0>} : vector<16xi32>
        %eq3A = vector.broadcast %scan3A_462 : i32 to vector<16xi32>
        %eq3A_614 = arith.cmpi eq, %iota3A, %eq3A : vector<16xi32>
        %reduce_sum3A = arith.constant true
        %reduce_sum3A_615 = vector.broadcast %reduce_sum3A : i1 to vector<16xi1>
        %reduce_sum3A_616 = tpu.scan <sum>, %add3A_611 masked %reduce_sum3A_615 : vector<16xf32>, vector<16xi1> -> vector<16xf32>
        %reduce_sum3A_617 = vector.extract %reduce_sum3A_616[15] : f32 from vector<16xf32>
        %broadcast_in_dim3A_618 = vector.broadcast %reduce_sum3A_617 : f32 to vector<16xf32>
        %select_n3A = arith.select %eq3A_614, %broadcast_in_dim3A_618, %scan3A_463 : vector<16xi1>, vector<16xf32>
        %reduce_sum3A_619 = arith.constant true
        %reduce_sum3A_620 = vector.broadcast %reduce_sum3A_619 : i1 to vector<16xi1>
        %reduce_sum3A_621 = tpu.scan <sum>, %add3A_613 masked %reduce_sum3A_620 : vector<16xf32>, vector<16xi1> -> vector<16xf32>
        %reduce_sum3A_622 = vector.extract %reduce_sum3A_621[15] : f32 from vector<16xf32>
        %broadcast_in_dim3A_623 = vector.broadcast %reduce_sum3A_622 : f32 to vector<16xf32>
        %select_n3A_624 = arith.select %eq3A_614, %broadcast_in_dim3A_623, %scan3A_464 : vector<16xi1>, vector<16xf32>
        scf.yield %select_n3A, %select_n3A_624 : vector<16xf32>, vector<16xf32>
      }
      %scan3A_453 = arith.constant 16 : i32
      %mul3A_454 = arith.constant 16 : i32
      %mul3A_455 = arith.muli %scan3A_445, %mul3A_454 : i32
      %add3A_456 = arith.constant 640 : i32
      %add3A_457 = arith.addi %add3A_456, %mul3A_455 : i32
      %swap3A = arith.index_cast %add3A_457 : i32 to index
      %swap3A_458 = tpu.vector_load %arg13[%swap3A] {strides = array<i32>} : memref<1024xf32, #tpu.memory_space<vmem>>, vector<16xf32>,
      tpu.vector_store %arg13[%swap3A], %scan3A_452#0 {strides = array<i32>} : memref<1024xf32, #tpu.memory_space<vmem>>, vector<16xf32>,
      %swap3A_459 = arith.index_cast %add3A_457 : i32 to index
      %swap3A_460 = tpu.vector_load %arg14[%swap3A_459] {strides = array<i32>} : memref<1024xf32, #tpu.memory_space<vmem>>, vector<16xf32>,
      tpu.vector_store %arg14[%swap3A_459], %scan3A_452#1 {strides = array<i32>} : memref<1024xf32, #tpu.memory_space<vmem>>, vector<16xf32>,
      %scan3A_461 = arith.constant 0 : i32
      scf.yield %scan3A_461 : i32
    }
    %scan3A_358 = arith.constant 8 : i32
    %dma_start3A_359 = arith.constant 0 : i32
    %dma_start3A_360 = arith.constant 7 : i32
    %dma_start3A_361 = arith.constant 0 : i32
    %dma_start3A_362 = tpu.memref_slice %arg6[%dma_start3A_359, %dma_start3A_360, %dma_start3A_361] : memref<3x8x128xi32, #tpu.memory_space<vmem>> -> memref<1x1x128xi32, #tpu.memory_space<vmem>>
    %dma_start3A_363 = tpu.memref_squeeze %dma_start3A_362 : memref<1x1x128xi32, #tpu.memory_space<vmem>> -> memref<128xi32, #tpu.memory_space<vmem>>
    %dma_start3A_364 = arith.constant 0 : i32
    %dma_start3A_365 = arith.constant 0 : i32
    %dma_start3A_366 = tpu.memref_slice %arg2[%dma_start3A_364, %dma_start3A_365] : memref<16384x128xf32, #tpu.memory_space<hbm>> -> memref<16384x128xf32, #tpu.memory_space<hbm>>
    tpu.enqueue_indirect_dma source(%dma_start3A_366 : memref<16384x128xf32, #tpu.memory_space<hbm>>) target(%arg10 : memref<128x128xf32, #tpu.memory_space<vmem>>) offsets(%dma_start3A_363 : memref<128xi32, #tpu.memory_space<vmem>>) semaphore(%arg16 : memref<!tpu.dma_semaphore, #tpu.memory_space<semaphore_mem>>)
    %dma_start3A_367 = arith.constant 1 : i32
    %dma_start3A_368 = arith.constant 7 : i32
    %dma_start3A_369 = arith.constant 0 : i32
    %dma_start3A_370 = tpu.memref_slice %arg6[%dma_start3A_367, %dma_start3A_368, %dma_start3A_369] : memref<3x8x128xi32, #tpu.memory_space<vmem>> -> memref<1x1x128xi32, #tpu.memory_space<vmem>>
    %dma_start3A_371 = tpu.memref_squeeze %dma_start3A_370 : memref<1x1x128xi32, #tpu.memory_space<vmem>> -> memref<128xi32, #tpu.memory_space<vmem>>
    %dma_start3A_372 = arith.constant 0 : i32
    %dma_start3A_373 = arith.constant 0 : i32
    %dma_start3A_374 = tpu.memref_slice %arg2[%dma_start3A_372, %dma_start3A_373] : memref<16384x128xf32, #tpu.memory_space<hbm>> -> memref<16384x128xf32, #tpu.memory_space<hbm>>
    tpu.enqueue_indirect_dma source(%dma_start3A_374 : memref<16384x128xf32, #tpu.memory_space<hbm>>) target(%arg11 : memref<128x128xf32, #tpu.memory_space<vmem>>) offsets(%dma_start3A_371 : memref<128xi32, #tpu.memory_space<vmem>>) semaphore(%arg16 : memref<!tpu.dma_semaphore, #tpu.memory_space<semaphore_mem>>)
    %dma_start3A_375 = arith.constant 2 : i32
    %dma_start3A_376 = arith.constant 7 : i32
    %dma_start3A_377 = arith.constant 0 : i32
    %dma_start3A_378 = tpu.memref_slice %arg6[%dma_start3A_375, %dma_start3A_376, %dma_start3A_377] : memref<3x8x128xi32, #tpu.memory_space<vmem>> -> memref<1x1x128xi32, #tpu.memory_space<vmem>>
    %dma_start3A_379 = tpu.memref_squeeze %dma_start3A_378 : memref<1x1x128xi32, #tpu.memory_space<vmem>> -> memref<128xi32, #tpu.memory_space<vmem>>
    %dma_start3A_380 = arith.constant 0 : i32
    %dma_start3A_381 = arith.constant 0 : i32
    %dma_start3A_382 = tpu.memref_slice %arg2[%dma_start3A_380, %dma_start3A_381] : memref<16384x128xf32, #tpu.memory_space<hbm>> -> memref<16384x128xf32, #tpu.memory_space<hbm>>
    tpu.enqueue_indirect_dma source(%dma_start3A_382 : memref<16384x128xf32, #tpu.memory_space<hbm>>) target(%arg12 : memref<128x128xf32, #tpu.memory_space<vmem>>) offsets(%dma_start3A_379 : memref<128xi32, #tpu.memory_space<vmem>>) semaphore(%arg16 : memref<!tpu.dma_semaphore, #tpu.memory_space<semaphore_mem>>)
    %dma_wait3A_383 = arith.constant 0 : i32
    %dma_wait3A_384 = arith.constant 6 : i32
    %dma_wait3A_385 = arith.constant 0 : i32
    %dma_wait3A_386 = tpu.memref_slice %arg6[%dma_wait3A_383, %dma_wait3A_384, %dma_wait3A_385] : memref<3x8x128xi32, #tpu.memory_space<vmem>> -> memref<1x1x128xi32, #tpu.memory_space<vmem>>
    %dma_wait3A_387 = tpu.memref_squeeze %dma_wait3A_386 : memref<1x1x128xi32, #tpu.memory_space<vmem>> -> memref<128xi32, #tpu.memory_space<vmem>>
    %dma_wait3A_388 = arith.constant 0 : i32
    %dma_wait3A_389 = arith.constant 0 : i32
    %dma_wait3A_390 = tpu.memref_slice %arg2[%dma_wait3A_388, %dma_wait3A_389] : memref<16384x128xf32, #tpu.memory_space<hbm>> -> memref<16384x128xf32, #tpu.memory_space<hbm>>
    tpu.wait_indirect_dma semaphore(%arg15 : memref<!tpu.dma_semaphore, #tpu.memory_space<semaphore_mem>>) src(%dma_wait3A_390 : memref<16384x128xf32, #tpu.memory_space<hbm>>) dst(%arg7 : memref<128x128xf32, #tpu.memory_space<vmem>>)
    %dma_wait3A_391 = arith.constant 1 : i32
    %dma_wait3A_392 = arith.constant 6 : i32
    %dma_wait3A_393 = arith.constant 0 : i32
    %dma_wait3A_394 = tpu.memref_slice %arg6[%dma_wait3A_391, %dma_wait3A_392, %dma_wait3A_393] : memref<3x8x128xi32, #tpu.memory_space<vmem>> -> memref<1x1x128xi32, #tpu.memory_space<vmem>>
    %dma_wait3A_395 = tpu.memref_squeeze %dma_wait3A_394 : memref<1x1x128xi32, #tpu.memory_space<vmem>> -> memref<128xi32, #tpu.memory_space<vmem>>
    %dma_wait3A_396 = arith.constant 0 : i32
    %dma_wait3A_397 = arith.constant 0 : i32
    %dma_wait3A_398 = tpu.memref_slice %arg2[%dma_wait3A_396, %dma_wait3A_397] : memref<16384x128xf32, #tpu.memory_space<hbm>> -> memref<16384x128xf32, #tpu.memory_space<hbm>>
    tpu.wait_indirect_dma semaphore(%arg15 : memref<!tpu.dma_semaphore, #tpu.memory_space<semaphore_mem>>) src(%dma_wait3A_398 : memref<16384x128xf32, #tpu.memory_space<hbm>>) dst(%arg8 : memref<128x128xf32, #tpu.memory_space<vmem>>)
    %dma_wait3A_399 = arith.constant 2 : i32
    %dma_wait3A_400 = arith.constant 6 : i32
    %dma_wait3A_401 = arith.constant 0 : i32
    %dma_wait3A_402 = tpu.memref_slice %arg6[%dma_wait3A_399, %dma_wait3A_400, %dma_wait3A_401] : memref<3x8x128xi32, #tpu.memory_space<vmem>> -> memref<1x1x128xi32, #tpu.memory_space<vmem>>
    %dma_wait3A_403 = tpu.memref_squeeze %dma_wait3A_402 : memref<1x1x128xi32, #tpu.memory_space<vmem>> -> memref<128xi32, #tpu.memory_space<vmem>>
    %dma_wait3A_404 = arith.constant 0 : i32
    %dma_wait3A_405 = arith.constant 0 : i32
    %dma_wait3A_406 = tpu.memref_slice %arg2[%dma_wait3A_404, %dma_wait3A_405] : memref<16384x128xf32, #tpu.memory_space<hbm>> -> memref<16384x128xf32, #tpu.memory_space<hbm>>
    tpu.wait_indirect_dma semaphore(%arg15 : memref<!tpu.dma_semaphore, #tpu.memory_space<semaphore_mem>>) src(%dma_wait3A_406 : memref<16384x128xf32, #tpu.memory_space<hbm>>) dst(%arg9 : memref<128x128xf32, #tpu.memory_space<vmem>>)
    %scan3A_407 = arith.constant 0 : i32
    %scan3A_408 = arith.constant 0 : i32
    %scan3A_409 = arith.constant 8 : i32
    %scan3A_410 = arith.addi %scan3A_408, %scan3A_409 : i32
    %scan3A_411 = arith.constant 1 : i32
    %scan3A_412 = scf.for %scan3A_445 = %scan3A_408 to %scan3A_410 step %scan3A_411 iter_args(%scan3A_446 = %scan3A_407) -> (i32)  : i32 {
      %broadcast_in_dim3A = arith.constant 0.000000e+00 : f32
      %broadcast_in_dim3A_447 = vector.broadcast %broadcast_in_dim3A : f32 to vector<16xf32>
      %scan3A_448 = arith.constant 0 : i32
      %scan3A_449 = arith.constant 16 : i32
      %scan3A_450 = arith.addi %scan3A_448, %scan3A_449 : i32
      %scan3A_451 = arith.constant 1 : i32
      %scan3A_452:2 = scf.for %scan3A_462 = %scan3A_448 to %scan3A_450 step %scan3A_451 iter_args(%scan3A_463 = %broadcast_in_dim3A_447, %scan3A_464 = %broadcast_in_dim3A_447) -> (vector<16xf32>, vector<16xf32>)  : i32 {
        %mul3A_465 = arith.constant 16 : i32
        %mul3A_466 = arith.muli %scan3A_445, %mul3A_465 : i32
        %add3A_467 = arith.addi %mul3A_466, %scan3A_462 : i32
        %broadcast_in_dim3A_468 = arith.constant 0.000000e+00 : f32
        %broadcast_in_dim3A_469 = vector.broadcast %broadcast_in_dim3A_468 : f32 to vector<16xf32>
        %broadcast_in_dim3A_470 = arith.constant 0.000000e+00 : f32
        %broadcast_in_dim3A_471 = vector.broadcast %broadcast_in_dim3A_470 : f32 to vector<16xf32>
        %get3A = arith.index_cast %add3A_467 : i32 to index
        %get3A_472 = arith.constant 0 : index
        %get3A_473 = tpu.vector_load %arg7[%get3A, %get3A_472] {strides = array<i32>} : memref<128x128xf32, #tpu.memory_space<vmem>>, vector<16xf32>,
        %get3A_474 = arith.index_cast %add3A_467 : i32 to index
        %get3A_475 = arith.constant 0 : index
        %get3A_476 = tpu.vector_load %arg8[%get3A_474, %get3A_475] {strides = array<i32>} : memref<128x128xf32, #tpu.memory_space<vmem>>, vector<16xf32>,
        %get3A_477 = arith.index_cast %add3A_467 : i32 to index
        %get3A_478 = arith.constant 0 : index
        %get3A_479 = tpu.vector_load %arg9[%get3A_477, %get3A_478] {strides = array<i32>} : memref<128x128xf32, #tpu.memory_space<vmem>>, vector<16xf32>,
        %add3A_480 = arith.constant 9.99999996E-13 : f32
        %add3A_481 = vector.broadcast %add3A_480 : f32 to vector<16xf32>
        %add3A_482 = arith.addf %get3A_473, %add3A_481 : vector<16xf32>
        %sub3A = arith.subf %add3A_482, %get3A_476 : vector<16xf32>
        %sub3A_483 = arith.subf %add3A_482, %get3A_479 : vector<16xf32>
        %mul3A_484 = arith.mulf %sub3A, %sub3A : vector<16xf32>
        %add3A_485 = arith.addf %broadcast_in_dim3A_469, %mul3A_484 : vector<16xf32>
        %mul3A_486 = arith.mulf %sub3A_483, %sub3A_483 : vector<16xf32>
        %add3A_487 = arith.addf %broadcast_in_dim3A_471, %mul3A_486 : vector<16xf32>
        %get3A_488 = arith.index_cast %add3A_467 : i32 to index
        %get3A_489 = arith.constant 16 : index
        %get3A_490 = tpu.vector_load %arg7[%get3A_488, %get3A_489] {strides = array<i32>} : memref<128x128xf32, #tpu.memory_space<vmem>>, vector<16xf32>,
        %get3A_491 = arith.index_cast %add3A_467 : i32 to index
        %get3A_492 = arith.constant 16 : index
        %get3A_493 = tpu.vector_load %arg8[%get3A_491, %get3A_492] {strides = array<i32>} : memref<128x128xf32, #tpu.memory_space<vmem>>, vector<16xf32>,
        %get3A_494 = arith.index_cast %add3A_467 : i32 to index
        %get3A_495 = arith.constant 16 : index
        %get3A_496 = tpu.vector_load %arg9[%get3A_494, %get3A_495] {strides = array<i32>} : memref<128x128xf32, #tpu.memory_space<vmem>>, vector<16xf32>,
        %add3A_497 = arith.constant 9.99999996E-13 : f32
        %add3A_498 = vector.broadcast %add3A_497 : f32 to vector<16xf32>
        %add3A_499 = arith.addf %get3A_490, %add3A_498 : vector<16xf32>
        %sub3A_500 = arith.subf %add3A_499, %get3A_493 : vector<16xf32>
        %sub3A_501 = arith.subf %add3A_499, %get3A_496 : vector<16xf32>
        %mul3A_502 = arith.mulf %sub3A_500, %sub3A_500 : vector<16xf32>
        %add3A_503 = arith.addf %add3A_485, %mul3A_502 : vector<16xf32>
        %mul3A_504 = arith.mulf %sub3A_501, %sub3A_501 : vector<16xf32>
        %add3A_505 = arith.addf %add3A_487, %mul3A_504 : vector<16xf32>
        %get3A_506 = arith.index_cast %add3A_467 : i32 to index
        %get3A_507 = arith.constant 32 : index
        %get3A_508 = tpu.vector_load %arg7[%get3A_506, %get3A_507] {strides = array<i32>} : memref<128x128xf32, #tpu.memory_space<vmem>>, vector<16xf32>,
        %get3A_509 = arith.index_cast %add3A_467 : i32 to index
        %get3A_510 = arith.constant 32 : index
        %get3A_511 = tpu.vector_load %arg8[%get3A_509, %get3A_510] {strides = array<i32>} : memref<128x128xf32, #tpu.memory_space<vmem>>, vector<16xf32>,
        %get3A_512 = arith.index_cast %add3A_467 : i32 to index
        %get3A_513 = arith.constant 32 : index
        %get3A_514 = tpu.vector_load %arg9[%get3A_512, %get3A_513] {strides = array<i32>} : memref<128x128xf32, #tpu.memory_space<vmem>>, vector<16xf32>,
        %add3A_515 = arith.constant 9.99999996E-13 : f32
        %add3A_516 = vector.broadcast %add3A_515 : f32 to vector<16xf32>
        %add3A_517 = arith.addf %get3A_508, %add3A_516 : vector<16xf32>
        %sub3A_518 = arith.subf %add3A_517, %get3A_511 : vector<16xf32>
        %sub3A_519 = arith.subf %add3A_517, %get3A_514 : vector<16xf32>
        %mul3A_520 = arith.mulf %sub3A_518, %sub3A_518 : vector<16xf32>
        %add3A_521 = arith.addf %add3A_503, %mul3A_520 : vector<16xf32>
        %mul3A_522 = arith.mulf %sub3A_519, %sub3A_519 : vector<16xf32>
        %add3A_523 = arith.addf %add3A_505, %mul3A_522 : vector<16xf32>
        %get3A_524 = arith.index_cast %add3A_467 : i32 to index
        %get3A_525 = arith.constant 48 : index
        %get3A_526 = tpu.vector_load %arg7[%get3A_524, %get3A_525] {strides = array<i32>} : memref<128x128xf32, #tpu.memory_space<vmem>>, vector<16xf32>,
        %get3A_527 = arith.index_cast %add3A_467 : i32 to index
        %get3A_528 = arith.constant 48 : index
        %get3A_529 = tpu.vector_load %arg8[%get3A_527, %get3A_528] {strides = array<i32>} : memref<128x128xf32, #tpu.memory_space<vmem>>, vector<16xf32>,
        %get3A_530 = arith.index_cast %add3A_467 : i32 to index
        %get3A_531 = arith.constant 48 : index
        %get3A_532 = tpu.vector_load %arg9[%get3A_530, %get3A_531] {strides = array<i32>} : memref<128x128xf32, #tpu.memory_space<vmem>>, vector<16xf32>,
        %add3A_533 = arith.constant 9.99999996E-13 : f32
        %add3A_534 = vector.broadcast %add3A_533 : f32 to vector<16xf32>
        %add3A_535 = arith.addf %get3A_526, %add3A_534 : vector<16xf32>
        %sub3A_536 = arith.subf %add3A_535, %get3A_529 : vector<16xf32>
        %sub3A_537 = arith.subf %add3A_535, %get3A_532 : vector<16xf32>
        %mul3A_538 = arith.mulf %sub3A_536, %sub3A_536 : vector<16xf32>
        %add3A_539 = arith.addf %add3A_521, %mul3A_538 : vector<16xf32>
        %mul3A_540 = arith.mulf %sub3A_537, %sub3A_537 : vector<16xf32>
        %add3A_541 = arith.addf %add3A_523, %mul3A_540 : vector<16xf32>
        %get3A_542 = arith.index_cast %add3A_467 : i32 to index
        %get3A_543 = arith.constant 64 : index
        %get3A_544 = tpu.vector_load %arg7[%get3A_542, %get3A_543] {strides = array<i32>} : memref<128x128xf32, #tpu.memory_space<vmem>>, vector<16xf32>,
        %get3A_545 = arith.index_cast %add3A_467 : i32 to index
        %get3A_546 = arith.constant 64 : index
        %get3A_547 = tpu.vector_load %arg8[%get3A_545, %get3A_546] {strides = array<i32>} : memref<128x128xf32, #tpu.memory_space<vmem>>, vector<16xf32>,
        %get3A_548 = arith.index_cast %add3A_467 : i32 to index
        %get3A_549 = arith.constant 64 : index
        %get3A_550 = tpu.vector_load %arg9[%get3A_548, %get3A_549] {strides = array<i32>} : memref<128x128xf32, #tpu.memory_space<vmem>>, vector<16xf32>,
        %add3A_551 = arith.constant 9.99999996E-13 : f32
        %add3A_552 = vector.broadcast %add3A_551 : f32 to vector<16xf32>
        %add3A_553 = arith.addf %get3A_544, %add3A_552 : vector<16xf32>
        %sub3A_554 = arith.subf %add3A_553, %get3A_547 : vector<16xf32>
        %sub3A_555 = arith.subf %add3A_553, %get3A_550 : vector<16xf32>
        %mul3A_556 = arith.mulf %sub3A_554, %sub3A_554 : vector<16xf32>
        %add3A_557 = arith.addf %add3A_539, %mul3A_556 : vector<16xf32>
        %mul3A_558 = arith.mulf %sub3A_555, %sub3A_555 : vector<16xf32>
        %add3A_559 = arith.addf %add3A_541, %mul3A_558 : vector<16xf32>
        %get3A_560 = arith.index_cast %add3A_467 : i32 to index
        %get3A_561 = arith.constant 80 : index
        %get3A_562 = tpu.vector_load %arg7[%get3A_560, %get3A_561] {strides = array<i32>} : memref<128x128xf32, #tpu.memory_space<vmem>>, vector<16xf32>,
        %get3A_563 = arith.index_cast %add3A_467 : i32 to index
        %get3A_564 = arith.constant 80 : index
        %get3A_565 = tpu.vector_load %arg8[%get3A_563, %get3A_564] {strides = array<i32>} : memref<128x128xf32, #tpu.memory_space<vmem>>, vector<16xf32>,
        %get3A_566 = arith.index_cast %add3A_467 : i32 to index
        %get3A_567 = arith.constant 80 : index
        %get3A_568 = tpu.vector_load %arg9[%get3A_566, %get3A_567] {strides = array<i32>} : memref<128x128xf32, #tpu.memory_space<vmem>>, vector<16xf32>,
        %add3A_569 = arith.constant 9.99999996E-13 : f32
        %add3A_570 = vector.broadcast %add3A_569 : f32 to vector<16xf32>
        %add3A_571 = arith.addf %get3A_562, %add3A_570 : vector<16xf32>
        %sub3A_572 = arith.subf %add3A_571, %get3A_565 : vector<16xf32>
        %sub3A_573 = arith.subf %add3A_571, %get3A_568 : vector<16xf32>
        %mul3A_574 = arith.mulf %sub3A_572, %sub3A_572 : vector<16xf32>
        %add3A_575 = arith.addf %add3A_557, %mul3A_574 : vector<16xf32>
        %mul3A_576 = arith.mulf %sub3A_573, %sub3A_573 : vector<16xf32>
        %add3A_577 = arith.addf %add3A_559, %mul3A_576 : vector<16xf32>
        %get3A_578 = arith.index_cast %add3A_467 : i32 to index
        %get3A_579 = arith.constant 96 : index
        %get3A_580 = tpu.vector_load %arg7[%get3A_578, %get3A_579] {strides = array<i32>} : memref<128x128xf32, #tpu.memory_space<vmem>>, vector<16xf32>,
        %get3A_581 = arith.index_cast %add3A_467 : i32 to index
        %get3A_582 = arith.constant 96 : index
        %get3A_583 = tpu.vector_load %arg8[%get3A_581, %get3A_582] {strides = array<i32>} : memref<128x128xf32, #tpu.memory_space<vmem>>, vector<16xf32>,
        %get3A_584 = arith.index_cast %add3A_467 : i32 to index
        %get3A_585 = arith.constant 96 : index
        %get3A_586 = tpu.vector_load %arg9[%get3A_584, %get3A_585] {strides = array<i32>} : memref<128x128xf32, #tpu.memory_space<vmem>>, vector<16xf32>,
        %add3A_587 = arith.constant 9.99999996E-13 : f32
        %add3A_588 = vector.broadcast %add3A_587 : f32 to vector<16xf32>
        %add3A_589 = arith.addf %get3A_580, %add3A_588 : vector<16xf32>
        %sub3A_590 = arith.subf %add3A_589, %get3A_583 : vector<16xf32>
        %sub3A_591 = arith.subf %add3A_589, %get3A_586 : vector<16xf32>
        %mul3A_592 = arith.mulf %sub3A_590, %sub3A_590 : vector<16xf32>
        %add3A_593 = arith.addf %add3A_575, %mul3A_592 : vector<16xf32>
        %mul3A_594 = arith.mulf %sub3A_591, %sub3A_591 : vector<16xf32>
        %add3A_595 = arith.addf %add3A_577, %mul3A_594 : vector<16xf32>
        %get3A_596 = arith.index_cast %add3A_467 : i32 to index
        %get3A_597 = arith.constant 112 : index
        %get3A_598 = tpu.vector_load %arg7[%get3A_596, %get3A_597] {strides = array<i32>} : memref<128x128xf32, #tpu.memory_space<vmem>>, vector<16xf32>,
        %get3A_599 = arith.index_cast %add3A_467 : i32 to index
        %get3A_600 = arith.constant 112 : index
        %get3A_601 = tpu.vector_load %arg8[%get3A_599, %get3A_600] {strides = array<i32>} : memref<128x128xf32, #tpu.memory_space<vmem>>, vector<16xf32>,
        %get3A_602 = arith.index_cast %add3A_467 : i32 to index
        %get3A_603 = arith.constant 112 : index
        %get3A_604 = tpu.vector_load %arg9[%get3A_602, %get3A_603] {strides = array<i32>} : memref<128x128xf32, #tpu.memory_space<vmem>>, vector<16xf32>,
        %add3A_605 = arith.constant 9.99999996E-13 : f32
        %add3A_606 = vector.broadcast %add3A_605 : f32 to vector<16xf32>
        %add3A_607 = arith.addf %get3A_598, %add3A_606 : vector<16xf32>
        %sub3A_608 = arith.subf %add3A_607, %get3A_601 : vector<16xf32>
        %sub3A_609 = arith.subf %add3A_607, %get3A_604 : vector<16xf32>
        %mul3A_610 = arith.mulf %sub3A_608, %sub3A_608 : vector<16xf32>
        %add3A_611 = arith.addf %add3A_593, %mul3A_610 : vector<16xf32>
        %mul3A_612 = arith.mulf %sub3A_609, %sub3A_609 : vector<16xf32>
        %add3A_613 = arith.addf %add3A_595, %mul3A_612 : vector<16xf32>
        %iota3A = tpu.iota {dimensions = array<i32: 0>} : vector<16xi32>
        %eq3A = vector.broadcast %scan3A_462 : i32 to vector<16xi32>
        %eq3A_614 = arith.cmpi eq, %iota3A, %eq3A : vector<16xi32>
        %reduce_sum3A = arith.constant true
        %reduce_sum3A_615 = vector.broadcast %reduce_sum3A : i1 to vector<16xi1>
        %reduce_sum3A_616 = tpu.scan <sum>, %add3A_611 masked %reduce_sum3A_615 : vector<16xf32>, vector<16xi1> -> vector<16xf32>
        %reduce_sum3A_617 = vector.extract %reduce_sum3A_616[15] : f32 from vector<16xf32>
        %broadcast_in_dim3A_618 = vector.broadcast %reduce_sum3A_617 : f32 to vector<16xf32>
        %select_n3A = arith.select %eq3A_614, %broadcast_in_dim3A_618, %scan3A_463 : vector<16xi1>, vector<16xf32>
        %reduce_sum3A_619 = arith.constant true
        %reduce_sum3A_620 = vector.broadcast %reduce_sum3A_619 : i1 to vector<16xi1>
        %reduce_sum3A_621 = tpu.scan <sum>, %add3A_613 masked %reduce_sum3A_620 : vector<16xf32>, vector<16xi1> -> vector<16xf32>
        %reduce_sum3A_622 = vector.extract %reduce_sum3A_621[15] : f32 from vector<16xf32>
        %broadcast_in_dim3A_623 = vector.broadcast %reduce_sum3A_622 : f32 to vector<16xf32>
        %select_n3A_624 = arith.select %eq3A_614, %broadcast_in_dim3A_623, %scan3A_464 : vector<16xi1>, vector<16xf32>
        scf.yield %select_n3A, %select_n3A_624 : vector<16xf32>, vector<16xf32>
      }
      %scan3A_453 = arith.constant 16 : i32
      %mul3A_454 = arith.constant 16 : i32
      %mul3A_455 = arith.muli %scan3A_445, %mul3A_454 : i32
      %add3A_456 = arith.constant 768 : i32
      %add3A_457 = arith.addi %add3A_456, %mul3A_455 : i32
      %swap3A = arith.index_cast %add3A_457 : i32 to index
      %swap3A_458 = tpu.vector_load %arg13[%swap3A] {strides = array<i32>} : memref<1024xf32, #tpu.memory_space<vmem>>, vector<16xf32>,
      tpu.vector_store %arg13[%swap3A], %scan3A_452#0 {strides = array<i32>} : memref<1024xf32, #tpu.memory_space<vmem>>, vector<16xf32>,
      %swap3A_459 = arith.index_cast %add3A_457 : i32 to index
      %swap3A_460 = tpu.vector_load %arg14[%swap3A_459] {strides = array<i32>} : memref<1024xf32, #tpu.memory_space<vmem>>, vector<16xf32>,
      tpu.vector_store %arg14[%swap3A_459], %scan3A_452#1 {strides = array<i32>} : memref<1024xf32, #tpu.memory_space<vmem>>, vector<16xf32>,
      %scan3A_461 = arith.constant 0 : i32
      scf.yield %scan3A_461 : i32
    }
    %scan3A_413 = arith.constant 8 : i32
    %dma_wait3A_414 = arith.constant 0 : i32
    %dma_wait3A_415 = arith.constant 7 : i32
    %dma_wait3A_416 = arith.constant 0 : i32
    %dma_wait3A_417 = tpu.memref_slice %arg6[%dma_wait3A_414, %dma_wait3A_415, %dma_wait3A_416] : memref<3x8x128xi32, #tpu.memory_space<vmem>> -> memref<1x1x128xi32, #tpu.memory_space<vmem>>
    %dma_wait3A_418 = tpu.memref_squeeze %dma_wait3A_417 : memref<1x1x128xi32, #tpu.memory_space<vmem>> -> memref<128xi32, #tpu.memory_space<vmem>>
    %dma_wait3A_419 = arith.constant 0 : i32
    %dma_wait3A_420 = arith.constant 0 : i32
    %dma_wait3A_421 = tpu.memref_slice %arg2[%dma_wait3A_419, %dma_wait3A_420] : memref<16384x128xf32, #tpu.memory_space<hbm>> -> memref<16384x128xf32, #tpu.memory_space<hbm>>
    tpu.wait_indirect_dma semaphore(%arg16 : memref<!tpu.dma_semaphore, #tpu.memory_space<semaphore_mem>>) src(%dma_wait3A_421 : memref<16384x128xf32, #tpu.memory_space<hbm>>) dst(%arg10 : memref<128x128xf32, #tpu.memory_space<vmem>>)
    %dma_wait3A_422 = arith.constant 1 : i32
    %dma_wait3A_423 = arith.constant 7 : i32
    %dma_wait3A_424 = arith.constant 0 : i32
    %dma_wait3A_425 = tpu.memref_slice %arg6[%dma_wait3A_422, %dma_wait3A_423, %dma_wait3A_424] : memref<3x8x128xi32, #tpu.memory_space<vmem>> -> memref<1x1x128xi32, #tpu.memory_space<vmem>>
    %dma_wait3A_426 = tpu.memref_squeeze %dma_wait3A_425 : memref<1x1x128xi32, #tpu.memory_space<vmem>> -> memref<128xi32, #tpu.memory_space<vmem>>
    %dma_wait3A_427 = arith.constant 0 : i32
    %dma_wait3A_428 = arith.constant 0 : i32
    %dma_wait3A_429 = tpu.memref_slice %arg2[%dma_wait3A_427, %dma_wait3A_428] : memref<16384x128xf32, #tpu.memory_space<hbm>> -> memref<16384x128xf32, #tpu.memory_space<hbm>>
    tpu.wait_indirect_dma semaphore(%arg16 : memref<!tpu.dma_semaphore, #tpu.memory_space<semaphore_mem>>) src(%dma_wait3A_429 : memref<16384x128xf32, #tpu.memory_space<hbm>>) dst(%arg11 : memref<128x128xf32, #tpu.memory_space<vmem>>)
    %dma_wait3A_430 = arith.constant 2 : i32
    %dma_wait3A_431 = arith.constant 7 : i32
    %dma_wait3A_432 = arith.constant 0 : i32
    %dma_wait3A_433 = tpu.memref_slice %arg6[%dma_wait3A_430, %dma_wait3A_431, %dma_wait3A_432] : memref<3x8x128xi32, #tpu.memory_space<vmem>> -> memref<1x1x128xi32, #tpu.memory_space<vmem>>
    %dma_wait3A_434 = tpu.memref_squeeze %dma_wait3A_433 : memref<1x1x128xi32, #tpu.memory_space<vmem>> -> memref<128xi32, #tpu.memory_space<vmem>>
    %dma_wait3A_435 = arith.constant 0 : i32
    %dma_wait3A_436 = arith.constant 0 : i32
    %dma_wait3A_437 = tpu.memref_slice %arg2[%dma_wait3A_435, %dma_wait3A_436] : memref<16384x128xf32, #tpu.memory_space<hbm>> -> memref<16384x128xf32, #tpu.memory_space<hbm>>
    tpu.wait_indirect_dma semaphore(%arg16 : memref<!tpu.dma_semaphore, #tpu.memory_space<semaphore_mem>>) src(%dma_wait3A_437 : memref<16384x128xf32, #tpu.memory_space<hbm>>) dst(%arg12 : memref<128x128xf32, #tpu.memory_space<vmem>>)
    %scan3A_438 = arith.constant 0 : i32
    %scan3A_439 = arith.constant 0 : i32
    %scan3A_440 = arith.constant 8 : i32
    %scan3A_441 = arith.addi %scan3A_439, %scan3A_440 : i32
    %scan3A_442 = arith.constant 1 : i32
    %scan3A_443 = scf.for %scan3A_445 = %scan3A_439 to %scan3A_441 step %scan3A_442 iter_args(%scan3A_446 = %scan3A_438) -> (i32)  : i32 {
      %broadcast_in_dim3A = arith.constant 0.000000e+00 : f32
      %broadcast_in_dim3A_447 = vector.broadcast %broadcast_in_dim3A : f32 to vector<16xf32>
      %scan3A_448 = arith.constant 0 : i32
      %scan3A_449 = arith.constant 16 : i32
      %scan3A_450 = arith.addi %scan3A_448, %scan3A_449 : i32
      %scan3A_451 = arith.constant 1 : i32
      %scan3A_452:2 = scf.for %scan3A_462 = %scan3A_448 to %scan3A_450 step %scan3A_451 iter_args(%scan3A_463 = %broadcast_in_dim3A_447, %scan3A_464 = %broadcast_in_dim3A_447) -> (vector<16xf32>, vector<16xf32>)  : i32 {
        %mul3A_465 = arith.constant 16 : i32
        %mul3A_466 = arith.muli %scan3A_445, %mul3A_465 : i32
        %add3A_467 = arith.addi %mul3A_466, %scan3A_462 : i32
        %broadcast_in_dim3A_468 = arith.constant 0.000000e+00 : f32
        %broadcast_in_dim3A_469 = vector.broadcast %broadcast_in_dim3A_468 : f32 to vector<16xf32>
        %broadcast_in_dim3A_470 = arith.constant 0.000000e+00 : f32
        %broadcast_in_dim3A_471 = vector.broadcast %broadcast_in_dim3A_470 : f32 to vector<16xf32>
        %get3A = arith.index_cast %add3A_467 : i32 to index
        %get3A_472 = arith.constant 0 : index
        %get3A_473 = tpu.vector_load %arg10[%get3A, %get3A_472] {strides = array<i32>} : memref<128x128xf32, #tpu.memory_space<vmem>>, vector<16xf32>,
        %get3A_474 = arith.index_cast %add3A_467 : i32 to index
        %get3A_475 = arith.constant 0 : index
        %get3A_476 = tpu.vector_load %arg11[%get3A_474, %get3A_475] {strides = array<i32>} : memref<128x128xf32, #tpu.memory_space<vmem>>, vector<16xf32>,
        %get3A_477 = arith.index_cast %add3A_467 : i32 to index
        %get3A_478 = arith.constant 0 : index
        %get3A_479 = tpu.vector_load %arg12[%get3A_477, %get3A_478] {strides = array<i32>} : memref<128x128xf32, #tpu.memory_space<vmem>>, vector<16xf32>,
        %add3A_480 = arith.constant 9.99999996E-13 : f32
        %add3A_481 = vector.broadcast %add3A_480 : f32 to vector<16xf32>
        %add3A_482 = arith.addf %get3A_473, %add3A_481 : vector<16xf32>
        %sub3A = arith.subf %add3A_482, %get3A_476 : vector<16xf32>
        %sub3A_483 = arith.subf %add3A_482, %get3A_479 : vector<16xf32>
        %mul3A_484 = arith.mulf %sub3A, %sub3A : vector<16xf32>
        %add3A_485 = arith.addf %broadcast_in_dim3A_469, %mul3A_484 : vector<16xf32>
        %mul3A_486 = arith.mulf %sub3A_483, %sub3A_483 : vector<16xf32>
        %add3A_487 = arith.addf %broadcast_in_dim3A_471, %mul3A_486 : vector<16xf32>
        %get3A_488 = arith.index_cast %add3A_467 : i32 to index
        %get3A_489 = arith.constant 16 : index
        %get3A_490 = tpu.vector_load %arg10[%get3A_488, %get3A_489] {strides = array<i32>} : memref<128x128xf32, #tpu.memory_space<vmem>>, vector<16xf32>,
        %get3A_491 = arith.index_cast %add3A_467 : i32 to index
        %get3A_492 = arith.constant 16 : index
        %get3A_493 = tpu.vector_load %arg11[%get3A_491, %get3A_492] {strides = array<i32>} : memref<128x128xf32, #tpu.memory_space<vmem>>, vector<16xf32>,
        %get3A_494 = arith.index_cast %add3A_467 : i32 to index
        %get3A_495 = arith.constant 16 : index
        %get3A_496 = tpu.vector_load %arg12[%get3A_494, %get3A_495] {strides = array<i32>} : memref<128x128xf32, #tpu.memory_space<vmem>>, vector<16xf32>,
        %add3A_497 = arith.constant 9.99999996E-13 : f32
        %add3A_498 = vector.broadcast %add3A_497 : f32 to vector<16xf32>
        %add3A_499 = arith.addf %get3A_490, %add3A_498 : vector<16xf32>
        %sub3A_500 = arith.subf %add3A_499, %get3A_493 : vector<16xf32>
        %sub3A_501 = arith.subf %add3A_499, %get3A_496 : vector<16xf32>
        %mul3A_502 = arith.mulf %sub3A_500, %sub3A_500 : vector<16xf32>
        %add3A_503 = arith.addf %add3A_485, %mul3A_502 : vector<16xf32>
        %mul3A_504 = arith.mulf %sub3A_501, %sub3A_501 : vector<16xf32>
        %add3A_505 = arith.addf %add3A_487, %mul3A_504 : vector<16xf32>
        %get3A_506 = arith.index_cast %add3A_467 : i32 to index
        %get3A_507 = arith.constant 32 : index
        %get3A_508 = tpu.vector_load %arg10[%get3A_506, %get3A_507] {strides = array<i32>} : memref<128x128xf32, #tpu.memory_space<vmem>>, vector<16xf32>,
        %get3A_509 = arith.index_cast %add3A_467 : i32 to index
        %get3A_510 = arith.constant 32 : index
        %get3A_511 = tpu.vector_load %arg11[%get3A_509, %get3A_510] {strides = array<i32>} : memref<128x128xf32, #tpu.memory_space<vmem>>, vector<16xf32>,
        %get3A_512 = arith.index_cast %add3A_467 : i32 to index
        %get3A_513 = arith.constant 32 : index
        %get3A_514 = tpu.vector_load %arg12[%get3A_512, %get3A_513] {strides = array<i32>} : memref<128x128xf32, #tpu.memory_space<vmem>>, vector<16xf32>,
        %add3A_515 = arith.constant 9.99999996E-13 : f32
        %add3A_516 = vector.broadcast %add3A_515 : f32 to vector<16xf32>
        %add3A_517 = arith.addf %get3A_508, %add3A_516 : vector<16xf32>
        %sub3A_518 = arith.subf %add3A_517, %get3A_511 : vector<16xf32>
        %sub3A_519 = arith.subf %add3A_517, %get3A_514 : vector<16xf32>
        %mul3A_520 = arith.mulf %sub3A_518, %sub3A_518 : vector<16xf32>
        %add3A_521 = arith.addf %add3A_503, %mul3A_520 : vector<16xf32>
        %mul3A_522 = arith.mulf %sub3A_519, %sub3A_519 : vector<16xf32>
        %add3A_523 = arith.addf %add3A_505, %mul3A_522 : vector<16xf32>
        %get3A_524 = arith.index_cast %add3A_467 : i32 to index
        %get3A_525 = arith.constant 48 : index
        %get3A_526 = tpu.vector_load %arg10[%get3A_524, %get3A_525] {strides = array<i32>} : memref<128x128xf32, #tpu.memory_space<vmem>>, vector<16xf32>,
        %get3A_527 = arith.index_cast %add3A_467 : i32 to index
        %get3A_528 = arith.constant 48 : index
        %get3A_529 = tpu.vector_load %arg11[%get3A_527, %get3A_528] {strides = array<i32>} : memref<128x128xf32, #tpu.memory_space<vmem>>, vector<16xf32>,
        %get3A_530 = arith.index_cast %add3A_467 : i32 to index
        %get3A_531 = arith.constant 48 : index
        %get3A_532 = tpu.vector_load %arg12[%get3A_530, %get3A_531] {strides = array<i32>} : memref<128x128xf32, #tpu.memory_space<vmem>>, vector<16xf32>,
        %add3A_533 = arith.constant 9.99999996E-13 : f32
        %add3A_534 = vector.broadcast %add3A_533 : f32 to vector<16xf32>
        %add3A_535 = arith.addf %get3A_526, %add3A_534 : vector<16xf32>
        %sub3A_536 = arith.subf %add3A_535, %get3A_529 : vector<16xf32>
        %sub3A_537 = arith.subf %add3A_535, %get3A_532 : vector<16xf32>
        %mul3A_538 = arith.mulf %sub3A_536, %sub3A_536 : vector<16xf32>
        %add3A_539 = arith.addf %add3A_521, %mul3A_538 : vector<16xf32>
        %mul3A_540 = arith.mulf %sub3A_537, %sub3A_537 : vector<16xf32>
        %add3A_541 = arith.addf %add3A_523, %mul3A_540 : vector<16xf32>
        %get3A_542 = arith.index_cast %add3A_467 : i32 to index
        %get3A_543 = arith.constant 64 : index
        %get3A_544 = tpu.vector_load %arg10[%get3A_542, %get3A_543] {strides = array<i32>} : memref<128x128xf32, #tpu.memory_space<vmem>>, vector<16xf32>,
        %get3A_545 = arith.index_cast %add3A_467 : i32 to index
        %get3A_546 = arith.constant 64 : index
        %get3A_547 = tpu.vector_load %arg11[%get3A_545, %get3A_546] {strides = array<i32>} : memref<128x128xf32, #tpu.memory_space<vmem>>, vector<16xf32>,
        %get3A_548 = arith.index_cast %add3A_467 : i32 to index
        %get3A_549 = arith.constant 64 : index
        %get3A_550 = tpu.vector_load %arg12[%get3A_548, %get3A_549] {strides = array<i32>} : memref<128x128xf32, #tpu.memory_space<vmem>>, vector<16xf32>,
        %add3A_551 = arith.constant 9.99999996E-13 : f32
        %add3A_552 = vector.broadcast %add3A_551 : f32 to vector<16xf32>
        %add3A_553 = arith.addf %get3A_544, %add3A_552 : vector<16xf32>
        %sub3A_554 = arith.subf %add3A_553, %get3A_547 : vector<16xf32>
        %sub3A_555 = arith.subf %add3A_553, %get3A_550 : vector<16xf32>
        %mul3A_556 = arith.mulf %sub3A_554, %sub3A_554 : vector<16xf32>
        %add3A_557 = arith.addf %add3A_539, %mul3A_556 : vector<16xf32>
        %mul3A_558 = arith.mulf %sub3A_555, %sub3A_555 : vector<16xf32>
        %add3A_559 = arith.addf %add3A_541, %mul3A_558 : vector<16xf32>
        %get3A_560 = arith.index_cast %add3A_467 : i32 to index
        %get3A_561 = arith.constant 80 : index
        %get3A_562 = tpu.vector_load %arg10[%get3A_560, %get3A_561] {strides = array<i32>} : memref<128x128xf32, #tpu.memory_space<vmem>>, vector<16xf32>,
        %get3A_563 = arith.index_cast %add3A_467 : i32 to index
        %get3A_564 = arith.constant 80 : index
        %get3A_565 = tpu.vector_load %arg11[%get3A_563, %get3A_564] {strides = array<i32>} : memref<128x128xf32, #tpu.memory_space<vmem>>, vector<16xf32>,
        %get3A_566 = arith.index_cast %add3A_467 : i32 to index
        %get3A_567 = arith.constant 80 : index
        %get3A_568 = tpu.vector_load %arg12[%get3A_566, %get3A_567] {strides = array<i32>} : memref<128x128xf32, #tpu.memory_space<vmem>>, vector<16xf32>,
        %add3A_569 = arith.constant 9.99999996E-13 : f32
        %add3A_570 = vector.broadcast %add3A_569 : f32 to vector<16xf32>
        %add3A_571 = arith.addf %get3A_562, %add3A_570 : vector<16xf32>
        %sub3A_572 = arith.subf %add3A_571, %get3A_565 : vector<16xf32>
        %sub3A_573 = arith.subf %add3A_571, %get3A_568 : vector<16xf32>
        %mul3A_574 = arith.mulf %sub3A_572, %sub3A_572 : vector<16xf32>
        %add3A_575 = arith.addf %add3A_557, %mul3A_574 : vector<16xf32>
        %mul3A_576 = arith.mulf %sub3A_573, %sub3A_573 : vector<16xf32>
        %add3A_577 = arith.addf %add3A_559, %mul3A_576 : vector<16xf32>
        %get3A_578 = arith.index_cast %add3A_467 : i32 to index
        %get3A_579 = arith.constant 96 : index
        %get3A_580 = tpu.vector_load %arg10[%get3A_578, %get3A_579] {strides = array<i32>} : memref<128x128xf32, #tpu.memory_space<vmem>>, vector<16xf32>,
        %get3A_581 = arith.index_cast %add3A_467 : i32 to index
        %get3A_582 = arith.constant 96 : index
        %get3A_583 = tpu.vector_load %arg11[%get3A_581, %get3A_582] {strides = array<i32>} : memref<128x128xf32, #tpu.memory_space<vmem>>, vector<16xf32>,
        %get3A_584 = arith.index_cast %add3A_467 : i32 to index
        %get3A_585 = arith.constant 96 : index
        %get3A_586 = tpu.vector_load %arg12[%get3A_584, %get3A_585] {strides = array<i32>} : memref<128x128xf32, #tpu.memory_space<vmem>>, vector<16xf32>,
        %add3A_587 = arith.constant 9.99999996E-13 : f32
        %add3A_588 = vector.broadcast %add3A_587 : f32 to vector<16xf32>
        %add3A_589 = arith.addf %get3A_580, %add3A_588 : vector<16xf32>
        %sub3A_590 = arith.subf %add3A_589, %get3A_583 : vector<16xf32>
        %sub3A_591 = arith.subf %add3A_589, %get3A_586 : vector<16xf32>
        %mul3A_592 = arith.mulf %sub3A_590, %sub3A_590 : vector<16xf32>
        %add3A_593 = arith.addf %add3A_575, %mul3A_592 : vector<16xf32>
        %mul3A_594 = arith.mulf %sub3A_591, %sub3A_591 : vector<16xf32>
        %add3A_595 = arith.addf %add3A_577, %mul3A_594 : vector<16xf32>
        %get3A_596 = arith.index_cast %add3A_467 : i32 to index
        %get3A_597 = arith.constant 112 : index
        %get3A_598 = tpu.vector_load %arg10[%get3A_596, %get3A_597] {strides = array<i32>} : memref<128x128xf32, #tpu.memory_space<vmem>>, vector<16xf32>,
        %get3A_599 = arith.index_cast %add3A_467 : i32 to index
        %get3A_600 = arith.constant 112 : index
        %get3A_601 = tpu.vector_load %arg11[%get3A_599, %get3A_600] {strides = array<i32>} : memref<128x128xf32, #tpu.memory_space<vmem>>, vector<16xf32>,
        %get3A_602 = arith.index_cast %add3A_467 : i32 to index
        %get3A_603 = arith.constant 112 : index
        %get3A_604 = tpu.vector_load %arg12[%get3A_602, %get3A_603] {strides = array<i32>} : memref<128x128xf32, #tpu.memory_space<vmem>>, vector<16xf32>,
        %add3A_605 = arith.constant 9.99999996E-13 : f32
        %add3A_606 = vector.broadcast %add3A_605 : f32 to vector<16xf32>
        %add3A_607 = arith.addf %get3A_598, %add3A_606 : vector<16xf32>
        %sub3A_608 = arith.subf %add3A_607, %get3A_601 : vector<16xf32>
        %sub3A_609 = arith.subf %add3A_607, %get3A_604 : vector<16xf32>
        %mul3A_610 = arith.mulf %sub3A_608, %sub3A_608 : vector<16xf32>
        %add3A_611 = arith.addf %add3A_593, %mul3A_610 : vector<16xf32>
        %mul3A_612 = arith.mulf %sub3A_609, %sub3A_609 : vector<16xf32>
        %add3A_613 = arith.addf %add3A_595, %mul3A_612 : vector<16xf32>
        %iota3A = tpu.iota {dimensions = array<i32: 0>} : vector<16xi32>
        %eq3A = vector.broadcast %scan3A_462 : i32 to vector<16xi32>
        %eq3A_614 = arith.cmpi eq, %iota3A, %eq3A : vector<16xi32>
        %reduce_sum3A = arith.constant true
        %reduce_sum3A_615 = vector.broadcast %reduce_sum3A : i1 to vector<16xi1>
        %reduce_sum3A_616 = tpu.scan <sum>, %add3A_611 masked %reduce_sum3A_615 : vector<16xf32>, vector<16xi1> -> vector<16xf32>
        %reduce_sum3A_617 = vector.extract %reduce_sum3A_616[15] : f32 from vector<16xf32>
        %broadcast_in_dim3A_618 = vector.broadcast %reduce_sum3A_617 : f32 to vector<16xf32>
        %select_n3A = arith.select %eq3A_614, %broadcast_in_dim3A_618, %scan3A_463 : vector<16xi1>, vector<16xf32>
        %reduce_sum3A_619 = arith.constant true
        %reduce_sum3A_620 = vector.broadcast %reduce_sum3A_619 : i1 to vector<16xi1>
        %reduce_sum3A_621 = tpu.scan <sum>, %add3A_613 masked %reduce_sum3A_620 : vector<16xf32>, vector<16xi1> -> vector<16xf32>
        %reduce_sum3A_622 = vector.extract %reduce_sum3A_621[15] : f32 from vector<16xf32>
        %broadcast_in_dim3A_623 = vector.broadcast %reduce_sum3A_622 : f32 to vector<16xf32>
        %select_n3A_624 = arith.select %eq3A_614, %broadcast_in_dim3A_623, %scan3A_464 : vector<16xi1>, vector<16xf32>
        scf.yield %select_n3A, %select_n3A_624 : vector<16xf32>, vector<16xf32>
      }
      %scan3A_453 = arith.constant 16 : i32
      %mul3A_454 = arith.constant 16 : i32
      %mul3A_455 = arith.muli %scan3A_445, %mul3A_454 : i32
      %add3A_456 = arith.constant 896 : i32
      %add3A_457 = arith.addi %add3A_456, %mul3A_455 : i32
      %swap3A = arith.index_cast %add3A_457 : i32 to index
      %swap3A_458 = tpu.vector_load %arg13[%swap3A] {strides = array<i32>} : memref<1024xf32, #tpu.memory_space<vmem>>, vector<16xf32>,
      tpu.vector_store %arg13[%swap3A], %scan3A_452#0 {strides = array<i32>} : memref<1024xf32, #tpu.memory_space<vmem>>, vector<16xf32>,
      %swap3A_459 = arith.index_cast %add3A_457 : i32 to index
      %swap3A_460 = tpu.vector_load %arg14[%swap3A_459] {strides = array<i32>} : memref<1024xf32, #tpu.memory_space<vmem>>, vector<16xf32>,
      tpu.vector_store %arg14[%swap3A_459], %scan3A_452#1 {strides = array<i32>} : memref<1024xf32, #tpu.memory_space<vmem>>, vector<16xf32>,
      %scan3A_461 = arith.constant 0 : i32
      scf.yield %scan3A_461 : i32
    }
    %scan3A_444 = arith.constant 8 : i32
    "tpu.region"() ({
      %run_scoped3A_445 = tpu.sem_alloc : memref<!tpu.dma_semaphore, #tpu.memory_space<semaphore_mem>>
      %dma_start3A_446 = tpu.memref_slice %arg4[%mul3A_2] : memref<32768xf32, #tpu.memory_space<hbm>> -> memref<1024xf32, #tpu.memory_space<hbm>>
      %dma_start3A_447 = tpu.memref_slice %arg4[%mul3A_2] : memref<32768xf32, #tpu.memory_space<hbm>> -> memref<1024xf32, #tpu.memory_space<hbm>>
      tpu.enqueue_dma source(%arg13 : memref<1024xf32, #tpu.memory_space<vmem>>) target(%dma_start3A_447 : memref<1024xf32, #tpu.memory_space<hbm>>) target_semaphore(%run_scoped3A_445 : memref<!tpu.dma_semaphore, #tpu.memory_space<semaphore_mem>>)
      %dma_wait3A_448 = tpu.memref_slice %arg4[%mul3A_2] : memref<32768xf32, #tpu.memory_space<hbm>> -> memref<1024xf32, #tpu.memory_space<hbm>>
      %dma_wait3A_449 = tpu.memref_slice %arg4[%mul3A_2] : memref<32768xf32, #tpu.memory_space<hbm>> -> memref<1024xf32, #tpu.memory_space<hbm>>
      tpu.wait_dma2 semaphore(%run_scoped3A_445 : memref<!tpu.dma_semaphore, #tpu.memory_space<semaphore_mem>>) src(%arg13 : memref<1024xf32, #tpu.memory_space<vmem>>) dst(%dma_wait3A_449 : memref<1024xf32, #tpu.memory_space<hbm>>)
      tpu.yield
    }) : () -> ()
    "tpu.region"() ({
      %run_scoped3A_445 = tpu.sem_alloc : memref<!tpu.dma_semaphore, #tpu.memory_space<semaphore_mem>>
      %dma_start3A_446 = tpu.memref_slice %arg5[%mul3A_2] : memref<32768xf32, #tpu.memory_space<hbm>> -> memref<1024xf32, #tpu.memory_space<hbm>>
      %dma_start3A_447 = tpu.memref_slice %arg5[%mul3A_2] : memref<32768xf32, #tpu.memory_space<hbm>> -> memref<1024xf32, #tpu.memory_space<hbm>>
      tpu.enqueue_dma source(%arg14 : memref<1024xf32, #tpu.memory_space<vmem>>) target(%dma_start3A_447 : memref<1024xf32, #tpu.memory_space<hbm>>) target_semaphore(%run_scoped3A_445 : memref<!tpu.dma_semaphore, #tpu.memory_space<semaphore_mem>>)
      %dma_wait3A_448 = tpu.memref_slice %arg5[%mul3A_2] : memref<32768xf32, #tpu.memory_space<hbm>> -> memref<1024xf32, #tpu.memory_space<hbm>>
      %dma_wait3A_449 = tpu.memref_slice %arg5[%mul3A_2] : memref<32768xf32, #tpu.memory_space<hbm>> -> memref<1024xf32, #tpu.memory_space<hbm>>
      tpu.wait_dma2 semaphore(%run_scoped3A_445 : memref<!tpu.dma_semaphore, #tpu.memory_space<semaphore_mem>>) src(%arg14 : memref<1024xf32, #tpu.memory_space<vmem>>) dst(%dma_wait3A_449 : memref<1024xf32, #tpu.memory_space<hbm>>)
      tpu.yield
    }) : () -> ()
    return
  }
}

module attributes {stable_mosaic.version = 14 : i64} {
  func.func @body(%arg0: memref<256x128xf32, #tpu.memory_space<vmem>>, %arg1: memref<256x128xf32, #tpu.memory_space<vmem>>, %arg2: memref<256x128xf32, #tpu.memory_space<vmem>>, %arg3: memref<256x128xf32, #tpu.memory_space<vmem>>, %arg4: memref<1x1xf32, #tpu.memory_space<smem>>) attributes {dimension_semantics = [], scalar_prefetch = 0 : i64, scratch_operands = 0 : i64, tpu.core_type = #tpu.core_type<tc>} {
    %get3A = arith.constant 0 : index
    %get3A_0 = arith.constant 0 : index
    %get3A_1 = vector.load %arg0[%get3A, %get3A_0] : memref<256x128xf32, #tpu.memory_space<vmem>>, vector<256x128xf32>
    %sqrt3A = math.sqrt %get3A_1 : vector<256x128xf32>
    %get3A_2 = arith.constant 0 : index
    %get3A_3 = arith.constant 0 : index
    %get3A_4 = vector.load %arg1[%get3A_2, %get3A_3] : memref<256x128xf32, #tpu.memory_space<vmem>>, vector<256x128xf32>
    %sqrt3A_5 = math.sqrt %get3A_4 : vector<256x128xf32>
    %swap3A = arith.constant 0 : index
    %swap3A_6 = arith.constant 0 : index
    %swap3A_7 = vector.load %arg2[%swap3A, %swap3A_6] : memref<256x128xf32, #tpu.memory_space<vmem>>, vector<256x128xf32>
    tpu.vector_store %arg2[%swap3A, %swap3A_6], %sqrt3A {strides = array<i32>} : memref<256x128xf32, #tpu.memory_space<vmem>>, vector<256x128xf32>,
    %swap3A_8 = arith.constant 0 : index
    %swap3A_9 = arith.constant 0 : index
    %swap3A_10 = vector.load %arg3[%swap3A_8, %swap3A_9] : memref<256x128xf32, #tpu.memory_space<vmem>>, vector<256x128xf32>
    tpu.vector_store %arg3[%swap3A_8, %swap3A_9], %sqrt3A_5 {strides = array<i32>} : memref<256x128xf32, #tpu.memory_space<vmem>>, vector<256x128xf32>,
    %sub3A = arith.subf %sqrt3A, %sqrt3A_5 : vector<256x128xf32>
    %add3A = arith.constant 2.000000e-01 : f32
    %add3A_11 = vector.broadcast %add3A : f32 to vector<256x128xf32>
    %add3A_12 = arith.addf %sub3A, %add3A_11 : vector<256x128xf32>
    %max3A = arith.constant 0.000000e+00 : f32
    %max3A_13 = vector.broadcast %max3A : f32 to vector<256x128xf32>
    %max3A_14 = arith.maximumf %add3A_12, %max3A_13 : vector<256x128xf32>
    %reduce_sum3A = vector.shape_cast %max3A_14 : vector<256x128xf32> to vector<1x256x128xf32>
    %reduce_sum3A_15 = arith.constant dense<0.000000e+00> : vector<1xf32>
    %reduce_sum3A_16 = vector.multi_reduction <add>, %reduce_sum3A, %reduce_sum3A_15 [1, 2] : vector<1x256x128xf32> to vector<1xf32>
    %reduce_sum3A_17 = vector.shape_cast %reduce_sum3A_16 : vector<1xf32> to vector<1x1x1xf32>
    %reduce_sum3A_18 = vector.extract %reduce_sum3A_17[0, 0, 0] : f32 from vector<1x1x1xf32>
    %div3A = arith.constant 3.276800e+04 : f32
    %div3A_19 = arith.divf %reduce_sum3A_18, %div3A : f32
    %swap3A_20 = arith.constant 0 : index
    %swap3A_21 = arith.constant 0 : index
    %swap3A_22 = memref.load %arg4[%swap3A_20, %swap3A_21] : memref<1x1xf32, #tpu.memory_space<smem>>
    memref.store %div3A_19, %arg4[%swap3A_20, %swap3A_21] : memref<1x1xf32, #tpu.memory_space<smem>>
    return
  }
}

</mosaic_0001>

<sc_bundles>
// kernel: kernel.4.cloned.1.call-start
scs
__scs_entry_jumppad:
0x0: {  	(pc) =	sbr.rel $0x88, $3  }
0x1: {  	(tag) =	ssettag $0x0;
	lr =	simm.s32 $0x1  }
0x2: {  	[smem:$0x3F9F] =	sst lr;
	_ =	strace $0xD0000000  }
0x3: {  	_ = 	snop  }
0x4: {  	_ = 	snop  }
0x5: {  	_ = 	snop  }
0x6: {  	_ = 	snop  }
0x7: {  	_ = 	snop  }
__scs_overlays_trampoline_lowered:
0x8: {  	[smem:$0x3FAE] =	sst s0  }
0x9: {  	[smem:$0x3FAF] =	sst s1  }
0xa: {  	[smem:$0x3FB0] =	sst s2  }
0xb: {  	[smem:$0x3FB1] =	sst s3  }
0xc: {  	[smem:$0x3FB2] =	sst s4  }
0xd: {  	[smem:$0x3FB3] =	sst s5  }
0xe: {  	[smem:$0x3FB4] =	sst s6  }
0xf: {  	[smem:$0x3FB5] =	sst s7  }
0x10: {  	[smem:$0x3FB6] =	sst s8  }
0x11: {  	[smem:$0x3FB7] =	sst s9;
	s0 =	simm.s32 @!p0 $0x0  }
0x12: {  	s1 =	sld [smem:$0x3F9D];
	s0 =	simm.s32 @p0 $0x1  }
0x13: {  	[smem:$0x3FB8] =	sst s0;
	s0 =	simm.s32 @!p1 $0x0  }
0x14: {  	s2 =	sld [smem:$0x3F9C];
	s0 =	simm.s32 @p1 $0x1  }
0x15: {  	[smem:$0x3FB9] =	sst s0;
	s0 =	simm.s32 @!p2 $0x0  }
0x16: {  	s3 =	sld [smem:$0x3FDB];
	s0 =	simm.s32 @p2 $0x1  }
0x17: {  	s4 =	simm.s32 $0x1BF5;
	[smem:$0x3FBB] =	sst s0  }
0x18: {  	s0 =	sld [smem:$0x3F9E];
	_ =	swait.ge [sflag:s4], $0x0  }
0x19: {  	s7 =	sld [smem:$0x3F9F]  }
0x1a: {  	s8 =	sadd.s32 $0xFFFFE003, lr  }
0x1b: {  	s9 =	sadd.s32 $0xFFFFFEF7, lr;
	s5 =	simm.s32 $0xFFFFFFFF;
	p2 =	slt.u32 s8, $0xFFFFF086  }
0x1c: {  	p1 =	slt.u32 s9, $0xF7A;
	s5 =	simm.s32 @!p2 $0x0  }
0x1d: {  	s5 =	simm.s32 @p1 $0x1;
	p0 =	seq.s32 s7, s2  }
0x1e: {  	s7 =	smul.u32 @!p0 $0xF7A, s2;
	p2 =	seq.s32 @!p0 s5, $0x0  }
0x1f: {  	s9 =	smul.u32 $0xF7A, s1;
	s8 =	simm.s32 @!p0 $0x1BF5;
	p2 =	por !p2, p0  }
0x20: {  	[sflag:s8] =	ssyncset.s32 @!p0 $0xFFFFF086;
	s6 =	sadd.s32 @!p0 s3, s7;
	s7 =	simm.s32 @!p0 $0x108  }
0x21: {  	s3 =	sadd.s32 s3, s9;
	s6 =	sadd.s32 @!p0 $0x88, s6;
	s7 =	simm.s32 @p2 $0x1082  }
0x22: {  	[simem:s7], [sflag:s8] =	dma.local @!p0 [hbm:s6], $0xF7A  }
0x23: {  	s9 =	sor.u32 $0xD0000000, s2;
	s6 =	simm.s32 $0x108;
	_ =	swait.ge @!p0 [sflag:s8], $0x0  }
0x24: {  	s3 =	sadd.s32 $0x88, s3;
	s6 =	simm.s32 @!p1 $0x1082;
	[sflag:s4] =	ssyncset.s32 $0xFFFFF086  }
0x25: {  	[simem:s6], [sflag:s4] =	dma.local [hbm:s3], $0xF7A  }
0x26: {  	[smem:$0x3F9F] =	sst s1;
	(tag) =	ssettag s2;
	_ =	strace s9  }
0x27: {  	s1 =	sld [smem:$0x3FAF]  }
0x28: {  	s2 =	sld [smem:$0x3FB0]  }
0x29: {  	s4 =	sld [smem:$0x3FB2]  }
0x2a: {  	p0 =	seq.s32 s5, $0x0;
	s5 =	sld [smem:$0x3FB3]  }
0x2b: {  	s6 =	sld [smem:$0x3FB4]  }
0x2c: {  	s7 =	sld [smem:$0x3FB5]  }
0x2d: {  	s3 =	simm.s32 $0x108;
	s8 =	sld [smem:$0x3FB6]  }
0x2e: {  	s3 =	simm.s32 @!p0 $0x1082;
	s9 =	sld [smem:$0x3FB7]  }
0x2f: {  	lr =	sadd.s32 s0, s3;
	s0 =	sld [smem:$0x3FAE]  }
0x30: {  	s3 =	sld [smem:$0x3FB1]  }
0x31: {  	[smem:$0x3FBA] =	sst s10  }
0x32: {  	s10 =	sld [smem:$0x3FB8];
	_ =	sdelay $0x3  }
0x33: {  	p0 =	seq.s32 s10, $0x1;
	s10 =	sld [smem:$0x3FBA];
	_ =	sdelay $0x3  }
0x34: {  	[smem:$0x3FBA] =	sst s10  }
0x35: {  	s10 =	sld [smem:$0x3FB9];
	_ =	sdelay $0x3  }
0x36: {  	p1 =	seq.s32 s10, $0x1;
	s10 =	sld [smem:$0x3FBA];
	_ =	sdelay $0x3  }
0x37: {  	[smem:$0x3FBA] =	sst s10  }
0x38: {  	s10 =	sld [smem:$0x3FBB]  }
0x39: {  	_ = 	snop;
	(pc) =	sbr.ind lr, $3  }
0x3a: {  	_ = 	snop  }
0x3b: {  	_ = 	snop  }
0x3c: {  	p2 =	seq.s32 s10, $0x1;
	s10 =	sld [smem:$0x3FBA]  }
0x3d: {  	_ =	shalt  }
0x3e: {  	_ =	shalt  }
0x3f: {  	_ =	shalt  }
0x40: {  	_ =	shalt  }
0x41: {  	_ =	shalt  }
0x42: {  	_ =	shalt  }
0x43: {  	_ =	shalt  }
0x44: {  	_ =	shalt  }
0x45: {  	_ =	shalt  }
0x46: {  	_ =	shalt  }
0x47: {  	_ =	shalt  }
0x48: {  	_ =	shalt  }
0x49: {  	_ =	shalt  }
0x4a: {  	_ =	shalt  }
0x4b: {  	_ =	shalt  }
0x4c: {  	_ =	shalt  }
0x4d: {  	_ =	shalt  }
0x4e: {  	_ =	shalt  }
0x4f: {  	_ =	shalt  }
0x50: {  	_ =	shalt  }
0x51: {  	_ =	shalt  }
0x52: {  	_ =	shalt  }
0x53: {  	_ =	shalt  }
0x54: {  	_ =	shalt  }
0x55: {  	_ =	shalt  }
0x56: {  	_ =	shalt  }
0x57: {  	_ =	shalt  }
0x58: {  	_ =	shalt  }
0x59: {  	_ =	shalt  }
0x5a: {  	_ =	shalt  }
0x5b: {  	_ =	shalt  }
0x5c: {  	_ =	shalt  }
0x5d: {  	_ =	shalt  }
0x5e: {  	_ =	shalt  }
0x5f: {  	_ =	shalt  }
0x60: {  	_ =	shalt  }
0x61: {  	_ =	shalt  }
0x62: {  	_ =	shalt  }
0x63: {  	_ =	shalt  }
0x64: {  	_ =	shalt  }
0x65: {  	_ =	shalt  }
0x66: {  	_ =	shalt  }
0x67: {  	_ =	shalt  }
0x68: {  	_ =	shalt  }
0x69: {  	_ =	shalt  }
0x6a: {  	_ =	shalt  }
0x6b: {  	_ =	shalt  }
0x6c: {  	_ =	shalt  }
0x6d: {  	_ =	shalt  }
0x6e: {  	_ =	shalt  }
0x6f: {  	_ =	shalt  }
0x70: {  	_ =	shalt  }
0x71: {  	_ =	shalt  }
0x72: {  	_ =	shalt  }
0x73: {  	_ =	shalt  }
0x74: {  	_ =	shalt  }
0x75: {  	_ =	shalt  }
0x76: {  	_ =	shalt  }
0x77: {  	_ =	shalt  }
0x78: {  	_ =	shalt  }
0x79: {  	_ =	shalt  }
0x7a: {  	_ =	shalt  }
0x7b: {  	_ =	shalt  }
0x7c: {  	_ =	shalt  }
0x7d: {  	_ =	shalt  }
0x7e: {  	_ =	shalt  }
0x7f: {  	_ =	shalt  }
0x80: {  	_ =	shalt  }
0x81: {  	_ =	shalt  }
0x82: {  	_ =	shalt  }
0x83: {  	_ =	shalt  }
0x84: {  	_ =	shalt  }
0x85: {  	_ =	shalt  }
0x86: {  	_ =	shalt  }
0x87: {  	_ =	shalt  }
.Lfunc_end0:
.L_simem_size_0:
called_computation_lowered:
.L_overlay_start_0:
0x88: {  	s2 =	sld [smem:$0x3FD9]  }
0x89: {  	s3 =	sld [smem:$0x3FFE];
	_ =	sdelay $0x1  }
0x8a: {  	s1 =	srdreg.scid  }
0x8b: {  	s0 =	sand.u32 $0x1, s1  }
0x8c: {  	s14 =	sshll.u32 s0, $0xA;
	s2 =	sadd.s32 s3, s2  }
0x8d: {  	s2 =	sadd.s32 s2, s14  }
0x8e: {  	[smem:$0x3FC6] =	sst s2  }
0x8f: {  	_ = 	snop  }
0x90: {  	s2 =	sld [smem:$0x3FD0];
	_ =	sdelay $0x2  }
0x91: {  	s4 =	simm.s32 $0xA;
	s5 =	simm.s32 $0x10;
	s15 =	sld [smem:$0x3FC9]  }
0x92: {  	[smem:s5], [sflag:s4] =	dma.local [hbm:s2], $0x1  }
0x93: {  	_ =	swait.eq [sflag:s4], $0x1  }
0x94: {  	[sflag:s4] =	ssyncset.done $0x0  }
0x95: {  	s16 =	sld [smem:$0x11];
	[sflag:s4] =	ssyncadd.s32 $0xFFFFFFFF  }
0x96: {  	s17 =	sld [smem:$0x12];
	(tm) =	ssettm $0x1  }
0x97: {  	s18 =	sld [smem:$0x3FFB];
	_ =	sdelay $0x3  }
0x98: {  	_ =	strace s18  }
0x99: {  	s5 =	sld [smem:$0x3FFC];
	_ =	sdelay $0x3  }
0x9a: {  	_ =	strace s5  }
0x9b: {  	s5 =	sld [smem:$0x3FFD];
	_ =	sdelay $0x3  }
0x9c: {  	_ =	strace s5  }
0x9d: {  	_ =	strace $0x8FFFFFFF  }
0x9e: {  	s19 =	sld [smem:$0x3FDB];
	_ =	sdelay $0x1  }
0x9f: {  	s6 =	simm.s32 $_scs_section_size  }
0xa0: {  	s7 =	simm.s32 $_size__tile_overlayer_lowered;
	s8 =	simm.s32 $_tile_overlayer_lowered  }
0xa1: {  	s22 =	simm.s32 $0x1BFF;
	s21 =	sshll.u32 s8, $0x1;
	s5 =	sadd.s32 s6, s19  }
0xa2: {  	s9 =	simm.s32 $0x0;
	s20 =	sshll.u32 s7, $0x1;
	s7 =	sadd.s32 s21, s5  }
0xa3: {  	[timem:s9], [sflag:s22] =	dma.local [hbm:s7], s20  }
0xa4: {  	_ =	swait.ge [sflag:s22], s20  }
0xa5: {  	s6 =	ssub.s32 $0x0, s20;
	[sflag:s22] =	ssyncset.done $0x0  }
0xa6: {  	[sflag:s22] =	ssyncadd.s32 s6;
	_ =	sdelay $0x1  }
0xa7: {  	s23 =	simm.s32 $0x1B8B  }
0xa8: {  	_ =	swait.ge [sflag:s23], $0x1  }
0xa9: {  	[sflag:s23] =	ssyncset.done $0x0  }
0xaa: {  	s25 =	simm.s32 $0x1B8E;
	s24 =	sld [smem:$0x3FFE];
	[sflag:s23] =	ssyncadd.s32 $0xFFFFFFFF  }
0xab: {  	s26 =	simm.s32 $execute0_lowered;
	[smem:$0x3FD2] =	sst s25  }
0xac: {  	s7 =	sshll.u32 s26, $0x1;
	_ =	strace $0x80000046;
	[dreg:$0x1] =	wrdreg $0xFFFFFFFF  }
0xad: {  	s28 =	simm.s32 $_size_execute0_lowered;
	s5 =	sadd.s32 s5, s7;
	[dreg:$0x0] =	wrdreg $0x0  }
0xae: {  	s7 =	sshll.u32 s28, $0x1;
	[dreg:$0x2] =	wrdreg s5  }
0xaf: {  	[dreg:$0x3] =	wrdreg s7  }
0xb0: {  	[dreg:$0x4] =	wrdreg $0xC0  }
0xb1: {  	_ =	task [dreg:s9], $0x5FFFF  }
0xb2: {  	[dreg:$0x1] =	wrdreg $0xFFFFFFFF  }
0xb3: {  	[dreg:$0x0] =	wrdreg $0x60  }
0xb4: {  	[dreg:$0x2] =	wrdreg s15  }
0xb5: {  	[dreg:$0x3] =	wrdreg s24  }
0xb6: {  	[dreg:$0x4] =	wrdreg s17  }
0xb7: {  	[dreg:$0x5] =	wrdreg s16  }
0xb8: {  	[dreg:$0x6] =	wrdreg $0x9  }
0xb9: {  	_ =	task.clear_ibuf [dreg:s9], $0x7FFFF;
	_ =	strace $0x90000046  }
0xba: {  	s29 =	simm.s32 $0x9;
	_ =	strace $0x80000048  }
0xbb: {  	_ =	swait.ge [sflag:s29], $0x1  }
0xbc: {  	[sflag:s29] =	ssyncadd.s32 $0xFFFFFFFF  }
0xbd: {  	_ =	strace $0x90000048  }
0xbe: {  	_ =	sfence  }
0xbf: {  	s30 =	sld [smem:$0x0];
	_ =	sdelay $0x2  }
0xc0: {  	s31 =	sshll.u32 s1, $0xD;
	s1 =	sshrl.u32 s1, $0x2  }
0xc1: {  	s3 =	sand.u32 $0x4000, s31;
	s1 =	sadd.s32 s1, s30  }
0xc2: {  	s0 =	sor.u32 s3, s0;
	s1 =	sshll.u32 s1, $0x11  }
0xc3: {  	s0 =	sor.u32 s1, s0  }
0xc4: {  	s0 =	sadd.s32 $0x8F2B, s0  }
0xc5: {  	[sflag:s0] =	ssyncadd.remote.s32 $0x1  }
0xc6: {  	_ =	sfence.sel $0xFFFF  }
0xc7: {  	[dreg:$0x0] =	wrdreg $0xFFFFFFFF;
	(pc) =	sbr.abs _section_cstart, $3  }
0xc8: {  	[dreg:$0x1] =	wrdreg $0xFFFFFFFF  }
0xc9: {  	_ =	task.clear_ibuf [dreg:s9], $0x2FFFF;
	_ =	strace $0x9FFFFFFF  }
0xca: {  	(tm) =	ssettm $0x7FFFFFFF  }
0xcb: {  	_ =	shalt  }
tec
execute0_lowered:
.L_overlay_start_1:
0x0: {  	(tag) =	ssettag $0x1  }
0x1: {  	s1 =	rddreg [dreg:$0x0]  }
0x2: {  	s0 =	rddreg [dreg:$0x1]  }
0x3: {  	s2 =	rddreg [dreg:$0x2]  }
0x4: {  	s8 =	rddreg [dreg:$0x3];
	s3 =	srdreg.scid  }
0x5: {  	s5 =	stileid.u32;
	s12 =	simm.s32 $0x800;
	s13 =	simm.s32 $0x80  }
0x6: {  	s14 =	simm.s32 $0xC00;
	s15 =	simm.s32 $0x4C00;
	s16 =	simm.s32 $0x8C00  }
0x7: {  	s17 =	simm.s32 $0xCC00;
	s19 =	simm.s32 $0x10C00;
	s21 =	simm.s32 $0x14C00  }
0x8: {  	s22 =	simm.s32 $0x1;
	s26 =	simm.s32 $0x2;
	s18 =	simm.s32 $0x0  }
0x9: {  	s4 =	sand.u32 $0x1, s3;
	s3 =	simm.s32 $0x0;
	s5 =	sshll.u32 s5, $0x8  }
0xa: {  	s6 =	sshll.u32 s4, $0x7;
	[smem:$0x7FF] =	sst s3;
	s4 =	ssub.s32 $0x2, s4  }
0xb: {  	s9 =	sor.u32 s6, s5;
	_ =	strace $0x80000047;
	s31 =	sshrl.u32 s4, $0x1  }
0xc: {  	s0 =	sadd.s32 s9, s0;
	s10 =	ssub.s32 s4, s31;
	s7 =	sadd.s32 s2, s9  }
0xd: {  	s8 =	sadd.s32 s8, s9;
	s4 =	sadd.s32 $0x1000, s0;
	s5 =	sadd.s32 $0x2000, s0  }
0xe: {  	v0 =	vlaneseq.u32;
	s6 =	sadd.s32 $0x3000, s0;
	s9 =	smax.u32 s10, $0x1;
	s10 =	simm.s32 $0x3  }
.LBB2_1:
0xf: {  	[tilespmem:s3], [sflag:$0x3] =	stream.linear.gather [hbm4b:s4+s3], $0x400, $0x38;
	[tilespmem:$0x19400] =	vst v63  }
0x10: {  	_ =	swait.ge [sflag:s10], $0x400  }
0x11: {  	[sflag:s10] =	ssyncset.done $0x0  }
0x12: {  	s0 =	simm.s32 $0x400;
	[sflag:s10] =	ssyncadd.s32 $0xFFFFFC00  }
0x13: {  	[tilespmem:s0], [sflag:$0x3] =	stream.linear.gather [hbm4b:s5+s3], $0x400, $0x38;
	[tilespmem:$0x19400] =	vst v63  }
0x14: {  	_ =	swait.ge [sflag:s10], $0x400  }
0x15: {  	[sflag:s10] =	ssyncset.done $0x0  }
0x16: {  	[sflag:s10] =	ssyncadd.s32 $0xFFFFFC00  }
0x17: {  	[tilespmem:s12], [sflag:$0x3] =	stream.linear.gather [hbm4b:s6+s3], $0x400, $0x38;
	[tilespmem:$0x19400] =	vst v63  }
0x18: {  	_ =	swait.ge [sflag:s10], $0x400  }
0x19: {  	[sflag:s10] =	ssyncset.done $0x0  }
0x1a: {  	[sflag:s10] =	ssyncadd.s32 $0xFFFFFC00  }
0x1b: {  	[tilespmem:s14], [sflag:$0x1] =	stream.indirect.gather [hbm4b:s1+s13], $0x80, s3, s13, $0xb8;
	[tilespmem:$0x19400] =	vst v63  }
0x1c: {  	_ = 	snop  }
0x1d: {  	[tilespmem:s15], [sflag:$0x1] =	stream.indirect.gather [hbm4b:s1+s13], $0x80, s0, s13, $0xb8;
	[tilespmem:$0x19400] =	vst v63  }
0x1e: {  	_ = 	snop  }
0x1f: {  	[tilespmem:s16], [sflag:$0x1] =	stream.indirect.gather [hbm4b:s1+s13], $0x80, s12, s13, $0xb8;
	[tilespmem:$0x19400] =	vst v63  }
0x20: {  	_ = 	snop  }
0x21: {  	[tilespmem:s17], [sflag:$0x2] =	stream.indirect.gather [hbm4b:s1+s13], $0x80, s13, s13, $0xb8;
	[tilespmem:$0x19400] =	vst v63  }
0x22: {  	s30 =	simm.s32 $0x480  }
0x23: {  	[tilespmem:s19], [sflag:$0x2] =	stream.indirect.gather [hbm4b:s1+s13], $0x80, s30, s13, $0xb8;
	[tilespmem:$0x19400] =	vst v63  }
0x24: {  	s31 =	simm.s32 $0x880  }
0x25: {  	[tilespmem:s21], [sflag:$0x2] =	stream.indirect.gather [hbm4b:s1+s13], $0x80, s31, s13, $0xb8;
	[tilespmem:$0x19400] =	vst v63  }
0x26: {  	_ =	swait.ge [sflag:s22], $0x4000  }
0x27: {  	[sflag:s22] =	ssyncset.done $0x0  }
0x28: {  	[sflag:s22] =	ssyncadd.s32 $0xFFFFC000  }
0x29: {  	_ =	swait.ge [sflag:s22], $0x4000  }
0x2a: {  	[sflag:s22] =	ssyncset.done $0x0  }
0x2b: {  	[sflag:s22] =	ssyncadd.s32 $0xFFFFC000  }
0x2c: {  	_ =	swait.ge [sflag:s22], $0x4000  }
0x2d: {  	s20 =	simm.s32 $0xC40;
	s23 =	simm.s32 $0x4C40;
	[sflag:s22] =	ssyncset.done $0x0  }
0x2e: {  	s24 =	simm.s32 $0x8C40;
	s25 =	simm.s32 $0x0;
	[sflag:s22] =	ssyncadd.s32 $0xFFFFC000  }
.LBB2_2:
0x2f: {  	v1 =	vld [tilespmem:s23+$0xFFFFFFE0]  }
0x30: {  	v2 =	vld [tilespmem:s23+$0xFFFFFFC0]  }
0x31: {  	v4 =	vld [tilespmem:s24+$0xFFFFFFC0]  }
0x32: {  	v5 =	vld [tilespmem:s20+$0xFFFFFFC0]  }
0x33: {  	v6 =	vld [tilespmem:s20+$0xFFFFFFD0]  }
0x34: {  	v7 =	vld [tilespmem:s20+$0xFFFFFFE0]  }
0x35: {  	v8 =	vld [tilespmem:s24+$0xFFFFFFD0]  }
0x36: {  	v9 =	vld [tilespmem:s20+$0xFFFFFFF0]  }
0x37: {  	v10 =	vld [tilespmem:s24+$0xFFFFFFE0]  }
0x38: {  	v11 =	vld [tilespmem:s20+$0x0]  }
0x39: {  	v3 =	vld [tilespmem:s23+$0xFFFFFFD0]  }
0x3a: {  	v13 =	vld [tilespmem:s20+$0x10];
	v5 =	vadd.f32 $9.999999960e-13, v5;
	v6 =	vadd.f32 $9.999999960e-13, v6  }
0x3b: {  	v12 =	vld [tilespmem:s24+$0xFFFFFFF0];
	v7 =	vadd.f32 $9.999999960e-13, v7;
	v9 =	vadd.f32 $9.999999960e-13, v9  }
0x3c: {  	v14 =	vld [tilespmem:s24+$0x0];
	v4 =	vsub.f32 v5, v4;
	v8 =	vsub.f32 v6, v8  }
0x3d: {  	v15 =	vld [tilespmem:s20+$0x20];
	v11 =	vadd.f32 $9.999999960e-13, v11;
	v10 =	vsub.f32 v7, v10  }
0x3e: {  	v16 =	vld [tilespmem:s24+$0x10];
	v2 =	vsub.f32 v5, v2;
	v4 =	vmul.f32 v4, v4;
	v8 =	vmul.f32 v8, v8  }
0x3f: {  	v5 =	vadd.f32 $9.999999960e-13, v13;
	v13 =	vld [tilespmem:s24+$0x20];
	v1 =	vsub.f32 v7, v1  }
0x40: {  	v7 =	vld [tilespmem:s23+$0x10];
	v4 =	vadd.f32 v8, v4;
	v8 =	vmul.f32 v10, v10;
	v10 =	vsub.f32 v9, v12  }
0x41: {  	v3 =	vsub.f32 v6, v3;
	v12 =	vld [tilespmem:s20+$0x30]  }
0x42: {  	v14 =	vsub.f32 v11, v14;
	v4 =	vadd.f32 v8, v4;
	v8 =	vld [tilespmem:s23+$0xFFFFFFF0];
	v10 =	vmul.f32 v10, v10  }
0x43: {  	v6 =	vadd.f32 $9.999999960e-13, v15;
	v15 =	vld [tilespmem:s24+$0x30];
	v2 =	vmul.f32 v2, v2;
	v3 =	vmul.f32 v3, v3  }
0x44: {  	v14 =	vmul.f32 v14, v14;
	v16 =	vsub.f32 v5, v16;
	v4 =	vadd.f32 v10, v4;
	v10 =	vld [tilespmem:s23+$0x0]  }
0x45: {  	v57 =	vld [tilespmem:s23+$0x20];
	s2 =	sadd.s32 $0x80, s20;
	v2 =	vadd.f32 v3, v2;
	v13 =	vsub.f32 v6, v13  }
0x46: {  	s0 =	sadd.s32 $0x80, s24;
	v58 =	vld [tilespmem:s2+$0x20];
	v12 =	vadd.f32 $9.999999960e-13, v12;
	v4 =	vadd.f32 v14, v4;
	v14 =	vmul.f32 v16, v16  }
0x47: {  	v1 =	vmul.f32 v1, v1;
	v5 =	vsub.f32 v5, v7;
	v7 =	vld [tilespmem:s0+$0xFFFFFFC0];
	v3 =	vsub.f32 v9, v8  }
0x48: {  	s11 =	sadd.s32 $0x80, s23;
	v13 =	vmul.f32 v13, v13;
	v8 =	vld [tilespmem:s23+$0x30];
	v4 =	vadd.f32 v14, v4;
	v14 =	vsub.f32 v12, v15  }
0x49: {  	v1 =	vadd.f32 v1, v2;
	v15 =	vld [tilespmem:s11+$0xFFFFFFC0];
	v2 =	vmul.f32 v3, v3;
	v3 =	vsub.f32 v11, v10  }
0x4a: {  	v10 =	vld [tilespmem:s11+$0xFFFFFFD0];
	v4 =	vadd.f32 v13, v4;
	v11 =	vmul.f32 v14, v14  }
0x4b: {  	v1 =	vadd.f32 v2, v1;
	v2 =	vmul.f32 v3, v3;
	v3 =	vld [tilespmem:s2+$0xFFFFFFC0]  }
0x4c: {  	v4 =	vadd.f32 v11, v4;
	v11 =	vld [tilespmem:s2+$0xFFFFFFD0]  }
0x4d: {  	v6 =	vsub.f32 v6, v57;
	v5 =	vmul.f32 v5, v5;
	v1 =	vadd.f32 v2, v1;
	v2 =	vld [tilespmem:s2+$0xFFFFFFE0]  }
0x4e: {  	(xrf2) =	vadd.scan.msk.f32 $0xffff, v4;
	v4 =	vsub.f32 v12, v8;
	v8 =	vld [tilespmem:s0+$0xFFFFFFD0]  }
0x4f: {  	v6 =	vmul.f32 v6, v6;
	v1 =	vadd.f32 v5, v1;
	v5 =	vld [tilespmem:s2+$0xFFFFFFF0]  }
0x50: {  	v12 =	vld [tilespmem:s0+$0xFFFFFFE0];
	v3 =	vadd.f32 $9.999999960e-13, v3  }
0x51: {  	v1 =	vadd.f32 v6, v1;
	v6 =	vadd.f32 $9.999999960e-13, v11;
	v11 =	vld [tilespmem:s2+$0x0]  }
0x52: {  	v4 =	vmul.f32 v4, v4;
	v13 =	vadd.f32 $9.999999960e-13, v2;
	v2 =	vld [tilespmem:s0+$0xFFFFFFF0];
	v7 =	vsub.f32 v3, v7  }
0x53: {  	s28 =	simm.s32 $0x0;
	v14 =	vld [tilespmem:s2+$0x10];
	v3 =	vsub.f32 v3, v15;
	v8 =	vsub.f32 v6, v8  }
0x54: {  	v17 =	vmov s28;
	v15 =	vld [tilespmem:s0+$0x0];
	v4 =	vadd.f32 v4, v1;
	v5 =	vadd.f32 $9.999999960e-13, v5  }
0x55: {  	v9 =	vld [tilespmem:s11+$0xFFFFFFE0];
	v7 =	vmul.f32 v7, v7;
	v12 =	vsub.f32 v13, v12;
	v8 =	vmul.f32 v8, v8  }
0x56: {  	vm0 =	veq.s32 v17, v0;
	v6 =	vsub.f32 v6, v10;
	v10 =	vadd.f32 $9.999999960e-13, v11;
	v11 =	vld [tilespmem:s0+$0x10]  }
0x57: {  	v7 =	vadd.f32 v8, v7;
	v8 =	vmul.f32 v12, v12;
	v2 =	vsub.f32 v5, v2;
	v12 =	vld [tilespmem:s2+$0x30]  }
0x58: {  	v19 =	vld [tilespmem:s0+$0x20];
	v16 =	vadd.f32 $9.999999960e-13, v58;
	v14 =	vadd.f32 $9.999999960e-13, v14;
	v1 =	vimm.f32 $0.0e+00  }
0x59: {  	v18, _, _ =	vpop (xrf2);
	(xrf2) =	vadd.scan.msk.f32 $0xffff, v4;
	v15 =	vsub.f32 v10, v15;
	v4 =	vadd.f32 v8, v7;
	v7 =	vld [tilespmem:s11+$0xFFFFFFF0];
	v8 =	vmul.f32 v2, v2  }
0x5a: {  	v60 =	vld [tilespmem:s0+$0x30];
	v3 =	vmul.f32 v3, v3;
	v9 =	vsub.f32 v13, v9;
	v6 =	vmul.f32 v6, v6  }
0x5b: {  	v15 =	vmul.f32 v15, v15;
	v4 =	vadd.f32 v8, v4;
	v8 =	vld [tilespmem:s11+$0x0];
	v11 =	vsub.f32 v14, v11  }
0x5c: {  	v13 =	vld [tilespmem:s11+$0x10];
	v9 =	vmul.f32 v9, v9;
	v6 =	vadd.f32 v6, v3;
	v61 =	vadd.f32 $9.999999960e-13, v12  }
0x5d: {  	v12 =	vld [tilespmem:s11+$0x20];
	v4 =	vadd.f32 v15, v4;
	v11 =	vmul.f32 v11, v11;
	v15 =	vsub.f32 v16, v19  }
0x5e: {  	v62 =	vld [tilespmem:s11+$0x30];
	s30 =	sadd.s32 $0x80, s11;
	v59 =	vbroadcast v18, $0xF;
	v6 =	vadd.f32 v9, v6;
	v7 =	vsub.f32 v5, v7  }
0x5f: {  	v3 =	vld [tilespmem:s30+$0xFFFFFFE0];
	v18 =	vsub.f32 v61, v60;
	v11 =	vadd.f32 v11, v4;
	v15 =	vmul.f32 v15, v15  }
0x60: {  	v2 =	vsel vm0, v59, v1;
	v5 =	vld [tilespmem:s30+$0xFFFFFFC0];
	v7 =	vmul.f32 v7, v7;
	v9 =	vsub.f32 v10, v8  }
0x61: {  	s31 =	sadd.s32 $0x80, s0;
	v4 =	vld [tilespmem:s30+$0xFFFFFFD0];
	v10 =	vsub.f32 v14, v13;
	v13 =	vmul.f32 v18, v18;
	v11 =	vadd.f32 v15, v11  }
0x62: {  	s0 =	sadd.s32 $0x80, s2;
	v8 =	vld [tilespmem:s31+$0xFFFFFFC0];
	v16 =	vsub.f32 v16, v12;
	v6 =	vadd.f32 v7, v6;
	v15 =	vmul.f32 v9, v9  }
0x63: {  	v14 =	vld [tilespmem:s0+$0xFFFFFFD0];
	v63, _, _ =	vpop (xrf2);
	v10 =	vmul.f32 v10, v10;
	v9 =	vsub.f32 v61, v62;
	v7 =	vadd.f32 v13, v11  }
0x64: {  	s29 =	simm.s32 $0x1;
	s28 =	simm.s32 $0x2;
	s2 =	simm.s32 $0x3;
	v12 =	vld [tilespmem:s0+$0xFFFFFFC0];
	v11 =	vmul.f32 v16, v16;
	v13 =	vadd.f32 v15, v6;
	v6 =	vbroadcast v63, $0xF  }
.LBB2_3:
0x65: {  	p0 =	sne.s32 s2, $0xF;
	v15 =	vld [tilespmem:s0+$0xFFFFFFE0];
	v9 =	vmul.f32 v9, v9;
	(xrf2) =	vadd.scan.msk.f32 $0xffff, v7  }
0x66: {  	v7 =	vld [tilespmem:s31+$0xFFFFFFD0];
	v10 =	vadd.f32 v10, v13;
	v1 =	vsel vm0, v6, v1  }
0x67: {  	v6 =	vld [tilespmem:s0+$0xFFFFFFF0]  }
0x68: {  	v13 =	vld [tilespmem:s31+$0xFFFFFFE0];
	v10 =	vadd.f32 v11, v10  }
0x69: {  	v11 =	vadd.f32 $9.999999960e-13, v12;
	v12 =	vadd.f32 $9.999999960e-13, v14;
	v14 =	vld [tilespmem:s0+$0x0]  }
0x6a: {  	v15 =	vadd.f32 $9.999999960e-13, v15;
	v16 =	vld [tilespmem:s31+$0xFFFFFFF0];
	v9 =	vadd.f32 v9, v10  }
0x6b: {  	v8 =	vsub.f32 v11, v8;
	v7 =	vsub.f32 v12, v7;
	v10 =	vld [tilespmem:s0+$0x10]  }
0x6c: {  	v5 =	vsub.f32 v11, v5;
	v6 =	vadd.f32 $9.999999960e-13, v6;
	v11 =	vld [tilespmem:s31+$0x0];
	(xrf2) =	vadd.scan.msk.f32 $0xffff, v9  }
0x6d: {  	v8 =	vmul.f32 v8, v8;
	v7 =	vmul.f32 v7, v7;
	v9 =	vsub.f32 v15, v13;
	v13 =	vld [tilespmem:s0+$0x20]  }
0x6e: {  	v17 =	vmov s29;
	s29 =	smov.u32 s28;
	s28 =	smov.u32 s2;
	v4 =	vsub.f32 v12, v4;
	v12 =	vadd.f32 $9.999999960e-13, v14;
	v14 =	vld [tilespmem:s31+$0x10]  }
0x6f: {  	v7 =	vadd.f32 v7, v8;
	v8 =	vmul.f32 v9, v9;
	v9 =	vsub.f32 v6, v16;
	v16 =	vld [tilespmem:s0+$0x30];
	v18, _, _ =	vpop (xrf2)  }
0x70: {  	vm0 =	veq.s32 v17, v0;
	v10 =	vadd.f32 $9.999999960e-13, v10;
	v19 =	vld [tilespmem:s31+$0x20];
	v17 =	vbroadcast v18, $0xF  }
0x71: {  	v7 =	vadd.f32 v8, v7;
	v8 =	vld [tilespmem:s30+$0xFFFFFFF0];
	v9 =	vmul.f32 v9, v9;
	v11 =	vsub.f32 v12, v11  }
0x72: {  	v5 =	vmul.f32 v5, v5;
	v13 =	vadd.f32 $9.999999960e-13, v13;
	v18 =	vld [tilespmem:s31+$0x30];
	v2 =	vsel vm0, v17, v2  }
0x73: {  	v7 =	vadd.f32 v9, v7;
	v9 =	vld [tilespmem:s30+$0x0];
	v11 =	vmul.f32 v11, v11;
	v14 =	vsub.f32 v10, v14  }
0x74: {  	v3 =	vsub.f32 v15, v3;
	v4 =	vmul.f32 v4, v4;
	v15 =	vld [tilespmem:s30+$0x10];
	v16 =	vadd.f32 $9.999999960e-13, v16  }
0x75: {  	v7 =	vadd.f32 v11, v7;
	v11 =	vmul.f32 v14, v14;
	v14 =	vld [tilespmem:s30+$0x20];
	v17 =	vsub.f32 v13, v19  }
0x76: {  	v4 =	vadd.f32 v4, v5;
	v19 =	vmul.f32 v3, v3;
	v6 =	vsub.f32 v6, v8;
	v20 =	vld [tilespmem:s30+$0x30];
	s30 =	sadd.s32 $0x80, s30;
	v21, _, _ =	vpop (xrf2)  }
0x77: {  	v3 =	vld [tilespmem:s30+$0xFFFFFFE0];
	v7 =	vadd.f32 v11, v7;
	v8 =	vmul.f32 v17, v17;
	v11 =	vsub.f32 v16, v18  }
.Ltmp0:
0x78: {  	v17 =	vadd.f32 v19, v4;
	v5 =	vld [tilespmem:s30+$0xFFFFFFC0];
	v6 =	vmul.f32 v6, v6;
	v9 =	vsub.f32 v12, v9;
	(pc) =	sbr.rel @p0 .LBB2_3-.Ltmp0, $4  }
0x79: {  	s31 =	sadd.s32 $0x80, s31;
	v4 =	vld [tilespmem:s30+$0xFFFFFFD0];
	v10 =	vsub.f32 v10, v15;
	v7 =	vadd.f32 v8, v7;
	v11 =	vmul.f32 v11, v11  }
0x7a: {  	s0 =	sadd.s32 $0x80, s0;
	v8 =	vld [tilespmem:s31+$0xFFFFFFC0];
	v6 =	vadd.f32 v6, v17;
	v15 =	vmul.f32 v9, v9;
	v17 =	vsub.f32 v13, v14  }
0x7b: {  	v12 =	vld [tilespmem:s0+$0xFFFFFFC0];
	v10 =	vmul.f32 v10, v10;
	v9 =	vsub.f32 v16, v20;
	v7 =	vadd.f32 v11, v7  }
0x7c: {  	s2 =	sadd.s32 $0x1, s2;
	v14 =	vld [tilespmem:s0+$0xFFFFFFD0];
	v13 =	vadd.f32 v15, v6;
	v11 =	vmul.f32 v17, v17;
	v6 =	vbroadcast v21, $0xF  }
0x7d: {  	v15 =	vld [tilespmem:s0+$0xFFFFFFE0]  }
0x7e: {  	v16 =	vld [tilespmem:s31+$0xFFFFFFD0]  }
0x7f: {  	v17 =	vld [tilespmem:s0+$0xFFFFFFF0]  }
0x80: {  	v20 =	vld [tilespmem:s0+$0x0];
	v10 =	vadd.f32 v10, v13  }
0x81: {  	v21 =	vld [tilespmem:s0+$0x10]  }
0x82: {  	v18 =	vld [tilespmem:s31+$0xFFFFFFE0];
	v12 =	vadd.f32 $9.999999960e-13, v12;
	v10 =	vadd.f32 v11, v10  }
0x83: {  	v19 =	vld [tilespmem:s31+$0xFFFFFFF0];
	v14 =	vadd.f32 $9.999999960e-13, v14;
	v15 =	vadd.f32 $9.999999960e-13, v15  }
0x84: {  	v39 =	vld [tilespmem:s30+$0xFFFFFFF0];
	v8 =	vsub.f32 v12, v8;
	v17 =	vadd.f32 $9.999999960e-13, v17  }
0x85: {  	v22 =	vld [tilespmem:s31+$0x0];
	v5 =	vsub.f32 v12, v5;
	v44 =	vadd.f32 $9.999999960e-13, v20  }
0x86: {  	v42 =	vld [tilespmem:s30+$0x0];
	v9 =	vmul.f32 v9, v9;
	v46 =	vadd.f32 $9.999999960e-13, v21;
	v16 =	vsub.f32 v14, v16  }
0x87: {  	v40 =	vld [tilespmem:s31+$0x10];
	v4 =	vsub.f32 v14, v4;
	v8 =	vmul.f32 v8, v8;
	v18 =	vsub.f32 v15, v18  }
0x88: {  	v43 =	vld [tilespmem:s30+$0x10];
	v19 =	vsub.f32 v17, v19;
	v5 =	vmul.f32 v5, v5;
	v16 =	vmul.f32 v16, v16  }
0x89: {  	v38 =	vld [tilespmem:s0+$0x20];
	v3 =	vsub.f32 v15, v3;
	v12 =	vsub.f32 v17, v39;
	v4 =	vmul.f32 v4, v4  }
0x8a: {  	v45 =	vld [tilespmem:s0+$0x30];
	v48 =	vsub.f32 v44, v22;
	v18 =	vmul.f32 v18, v18;
	v8 =	vadd.f32 v16, v8  }
0x8b: {  	v47 =	vld [tilespmem:s31+$0x20];
	v14 =	vsub.f32 v44, v42;
	v3 =	vmul.f32 v3, v3;
	v4 =	vadd.f32 v4, v5  }
0x8c: {  	v49 =	vld [tilespmem:s30+$0x20];
	v13 =	vsub.f32 v46, v40;
	v41 =	vmul.f32 v19, v19;
	v8 =	vadd.f32 v18, v8  }
0x8d: {  	v50 =	vld [tilespmem:s31+$0x30];
	v11 =	vsub.f32 v46, v43;
	v12 =	vmul.f32 v12, v12;
	v3 =	vadd.f32 v3, v4  }
0x8e: {  	v51 =	vld [tilespmem:s30+$0x30];
	v19 =	vmul.f32 v48, v48;
	v16 =	vadd.f32 $9.999999960e-13, v38;
	v8 =	vadd.f32 v41, v8  }
0x8f: {  	v52 =	vmul.f32 v14, v14;
	v5 =	vadd.f32 $9.999999960e-13, v45;
	v3 =	vadd.f32 v12, v3  }
0x90: {  	v13 =	vmul.f32 v13, v13;
	v53 =	vsub.f32 v16, v47;
	v8 =	vadd.f32 v19, v8  }
0x91: {  	v11 =	vmul.f32 v11, v11;
	v4 =	vsub.f32 v16, v49;
	v3 =	vadd.f32 v52, v3  }
0x92: {  	v55 =	vsub.f32 v5, v50;
	v54 =	vmul.f32 v53, v53;
	v8 =	vadd.f32 v13, v8  }
0x93: {  	v5 =	vsub.f32 v5, v51;
	v4 =	vmul.f32 v4, v4;
	v3 =	vadd.f32 v11, v3  }
0x94: {  	v56 =	vmul.f32 v55, v55;
	v8 =	vadd.f32 v54, v8  }
0x95: {  	v9 =	vadd.f32 v9, v10;
	v5 =	vmul.f32 v5, v5;
	v3 =	vadd.f32 v4, v3  }
0x96: {  	(xrf2) =	vadd.scan.msk.f32 $0xffff, v7;
	v57 =	vadd.f32 v56, v8  }
0x97: {  	(xrf2) =	vadd.scan.msk.f32 $0xffff, v9;
	v3 =	vadd.f32 v5, v3  }
0x98: {  	(xrf2) =	vadd.scan.msk.f32 $0xffff, v57  }
0x99: {  	(xrf2) =	vadd.scan.msk.f32 $0xffff, v3;
	_ =	sdelay $0x6  }
0x9a: {  	v3, _, _ =	vpop (xrf2)  }
0x9b: {  	v59 =	vmov s29;
	s31 =	sshll.u32 s25, $0x4;
	s25 =	sadd.s32 $0x1, s25;
	v58, _, _ =	vpop (xrf2)  }
0x9c: {  	v62 =	vmov s28;
	v1 =	vsel vm0, v6, v1;
	p0 =	sne.s32 s25, $0x8;
	v3 =	vbroadcast v3, $0xF;
	v60, _, _ =	vpop (xrf2)  }
.Ltmp1:
0x9d: {  	vm15 =	veq.s32 v59, v0;
	v4 =	vbroadcast v58, $0xF;
	v61, _, _ =	vpop (xrf2);
	v63 =	vbroadcast v60, $0xF;
	(pc) =	sbr.rel @p0 .LBB2_2-.Ltmp1, $4  }
0x9e: {  	vm1 =	veq.s32 v62, v0;
	v2 =	vsel vm15, v3, v2;
	v5 =	vbroadcast v61, $0xF  }
0x9f: {  	v1 =	vsel vm15, v4, v1;
	v2 =	vsel vm1, v63, v2  }
0xa0: {  	v1 =	vsel vm1, v5, v1;
	[tilespmem:s31+$0x19000] =	vst v2  }
0xa1: {  	s20 =	sadd.s32 $0x800, s20;
	s23 =	sadd.s32 $0x800, s23;
	s24 =	sadd.s32 $0x800, s24;
	[tilespmem:s31+$0x18C00] =	vst v1  }
0xa2: {  	s0 =	simm.s32 $0x100  }
0xa3: {  	[tilespmem:s14], [sflag:$0x1] =	stream.indirect.gather [hbm4b:s1+s13], $0x80, s0, s13, $0xb8;
	[tilespmem:$0x19400] =	vst v63  }
0xa4: {  	s30 =	simm.s32 $0x500  }
0xa5: {  	[tilespmem:s15], [sflag:$0x1] =	stream.indirect.gather [hbm4b:s1+s13], $0x80, s30, s13, $0xb8;
	[tilespmem:$0x19400] =	vst v63  }
0xa6: {  	s31 =	simm.s32 $0x900  }
0xa7: {  	[tilespmem:s16], [sflag:$0x1] =	stream.indirect.gather [hbm4b:s1+s13], $0x80, s31, s13, $0xb8;
	[tilespmem:$0x19400] =	vst v63  }
0xa8: {  	_ =	swait.ge [sflag:s26], $0x4000  }
0xa9: {  	[sflag:s26] =	ssyncset.done $0x0  }
0xaa: {  	[sflag:s26] =	ssyncadd.s32 $0xFFFFC000  }
0xab: {  	_ =	swait.ge [sflag:s26], $0x4000  }
0xac: {  	[sflag:s26] =	ssyncset.done $0x0  }
0xad: {  	[sflag:s26] =	ssyncadd.s32 $0xFFFFC000  }
0xae: {  	s20 =	simm.s32 $0x0;
	_ =	swait.ge [sflag:s26], $0x4000  }
0xaf: {  	s23 =	simm.s32 $0xCC40;
	s24 =	simm.s32 $0x10C40;
	[sflag:s26] =	ssyncset.done $0x0  }
0xb0: {  	s25 =	simm.s32 $0x14C40;
	s28 =	simm.s32 $0x0;
	[sflag:s26] =	ssyncadd.s32 $0xFFFFC000  }
.LBB2_6:
0xb1: {  	v1 =	vld [tilespmem:s24+$0xFFFFFFE0]  }
0xb2: {  	v2 =	vld [tilespmem:s24+$0xFFFFFFC0]  }
0xb3: {  	v4 =	vld [tilespmem:s25+$0xFFFFFFC0]  }
0xb4: {  	v5 =	vld [tilespmem:s23+$0xFFFFFFC0]  }
0xb5: {  	v6 =	vld [tilespmem:s23+$0xFFFFFFD0]  }
0xb6: {  	v7 =	vld [tilespmem:s23+$0xFFFFFFE0]  }
0xb7: {  	v8 =	vld [tilespmem:s25+$0xFFFFFFD0]  }
0xb8: {  	v9 =	vld [tilespmem:s23+$0xFFFFFFF0]  }
0xb9: {  	v10 =	vld [tilespmem:s25+$0xFFFFFFE0]  }
0xba: {  	v11 =	vld [tilespmem:s23+$0x0]  }
0xbb: {  	v3 =	vld [tilespmem:s24+$0xFFFFFFD0]  }
0xbc: {  	v13 =	vld [tilespmem:s23+$0x10];
	v5 =	vadd.f32 $9.999999960e-13, v5;
	v6 =	vadd.f32 $9.999999960e-13, v6  }
0xbd: {  	v12 =	vld [tilespmem:s25+$0xFFFFFFF0];
	v7 =	vadd.f32 $9.999999960e-13, v7;
	v9 =	vadd.f32 $9.999999960e-13, v9  }
0xbe: {  	v14 =	vld [tilespmem:s25+$0x0];
	v4 =	vsub.f32 v5, v4;
	v8 =	vsub.f32 v6, v8  }
0xbf: {  	v15 =	vld [tilespmem:s23+$0x20];
	v11 =	vadd.f32 $9.999999960e-13, v11;
	v10 =	vsub.f32 v7, v10  }
0xc0: {  	v16 =	vld [tilespmem:s25+$0x10];
	v2 =	vsub.f32 v5, v2;
	v4 =	vmul.f32 v4, v4;
	v8 =	vmul.f32 v8, v8  }
0xc1: {  	v5 =	vadd.f32 $9.999999960e-13, v13;
	v13 =	vld [tilespmem:s25+$0x20];
	v1 =	vsub.f32 v7, v1  }
0xc2: {  	v7 =	vld [tilespmem:s24+$0x10];
	v4 =	vadd.f32 v8, v4;
	v8 =	vmul.f32 v10, v10;
	v10 =	vsub.f32 v9, v12  }
0xc3: {  	v3 =	vsub.f32 v6, v3;
	v12 =	vld [tilespmem:s23+$0x30]  }
0xc4: {  	v14 =	vsub.f32 v11, v14;
	v4 =	vadd.f32 v8, v4;
	v8 =	vld [tilespmem:s24+$0xFFFFFFF0];
	v10 =	vmul.f32 v10, v10  }
0xc5: {  	v6 =	vadd.f32 $9.999999960e-13, v15;
	v15 =	vld [tilespmem:s25+$0x30];
	v2 =	vmul.f32 v2, v2;
	v3 =	vmul.f32 v3, v3  }
0xc6: {  	v14 =	vmul.f32 v14, v14;
	v16 =	vsub.f32 v5, v16;
	v4 =	vadd.f32 v10, v4;
	v10 =	vld [tilespmem:s24+$0x0]  }
0xc7: {  	v57 =	vld [tilespmem:s24+$0x20];
	s2 =	sadd.s32 $0x80, s23;
	v2 =	vadd.f32 v3, v2;
	v13 =	vsub.f32 v6, v13  }
0xc8: {  	s0 =	sadd.s32 $0x80, s25;
	v58 =	vld [tilespmem:s2+$0x20];
	v12 =	vadd.f32 $9.999999960e-13, v12;
	v4 =	vadd.f32 v14, v4;
	v14 =	vmul.f32 v16, v16  }
0xc9: {  	v1 =	vmul.f32 v1, v1;
	v5 =	vsub.f32 v5, v7;
	v7 =	vld [tilespmem:s0+$0xFFFFFFC0];
	v3 =	vsub.f32 v9, v8  }
0xca: {  	s11 =	sadd.s32 $0x80, s24;
	v13 =	vmul.f32 v13, v13;
	v8 =	vld [tilespmem:s24+$0x30];
	v4 =	vadd.f32 v14, v4;
	v14 =	vsub.f32 v12, v15  }
0xcb: {  	v1 =	vadd.f32 v1, v2;
	v15 =	vld [tilespmem:s11+$0xFFFFFFC0];
	v2 =	vmul.f32 v3, v3;
	v3 =	vsub.f32 v11, v10  }
0xcc: {  	v10 =	vld [tilespmem:s11+$0xFFFFFFD0];
	v4 =	vadd.f32 v13, v4;
	v11 =	vmul.f32 v14, v14  }
0xcd: {  	v1 =	vadd.f32 v2, v1;
	v2 =	vmul.f32 v3, v3;
	v3 =	vld [tilespmem:s2+$0xFFFFFFC0]  }
0xce: {  	v4 =	vadd.f32 v11, v4;
	v11 =	vld [tilespmem:s2+$0xFFFFFFD0]  }
0xcf: {  	v6 =	vsub.f32 v6, v57;
	v5 =	vmul.f32 v5, v5;
	v1 =	vadd.f32 v2, v1;
	v2 =	vld [tilespmem:s2+$0xFFFFFFE0]  }
0xd0: {  	(xrf2) =	vadd.scan.msk.f32 $0xffff, v4;
	v4 =	vsub.f32 v12, v8;
	v8 =	vld [tilespmem:s0+$0xFFFFFFD0]  }
0xd1: {  	v6 =	vmul.f32 v6, v6;
	v1 =	vadd.f32 v5, v1;
	v5 =	vld [tilespmem:s2+$0xFFFFFFF0]  }
0xd2: {  	v12 =	vld [tilespmem:s0+$0xFFFFFFE0];
	v3 =	vadd.f32 $9.999999960e-13, v3  }
0xd3: {  	v1 =	vadd.f32 v6, v1;
	v6 =	vadd.f32 $9.999999960e-13, v11;
	v11 =	vld [tilespmem:s2+$0x0]  }
0xd4: {  	v4 =	vmul.f32 v4, v4;
	v13 =	vadd.f32 $9.999999960e-13, v2;
	v2 =	vld [tilespmem:s0+$0xFFFFFFF0];
	v7 =	vsub.f32 v3, v7  }
0xd5: {  	v14 =	vld [tilespmem:s2+$0x10];
	v3 =	vsub.f32 v3, v15;
	v8 =	vsub.f32 v6, v8  }
0xd6: {  	v17 =	vmov s20;
	v15 =	vld [tilespmem:s0+$0x0];
	v4 =	vadd.f32 v4, v1;
	v5 =	vadd.f32 $9.999999960e-13, v5  }
0xd7: {  	v9 =	vld [tilespmem:s11+$0xFFFFFFE0];
	v7 =	vmul.f32 v7, v7;
	v12 =	vsub.f32 v13, v12;
	v8 =	vmul.f32 v8, v8  }
0xd8: {  	vm0 =	veq.s32 v17, v0;
	v6 =	vsub.f32 v6, v10;
	v10 =	vadd.f32 $9.999999960e-13, v11;
	v11 =	vld [tilespmem:s0+$0x10]  }
0xd9: {  	v7 =	vadd.f32 v8, v7;
	v8 =	vmul.f32 v12, v12;
	v2 =	vsub.f32 v5, v2;
	v12 =	vld [tilespmem:s2+$0x30]  }
0xda: {  	v19 =	vld [tilespmem:s0+$0x20];
	v16 =	vadd.f32 $9.999999960e-13, v58;
	v14 =	vadd.f32 $9.999999960e-13, v14;
	v1 =	vimm.f32 $0.0e+00  }
0xdb: {  	v18, _, _ =	vpop (xrf2);
	(xrf2) =	vadd.scan.msk.f32 $0xffff, v4;
	v15 =	vsub.f32 v10, v15;
	v4 =	vadd.f32 v8, v7;
	v7 =	vld [tilespmem:s11+$0xFFFFFFF0];
	v8 =	vmul.f32 v2, v2  }
0xdc: {  	v60 =	vld [tilespmem:s0+$0x30];
	v3 =	vmul.f32 v3, v3;
	v9 =	vsub.f32 v13, v9;
	v6 =	vmul.f32 v6, v6  }
0xdd: {  	v15 =	vmul.f32 v15, v15;
	v4 =	vadd.f32 v8, v4;
	v8 =	vld [tilespmem:s11+$0x0];
	v11 =	vsub.f32 v14, v11  }
0xde: {  	v13 =	vld [tilespmem:s11+$0x10];
	v9 =	vmul.f32 v9, v9;
	v6 =	vadd.f32 v6, v3;
	v61 =	vadd.f32 $9.999999960e-13, v12  }
0xdf: {  	v12 =	vld [tilespmem:s11+$0x20];
	v4 =	vadd.f32 v15, v4;
	v11 =	vmul.f32 v11, v11;
	v15 =	vsub.f32 v16, v19  }
0xe0: {  	v62 =	vld [tilespmem:s11+$0x30];
	s31 =	sadd.s32 $0x80, s11;
	v59 =	vbroadcast v18, $0xF;
	v6 =	vadd.f32 v9, v6;
	v7 =	vsub.f32 v5, v7  }
0xe1: {  	v3 =	vld [tilespmem:s31+$0xFFFFFFE0];
	v18 =	vsub.f32 v61, v60;
	v11 =	vadd.f32 v11, v4;
	v15 =	vmul.f32 v15, v15  }
0xe2: {  	v2 =	vsel vm0, v59, v1;
	v5 =	vld [tilespmem:s31+$0xFFFFFFC0];
	v7 =	vmul.f32 v7, v7;
	v9 =	vsub.f32 v10, v8  }
0xe3: {  	s0 =	sadd.s32 $0x80, s0;
	v4 =	vld [tilespmem:s31+$0xFFFFFFD0];
	v10 =	vsub.f32 v14, v13;
	v13 =	vmul.f32 v18, v18;
	v11 =	vadd.f32 v15, v11  }
0xe4: {  	s2 =	sadd.s32 $0x80, s2;
	v8 =	vld [tilespmem:s0+$0xFFFFFFC0];
	v16 =	vsub.f32 v16, v12;
	v6 =	vadd.f32 v7, v6;
	v15 =	vmul.f32 v9, v9  }
0xe5: {  	v14 =	vld [tilespmem:s2+$0xFFFFFFD0];
	v63, _, _ =	vpop (xrf2);
	v10 =	vmul.f32 v10, v10;
	v9 =	vsub.f32 v61, v62;
	v7 =	vadd.f32 v13, v11  }
0xe6: {  	s30 =	simm.s32 $0x1;
	s29 =	simm.s32 $0x2;
	s11 =	simm.s32 $0x3;
	v12 =	vld [tilespmem:s2+$0xFFFFFFC0];
	v11 =	vmul.f32 v16, v16;
	v13 =	vadd.f32 v15, v6;
	v6 =	vbroadcast v63, $0xF  }
.LBB2_7:
0xe7: {  	p0 =	sne.s32 s11, $0xF;
	v15 =	vld [tilespmem:s2+$0xFFFFFFE0];
	v9 =	vmul.f32 v9, v9;
	(xrf2) =	vadd.scan.msk.f32 $0xffff, v7  }
0xe8: {  	v7 =	vld [tilespmem:s0+$0xFFFFFFD0];
	v10 =	vadd.f32 v10, v13;
	v1 =	vsel vm0, v6, v1  }
0xe9: {  	v6 =	vld [tilespmem:s2+$0xFFFFFFF0]  }
0xea: {  	v13 =	vld [tilespmem:s0+$0xFFFFFFE0];
	v10 =	vadd.f32 v11, v10  }
0xeb: {  	v11 =	vadd.f32 $9.999999960e-13, v12;
	v12 =	vadd.f32 $9.999999960e-13, v14;
	v14 =	vld [tilespmem:s2+$0x0]  }
0xec: {  	v15 =	vadd.f32 $9.999999960e-13, v15;
	v16 =	vld [tilespmem:s0+$0xFFFFFFF0];
	v9 =	vadd.f32 v9, v10  }
0xed: {  	v8 =	vsub.f32 v11, v8;
	v7 =	vsub.f32 v12, v7;
	v10 =	vld [tilespmem:s2+$0x10]  }
0xee: {  	v5 =	vsub.f32 v11, v5;
	v6 =	vadd.f32 $9.999999960e-13, v6;
	v11 =	vld [tilespmem:s0+$0x0];
	(xrf2) =	vadd.scan.msk.f32 $0xffff, v9  }
0xef: {  	v8 =	vmul.f32 v8, v8;
	v7 =	vmul.f32 v7, v7;
	v9 =	vsub.f32 v15, v13;
	v13 =	vld [tilespmem:s2+$0x20]  }
0xf0: {  	v17 =	vmov s30;
	s30 =	smov.u32 s29;
	s29 =	smov.u32 s11;
	v4 =	vsub.f32 v12, v4;
	v12 =	vadd.f32 $9.999999960e-13, v14;
	v14 =	vld [tilespmem:s0+$0x10]  }
0xf1: {  	v7 =	vadd.f32 v7, v8;
	v8 =	vmul.f32 v9, v9;
	v9 =	vsub.f32 v6, v16;
	v16 =	vld [tilespmem:s2+$0x30];
	v18, _, _ =	vpop (xrf2)  }
0xf2: {  	vm0 =	veq.s32 v17, v0;
	v10 =	vadd.f32 $9.999999960e-13, v10;
	v19 =	vld [tilespmem:s0+$0x20];
	v17 =	vbroadcast v18, $0xF  }
0xf3: {  	v7 =	vadd.f32 v8, v7;
	v8 =	vld [tilespmem:s31+$0xFFFFFFF0];
	v9 =	vmul.f32 v9, v9;
	v11 =	vsub.f32 v12, v11  }
0xf4: {  	v5 =	vmul.f32 v5, v5;
	v13 =	vadd.f32 $9.999999960e-13, v13;
	v18 =	vld [tilespmem:s0+$0x30];
	v2 =	vsel vm0, v17, v2  }
0xf5: {  	v7 =	vadd.f32 v9, v7;
	v9 =	vld [tilespmem:s31+$0x0];
	v11 =	vmul.f32 v11, v11;
	v14 =	vsub.f32 v10, v14  }
0xf6: {  	v3 =	vsub.f32 v15, v3;
	v4 =	vmul.f32 v4, v4;
	v15 =	vld [tilespmem:s31+$0x10];
	v16 =	vadd.f32 $9.999999960e-13, v16  }
0xf7: {  	v7 =	vadd.f32 v11, v7;
	v11 =	vmul.f32 v14, v14;
	v14 =	vld [tilespmem:s31+$0x20];
	v17 =	vsub.f32 v13, v19  }
0xf8: {  	v4 =	vadd.f32 v4, v5;
	v19 =	vmul.f32 v3, v3;
	v6 =	vsub.f32 v6, v8;
	v20 =	vld [tilespmem:s31+$0x30];
	s31 =	sadd.s32 $0x80, s31;
	v21, _, _ =	vpop (xrf2)  }
0xf9: {  	v3 =	vld [tilespmem:s31+$0xFFFFFFE0];
	v7 =	vadd.f32 v11, v7;
	v8 =	vmul.f32 v17, v17;
	v11 =	vsub.f32 v16, v18  }
.Ltmp2:
0xfa: {  	v17 =	vadd.f32 v19, v4;
	v5 =	vld [tilespmem:s31+$0xFFFFFFC0];
	v6 =	vmul.f32 v6, v6;
	v9 =	vsub.f32 v12, v9;
	(pc) =	sbr.rel @p0 .LBB2_7-.Ltmp2, $4  }
0xfb: {  	s0 =	sadd.s32 $0x80, s0;
	v4 =	vld [tilespmem:s31+$0xFFFFFFD0];
	v10 =	vsub.f32 v10, v15;
	v7 =	vadd.f32 v8, v7;
	v11 =	vmul.f32 v11, v11  }
0xfc: {  	s2 =	sadd.s32 $0x80, s2;
	v8 =	vld [tilespmem:s0+$0xFFFFFFC0];
	v6 =	vadd.f32 v6, v17;
	v15 =	vmul.f32 v9, v9;
	v17 =	vsub.f32 v13, v14  }
0xfd: {  	v12 =	vld [tilespmem:s2+$0xFFFFFFC0];
	v10 =	vmul.f32 v10, v10;
	v9 =	vsub.f32 v16, v20;
	v7 =	vadd.f32 v11, v7  }
0xfe: {  	s11 =	sadd.s32 $0x1, s11;
	v14 =	vld [tilespmem:s2+$0xFFFFFFD0];
	v13 =	vadd.f32 v15, v6;
	v11 =	vmul.f32 v17, v17;
	v6 =	vbroadcast v21, $0xF  }
0xff: {  	v15 =	vld [tilespmem:s2+$0xFFFFFFE0]  }
0x100: {  	v16 =	vld [tilespmem:s0+$0xFFFFFFD0]  }
0x101: {  	v17 =	vld [tilespmem:s2+$0xFFFFFFF0]  }
0x102: {  	v20 =	vld [tilespmem:s2+$0x0];
	v10 =	vadd.f32 v10, v13  }
0x103: {  	v21 =	vld [tilespmem:s2+$0x10]  }
0x104: {  	v18 =	vld [tilespmem:s0+$0xFFFFFFE0];
	v12 =	vadd.f32 $9.999999960e-13, v12;
	v10 =	vadd.f32 v11, v10  }
0x105: {  	v19 =	vld [tilespmem:s0+$0xFFFFFFF0];
	v14 =	vadd.f32 $9.999999960e-13, v14;
	v15 =	vadd.f32 $9.999999960e-13, v15  }
0x106: {  	v39 =	vld [tilespmem:s31+$0xFFFFFFF0];
	v8 =	vsub.f32 v12, v8;
	v17 =	vadd.f32 $9.999999960e-13, v17  }
0x107: {  	v22 =	vld [tilespmem:s0+$0x0];
	v5 =	vsub.f32 v12, v5;
	v44 =	vadd.f32 $9.999999960e-13, v20  }
0x108: {  	v42 =	vld [tilespmem:s31+$0x0];
	v9 =	vmul.f32 v9, v9;
	v46 =	vadd.f32 $9.999999960e-13, v21;
	v16 =	vsub.f32 v14, v16  }
0x109: {  	v40 =	vld [tilespmem:s0+$0x10];
	v4 =	vsub.f32 v14, v4;
	v8 =	vmul.f32 v8, v8;
	v18 =	vsub.f32 v15, v18  }
0x10a: {  	v43 =	vld [tilespmem:s31+$0x10];
	v19 =	vsub.f32 v17, v19;
	v5 =	vmul.f32 v5, v5;
	v16 =	vmul.f32 v16, v16  }
0x10b: {  	v38 =	vld [tilespmem:s2+$0x20];
	v3 =	vsub.f32 v15, v3;
	v12 =	vsub.f32 v17, v39;
	v4 =	vmul.f32 v4, v4  }
0x10c: {  	v45 =	vld [tilespmem:s2+$0x30];
	v48 =	vsub.f32 v44, v22;
	v18 =	vmul.f32 v18, v18;
	v8 =	vadd.f32 v16, v8  }
0x10d: {  	v47 =	vld [tilespmem:s0+$0x20];
	v14 =	vsub.f32 v44, v42;
	v3 =	vmul.f32 v3, v3;
	v4 =	vadd.f32 v4, v5  }
0x10e: {  	v49 =	vld [tilespmem:s31+$0x20];
	v13 =	vsub.f32 v46, v40;
	v41 =	vmul.f32 v19, v19;
	v8 =	vadd.f32 v18, v8  }
0x10f: {  	v50 =	vld [tilespmem:s0+$0x30];
	v11 =	vsub.f32 v46, v43;
	v12 =	vmul.f32 v12, v12;
	v3 =	vadd.f32 v3, v4  }
0x110: {  	v51 =	vld [tilespmem:s31+$0x30];
	v19 =	vmul.f32 v48, v48;
	v16 =	vadd.f32 $9.999999960e-13, v38;
	v8 =	vadd.f32 v41, v8  }
0x111: {  	v52 =	vmul.f32 v14, v14;
	v5 =	vadd.f32 $9.999999960e-13, v45;
	v3 =	vadd.f32 v12, v3  }
0x112: {  	v13 =	vmul.f32 v13, v13;
	v53 =	vsub.f32 v16, v47;
	v8 =	vadd.f32 v19, v8  }
0x113: {  	v11 =	vmul.f32 v11, v11;
	v4 =	vsub.f32 v16, v49;
	v3 =	vadd.f32 v52, v3  }
0x114: {  	v55 =	vsub.f32 v5, v50;
	v54 =	vmul.f32 v53, v53;
	v8 =	vadd.f32 v13, v8  }
0x115: {  	v5 =	vsub.f32 v5, v51;
	v4 =	vmul.f32 v4, v4;
	v3 =	vadd.f32 v11, v3  }
0x116: {  	v56 =	vmul.f32 v55, v55;
	v8 =	vadd.f32 v54, v8  }
0x117: {  	v9 =	vadd.f32 v9, v10;
	v5 =	vmul.f32 v5, v5;
	v3 =	vadd.f32 v4, v3  }
0x118: {  	(xrf2) =	vadd.scan.msk.f32 $0xffff, v7;
	v57 =	vadd.f32 v56, v8  }
0x119: {  	(xrf2) =	vadd.scan.msk.f32 $0xffff, v9;
	v3 =	vadd.f32 v5, v3  }
0x11a: {  	(xrf2) =	vadd.scan.msk.f32 $0xffff, v57  }
0x11b: {  	(xrf2) =	vadd.scan.msk.f32 $0xffff, v3;
	_ =	sdelay $0x6  }
0x11c: {  	v3, _, _ =	vpop (xrf2)  }
0x11d: {  	v59 =	vmov s30;
	s31 =	sshll.u32 s28, $0x4;
	s28 =	sadd.s32 $0x1, s28;
	v58, _, _ =	vpop (xrf2)  }
0x11e: {  	v62 =	vmov s29;
	v1 =	vsel vm0, v6, v1;
	p0 =	sne.s32 s28, $0x8;
	v3 =	vbroadcast v3, $0xF;
	v60, _, _ =	vpop (xrf2)  }
.Ltmp3:
0x11f: {  	vm15 =	veq.s32 v59, v0;
	v4 =	vbroadcast v58, $0xF;
	v61, _, _ =	vpop (xrf2);
	v63 =	vbroadcast v60, $0xF;
	(pc) =	sbr.rel @p0 .LBB2_6-.Ltmp3, $4  }
0x120: {  	vm1 =	veq.s32 v62, v0;
	v2 =	vsel vm15, v3, v2;
	v5 =	vbroadcast v61, $0xF  }
0x121: {  	v1 =	vsel vm15, v4, v1;
	v2 =	vsel vm1, v63, v2  }
0x122: {  	v1 =	vsel vm1, v5, v1;
	[tilespmem:s31+$0x19080] =	vst v2  }
0x123: {  	s23 =	sadd.s32 $0x800, s23;
	s24 =	sadd.s32 $0x800, s24;
	s25 =	sadd.s32 $0x800, s25;
	[tilespmem:s31+$0x18C80] =	vst v1  }
0x124: {  	s0 =	simm.s32 $0x180  }
0x125: {  	[tilespmem:s17], [sflag:$0x2] =	stream.indirect.gather [hbm4b:s1+s13], $0x80, s0, s13, $0xb8;
	[tilespmem:$0x19400] =	vst v63  }
0x126: {  	s30 =	simm.s32 $0x580  }
0x127: {  	[tilespmem:s19], [sflag:$0x2] =	stream.indirect.gather [hbm4b:s1+s13], $0x80, s30, s13, $0xb8;
	[tilespmem:$0x19400] =	vst v63  }
0x128: {  	s31 =	simm.s32 $0x980  }
0x129: {  	[tilespmem:s21], [sflag:$0x2] =	stream.indirect.gather [hbm4b:s1+s13], $0x80, s31, s13, $0xb8;
	[tilespmem:$0x19400] =	vst v63  }
0x12a: {  	_ =	swait.ge [sflag:s22], $0x4000  }
0x12b: {  	[sflag:s22] =	ssyncset.done $0x0  }
0x12c: {  	[sflag:s22] =	ssyncadd.s32 $0xFFFFC000  }
0x12d: {  	_ =	swait.ge [sflag:s22], $0x4000  }
0x12e: {  	[sflag:s22] =	ssyncset.done $0x0  }
0x12f: {  	[sflag:s22] =	ssyncadd.s32 $0xFFFFC000  }
0x130: {  	s20 =	simm.s32 $0x0;
	_ =	swait.ge [sflag:s22], $0x4000  }
0x131: {  	s23 =	simm.s32 $0xC40;
	s24 =	simm.s32 $0x4C40;
	[sflag:s22] =	ssyncset.done $0x0  }
0x132: {  	s25 =	simm.s32 $0x8C40;
	s28 =	simm.s32 $0x0;
	[sflag:s22] =	ssyncadd.s32 $0xFFFFC000  }
.LBB2_10:
0x133: {  	v1 =	vld [tilespmem:s24+$0xFFFFFFE0]  }
0x134: {  	v2 =	vld [tilespmem:s24+$0xFFFFFFC0]  }
0x135: {  	v4 =	vld [tilespmem:s25+$0xFFFFFFC0]  }
0x136: {  	v5 =	vld [tilespmem:s23+$0xFFFFFFC0]  }
0x137: {  	v6 =	vld [tilespmem:s23+$0xFFFFFFD0]  }
0x138: {  	v7 =	vld [tilespmem:s23+$0xFFFFFFE0]  }
0x139: {  	v8 =	vld [tilespmem:s25+$0xFFFFFFD0]  }
0x13a: {  	v9 =	vld [tilespmem:s23+$0xFFFFFFF0]  }
0x13b: {  	v10 =	vld [tilespmem:s25+$0xFFFFFFE0]  }
0x13c: {  	v11 =	vld [tilespmem:s23+$0x0]  }
0x13d: {  	v3 =	vld [tilespmem:s24+$0xFFFFFFD0]  }
0x13e: {  	v13 =	vld [tilespmem:s23+$0x10];
	v5 =	vadd.f32 $9.999999960e-13, v5;
	v6 =	vadd.f32 $9.999999960e-13, v6  }
0x13f: {  	v12 =	vld [tilespmem:s25+$0xFFFFFFF0];
	v7 =	vadd.f32 $9.999999960e-13, v7;
	v9 =	vadd.f32 $9.999999960e-13, v9  }
0x140: {  	v14 =	vld [tilespmem:s25+$0x0];
	v4 =	vsub.f32 v5, v4;
	v8 =	vsub.f32 v6, v8  }
0x141: {  	v15 =	vld [tilespmem:s23+$0x20];
	v11 =	vadd.f32 $9.999999960e-13, v11;
	v10 =	vsub.f32 v7, v10  }
0x142: {  	v16 =	vld [tilespmem:s25+$0x10];
	v2 =	vsub.f32 v5, v2;
	v4 =	vmul.f32 v4, v4;
	v8 =	vmul.f32 v8, v8  }
0x143: {  	v5 =	vadd.f32 $9.999999960e-13, v13;
	v13 =	vld [tilespmem:s25+$0x20];
	v1 =	vsub.f32 v7, v1  }
0x144: {  	v7 =	vld [tilespmem:s24+$0x10];
	v4 =	vadd.f32 v8, v4;
	v8 =	vmul.f32 v10, v10;
	v10 =	vsub.f32 v9, v12  }
0x145: {  	v3 =	vsub.f32 v6, v3;
	v12 =	vld [tilespmem:s23+$0x30]  }
0x146: {  	v14 =	vsub.f32 v11, v14;
	v4 =	vadd.f32 v8, v4;
	v8 =	vld [tilespmem:s24+$0xFFFFFFF0];
	v10 =	vmul.f32 v10, v10  }
0x147: {  	v6 =	vadd.f32 $9.999999960e-13, v15;
	v15 =	vld [tilespmem:s25+$0x30];
	v2 =	vmul.f32 v2, v2;
	v3 =	vmul.f32 v3, v3  }
0x148: {  	v14 =	vmul.f32 v14, v14;
	v16 =	vsub.f32 v5, v16;
	v4 =	vadd.f32 v10, v4;
	v10 =	vld [tilespmem:s24+$0x0]  }
0x149: {  	v57 =	vld [tilespmem:s24+$0x20];
	s2 =	sadd.s32 $0x80, s23;
	v2 =	vadd.f32 v3, v2;
	v13 =	vsub.f32 v6, v13  }
0x14a: {  	s0 =	sadd.s32 $0x80, s25;
	v58 =	vld [tilespmem:s2+$0x20];
	v12 =	vadd.f32 $9.999999960e-13, v12;
	v4 =	vadd.f32 v14, v4;
	v14 =	vmul.f32 v16, v16  }
0x14b: {  	v1 =	vmul.f32 v1, v1;
	v5 =	vsub.f32 v5, v7;
	v7 =	vld [tilespmem:s0+$0xFFFFFFC0];
	v3 =	vsub.f32 v9, v8  }
0x14c: {  	s11 =	sadd.s32 $0x80, s24;
	v13 =	vmul.f32 v13, v13;
	v8 =	vld [tilespmem:s24+$0x30];
	v4 =	vadd.f32 v14, v4;
	v14 =	vsub.f32 v12, v15  }
0x14d: {  	v1 =	vadd.f32 v1, v2;
	v15 =	vld [tilespmem:s11+$0xFFFFFFC0];
	v2 =	vmul.f32 v3, v3;
	v3 =	vsub.f32 v11, v10  }
0x14e: {  	v10 =	vld [tilespmem:s11+$0xFFFFFFD0];
	v4 =	vadd.f32 v13, v4;
	v11 =	vmul.f32 v14, v14  }
0x14f: {  	v1 =	vadd.f32 v2, v1;
	v2 =	vmul.f32 v3, v3;
	v3 =	vld [tilespmem:s2+$0xFFFFFFC0]  }
0x150: {  	v4 =	vadd.f32 v11, v4;
	v11 =	vld [tilespmem:s2+$0xFFFFFFD0]  }
0x151: {  	v6 =	vsub.f32 v6, v57;
	v5 =	vmul.f32 v5, v5;
	v1 =	vadd.f32 v2, v1;
	v2 =	vld [tilespmem:s2+$0xFFFFFFE0]  }
0x152: {  	(xrf2) =	vadd.scan.msk.f32 $0xffff, v4;
	v4 =	vsub.f32 v12, v8;
	v8 =	vld [tilespmem:s0+$0xFFFFFFD0]  }
0x153: {  	v6 =	vmul.f32 v6, v6;
	v1 =	vadd.f32 v5, v1;
	v5 =	vld [tilespmem:s2+$0xFFFFFFF0]  }
0x154: {  	v12 =	vld [tilespmem:s0+$0xFFFFFFE0];
	v3 =	vadd.f32 $9.999999960e-13, v3  }
0x155: {  	v1 =	vadd.f32 v6, v1;
	v6 =	vadd.f32 $9.999999960e-13, v11;
	v11 =	vld [tilespmem:s2+$0x0]  }
0x156: {  	v4 =	vmul.f32 v4, v4;
	v13 =	vadd.f32 $9.999999960e-13, v2;
	v2 =	vld [tilespmem:s0+$0xFFFFFFF0];
	v7 =	vsub.f32 v3, v7  }
0x157: {  	v14 =	vld [tilespmem:s2+$0x10];
	v3 =	vsub.f32 v3, v15;
	v8 =	vsub.f32 v6, v8  }
0x158: {  	v17 =	vmov s20;
	v15 =	vld [tilespmem:s0+$0x0];
	v4 =	vadd.f32 v4, v1;
	v5 =	vadd.f32 $9.999999960e-13, v5  }
0x159: {  	v9 =	vld [tilespmem:s11+$0xFFFFFFE0];
	v7 =	vmul.f32 v7, v7;
	v12 =	vsub.f32 v13, v12;
	v8 =	vmul.f32 v8, v8  }
0x15a: {  	vm0 =	veq.s32 v17, v0;
	v6 =	vsub.f32 v6, v10;
	v10 =	vadd.f32 $9.999999960e-13, v11;
	v11 =	vld [tilespmem:s0+$0x10]  }
0x15b: {  	v7 =	vadd.f32 v8, v7;
	v8 =	vmul.f32 v12, v12;
	v2 =	vsub.f32 v5, v2;
	v12 =	vld [tilespmem:s2+$0x30]  }
0x15c: {  	v19 =	vld [tilespmem:s0+$0x20];
	v16 =	vadd.f32 $9.999999960e-13, v58;
	v14 =	vadd.f32 $9.999999960e-13, v14;
	v1 =	vimm.f32 $0.0e+00  }
0x15d: {  	v18, _, _ =	vpop (xrf2);
	(xrf2) =	vadd.scan.msk.f32 $0xffff, v4;
	v15 =	vsub.f32 v10, v15;
	v4 =	vadd.f32 v8, v7;
	v7 =	vld [tilespmem:s11+$0xFFFFFFF0];
	v8 =	vmul.f32 v2, v2  }
0x15e: {  	v60 =	vld [tilespmem:s0+$0x30];
	v3 =	vmul.f32 v3, v3;
	v9 =	vsub.f32 v13, v9;
	v6 =	vmul.f32 v6, v6  }
0x15f: {  	v15 =	vmul.f32 v15, v15;
	v4 =	vadd.f32 v8, v4;
	v8 =	vld [tilespmem:s11+$0x0];
	v11 =	vsub.f32 v14, v11  }
0x160: {  	v13 =	vld [tilespmem:s11+$0x10];
	v9 =	vmul.f32 v9, v9;
	v6 =	vadd.f32 v6, v3;
	v61 =	vadd.f32 $9.999999960e-13, v12  }
0x161: {  	v12 =	vld [tilespmem:s11+$0x20];
	v4 =	vadd.f32 v15, v4;
	v11 =	vmul.f32 v11, v11;
	v15 =	vsub.f32 v16, v19  }
0x162: {  	v62 =	vld [tilespmem:s11+$0x30];
	s31 =	sadd.s32 $0x80, s11;
	v59 =	vbroadcast v18, $0xF;
	v6 =	vadd.f32 v9, v6;
	v7 =	vsub.f32 v5, v7  }
0x163: {  	v3 =	vld [tilespmem:s31+$0xFFFFFFE0];
	v18 =	vsub.f32 v61, v60;
	v11 =	vadd.f32 v11, v4;
	v15 =	vmul.f32 v15, v15  }
0x164: {  	v2 =	vsel vm0, v59, v1;
	v5 =	vld [tilespmem:s31+$0xFFFFFFC0];
	v7 =	vmul.f32 v7, v7;
	v9 =	vsub.f32 v10, v8  }
0x165: {  	s0 =	sadd.s32 $0x80, s0;
	v4 =	vld [tilespmem:s31+$0xFFFFFFD0];
	v10 =	vsub.f32 v14, v13;
	v13 =	vmul.f32 v18, v18;
	v11 =	vadd.f32 v15, v11  }
0x166: {  	s2 =	sadd.s32 $0x80, s2;
	v8 =	vld [tilespmem:s0+$0xFFFFFFC0];
	v16 =	vsub.f32 v16, v12;
	v6 =	vadd.f32 v7, v6;
	v15 =	vmul.f32 v9, v9  }
0x167: {  	v14 =	vld [tilespmem:s2+$0xFFFFFFD0];
	v63, _, _ =	vpop (xrf2);
	v10 =	vmul.f32 v10, v10;
	v9 =	vsub.f32 v61, v62;
	v7 =	vadd.f32 v13, v11  }
0x168: {  	s30 =	simm.s32 $0x1;
	s29 =	simm.s32 $0x2;
	s11 =	simm.s32 $0x3;
	v12 =	vld [tilespmem:s2+$0xFFFFFFC0];
	v11 =	vmul.f32 v16, v16;
	v13 =	vadd.f32 v15, v6;
	v6 =	vbroadcast v63, $0xF  }
.LBB2_11:
0x169: {  	p0 =	sne.s32 s11, $0xF;
	v15 =	vld [tilespmem:s2+$0xFFFFFFE0];
	v9 =	vmul.f32 v9, v9;
	(xrf2) =	vadd.scan.msk.f32 $0xffff, v7  }
0x16a: {  	v7 =	vld [tilespmem:s0+$0xFFFFFFD0];
	v10 =	vadd.f32 v10, v13;
	v1 =	vsel vm0, v6, v1  }
0x16b: {  	v6 =	vld [tilespmem:s2+$0xFFFFFFF0]  }
0x16c: {  	v13 =	vld [tilespmem:s0+$0xFFFFFFE0];
	v10 =	vadd.f32 v11, v10  }
0x16d: {  	v11 =	vadd.f32 $9.999999960e-13, v12;
	v12 =	vadd.f32 $9.999999960e-13, v14;
	v14 =	vld [tilespmem:s2+$0x0]  }
0x16e: {  	v15 =	vadd.f32 $9.999999960e-13, v15;
	v16 =	vld [tilespmem:s0+$0xFFFFFFF0];
	v9 =	vadd.f32 v9, v10  }
0x16f: {  	v8 =	vsub.f32 v11, v8;
	v7 =	vsub.f32 v12, v7;
	v10 =	vld [tilespmem:s2+$0x10]  }
0x170: {  	v5 =	vsub.f32 v11, v5;
	v6 =	vadd.f32 $9.999999960e-13, v6;
	v11 =	vld [tilespmem:s0+$0x0];
	(xrf2) =	vadd.scan.msk.f32 $0xffff, v9  }
0x171: {  	v8 =	vmul.f32 v8, v8;
	v7 =	vmul.f32 v7, v7;
	v9 =	vsub.f32 v15, v13;
	v13 =	vld [tilespmem:s2+$0x20]  }
0x172: {  	v17 =	vmov s30;
	s30 =	smov.u32 s29;
	s29 =	smov.u32 s11;
	v4 =	vsub.f32 v12, v4;
	v12 =	vadd.f32 $9.999999960e-13, v14;
	v14 =	vld [tilespmem:s0+$0x10]  }
0x173: {  	v7 =	vadd.f32 v7, v8;
	v8 =	vmul.f32 v9, v9;
	v9 =	vsub.f32 v6, v16;
	v16 =	vld [tilespmem:s2+$0x30];
	v18, _, _ =	vpop (xrf2)  }
0x174: {  	vm0 =	veq.s32 v17, v0;
	v10 =	vadd.f32 $9.999999960e-13, v10;
	v19 =	vld [tilespmem:s0+$0x20];
	v17 =	vbroadcast v18, $0xF  }
0x175: {  	v7 =	vadd.f32 v8, v7;
	v8 =	vld [tilespmem:s31+$0xFFFFFFF0];
	v9 =	vmul.f32 v9, v9;
	v11 =	vsub.f32 v12, v11  }
0x176: {  	v5 =	vmul.f32 v5, v5;
	v13 =	vadd.f32 $9.999999960e-13, v13;
	v18 =	vld [tilespmem:s0+$0x30];
	v2 =	vsel vm0, v17, v2  }
0x177: {  	v7 =	vadd.f32 v9, v7;
	v9 =	vld [tilespmem:s31+$0x0];
	v11 =	vmul.f32 v11, v11;
	v14 =	vsub.f32 v10, v14  }
0x178: {  	v3 =	vsub.f32 v15, v3;
	v4 =	vmul.f32 v4, v4;
	v15 =	vld [tilespmem:s31+$0x10];
	v16 =	vadd.f32 $9.999999960e-13, v16  }
0x179: {  	v7 =	vadd.f32 v11, v7;
	v11 =	vmul.f32 v14, v14;
	v14 =	vld [tilespmem:s31+$0x20];
	v17 =	vsub.f32 v13, v19  }
0x17a: {  	v4 =	vadd.f32 v4, v5;
	v19 =	vmul.f32 v3, v3;
	v6 =	vsub.f32 v6, v8;
	v20 =	vld [tilespmem:s31+$0x30];
	s31 =	sadd.s32 $0x80, s31;
	v21, _, _ =	vpop (xrf2)  }
0x17b: {  	v3 =	vld [tilespmem:s31+$0xFFFFFFE0];
	v7 =	vadd.f32 v11, v7;
	v8 =	vmul.f32 v17, v17;
	v11 =	vsub.f32 v16, v18  }
.Ltmp4:
0x17c: {  	v17 =	vadd.f32 v19, v4;
	v5 =	vld [tilespmem:s31+$0xFFFFFFC0];
	v6 =	vmul.f32 v6, v6;
	v9 =	vsub.f32 v12, v9;
	(pc) =	sbr.rel @p0 .LBB2_11-.Ltmp4, $4  }
0x17d: {  	s0 =	sadd.s32 $0x80, s0;
	v4 =	vld [tilespmem:s31+$0xFFFFFFD0];
	v10 =	vsub.f32 v10, v15;
	v7 =	vadd.f32 v8, v7;
	v11 =	vmul.f32 v11, v11  }
0x17e: {  	s2 =	sadd.s32 $0x80, s2;
	v8 =	vld [tilespmem:s0+$0xFFFFFFC0];
	v6 =	vadd.f32 v6, v17;
	v15 =	vmul.f32 v9, v9;
	v17 =	vsub.f32 v13, v14  }
0x17f: {  	v12 =	vld [tilespmem:s2+$0xFFFFFFC0];
	v10 =	vmul.f32 v10, v10;
	v9 =	vsub.f32 v16, v20;
	v7 =	vadd.f32 v11, v7  }
0x180: {  	s11 =	sadd.s32 $0x1, s11;
	v14 =	vld [tilespmem:s2+$0xFFFFFFD0];
	v13 =	vadd.f32 v15, v6;
	v11 =	vmul.f32 v17, v17;
	v6 =	vbroadcast v21, $0xF  }
0x181: {  	v15 =	vld [tilespmem:s2+$0xFFFFFFE0]  }
0x182: {  	v16 =	vld [tilespmem:s0+$0xFFFFFFD0]  }
0x183: {  	v17 =	vld [tilespmem:s2+$0xFFFFFFF0]  }
0x184: {  	v20 =	vld [tilespmem:s2+$0x0];
	v10 =	vadd.f32 v10, v13  }
0x185: {  	v21 =	vld [tilespmem:s2+$0x10]  }
0x186: {  	v18 =	vld [tilespmem:s0+$0xFFFFFFE0];
	v12 =	vadd.f32 $9.999999960e-13, v12;
	v10 =	vadd.f32 v11, v10  }
0x187: {  	v19 =	vld [tilespmem:s0+$0xFFFFFFF0];
	v14 =	vadd.f32 $9.999999960e-13, v14;
	v15 =	vadd.f32 $9.999999960e-13, v15  }
0x188: {  	v39 =	vld [tilespmem:s31+$0xFFFFFFF0];
	v8 =	vsub.f32 v12, v8;
	v17 =	vadd.f32 $9.999999960e-13, v17  }
0x189: {  	v22 =	vld [tilespmem:s0+$0x0];
	v5 =	vsub.f32 v12, v5;
	v44 =	vadd.f32 $9.999999960e-13, v20  }
0x18a: {  	v42 =	vld [tilespmem:s31+$0x0];
	v9 =	vmul.f32 v9, v9;
	v46 =	vadd.f32 $9.999999960e-13, v21;
	v16 =	vsub.f32 v14, v16  }
0x18b: {  	v40 =	vld [tilespmem:s0+$0x10];
	v4 =	vsub.f32 v14, v4;
	v8 =	vmul.f32 v8, v8;
	v18 =	vsub.f32 v15, v18  }
0x18c: {  	v43 =	vld [tilespmem:s31+$0x10];
	v19 =	vsub.f32 v17, v19;
	v5 =	vmul.f32 v5, v5;
	v16 =	vmul.f32 v16, v16  }
0x18d: {  	v38 =	vld [tilespmem:s2+$0x20];
	v3 =	vsub.f32 v15, v3;
	v12 =	vsub.f32 v17, v39;
	v4 =	vmul.f32 v4, v4  }
0x18e: {  	v45 =	vld [tilespmem:s2+$0x30];
	v48 =	vsub.f32 v44, v22;
	v18 =	vmul.f32 v18, v18;
	v8 =	vadd.f32 v16, v8  }
0x18f: {  	v47 =	vld [tilespmem:s0+$0x20];
	v14 =	vsub.f32 v44, v42;
	v3 =	vmul.f32 v3, v3;
	v4 =	vadd.f32 v4, v5  }
0x190: {  	v49 =	vld [tilespmem:s31+$0x20];
	v13 =	vsub.f32 v46, v40;
	v41 =	vmul.f32 v19, v19;
	v8 =	vadd.f32 v18, v8  }
0x191: {  	v50 =	vld [tilespmem:s0+$0x30];
	v11 =	vsub.f32 v46, v43;
	v12 =	vmul.f32 v12, v12;
	v3 =	vadd.f32 v3, v4  }
0x192: {  	v51 =	vld [tilespmem:s31+$0x30];
	v19 =	vmul.f32 v48, v48;
	v16 =	vadd.f32 $9.999999960e-13, v38;
	v8 =	vadd.f32 v41, v8  }
0x193: {  	v52 =	vmul.f32 v14, v14;
	v5 =	vadd.f32 $9.999999960e-13, v45;
	v3 =	vadd.f32 v12, v3  }
0x194: {  	v13 =	vmul.f32 v13, v13;
	v53 =	vsub.f32 v16, v47;
	v8 =	vadd.f32 v19, v8  }
0x195: {  	v11 =	vmul.f32 v11, v11;
	v4 =	vsub.f32 v16, v49;
	v3 =	vadd.f32 v52, v3  }
0x196: {  	v55 =	vsub.f32 v5, v50;
	v54 =	vmul.f32 v53, v53;
	v8 =	vadd.f32 v13, v8  }
0x197: {  	v5 =	vsub.f32 v5, v51;
	v4 =	vmul.f32 v4, v4;
	v3 =	vadd.f32 v11, v3  }
0x198: {  	v56 =	vmul.f32 v55, v55;
	v8 =	vadd.f32 v54, v8  }
0x199: {  	v9 =	vadd.f32 v9, v10;
	v5 =	vmul.f32 v5, v5;
	v3 =	vadd.f32 v4, v3  }
0x19a: {  	(xrf2) =	vadd.scan.msk.f32 $0xffff, v7;
	v57 =	vadd.f32 v56, v8  }
0x19b: {  	(xrf2) =	vadd.scan.msk.f32 $0xffff, v9;
	v3 =	vadd.f32 v5, v3  }
0x19c: {  	(xrf2) =	vadd.scan.msk.f32 $0xffff, v57  }
0x19d: {  	(xrf2) =	vadd.scan.msk.f32 $0xffff, v3;
	_ =	sdelay $0x6  }
0x19e: {  	v3, _, _ =	vpop (xrf2)  }
0x19f: {  	v59 =	vmov s30;
	s31 =	sshll.u32 s28, $0x4;
	s28 =	sadd.s32 $0x1, s28;
	v58, _, _ =	vpop (xrf2)  }
0x1a0: {  	v62 =	vmov s29;
	v1 =	vsel vm0, v6, v1;
	p0 =	sne.s32 s28, $0x8;
	v3 =	vbroadcast v3, $0xF;
	v60, _, _ =	vpop (xrf2)  }
.Ltmp5:
0x1a1: {  	vm15 =	veq.s32 v59, v0;
	v4 =	vbroadcast v58, $0xF;
	v61, _, _ =	vpop (xrf2);
	v63 =	vbroadcast v60, $0xF;
	(pc) =	sbr.rel @p0 .LBB2_10-.Ltmp5, $4  }
0x1a2: {  	vm1 =	veq.s32 v62, v0;
	v2 =	vsel vm15, v3, v2;
	v5 =	vbroadcast v61, $0xF  }
0x1a3: {  	v1 =	vsel vm15, v4, v1;
	v2 =	vsel vm1, v63, v2  }
0x1a4: {  	v1 =	vsel vm1, v5, v1;
	[tilespmem:s31+$0x19100] =	vst v2  }
0x1a5: {  	s23 =	sadd.s32 $0x800, s23;
	s24 =	sadd.s32 $0x800, s24;
	s25 =	sadd.s32 $0x800, s25;
	[tilespmem:s31+$0x18D00] =	vst v1  }
0x1a6: {  	s0 =	simm.s32 $0x200  }
0x1a7: {  	[tilespmem:s14], [sflag:$0x1] =	stream.indirect.gather [hbm4b:s1+s13], $0x80, s0, s13, $0xb8;
	[tilespmem:$0x19400] =	vst v63  }
0x1a8: {  	s30 =	simm.s32 $0x600  }
0x1a9: {  	[tilespmem:s15], [sflag:$0x1] =	stream.indirect.gather [hbm4b:s1+s13], $0x80, s30, s13, $0xb8;
	[tilespmem:$0x19400] =	vst v63  }
0x1aa: {  	s31 =	simm.s32 $0xA00  }
0x1ab: {  	[tilespmem:s16], [sflag:$0x1] =	stream.indirect.gather [hbm4b:s1+s13], $0x80, s31, s13, $0xb8;
	[tilespmem:$0x19400] =	vst v63  }
0x1ac: {  	_ =	swait.ge [sflag:s26], $0x4000  }
0x1ad: {  	[sflag:s26] =	ssyncset.done $0x0  }
0x1ae: {  	[sflag:s26] =	ssyncadd.s32 $0xFFFFC000  }
0x1af: {  	_ =	swait.ge [sflag:s26], $0x4000  }
0x1b0: {  	[sflag:s26] =	ssyncset.done $0x0  }
0x1b1: {  	[sflag:s26] =	ssyncadd.s32 $0xFFFFC000  }
0x1b2: {  	s20 =	simm.s32 $0x0;
	_ =	swait.ge [sflag:s26], $0x4000  }
0x1b3: {  	s23 =	simm.s32 $0xCC40;
	s24 =	simm.s32 $0x10C40;
	[sflag:s26] =	ssyncset.done $0x0  }
0x1b4: {  	s25 =	simm.s32 $0x14C40;
	s28 =	simm.s32 $0x0;
	[sflag:s26] =	ssyncadd.s32 $0xFFFFC000  }
.LBB2_14:
0x1b5: {  	v1 =	vld [tilespmem:s24+$0xFFFFFFE0]  }
0x1b6: {  	v2 =	vld [tilespmem:s24+$0xFFFFFFC0]  }
0x1b7: {  	v4 =	vld [tilespmem:s25+$0xFFFFFFC0]  }
0x1b8: {  	v5 =	vld [tilespmem:s23+$0xFFFFFFC0]  }
0x1b9: {  	v6 =	vld [tilespmem:s23+$0xFFFFFFD0]  }
0x1ba: {  	v7 =	vld [tilespmem:s23+$0xFFFFFFE0]  }
0x1bb: {  	v8 =	vld [tilespmem:s25+$0xFFFFFFD0]  }
0x1bc: {  	v9 =	vld [tilespmem:s23+$0xFFFFFFF0]  }
0x1bd: {  	v10 =	vld [tilespmem:s25+$0xFFFFFFE0]  }
0x1be: {  	v11 =	vld [tilespmem:s23+$0x0]  }
0x1bf: {  	v3 =	vld [tilespmem:s24+$0xFFFFFFD0]  }
0x1c0: {  	v13 =	vld [tilespmem:s23+$0x10];
	v5 =	vadd.f32 $9.999999960e-13, v5;
	v6 =	vadd.f32 $9.999999960e-13, v6  }
0x1c1: {  	v12 =	vld [tilespmem:s25+$0xFFFFFFF0];
	v7 =	vadd.f32 $9.999999960e-13, v7;
	v9 =	vadd.f32 $9.999999960e-13, v9  }
0x1c2: {  	v14 =	vld [tilespmem:s25+$0x0];
	v4 =	vsub.f32 v5, v4;
	v8 =	vsub.f32 v6, v8  }
0x1c3: {  	v15 =	vld [tilespmem:s23+$0x20];
	v11 =	vadd.f32 $9.999999960e-13, v11;
	v10 =	vsub.f32 v7, v10  }
0x1c4: {  	v16 =	vld [tilespmem:s25+$0x10];
	v2 =	vsub.f32 v5, v2;
	v4 =	vmul.f32 v4, v4;
	v8 =	vmul.f32 v8, v8  }
0x1c5: {  	v5 =	vadd.f32 $9.999999960e-13, v13;
	v13 =	vld [tilespmem:s25+$0x20];
	v1 =	vsub.f32 v7, v1  }
0x1c6: {  	v7 =	vld [tilespmem:s24+$0x10];
	v4 =	vadd.f32 v8, v4;
	v8 =	vmul.f32 v10, v10;
	v10 =	vsub.f32 v9, v12  }
0x1c7: {  	v3 =	vsub.f32 v6, v3;
	v12 =	vld [tilespmem:s23+$0x30]  }
0x1c8: {  	v14 =	vsub.f32 v11, v14;
	v4 =	vadd.f32 v8, v4;
	v8 =	vld [tilespmem:s24+$0xFFFFFFF0];
	v10 =	vmul.f32 v10, v10  }
0x1c9: {  	v6 =	vadd.f32 $9.999999960e-13, v15;
	v15 =	vld [tilespmem:s25+$0x30];
	v2 =	vmul.f32 v2, v2;
	v3 =	vmul.f32 v3, v3  }
0x1ca: {  	v14 =	vmul.f32 v14, v14;
	v16 =	vsub.f32 v5, v16;
	v4 =	vadd.f32 v10, v4;
	v10 =	vld [tilespmem:s24+$0x0]  }
0x1cb: {  	v57 =	vld [tilespmem:s24+$0x20];
	s2 =	sadd.s32 $0x80, s23;
	v2 =	vadd.f32 v3, v2;
	v13 =	vsub.f32 v6, v13  }
0x1cc: {  	s0 =	sadd.s32 $0x80, s25;
	v58 =	vld [tilespmem:s2+$0x20];
	v12 =	vadd.f32 $9.999999960e-13, v12;
	v4 =	vadd.f32 v14, v4;
	v14 =	vmul.f32 v16, v16  }
0x1cd: {  	v1 =	vmul.f32 v1, v1;
	v5 =	vsub.f32 v5, v7;
	v7 =	vld [tilespmem:s0+$0xFFFFFFC0];
	v3 =	vsub.f32 v9, v8  }
0x1ce: {  	s11 =	sadd.s32 $0x80, s24;
	v13 =	vmul.f32 v13, v13;
	v8 =	vld [tilespmem:s24+$0x30];
	v4 =	vadd.f32 v14, v4;
	v14 =	vsub.f32 v12, v15  }
0x1cf: {  	v1 =	vadd.f32 v1, v2;
	v15 =	vld [tilespmem:s11+$0xFFFFFFC0];
	v2 =	vmul.f32 v3, v3;
	v3 =	vsub.f32 v11, v10  }
0x1d0: {  	v10 =	vld [tilespmem:s11+$0xFFFFFFD0];
	v4 =	vadd.f32 v13, v4;
	v11 =	vmul.f32 v14, v14  }
0x1d1: {  	v1 =	vadd.f32 v2, v1;
	v2 =	vmul.f32 v3, v3;
	v3 =	vld [tilespmem:s2+$0xFFFFFFC0]  }
0x1d2: {  	v4 =	vadd.f32 v11, v4;
	v11 =	vld [tilespmem:s2+$0xFFFFFFD0]  }
0x1d3: {  	v6 =	vsub.f32 v6, v57;
	v5 =	vmul.f32 v5, v5;
	v1 =	vadd.f32 v2, v1;
	v2 =	vld [tilespmem:s2+$0xFFFFFFE0]  }
0x1d4: {  	(xrf2) =	vadd.scan.msk.f32 $0xffff, v4;
	v4 =	vsub.f32 v12, v8;
	v8 =	vld [tilespmem:s0+$0xFFFFFFD0]  }
0x1d5: {  	v6 =	vmul.f32 v6, v6;
	v1 =	vadd.f32 v5, v1;
	v5 =	vld [tilespmem:s2+$0xFFFFFFF0]  }
0x1d6: {  	v12 =	vld [tilespmem:s0+$0xFFFFFFE0];
	v3 =	vadd.f32 $9.999999960e-13, v3  }
0x1d7: {  	v1 =	vadd.f32 v6, v1;
	v6 =	vadd.f32 $9.999999960e-13, v11;
	v11 =	vld [tilespmem:s2+$0x0]  }
0x1d8: {  	v4 =	vmul.f32 v4, v4;
	v13 =	vadd.f32 $9.999999960e-13, v2;
	v2 =	vld [tilespmem:s0+$0xFFFFFFF0];
	v7 =	vsub.f32 v3, v7  }
0x1d9: {  	v14 =	vld [tilespmem:s2+$0x10];
	v3 =	vsub.f32 v3, v15;
	v8 =	vsub.f32 v6, v8  }
0x1da: {  	v17 =	vmov s20;
	v15 =	vld [tilespmem:s0+$0x0];
	v4 =	vadd.f32 v4, v1;
	v5 =	vadd.f32 $9.999999960e-13, v5  }
0x1db: {  	v9 =	vld [tilespmem:s11+$0xFFFFFFE0];
	v7 =	vmul.f32 v7, v7;
	v12 =	vsub.f32 v13, v12;
	v8 =	vmul.f32 v8, v8  }
0x1dc: {  	vm0 =	veq.s32 v17, v0;
	v6 =	vsub.f32 v6, v10;
	v10 =	vadd.f32 $9.999999960e-13, v11;
	v11 =	vld [tilespmem:s0+$0x10]  }
0x1dd: {  	v7 =	vadd.f32 v8, v7;
	v8 =	vmul.f32 v12, v12;
	v2 =	vsub.f32 v5, v2;
	v12 =	vld [tilespmem:s2+$0x30]  }
0x1de: {  	v19 =	vld [tilespmem:s0+$0x20];
	v16 =	vadd.f32 $9.999999960e-13, v58;
	v14 =	vadd.f32 $9.999999960e-13, v14;
	v1 =	vimm.f32 $0.0e+00  }
0x1df: {  	v18, _, _ =	vpop (xrf2);
	(xrf2) =	vadd.scan.msk.f32 $0xffff, v4;
	v15 =	vsub.f32 v10, v15;
	v4 =	vadd.f32 v8, v7;
	v7 =	vld [tilespmem:s11+$0xFFFFFFF0];
	v8 =	vmul.f32 v2, v2  }
0x1e0: {  	v60 =	vld [tilespmem:s0+$0x30];
	v3 =	vmul.f32 v3, v3;
	v9 =	vsub.f32 v13, v9;
	v6 =	vmul.f32 v6, v6  }
0x1e1: {  	v15 =	vmul.f32 v15, v15;
	v4 =	vadd.f32 v8, v4;
	v8 =	vld [tilespmem:s11+$0x0];
	v11 =	vsub.f32 v14, v11  }
0x1e2: {  	v13 =	vld [tilespmem:s11+$0x10];
	v9 =	vmul.f32 v9, v9;
	v6 =	vadd.f32 v6, v3;
	v61 =	vadd.f32 $9.999999960e-13, v12  }
0x1e3: {  	v12 =	vld [tilespmem:s11+$0x20];
	v4 =	vadd.f32 v15, v4;
	v11 =	vmul.f32 v11, v11;
	v15 =	vsub.f32 v16, v19  }
0x1e4: {  	v62 =	vld [tilespmem:s11+$0x30];
	s31 =	sadd.s32 $0x80, s11;
	v59 =	vbroadcast v18, $0xF;
	v6 =	vadd.f32 v9, v6;
	v7 =	vsub.f32 v5, v7  }
0x1e5: {  	v3 =	vld [tilespmem:s31+$0xFFFFFFE0];
	v18 =	vsub.f32 v61, v60;
	v11 =	vadd.f32 v11, v4;
	v15 =	vmul.f32 v15, v15  }
0x1e6: {  	v2 =	vsel vm0, v59, v1;
	v5 =	vld [tilespmem:s31+$0xFFFFFFC0];
	v7 =	vmul.f32 v7, v7;
	v9 =	vsub.f32 v10, v8  }
0x1e7: {  	s0 =	sadd.s32 $0x80, s0;
	v4 =	vld [tilespmem:s31+$0xFFFFFFD0];
	v10 =	vsub.f32 v14, v13;
	v13 =	vmul.f32 v18, v18;
	v11 =	vadd.f32 v15, v11  }
0x1e8: {  	s2 =	sadd.s32 $0x80, s2;
	v8 =	vld [tilespmem:s0+$0xFFFFFFC0];
	v16 =	vsub.f32 v16, v12;
	v6 =	vadd.f32 v7, v6;
	v15 =	vmul.f32 v9, v9  }
0x1e9: {  	v14 =	vld [tilespmem:s2+$0xFFFFFFD0];
	v63, _, _ =	vpop (xrf2);
	v10 =	vmul.f32 v10, v10;
	v9 =	vsub.f32 v61, v62;
	v7 =	vadd.f32 v13, v11  }
0x1ea: {  	s30 =	simm.s32 $0x1;
	s29 =	simm.s32 $0x2;
	s11 =	simm.s32 $0x3;
	v12 =	vld [tilespmem:s2+$0xFFFFFFC0];
	v11 =	vmul.f32 v16, v16;
	v13 =	vadd.f32 v15, v6;
	v6 =	vbroadcast v63, $0xF  }
.LBB2_15:
0x1eb: {  	p0 =	sne.s32 s11, $0xF;
	v15 =	vld [tilespmem:s2+$0xFFFFFFE0];
	v9 =	vmul.f32 v9, v9;
	(xrf2) =	vadd.scan.msk.f32 $0xffff, v7  }
0x1ec: {  	v7 =	vld [tilespmem:s0+$0xFFFFFFD0];
	v10 =	vadd.f32 v10, v13;
	v1 =	vsel vm0, v6, v1  }
0x1ed: {  	v6 =	vld [tilespmem:s2+$0xFFFFFFF0]  }
0x1ee: {  	v13 =	vld [tilespmem:s0+$0xFFFFFFE0];
	v10 =	vadd.f32 v11, v10  }
0x1ef: {  	v11 =	vadd.f32 $9.999999960e-13, v12;
	v12 =	vadd.f32 $9.999999960e-13, v14;
	v14 =	vld [tilespmem:s2+$0x0]  }
0x1f0: {  	v15 =	vadd.f32 $9.999999960e-13, v15;
	v16 =	vld [tilespmem:s0+$0xFFFFFFF0];
	v9 =	vadd.f32 v9, v10  }
0x1f1: {  	v8 =	vsub.f32 v11, v8;
	v7 =	vsub.f32 v12, v7;
	v10 =	vld [tilespmem:s2+$0x10]  }
0x1f2: {  	v5 =	vsub.f32 v11, v5;
	v6 =	vadd.f32 $9.999999960e-13, v6;
	v11 =	vld [tilespmem:s0+$0x0];
	(xrf2) =	vadd.scan.msk.f32 $0xffff, v9  }
0x1f3: {  	v8 =	vmul.f32 v8, v8;
	v7 =	vmul.f32 v7, v7;
	v9 =	vsub.f32 v15, v13;
	v13 =	vld [tilespmem:s2+$0x20]  }
0x1f4: {  	v17 =	vmov s30;
	s30 =	smov.u32 s29;
	s29 =	smov.u32 s11;
	v4 =	vsub.f32 v12, v4;
	v12 =	vadd.f32 $9.999999960e-13, v14;
	v14 =	vld [tilespmem:s0+$0x10]  }
0x1f5: {  	v7 =	vadd.f32 v7, v8;
	v8 =	vmul.f32 v9, v9;
	v9 =	vsub.f32 v6, v16;
	v16 =	vld [tilespmem:s2+$0x30];
	v18, _, _ =	vpop (xrf2)  }
0x1f6: {  	vm0 =	veq.s32 v17, v0;
	v10 =	vadd.f32 $9.999999960e-13, v10;
	v19 =	vld [tilespmem:s0+$0x20];
	v17 =	vbroadcast v18, $0xF  }
0x1f7: {  	v7 =	vadd.f32 v8, v7;
	v8 =	vld [tilespmem:s31+$0xFFFFFFF0];
	v9 =	vmul.f32 v9, v9;
	v11 =	vsub.f32 v12, v11  }
0x1f8: {  	v5 =	vmul.f32 v5, v5;
	v13 =	vadd.f32 $9.999999960e-13, v13;
	v18 =	vld [tilespmem:s0+$0x30];
	v2 =	vsel vm0, v17, v2  }
0x1f9: {  	v7 =	vadd.f32 v9, v7;
	v9 =	vld [tilespmem:s31+$0x0];
	v11 =	vmul.f32 v11, v11;
	v14 =	vsub.f32 v10, v14  }
0x1fa: {  	v3 =	vsub.f32 v15, v3;
	v4 =	vmul.f32 v4, v4;
	v15 =	vld [tilespmem:s31+$0x10];
	v16 =	vadd.f32 $9.999999960e-13, v16  }
0x1fb: {  	v7 =	vadd.f32 v11, v7;
	v11 =	vmul.f32 v14, v14;
	v14 =	vld [tilespmem:s31+$0x20];
	v17 =	vsub.f32 v13, v19  }
0x1fc: {  	v4 =	vadd.f32 v4, v5;
	v19 =	vmul.f32 v3, v3;
	v6 =	vsub.f32 v6, v8;
	v20 =	vld [tilespmem:s31+$0x30];
	s31 =	sadd.s32 $0x80, s31;
	v21, _, _ =	vpop (xrf2)  }
0x1fd: {  	v3 =	vld [tilespmem:s31+$0xFFFFFFE0];
	v7 =	vadd.f32 v11, v7;
	v8 =	vmul.f32 v17, v17;
	v11 =	vsub.f32 v16, v18  }
.Ltmp6:
0x1fe: {  	v17 =	vadd.f32 v19, v4;
	v5 =	vld [tilespmem:s31+$0xFFFFFFC0];
	v6 =	vmul.f32 v6, v6;
	v9 =	vsub.f32 v12, v9;
	(pc) =	sbr.rel @p0 .LBB2_15-.Ltmp6, $4  }
0x1ff: {  	s0 =	sadd.s32 $0x80, s0;
	v4 =	vld [tilespmem:s31+$0xFFFFFFD0];
	v10 =	vsub.f32 v10, v15;
	v7 =	vadd.f32 v8, v7;
	v11 =	vmul.f32 v11, v11  }
0x200: {  	s2 =	sadd.s32 $0x80, s2;
	v8 =	vld [tilespmem:s0+$0xFFFFFFC0];
	v6 =	vadd.f32 v6, v17;
	v15 =	vmul.f32 v9, v9;
	v17 =	vsub.f32 v13, v14  }
0x201: {  	v12 =	vld [tilespmem:s2+$0xFFFFFFC0];
	v10 =	vmul.f32 v10, v10;
	v9 =	vsub.f32 v16, v20;
	v7 =	vadd.f32 v11, v7  }
0x202: {  	s11 =	sadd.s32 $0x1, s11;
	v14 =	vld [tilespmem:s2+$0xFFFFFFD0];
	v13 =	vadd.f32 v15, v6;
	v11 =	vmul.f32 v17, v17;
	v6 =	vbroadcast v21, $0xF  }
0x203: {  	v15 =	vld [tilespmem:s2+$0xFFFFFFE0]  }
0x204: {  	v16 =	vld [tilespmem:s0+$0xFFFFFFD0]  }
0x205: {  	v17 =	vld [tilespmem:s2+$0xFFFFFFF0]  }
0x206: {  	v20 =	vld [tilespmem:s2+$0x0];
	v10 =	vadd.f32 v10, v13  }
0x207: {  	v21 =	vld [tilespmem:s2+$0x10]  }
0x208: {  	v18 =	vld [tilespmem:s0+$0xFFFFFFE0];
	v12 =	vadd.f32 $9.999999960e-13, v12;
	v10 =	vadd.f32 v11, v10  }
0x209: {  	v19 =	vld [tilespmem:s0+$0xFFFFFFF0];
	v14 =	vadd.f32 $9.999999960e-13, v14;
	v15 =	vadd.f32 $9.999999960e-13, v15  }
0x20a: {  	v39 =	vld [tilespmem:s31+$0xFFFFFFF0];
	v8 =	vsub.f32 v12, v8;
	v17 =	vadd.f32 $9.999999960e-13, v17  }
0x20b: {  	v22 =	vld [tilespmem:s0+$0x0];
	v5 =	vsub.f32 v12, v5;
	v44 =	vadd.f32 $9.999999960e-13, v20  }
0x20c: {  	v42 =	vld [tilespmem:s31+$0x0];
	v9 =	vmul.f32 v9, v9;
	v46 =	vadd.f32 $9.999999960e-13, v21;
	v16 =	vsub.f32 v14, v16  }
0x20d: {  	v40 =	vld [tilespmem:s0+$0x10];
	v4 =	vsub.f32 v14, v4;
	v8 =	vmul.f32 v8, v8;
	v18 =	vsub.f32 v15, v18  }
0x20e: {  	v43 =	vld [tilespmem:s31+$0x10];
	v19 =	vsub.f32 v17, v19;
	v5 =	vmul.f32 v5, v5;
	v16 =	vmul.f32 v16, v16  }
0x20f: {  	v38 =	vld [tilespmem:s2+$0x20];
	v3 =	vsub.f32 v15, v3;
	v12 =	vsub.f32 v17, v39;
	v4 =	vmul.f32 v4, v4  }
0x210: {  	v45 =	vld [tilespmem:s2+$0x30];
	v48 =	vsub.f32 v44, v22;
	v18 =	vmul.f32 v18, v18;
	v8 =	vadd.f32 v16, v8  }
0x211: {  	v47 =	vld [tilespmem:s0+$0x20];
	v14 =	vsub.f32 v44, v42;
	v3 =	vmul.f32 v3, v3;
	v4 =	vadd.f32 v4, v5  }
0x212: {  	v49 =	vld [tilespmem:s31+$0x20];
	v13 =	vsub.f32 v46, v40;
	v41 =	vmul.f32 v19, v19;
	v8 =	vadd.f32 v18, v8  }
0x213: {  	v50 =	vld [tilespmem:s0+$0x30];
	v11 =	vsub.f32 v46, v43;
	v12 =	vmul.f32 v12, v12;
	v3 =	vadd.f32 v3, v4  }
0x214: {  	v51 =	vld [tilespmem:s31+$0x30];
	v19 =	vmul.f32 v48, v48;
	v16 =	vadd.f32 $9.999999960e-13, v38;
	v8 =	vadd.f32 v41, v8  }
0x215: {  	v52 =	vmul.f32 v14, v14;
	v5 =	vadd.f32 $9.999999960e-13, v45;
	v3 =	vadd.f32 v12, v3  }
0x216: {  	v13 =	vmul.f32 v13, v13;
	v53 =	vsub.f32 v16, v47;
	v8 =	vadd.f32 v19, v8  }
0x217: {  	v11 =	vmul.f32 v11, v11;
	v4 =	vsub.f32 v16, v49;
	v3 =	vadd.f32 v52, v3  }
0x218: {  	v55 =	vsub.f32 v5, v50;
	v54 =	vmul.f32 v53, v53;
	v8 =	vadd.f32 v13, v8  }
0x219: {  	v5 =	vsub.f32 v5, v51;
	v4 =	vmul.f32 v4, v4;
	v3 =	vadd.f32 v11, v3  }
0x21a: {  	v56 =	vmul.f32 v55, v55;
	v8 =	vadd.f32 v54, v8  }
0x21b: {  	v9 =	vadd.f32 v9, v10;
	v5 =	vmul.f32 v5, v5;
	v3 =	vadd.f32 v4, v3  }
0x21c: {  	(xrf2) =	vadd.scan.msk.f32 $0xffff, v7;
	v57 =	vadd.f32 v56, v8  }
0x21d: {  	(xrf2) =	vadd.scan.msk.f32 $0xffff, v9;
	v3 =	vadd.f32 v5, v3  }
0x21e: {  	(xrf2) =	vadd.scan.msk.f32 $0xffff, v57  }
0x21f: {  	(xrf2) =	vadd.scan.msk.f32 $0xffff, v3;
	_ =	sdelay $0x6  }
0x220: {  	v3, _, _ =	vpop (xrf2)  }
0x221: {  	v59 =	vmov s30;
	s31 =	sshll.u32 s28, $0x4;
	s28 =	sadd.s32 $0x1, s28;
	v58, _, _ =	vpop (xrf2)  }
0x222: {  	v62 =	vmov s29;
	v1 =	vsel vm0, v6, v1;
	p0 =	sne.s32 s28, $0x8;
	v3 =	vbroadcast v3, $0xF;
	v60, _, _ =	vpop (xrf2)  }
.Ltmp7:
0x223: {  	vm15 =	veq.s32 v59, v0;
	v4 =	vbroadcast v58, $0xF;
	v61, _, _ =	vpop (xrf2);
	v63 =	vbroadcast v60, $0xF;
	(pc) =	sbr.rel @p0 .LBB2_14-.Ltmp7, $4  }
0x224: {  	vm1 =	veq.s32 v62, v0;
	v2 =	vsel vm15, v3, v2;
	v5 =	vbroadcast v61, $0xF  }
0x225: {  	v1 =	vsel vm15, v4, v1;
	v2 =	vsel vm1, v63, v2  }
0x226: {  	v1 =	vsel vm1, v5, v1;
	[tilespmem:s31+$0x19180] =	vst v2  }
0x227: {  	s23 =	sadd.s32 $0x800, s23;
	s24 =	sadd.s32 $0x800, s24;
	s25 =	sadd.s32 $0x800, s25;
	[tilespmem:s31+$0x18D80] =	vst v1  }
0x228: {  	s0 =	simm.s32 $0x280  }
0x229: {  	[tilespmem:s17], [sflag:$0x2] =	stream.indirect.gather [hbm4b:s1+s13], $0x80, s0, s13, $0xb8;
	[tilespmem:$0x19400] =	vst v63  }
0x22a: {  	s30 =	simm.s32 $0x680  }
0x22b: {  	[tilespmem:s19], [sflag:$0x2] =	stream.indirect.gather [hbm4b:s1+s13], $0x80, s30, s13, $0xb8;
	[tilespmem:$0x19400] =	vst v63  }
0x22c: {  	s31 =	simm.s32 $0xA80  }
0x22d: {  	[tilespmem:s21], [sflag:$0x2] =	stream.indirect.gather [hbm4b:s1+s13], $0x80, s31, s13, $0xb8;
	[tilespmem:$0x19400] =	vst v63  }
0x22e: {  	_ =	swait.ge [sflag:s22], $0x4000  }
0x22f: {  	[sflag:s22] =	ssyncset.done $0x0  }
0x230: {  	[sflag:s22] =	ssyncadd.s32 $0xFFFFC000  }
0x231: {  	_ =	swait.ge [sflag:s22], $0x4000  }
0x232: {  	[sflag:s22] =	ssyncset.done $0x0  }
0x233: {  	[sflag:s22] =	ssyncadd.s32 $0xFFFFC000  }
0x234: {  	s20 =	simm.s32 $0x0;
	_ =	swait.ge [sflag:s22], $0x4000  }
0x235: {  	s23 =	simm.s32 $0xC40;
	s24 =	simm.s32 $0x4C40;
	[sflag:s22] =	ssyncset.done $0x0  }
0x236: {  	s25 =	simm.s32 $0x8C40;
	s28 =	simm.s32 $0x0;
	[sflag:s22] =	ssyncadd.s32 $0xFFFFC000  }
.LBB2_18:
0x237: {  	v1 =	vld [tilespmem:s24+$0xFFFFFFE0]  }
0x238: {  	v2 =	vld [tilespmem:s24+$0xFFFFFFC0]  }
0x239: {  	v4 =	vld [tilespmem:s25+$0xFFFFFFC0]  }
0x23a: {  	v5 =	vld [tilespmem:s23+$0xFFFFFFC0]  }
0x23b: {  	v6 =	vld [tilespmem:s23+$0xFFFFFFD0]  }
0x23c: {  	v7 =	vld [tilespmem:s23+$0xFFFFFFE0]  }
0x23d: {  	v8 =	vld [tilespmem:s25+$0xFFFFFFD0]  }
0x23e: {  	v9 =	vld [tilespmem:s23+$0xFFFFFFF0]  }
0x23f: {  	v10 =	vld [tilespmem:s25+$0xFFFFFFE0]  }
0x240: {  	v11 =	vld [tilespmem:s23+$0x0]  }
0x241: {  	v3 =	vld [tilespmem:s24+$0xFFFFFFD0]  }
0x242: {  	v13 =	vld [tilespmem:s23+$0x10];
	v5 =	vadd.f32 $9.999999960e-13, v5;
	v6 =	vadd.f32 $9.999999960e-13, v6  }
0x243: {  	v12 =	vld [tilespmem:s25+$0xFFFFFFF0];
	v7 =	vadd.f32 $9.999999960e-13, v7;
	v9 =	vadd.f32 $9.999999960e-13, v9  }
0x244: {  	v14 =	vld [tilespmem:s25+$0x0];
	v4 =	vsub.f32 v5, v4;
	v8 =	vsub.f32 v6, v8  }
0x245: {  	v15 =	vld [tilespmem:s23+$0x20];
	v11 =	vadd.f32 $9.999999960e-13, v11;
	v10 =	vsub.f32 v7, v10  }
0x246: {  	v16 =	vld [tilespmem:s25+$0x10];
	v2 =	vsub.f32 v5, v2;
	v4 =	vmul.f32 v4, v4;
	v8 =	vmul.f32 v8, v8  }
0x247: {  	v5 =	vadd.f32 $9.999999960e-13, v13;
	v13 =	vld [tilespmem:s25+$0x20];
	v1 =	vsub.f32 v7, v1  }
0x248: {  	v7 =	vld [tilespmem:s24+$0x10];
	v4 =	vadd.f32 v8, v4;
	v8 =	vmul.f32 v10, v10;
	v10 =	vsub.f32 v9, v12  }
0x249: {  	v3 =	vsub.f32 v6, v3;
	v12 =	vld [tilespmem:s23+$0x30]  }
0x24a: {  	v14 =	vsub.f32 v11, v14;
	v4 =	vadd.f32 v8, v4;
	v8 =	vld [tilespmem:s24+$0xFFFFFFF0];
	v10 =	vmul.f32 v10, v10  }
0x24b: {  	v6 =	vadd.f32 $9.999999960e-13, v15;
	v15 =	vld [tilespmem:s25+$0x30];
	v2 =	vmul.f32 v2, v2;
	v3 =	vmul.f32 v3, v3  }
0x24c: {  	v14 =	vmul.f32 v14, v14;
	v16 =	vsub.f32 v5, v16;
	v4 =	vadd.f32 v10, v4;
	v10 =	vld [tilespmem:s24+$0x0]  }
0x24d: {  	v57 =	vld [tilespmem:s24+$0x20];
	s2 =	sadd.s32 $0x80, s23;
	v2 =	vadd.f32 v3, v2;
	v13 =	vsub.f32 v6, v13  }
0x24e: {  	s0 =	sadd.s32 $0x80, s25;
	v58 =	vld [tilespmem:s2+$0x20];
	v12 =	vadd.f32 $9.999999960e-13, v12;
	v4 =	vadd.f32 v14, v4;
	v14 =	vmul.f32 v16, v16  }
0x24f: {  	v1 =	vmul.f32 v1, v1;
	v5 =	vsub.f32 v5, v7;
	v7 =	vld [tilespmem:s0+$0xFFFFFFC0];
	v3 =	vsub.f32 v9, v8  }
0x250: {  	s11 =	sadd.s32 $0x80, s24;
	v13 =	vmul.f32 v13, v13;
	v8 =	vld [tilespmem:s24+$0x30];
	v4 =	vadd.f32 v14, v4;
	v14 =	vsub.f32 v12, v15  }
0x251: {  	v1 =	vadd.f32 v1, v2;
	v15 =	vld [tilespmem:s11+$0xFFFFFFC0];
	v2 =	vmul.f32 v3, v3;
	v3 =	vsub.f32 v11, v10  }
0x252: {  	v10 =	vld [tilespmem:s11+$0xFFFFFFD0];
	v4 =	vadd.f32 v13, v4;
	v11 =	vmul.f32 v14, v14  }
0x253: {  	v1 =	vadd.f32 v2, v1;
	v2 =	vmul.f32 v3, v3;
	v3 =	vld [tilespmem:s2+$0xFFFFFFC0]  }
0x254: {  	v4 =	vadd.f32 v11, v4;
	v11 =	vld [tilespmem:s2+$0xFFFFFFD0]  }
0x255: {  	v6 =	vsub.f32 v6, v57;
	v5 =	vmul.f32 v5, v5;
	v1 =	vadd.f32 v2, v1;
	v2 =	vld [tilespmem:s2+$0xFFFFFFE0]  }
0x256: {  	(xrf2) =	vadd.scan.msk.f32 $0xffff, v4;
	v4 =	vsub.f32 v12, v8;
	v8 =	vld [tilespmem:s0+$0xFFFFFFD0]  }
0x257: {  	v6 =	vmul.f32 v6, v6;
	v1 =	vadd.f32 v5, v1;
	v5 =	vld [tilespmem:s2+$0xFFFFFFF0]  }
0x258: {  	v12 =	vld [tilespmem:s0+$0xFFFFFFE0];
	v3 =	vadd.f32 $9.999999960e-13, v3  }
0x259: {  	v1 =	vadd.f32 v6, v1;
	v6 =	vadd.f32 $9.999999960e-13, v11;
	v11 =	vld [tilespmem:s2+$0x0]  }
0x25a: {  	v4 =	vmul.f32 v4, v4;
	v13 =	vadd.f32 $9.999999960e-13, v2;
	v2 =	vld [tilespmem:s0+$0xFFFFFFF0];
	v7 =	vsub.f32 v3, v7  }
0x25b: {  	v14 =	vld [tilespmem:s2+$0x10];
	v3 =	vsub.f32 v3, v15;
	v8 =	vsub.f32 v6, v8  }
0x25c: {  	v17 =	vmov s20;
	v15 =	vld [tilespmem:s0+$0x0];
	v4 =	vadd.f32 v4, v1;
	v5 =	vadd.f32 $9.999999960e-13, v5  }
0x25d: {  	v9 =	vld [tilespmem:s11+$0xFFFFFFE0];
	v7 =	vmul.f32 v7, v7;
	v12 =	vsub.f32 v13, v12;
	v8 =	vmul.f32 v8, v8  }
0x25e: {  	vm0 =	veq.s32 v17, v0;
	v6 =	vsub.f32 v6, v10;
	v10 =	vadd.f32 $9.999999960e-13, v11;
	v11 =	vld [tilespmem:s0+$0x10]  }
0x25f: {  	v7 =	vadd.f32 v8, v7;
	v8 =	vmul.f32 v12, v12;
	v2 =	vsub.f32 v5, v2;
	v12 =	vld [tilespmem:s2+$0x30]  }
0x260: {  	v19 =	vld [tilespmem:s0+$0x20];
	v16 =	vadd.f32 $9.999999960e-13, v58;
	v14 =	vadd.f32 $9.999999960e-13, v14;
	v1 =	vimm.f32 $0.0e+00  }
0x261: {  	v18, _, _ =	vpop (xrf2);
	(xrf2) =	vadd.scan.msk.f32 $0xffff, v4;
	v15 =	vsub.f32 v10, v15;
	v4 =	vadd.f32 v8, v7;
	v7 =	vld [tilespmem:s11+$0xFFFFFFF0];
	v8 =	vmul.f32 v2, v2  }
0x262: {  	v60 =	vld [tilespmem:s0+$0x30];
	v3 =	vmul.f32 v3, v3;
	v9 =	vsub.f32 v13, v9;
	v6 =	vmul.f32 v6, v6  }
0x263: {  	v15 =	vmul.f32 v15, v15;
	v4 =	vadd.f32 v8, v4;
	v8 =	vld [tilespmem:s11+$0x0];
	v11 =	vsub.f32 v14, v11  }
0x264: {  	v13 =	vld [tilespmem:s11+$0x10];
	v9 =	vmul.f32 v9, v9;
	v6 =	vadd.f32 v6, v3;
	v61 =	vadd.f32 $9.999999960e-13, v12  }
0x265: {  	v12 =	vld [tilespmem:s11+$0x20];
	v4 =	vadd.f32 v15, v4;
	v11 =	vmul.f32 v11, v11;
	v15 =	vsub.f32 v16, v19  }
0x266: {  	v62 =	vld [tilespmem:s11+$0x30];
	s31 =	sadd.s32 $0x80, s11;
	v59 =	vbroadcast v18, $0xF;
	v6 =	vadd.f32 v9, v6;
	v7 =	vsub.f32 v5, v7  }
0x267: {  	v3 =	vld [tilespmem:s31+$0xFFFFFFE0];
	v18 =	vsub.f32 v61, v60;
	v11 =	vadd.f32 v11, v4;
	v15 =	vmul.f32 v15, v15  }
0x268: {  	v2 =	vsel vm0, v59, v1;
	v5 =	vld [tilespmem:s31+$0xFFFFFFC0];
	v7 =	vmul.f32 v7, v7;
	v9 =	vsub.f32 v10, v8  }
0x269: {  	s0 =	sadd.s32 $0x80, s0;
	v4 =	vld [tilespmem:s31+$0xFFFFFFD0];
	v10 =	vsub.f32 v14, v13;
	v13 =	vmul.f32 v18, v18;
	v11 =	vadd.f32 v15, v11  }
0x26a: {  	s2 =	sadd.s32 $0x80, s2;
	v8 =	vld [tilespmem:s0+$0xFFFFFFC0];
	v16 =	vsub.f32 v16, v12;
	v6 =	vadd.f32 v7, v6;
	v15 =	vmul.f32 v9, v9  }
0x26b: {  	v14 =	vld [tilespmem:s2+$0xFFFFFFD0];
	v63, _, _ =	vpop (xrf2);
	v10 =	vmul.f32 v10, v10;
	v9 =	vsub.f32 v61, v62;
	v7 =	vadd.f32 v13, v11  }
0x26c: {  	s30 =	simm.s32 $0x1;
	s29 =	simm.s32 $0x2;
	s11 =	simm.s32 $0x3;
	v12 =	vld [tilespmem:s2+$0xFFFFFFC0];
	v11 =	vmul.f32 v16, v16;
	v13 =	vadd.f32 v15, v6;
	v6 =	vbroadcast v63, $0xF  }
.LBB2_19:
0x26d: {  	p0 =	sne.s32 s11, $0xF;
	v15 =	vld [tilespmem:s2+$0xFFFFFFE0];
	v9 =	vmul.f32 v9, v9;
	(xrf2) =	vadd.scan.msk.f32 $0xffff, v7  }
0x26e: {  	v7 =	vld [tilespmem:s0+$0xFFFFFFD0];
	v10 =	vadd.f32 v10, v13;
	v1 =	vsel vm0, v6, v1  }
0x26f: {  	v6 =	vld [tilespmem:s2+$0xFFFFFFF0]  }
0x270: {  	v13 =	vld [tilespmem:s0+$0xFFFFFFE0];
	v10 =	vadd.f32 v11, v10  }
0x271: {  	v11 =	vadd.f32 $9.999999960e-13, v12;
	v12 =	vadd.f32 $9.999999960e-13, v14;
	v14 =	vld [tilespmem:s2+$0x0]  }
0x272: {  	v15 =	vadd.f32 $9.999999960e-13, v15;
	v16 =	vld [tilespmem:s0+$0xFFFFFFF0];
	v9 =	vadd.f32 v9, v10  }
0x273: {  	v8 =	vsub.f32 v11, v8;
	v7 =	vsub.f32 v12, v7;
	v10 =	vld [tilespmem:s2+$0x10]  }
0x274: {  	v5 =	vsub.f32 v11, v5;
	v6 =	vadd.f32 $9.999999960e-13, v6;
	v11 =	vld [tilespmem:s0+$0x0];
	(xrf2) =	vadd.scan.msk.f32 $0xffff, v9  }
0x275: {  	v8 =	vmul.f32 v8, v8;
	v7 =	vmul.f32 v7, v7;
	v9 =	vsub.f32 v15, v13;
	v13 =	vld [tilespmem:s2+$0x20]  }
0x276: {  	v17 =	vmov s30;
	s30 =	smov.u32 s29;
	s29 =	smov.u32 s11;
	v4 =	vsub.f32 v12, v4;
	v12 =	vadd.f32 $9.999999960e-13, v14;
	v14 =	vld [tilespmem:s0+$0x10]  }
0x277: {  	v7 =	vadd.f32 v7, v8;
	v8 =	vmul.f32 v9, v9;
	v9 =	vsub.f32 v6, v16;
	v16 =	vld [tilespmem:s2+$0x30];
	v18, _, _ =	vpop (xrf2)  }
0x278: {  	vm0 =	veq.s32 v17, v0;
	v10 =	vadd.f32 $9.999999960e-13, v10;
	v19 =	vld [tilespmem:s0+$0x20];
	v17 =	vbroadcast v18, $0xF  }
0x279: {  	v7 =	vadd.f32 v8, v7;
	v8 =	vld [tilespmem:s31+$0xFFFFFFF0];
	v9 =	vmul.f32 v9, v9;
	v11 =	vsub.f32 v12, v11  }
0x27a: {  	v5 =	vmul.f32 v5, v5;
	v13 =	vadd.f32 $9.999999960e-13, v13;
	v18 =	vld [tilespmem:s0+$0x30];
	v2 =	vsel vm0, v17, v2  }
0x27b: {  	v7 =	vadd.f32 v9, v7;
	v9 =	vld [tilespmem:s31+$0x0];
	v11 =	vmul.f32 v11, v11;
	v14 =	vsub.f32 v10, v14  }
0x27c: {  	v3 =	vsub.f32 v15, v3;
	v4 =	vmul.f32 v4, v4;
	v15 =	vld [tilespmem:s31+$0x10];
	v16 =	vadd.f32 $9.999999960e-13, v16  }
0x27d: {  	v7 =	vadd.f32 v11, v7;
	v11 =	vmul.f32 v14, v14;
	v14 =	vld [tilespmem:s31+$0x20];
	v17 =	vsub.f32 v13, v19  }
0x27e: {  	v4 =	vadd.f32 v4, v5;
	v19 =	vmul.f32 v3, v3;
	v6 =	vsub.f32 v6, v8;
	v20 =	vld [tilespmem:s31+$0x30];
	s31 =	sadd.s32 $0x80, s31;
	v21, _, _ =	vpop (xrf2)  }
0x27f: {  	v3 =	vld [tilespmem:s31+$0xFFFFFFE0];
	v7 =	vadd.f32 v11, v7;
	v8 =	vmul.f32 v17, v17;
	v11 =	vsub.f32 v16, v18  }
.Ltmp8:
0x280: {  	v17 =	vadd.f32 v19, v4;
	v5 =	vld [tilespmem:s31+$0xFFFFFFC0];
	v6 =	vmul.f32 v6, v6;
	v9 =	vsub.f32 v12, v9;
	(pc) =	sbr.rel @p0 .LBB2_19-.Ltmp8, $4  }
0x281: {  	s0 =	sadd.s32 $0x80, s0;
	v4 =	vld [tilespmem:s31+$0xFFFFFFD0];
	v10 =	vsub.f32 v10, v15;
	v7 =	vadd.f32 v8, v7;
	v11 =	vmul.f32 v11, v11  }
0x282: {  	s2 =	sadd.s32 $0x80, s2;
	v8 =	vld [tilespmem:s0+$0xFFFFFFC0];
	v6 =	vadd.f32 v6, v17;
	v15 =	vmul.f32 v9, v9;
	v17 =	vsub.f32 v13, v14  }
0x283: {  	v12 =	vld [tilespmem:s2+$0xFFFFFFC0];
	v10 =	vmul.f32 v10, v10;
	v9 =	vsub.f32 v16, v20;
	v7 =	vadd.f32 v11, v7  }
0x284: {  	s11 =	sadd.s32 $0x1, s11;
	v14 =	vld [tilespmem:s2+$0xFFFFFFD0];
	v13 =	vadd.f32 v15, v6;
	v11 =	vmul.f32 v17, v17;
	v6 =	vbroadcast v21, $0xF  }
0x285: {  	v15 =	vld [tilespmem:s2+$0xFFFFFFE0]  }
0x286: {  	v16 =	vld [tilespmem:s0+$0xFFFFFFD0]  }
0x287: {  	v17 =	vld [tilespmem:s2+$0xFFFFFFF0]  }
0x288: {  	v20 =	vld [tilespmem:s2+$0x0];
	v10 =	vadd.f32 v10, v13  }
0x289: {  	v21 =	vld [tilespmem:s2+$0x10]  }
0x28a: {  	v18 =	vld [tilespmem:s0+$0xFFFFFFE0];
	v12 =	vadd.f32 $9.999999960e-13, v12;
	v10 =	vadd.f32 v11, v10  }
0x28b: {  	v19 =	vld [tilespmem:s0+$0xFFFFFFF0];
	v14 =	vadd.f32 $9.999999960e-13, v14;
	v15 =	vadd.f32 $9.999999960e-13, v15  }
0x28c: {  	v39 =	vld [tilespmem:s31+$0xFFFFFFF0];
	v8 =	vsub.f32 v12, v8;
	v17 =	vadd.f32 $9.999999960e-13, v17  }
0x28d: {  	v22 =	vld [tilespmem:s0+$0x0];
	v5 =	vsub.f32 v12, v5;
	v44 =	vadd.f32 $9.999999960e-13, v20  }
0x28e: {  	v42 =	vld [tilespmem:s31+$0x0];
	v9 =	vmul.f32 v9, v9;
	v46 =	vadd.f32 $9.999999960e-13, v21;
	v16 =	vsub.f32 v14, v16  }
0x28f: {  	v40 =	vld [tilespmem:s0+$0x10];
	v4 =	vsub.f32 v14, v4;
	v8 =	vmul.f32 v8, v8;
	v18 =	vsub.f32 v15, v18  }
0x290: {  	v43 =	vld [tilespmem:s31+$0x10];
	v19 =	vsub.f32 v17, v19;
	v5 =	vmul.f32 v5, v5;
	v16 =	vmul.f32 v16, v16  }
0x291: {  	v38 =	vld [tilespmem:s2+$0x20];
	v3 =	vsub.f32 v15, v3;
	v12 =	vsub.f32 v17, v39;
	v4 =	vmul.f32 v4, v4  }
0x292: {  	v45 =	vld [tilespmem:s2+$0x30];
	v48 =	vsub.f32 v44, v22;
	v18 =	vmul.f32 v18, v18;
	v8 =	vadd.f32 v16, v8  }
0x293: {  	v47 =	vld [tilespmem:s0+$0x20];
	v14 =	vsub.f32 v44, v42;
	v3 =	vmul.f32 v3, v3;
	v4 =	vadd.f32 v4, v5  }
0x294: {  	v49 =	vld [tilespmem:s31+$0x20];
	v13 =	vsub.f32 v46, v40;
	v41 =	vmul.f32 v19, v19;
	v8 =	vadd.f32 v18, v8  }
0x295: {  	v50 =	vld [tilespmem:s0+$0x30];
	v11 =	vsub.f32 v46, v43;
	v12 =	vmul.f32 v12, v12;
	v3 =	vadd.f32 v3, v4  }
0x296: {  	v51 =	vld [tilespmem:s31+$0x30];
	v19 =	vmul.f32 v48, v48;
	v16 =	vadd.f32 $9.999999960e-13, v38;
	v8 =	vadd.f32 v41, v8  }
0x297: {  	v52 =	vmul.f32 v14, v14;
	v5 =	vadd.f32 $9.999999960e-13, v45;
	v3 =	vadd.f32 v12, v3  }
0x298: {  	v13 =	vmul.f32 v13, v13;
	v53 =	vsub.f32 v16, v47;
	v8 =	vadd.f32 v19, v8  }
0x299: {  	v11 =	vmul.f32 v11, v11;
	v4 =	vsub.f32 v16, v49;
	v3 =	vadd.f32 v52, v3  }
0x29a: {  	v55 =	vsub.f32 v5, v50;
	v54 =	vmul.f32 v53, v53;
	v8 =	vadd.f32 v13, v8  }
0x29b: {  	v5 =	vsub.f32 v5, v51;
	v4 =	vmul.f32 v4, v4;
	v3 =	vadd.f32 v11, v3  }
0x29c: {  	v56 =	vmul.f32 v55, v55;
	v8 =	vadd.f32 v54, v8  }
0x29d: {  	v9 =	vadd.f32 v9, v10;
	v5 =	vmul.f32 v5, v5;
	v3 =	vadd.f32 v4, v3  }
0x29e: {  	(xrf2) =	vadd.scan.msk.f32 $0xffff, v7;
	v57 =	vadd.f32 v56, v8  }
0x29f: {  	(xrf2) =	vadd.scan.msk.f32 $0xffff, v9;
	v3 =	vadd.f32 v5, v3  }
0x2a0: {  	(xrf2) =	vadd.scan.msk.f32 $0xffff, v57  }
0x2a1: {  	(xrf2) =	vadd.scan.msk.f32 $0xffff, v3;
	_ =	sdelay $0x6  }
0x2a2: {  	v3, _, _ =	vpop (xrf2)  }
0x2a3: {  	v59 =	vmov s30;
	s31 =	sshll.u32 s28, $0x4;
	s28 =	sadd.s32 $0x1, s28;
	v58, _, _ =	vpop (xrf2)  }
0x2a4: {  	v62 =	vmov s29;
	v1 =	vsel vm0, v6, v1;
	p0 =	sne.s32 s28, $0x8;
	v3 =	vbroadcast v3, $0xF;
	v60, _, _ =	vpop (xrf2)  }
.Ltmp9:
0x2a5: {  	vm15 =	veq.s32 v59, v0;
	v4 =	vbroadcast v58, $0xF;
	v61, _, _ =	vpop (xrf2);
	v63 =	vbroadcast v60, $0xF;
	(pc) =	sbr.rel @p0 .LBB2_18-.Ltmp9, $4  }
0x2a6: {  	vm1 =	veq.s32 v62, v0;
	v2 =	vsel vm15, v3, v2;
	v5 =	vbroadcast v61, $0xF  }
0x2a7: {  	v1 =	vsel vm15, v4, v1;
	v2 =	vsel vm1, v63, v2  }
0x2a8: {  	v1 =	vsel vm1, v5, v1;
	[tilespmem:s31+$0x19200] =	vst v2  }
0x2a9: {  	s23 =	sadd.s32 $0x800, s23;
	s24 =	sadd.s32 $0x800, s24;
	s25 =	sadd.s32 $0x800, s25;
	[tilespmem:s31+$0x18E00] =	vst v1  }
0x2aa: {  	s0 =	simm.s32 $0x300  }
0x2ab: {  	[tilespmem:s14], [sflag:$0x1] =	stream.indirect.gather [hbm4b:s1+s13], $0x80, s0, s13, $0xb8;
	[tilespmem:$0x19400] =	vst v63  }
0x2ac: {  	s30 =	simm.s32 $0x700  }
0x2ad: {  	[tilespmem:s15], [sflag:$0x1] =	stream.indirect.gather [hbm4b:s1+s13], $0x80, s30, s13, $0xb8;
	[tilespmem:$0x19400] =	vst v63  }
0x2ae: {  	s31 =	simm.s32 $0xB00  }
0x2af: {  	[tilespmem:s16], [sflag:$0x1] =	stream.indirect.gather [hbm4b:s1+s13], $0x80, s31, s13, $0xb8;
	[tilespmem:$0x19400] =	vst v63  }
0x2b0: {  	_ =	swait.ge [sflag:s26], $0x4000  }
0x2b1: {  	[sflag:s26] =	ssyncset.done $0x0  }
0x2b2: {  	[sflag:s26] =	ssyncadd.s32 $0xFFFFC000  }
0x2b3: {  	_ =	swait.ge [sflag:s26], $0x4000  }
0x2b4: {  	[sflag:s26] =	ssyncset.done $0x0  }
0x2b5: {  	[sflag:s26] =	ssyncadd.s32 $0xFFFFC000  }
0x2b6: {  	s20 =	simm.s32 $0x0;
	_ =	swait.ge [sflag:s26], $0x4000  }
0x2b7: {  	s23 =	simm.s32 $0xCC40;
	s24 =	simm.s32 $0x10C40;
	[sflag:s26] =	ssyncset.done $0x0  }
0x2b8: {  	s25 =	simm.s32 $0x14C40;
	s28 =	simm.s32 $0x0;
	[sflag:s26] =	ssyncadd.s32 $0xFFFFC000  }
.LBB2_22:
0x2b9: {  	v1 =	vld [tilespmem:s24+$0xFFFFFFE0]  }
0x2ba: {  	v2 =	vld [tilespmem:s24+$0xFFFFFFC0]  }
0x2bb: {  	v4 =	vld [tilespmem:s25+$0xFFFFFFC0]  }
0x2bc: {  	v5 =	vld [tilespmem:s23+$0xFFFFFFC0]  }
0x2bd: {  	v6 =	vld [tilespmem:s23+$0xFFFFFFD0]  }
0x2be: {  	v7 =	vld [tilespmem:s23+$0xFFFFFFE0]  }
0x2bf: {  	v8 =	vld [tilespmem:s25+$0xFFFFFFD0]  }
0x2c0: {  	v9 =	vld [tilespmem:s23+$0xFFFFFFF0]  }
0x2c1: {  	v10 =	vld [tilespmem:s25+$0xFFFFFFE0]  }
0x2c2: {  	v11 =	vld [tilespmem:s23+$0x0]  }
0x2c3: {  	v3 =	vld [tilespmem:s24+$0xFFFFFFD0]  }
0x2c4: {  	v13 =	vld [tilespmem:s23+$0x10];
	v5 =	vadd.f32 $9.999999960e-13, v5;
	v6 =	vadd.f32 $9.999999960e-13, v6  }
0x2c5: {  	v12 =	vld [tilespmem:s25+$0xFFFFFFF0];
	v7 =	vadd.f32 $9.999999960e-13, v7;
	v9 =	vadd.f32 $9.999999960e-13, v9  }
0x2c6: {  	v14 =	vld [tilespmem:s25+$0x0];
	v4 =	vsub.f32 v5, v4;
	v8 =	vsub.f32 v6, v8  }
0x2c7: {  	v15 =	vld [tilespmem:s23+$0x20];
	v11 =	vadd.f32 $9.999999960e-13, v11;
	v10 =	vsub.f32 v7, v10  }
0x2c8: {  	v16 =	vld [tilespmem:s25+$0x10];
	v2 =	vsub.f32 v5, v2;
	v4 =	vmul.f32 v4, v4;
	v8 =	vmul.f32 v8, v8  }
0x2c9: {  	v5 =	vadd.f32 $9.999999960e-13, v13;
	v13 =	vld [tilespmem:s25+$0x20];
	v1 =	vsub.f32 v7, v1  }
0x2ca: {  	v7 =	vld [tilespmem:s24+$0x10];
	v4 =	vadd.f32 v8, v4;
	v8 =	vmul.f32 v10, v10;
	v10 =	vsub.f32 v9, v12  }
0x2cb: {  	v3 =	vsub.f32 v6, v3;
	v12 =	vld [tilespmem:s23+$0x30]  }
0x2cc: {  	v14 =	vsub.f32 v11, v14;
	v4 =	vadd.f32 v8, v4;
	v8 =	vld [tilespmem:s24+$0xFFFFFFF0];
	v10 =	vmul.f32 v10, v10  }
0x2cd: {  	v6 =	vadd.f32 $9.999999960e-13, v15;
	v15 =	vld [tilespmem:s25+$0x30];
	v2 =	vmul.f32 v2, v2;
	v3 =	vmul.f32 v3, v3  }
0x2ce: {  	v14 =	vmul.f32 v14, v14;
	v16 =	vsub.f32 v5, v16;
	v4 =	vadd.f32 v10, v4;
	v10 =	vld [tilespmem:s24+$0x0]  }
0x2cf: {  	v57 =	vld [tilespmem:s24+$0x20];
	s2 =	sadd.s32 $0x80, s23;
	v2 =	vadd.f32 v3, v2;
	v13 =	vsub.f32 v6, v13  }
0x2d0: {  	s0 =	sadd.s32 $0x80, s25;
	v58 =	vld [tilespmem:s2+$0x20];
	v12 =	vadd.f32 $9.999999960e-13, v12;
	v4 =	vadd.f32 v14, v4;
	v14 =	vmul.f32 v16, v16  }
0x2d1: {  	v1 =	vmul.f32 v1, v1;
	v5 =	vsub.f32 v5, v7;
	v7 =	vld [tilespmem:s0+$0xFFFFFFC0];
	v3 =	vsub.f32 v9, v8  }
0x2d2: {  	s11 =	sadd.s32 $0x80, s24;
	v13 =	vmul.f32 v13, v13;
	v8 =	vld [tilespmem:s24+$0x30];
	v4 =	vadd.f32 v14, v4;
	v14 =	vsub.f32 v12, v15  }
0x2d3: {  	v1 =	vadd.f32 v1, v2;
	v15 =	vld [tilespmem:s11+$0xFFFFFFC0];
	v2 =	vmul.f32 v3, v3;
	v3 =	vsub.f32 v11, v10  }
0x2d4: {  	v10 =	vld [tilespmem:s11+$0xFFFFFFD0];
	v4 =	vadd.f32 v13, v4;
	v11 =	vmul.f32 v14, v14  }
0x2d5: {  	v1 =	vadd.f32 v2, v1;
	v2 =	vmul.f32 v3, v3;
	v3 =	vld [tilespmem:s2+$0xFFFFFFC0]  }
0x2d6: {  	v4 =	vadd.f32 v11, v4;
	v11 =	vld [tilespmem:s2+$0xFFFFFFD0]  }
0x2d7: {  	v6 =	vsub.f32 v6, v57;
	v5 =	vmul.f32 v5, v5;
	v1 =	vadd.f32 v2, v1;
	v2 =	vld [tilespmem:s2+$0xFFFFFFE0]  }
0x2d8: {  	(xrf2) =	vadd.scan.msk.f32 $0xffff, v4;
	v4 =	vsub.f32 v12, v8;
	v8 =	vld [tilespmem:s0+$0xFFFFFFD0]  }
0x2d9: {  	v6 =	vmul.f32 v6, v6;
	v1 =	vadd.f32 v5, v1;
	v5 =	vld [tilespmem:s2+$0xFFFFFFF0]  }
0x2da: {  	v12 =	vld [tilespmem:s0+$0xFFFFFFE0];
	v3 =	vadd.f32 $9.999999960e-13, v3  }
0x2db: {  	v1 =	vadd.f32 v6, v1;
	v6 =	vadd.f32 $9.999999960e-13, v11;
	v11 =	vld [tilespmem:s2+$0x0]  }
0x2dc: {  	v4 =	vmul.f32 v4, v4;
	v13 =	vadd.f32 $9.999999960e-13, v2;
	v2 =	vld [tilespmem:s0+$0xFFFFFFF0];
	v7 =	vsub.f32 v3, v7  }
0x2dd: {  	v14 =	vld [tilespmem:s2+$0x10];
	v3 =	vsub.f32 v3, v15;
	v8 =	vsub.f32 v6, v8  }
0x2de: {  	v17 =	vmov s20;
	v15 =	vld [tilespmem:s0+$0x0];
	v4 =	vadd.f32 v4, v1;
	v5 =	vadd.f32 $9.999999960e-13, v5  }
0x2df: {  	v9 =	vld [tilespmem:s11+$0xFFFFFFE0];
	v7 =	vmul.f32 v7, v7;
	v12 =	vsub.f32 v13, v12;
	v8 =	vmul.f32 v8, v8  }
0x2e0: {  	vm0 =	veq.s32 v17, v0;
	v6 =	vsub.f32 v6, v10;
	v10 =	vadd.f32 $9.999999960e-13, v11;
	v11 =	vld [tilespmem:s0+$0x10]  }
0x2e1: {  	v7 =	vadd.f32 v8, v7;
	v8 =	vmul.f32 v12, v12;
	v2 =	vsub.f32 v5, v2;
	v12 =	vld [tilespmem:s2+$0x30]  }
0x2e2: {  	v19 =	vld [tilespmem:s0+$0x20];
	v16 =	vadd.f32 $9.999999960e-13, v58;
	v14 =	vadd.f32 $9.999999960e-13, v14;
	v1 =	vimm.f32 $0.0e+00  }
0x2e3: {  	v18, _, _ =	vpop (xrf2);
	(xrf2) =	vadd.scan.msk.f32 $0xffff, v4;
	v15 =	vsub.f32 v10, v15;
	v4 =	vadd.f32 v8, v7;
	v7 =	vld [tilespmem:s11+$0xFFFFFFF0];
	v8 =	vmul.f32 v2, v2  }
0x2e4: {  	v60 =	vld [tilespmem:s0+$0x30];
	v3 =	vmul.f32 v3, v3;
	v9 =	vsub.f32 v13, v9;
	v6 =	vmul.f32 v6, v6  }
0x2e5: {  	v15 =	vmul.f32 v15, v15;
	v4 =	vadd.f32 v8, v4;
	v8 =	vld [tilespmem:s11+$0x0];
	v11 =	vsub.f32 v14, v11  }
0x2e6: {  	v13 =	vld [tilespmem:s11+$0x10];
	v9 =	vmul.f32 v9, v9;
	v6 =	vadd.f32 v6, v3;
	v61 =	vadd.f32 $9.999999960e-13, v12  }
0x2e7: {  	v12 =	vld [tilespmem:s11+$0x20];
	v4 =	vadd.f32 v15, v4;
	v11 =	vmul.f32 v11, v11;
	v15 =	vsub.f32 v16, v19  }
0x2e8: {  	v62 =	vld [tilespmem:s11+$0x30];
	s31 =	sadd.s32 $0x80, s11;
	v59 =	vbroadcast v18, $0xF;
	v6 =	vadd.f32 v9, v6;
	v7 =	vsub.f32 v5, v7  }
0x2e9: {  	v3 =	vld [tilespmem:s31+$0xFFFFFFE0];
	v18 =	vsub.f32 v61, v60;
	v11 =	vadd.f32 v11, v4;
	v15 =	vmul.f32 v15, v15  }
0x2ea: {  	v2 =	vsel vm0, v59, v1;
	v5 =	vld [tilespmem:s31+$0xFFFFFFC0];
	v7 =	vmul.f32 v7, v7;
	v9 =	vsub.f32 v10, v8  }
0x2eb: {  	s0 =	sadd.s32 $0x80, s0;
	v4 =	vld [tilespmem:s31+$0xFFFFFFD0];
	v10 =	vsub.f32 v14, v13;
	v13 =	vmul.f32 v18, v18;
	v11 =	vadd.f32 v15, v11  }
0x2ec: {  	s2 =	sadd.s32 $0x80, s2;
	v8 =	vld [tilespmem:s0+$0xFFFFFFC0];
	v16 =	vsub.f32 v16, v12;
	v6 =	vadd.f32 v7, v6;
	v15 =	vmul.f32 v9, v9  }
0x2ed: {  	v14 =	vld [tilespmem:s2+$0xFFFFFFD0];
	v63, _, _ =	vpop (xrf2);
	v10 =	vmul.f32 v10, v10;
	v9 =	vsub.f32 v61, v62;
	v7 =	vadd.f32 v13, v11  }
0x2ee: {  	s30 =	simm.s32 $0x1;
	s29 =	simm.s32 $0x2;
	s11 =	simm.s32 $0x3;
	v12 =	vld [tilespmem:s2+$0xFFFFFFC0];
	v11 =	vmul.f32 v16, v16;
	v13 =	vadd.f32 v15, v6;
	v6 =	vbroadcast v63, $0xF  }
.LBB2_23:
0x2ef: {  	p0 =	sne.s32 s11, $0xF;
	v15 =	vld [tilespmem:s2+$0xFFFFFFE0];
	v9 =	vmul.f32 v9, v9;
	(xrf2) =	vadd.scan.msk.f32 $0xffff, v7  }
0x2f0: {  	v7 =	vld [tilespmem:s0+$0xFFFFFFD0];
	v10 =	vadd.f32 v10, v13;
	v1 =	vsel vm0, v6, v1  }
0x2f1: {  	v6 =	vld [tilespmem:s2+$0xFFFFFFF0]  }
0x2f2: {  	v13 =	vld [tilespmem:s0+$0xFFFFFFE0];
	v10 =	vadd.f32 v11, v10  }
0x2f3: {  	v11 =	vadd.f32 $9.999999960e-13, v12;
	v12 =	vadd.f32 $9.999999960e-13, v14;
	v14 =	vld [tilespmem:s2+$0x0]  }
0x2f4: {  	v15 =	vadd.f32 $9.999999960e-13, v15;
	v16 =	vld [tilespmem:s0+$0xFFFFFFF0];
	v9 =	vadd.f32 v9, v10  }
0x2f5: {  	v8 =	vsub.f32 v11, v8;
	v7 =	vsub.f32 v12, v7;
	v10 =	vld [tilespmem:s2+$0x10]  }
0x2f6: {  	v5 =	vsub.f32 v11, v5;
	v6 =	vadd.f32 $9.999999960e-13, v6;
	v11 =	vld [tilespmem:s0+$0x0];
	(xrf2) =	vadd.scan.msk.f32 $0xffff, v9  }
0x2f7: {  	v8 =	vmul.f32 v8, v8;
	v7 =	vmul.f32 v7, v7;
	v9 =	vsub.f32 v15, v13;
	v13 =	vld [tilespmem:s2+$0x20]  }
0x2f8: {  	v17 =	vmov s30;
	s30 =	smov.u32 s29;
	s29 =	smov.u32 s11;
	v4 =	vsub.f32 v12, v4;
	v12 =	vadd.f32 $9.999999960e-13, v14;
	v14 =	vld [tilespmem:s0+$0x10]  }
0x2f9: {  	v7 =	vadd.f32 v7, v8;
	v8 =	vmul.f32 v9, v9;
	v9 =	vsub.f32 v6, v16;
	v16 =	vld [tilespmem:s2+$0x30];
	v18, _, _ =	vpop (xrf2)  }
0x2fa: {  	vm0 =	veq.s32 v17, v0;
	v10 =	vadd.f32 $9.999999960e-13, v10;
	v19 =	vld [tilespmem:s0+$0x20];
	v17 =	vbroadcast v18, $0xF  }
0x2fb: {  	v7 =	vadd.f32 v8, v7;
	v8 =	vld [tilespmem:s31+$0xFFFFFFF0];
	v9 =	vmul.f32 v9, v9;
	v11 =	vsub.f32 v12, v11  }
0x2fc: {  	v5 =	vmul.f32 v5, v5;
	v13 =	vadd.f32 $9.999999960e-13, v13;
	v18 =	vld [tilespmem:s0+$0x30];
	v2 =	vsel vm0, v17, v2  }
0x2fd: {  	v7 =	vadd.f32 v9, v7;
	v9 =	vld [tilespmem:s31+$0x0];
	v11 =	vmul.f32 v11, v11;
	v14 =	vsub.f32 v10, v14  }
0x2fe: {  	v3 =	vsub.f32 v15, v3;
	v4 =	vmul.f32 v4, v4;
	v15 =	vld [tilespmem:s31+$0x10];
	v16 =	vadd.f32 $9.999999960e-13, v16  }
0x2ff: {  	v7 =	vadd.f32 v11, v7;
	v11 =	vmul.f32 v14, v14;
	v14 =	vld [tilespmem:s31+$0x20];
	v17 =	vsub.f32 v13, v19  }
0x300: {  	v4 =	vadd.f32 v4, v5;
	v19 =	vmul.f32 v3, v3;
	v6 =	vsub.f32 v6, v8;
	v20 =	vld [tilespmem:s31+$0x30];
	s31 =	sadd.s32 $0x80, s31;
	v21, _, _ =	vpop (xrf2)  }
0x301: {  	v3 =	vld [tilespmem:s31+$0xFFFFFFE0];
	v7 =	vadd.f32 v11, v7;
	v8 =	vmul.f32 v17, v17;
	v11 =	vsub.f32 v16, v18  }
.Ltmp10:
0x302: {  	v17 =	vadd.f32 v19, v4;
	v5 =	vld [tilespmem:s31+$0xFFFFFFC0];
	v6 =	vmul.f32 v6, v6;
	v9 =	vsub.f32 v12, v9;
	(pc) =	sbr.rel @p0 .LBB2_23-.Ltmp10, $4  }
0x303: {  	s0 =	sadd.s32 $0x80, s0;
	v4 =	vld [tilespmem:s31+$0xFFFFFFD0];
	v10 =	vsub.f32 v10, v15;
	v7 =	vadd.f32 v8, v7;
	v11 =	vmul.f32 v11, v11  }
0x304: {  	s2 =	sadd.s32 $0x80, s2;
	v8 =	vld [tilespmem:s0+$0xFFFFFFC0];
	v6 =	vadd.f32 v6, v17;
	v15 =	vmul.f32 v9, v9;
	v17 =	vsub.f32 v13, v14  }
0x305: {  	v12 =	vld [tilespmem:s2+$0xFFFFFFC0];
	v10 =	vmul.f32 v10, v10;
	v9 =	vsub.f32 v16, v20;
	v7 =	vadd.f32 v11, v7  }
0x306: {  	s11 =	sadd.s32 $0x1, s11;
	v14 =	vld [tilespmem:s2+$0xFFFFFFD0];
	v13 =	vadd.f32 v15, v6;
	v11 =	vmul.f32 v17, v17;
	v6 =	vbroadcast v21, $0xF  }
0x307: {  	v15 =	vld [tilespmem:s2+$0xFFFFFFE0]  }
0x308: {  	v16 =	vld [tilespmem:s0+$0xFFFFFFD0]  }
0x309: {  	v17 =	vld [tilespmem:s2+$0xFFFFFFF0]  }
0x30a: {  	v20 =	vld [tilespmem:s2+$0x0];
	v10 =	vadd.f32 v10, v13  }
0x30b: {  	v21 =	vld [tilespmem:s2+$0x10]  }
0x30c: {  	v18 =	vld [tilespmem:s0+$0xFFFFFFE0];
	v12 =	vadd.f32 $9.999999960e-13, v12;
	v10 =	vadd.f32 v11, v10  }
0x30d: {  	v19 =	vld [tilespmem:s0+$0xFFFFFFF0];
	v14 =	vadd.f32 $9.999999960e-13, v14;
	v15 =	vadd.f32 $9.999999960e-13, v15  }
0x30e: {  	v39 =	vld [tilespmem:s31+$0xFFFFFFF0];
	v8 =	vsub.f32 v12, v8;
	v17 =	vadd.f32 $9.999999960e-13, v17  }
0x30f: {  	v22 =	vld [tilespmem:s0+$0x0];
	v5 =	vsub.f32 v12, v5;
	v44 =	vadd.f32 $9.999999960e-13, v20  }
0x310: {  	v42 =	vld [tilespmem:s31+$0x0];
	v9 =	vmul.f32 v9, v9;
	v46 =	vadd.f32 $9.999999960e-13, v21;
	v16 =	vsub.f32 v14, v16  }
0x311: {  	v40 =	vld [tilespmem:s0+$0x10];
	v4 =	vsub.f32 v14, v4;
	v8 =	vmul.f32 v8, v8;
	v18 =	vsub.f32 v15, v18  }
0x312: {  	v43 =	vld [tilespmem:s31+$0x10];
	v19 =	vsub.f32 v17, v19;
	v5 =	vmul.f32 v5, v5;
	v16 =	vmul.f32 v16, v16  }
0x313: {  	v38 =	vld [tilespmem:s2+$0x20];
	v3 =	vsub.f32 v15, v3;
	v12 =	vsub.f32 v17, v39;
	v4 =	vmul.f32 v4, v4  }
0x314: {  	v45 =	vld [tilespmem:s2+$0x30];
	v48 =	vsub.f32 v44, v22;
	v18 =	vmul.f32 v18, v18;
	v8 =	vadd.f32 v16, v8  }
0x315: {  	v47 =	vld [tilespmem:s0+$0x20];
	v14 =	vsub.f32 v44, v42;
	v3 =	vmul.f32 v3, v3;
	v4 =	vadd.f32 v4, v5  }
0x316: {  	v49 =	vld [tilespmem:s31+$0x20];
	v13 =	vsub.f32 v46, v40;
	v41 =	vmul.f32 v19, v19;
	v8 =	vadd.f32 v18, v8  }
0x317: {  	v50 =	vld [tilespmem:s0+$0x30];
	v11 =	vsub.f32 v46, v43;
	v12 =	vmul.f32 v12, v12;
	v3 =	vadd.f32 v3, v4  }
0x318: {  	v51 =	vld [tilespmem:s31+$0x30];
	v19 =	vmul.f32 v48, v48;
	v16 =	vadd.f32 $9.999999960e-13, v38;
	v8 =	vadd.f32 v41, v8  }
0x319: {  	v52 =	vmul.f32 v14, v14;
	v5 =	vadd.f32 $9.999999960e-13, v45;
	v3 =	vadd.f32 v12, v3  }
0x31a: {  	v13 =	vmul.f32 v13, v13;
	v53 =	vsub.f32 v16, v47;
	v8 =	vadd.f32 v19, v8  }
0x31b: {  	v11 =	vmul.f32 v11, v11;
	v4 =	vsub.f32 v16, v49;
	v3 =	vadd.f32 v52, v3  }
0x31c: {  	v55 =	vsub.f32 v5, v50;
	v54 =	vmul.f32 v53, v53;
	v8 =	vadd.f32 v13, v8  }
0x31d: {  	v5 =	vsub.f32 v5, v51;
	v4 =	vmul.f32 v4, v4;
	v3 =	vadd.f32 v11, v3  }
0x31e: {  	v56 =	vmul.f32 v55, v55;
	v8 =	vadd.f32 v54, v8  }
0x31f: {  	v9 =	vadd.f32 v9, v10;
	v5 =	vmul.f32 v5, v5;
	v3 =	vadd.f32 v4, v3  }
0x320: {  	(xrf2) =	vadd.scan.msk.f32 $0xffff, v7;
	v57 =	vadd.f32 v56, v8  }
0x321: {  	(xrf2) =	vadd.scan.msk.f32 $0xffff, v9;
	v3 =	vadd.f32 v5, v3  }
0x322: {  	(xrf2) =	vadd.scan.msk.f32 $0xffff, v57  }
0x323: {  	(xrf2) =	vadd.scan.msk.f32 $0xffff, v3;
	_ =	sdelay $0x6  }
0x324: {  	v3, _, _ =	vpop (xrf2)  }
0x325: {  	v59 =	vmov s30;
	s31 =	sshll.u32 s28, $0x4;
	s28 =	sadd.s32 $0x1, s28;
	v58, _, _ =	vpop (xrf2)  }
0x326: {  	v62 =	vmov s29;
	v1 =	vsel vm0, v6, v1;
	p0 =	sne.s32 s28, $0x8;
	v3 =	vbroadcast v3, $0xF;
	v60, _, _ =	vpop (xrf2)  }
.Ltmp11:
0x327: {  	vm15 =	veq.s32 v59, v0;
	v4 =	vbroadcast v58, $0xF;
	v61, _, _ =	vpop (xrf2);
	v63 =	vbroadcast v60, $0xF;
	(pc) =	sbr.rel @p0 .LBB2_22-.Ltmp11, $4  }
0x328: {  	vm1 =	veq.s32 v62, v0;
	v2 =	vsel vm15, v3, v2;
	v5 =	vbroadcast v61, $0xF  }
0x329: {  	v1 =	vsel vm15, v4, v1;
	v2 =	vsel vm1, v63, v2  }
0x32a: {  	v1 =	vsel vm1, v5, v1;
	[tilespmem:s31+$0x19280] =	vst v2  }
0x32b: {  	s23 =	sadd.s32 $0x800, s23;
	s24 =	sadd.s32 $0x800, s24;
	s25 =	sadd.s32 $0x800, s25;
	[tilespmem:s31+$0x18E80] =	vst v1  }
0x32c: {  	s0 =	simm.s32 $0x380  }
0x32d: {  	[tilespmem:s17], [sflag:$0x2] =	stream.indirect.gather [hbm4b:s1+s13], $0x80, s0, s13, $0xb8;
	[tilespmem:$0x19400] =	vst v63  }
0x32e: {  	s30 =	simm.s32 $0x780  }
0x32f: {  	[tilespmem:s19], [sflag:$0x2] =	stream.indirect.gather [hbm4b:s1+s13], $0x80, s30, s13, $0xb8;
	[tilespmem:$0x19400] =	vst v63  }
0x330: {  	s31 =	simm.s32 $0xB80  }
0x331: {  	[tilespmem:s21], [sflag:$0x2] =	stream.indirect.gather [hbm4b:s1+s13], $0x80, s31, s13, $0xb8;
	[tilespmem:$0x19400] =	vst v63  }
0x332: {  	_ =	swait.ge [sflag:s22], $0x4000  }
0x333: {  	[sflag:s22] =	ssyncset.done $0x0  }
0x334: {  	[sflag:s22] =	ssyncadd.s32 $0xFFFFC000  }
0x335: {  	_ =	swait.ge [sflag:s22], $0x4000  }
0x336: {  	[sflag:s22] =	ssyncset.done $0x0  }
0x337: {  	[sflag:s22] =	ssyncadd.s32 $0xFFFFC000  }
0x338: {  	s20 =	simm.s32 $0x0;
	_ =	swait.ge [sflag:s22], $0x4000  }
0x339: {  	s23 =	simm.s32 $0xC40;
	s24 =	simm.s32 $0x4C40;
	[sflag:s22] =	ssyncset.done $0x0  }
0x33a: {  	s25 =	simm.s32 $0x8C40;
	s28 =	simm.s32 $0x0;
	[sflag:s22] =	ssyncadd.s32 $0xFFFFC000  }
.LBB2_26:
0x33b: {  	v1 =	vld [tilespmem:s24+$0xFFFFFFE0]  }
0x33c: {  	v2 =	vld [tilespmem:s24+$0xFFFFFFC0]  }
0x33d: {  	v4 =	vld [tilespmem:s25+$0xFFFFFFC0]  }
0x33e: {  	v5 =	vld [tilespmem:s23+$0xFFFFFFC0]  }
0x33f: {  	v6 =	vld [tilespmem:s23+$0xFFFFFFD0]  }
0x340: {  	v7 =	vld [tilespmem:s23+$0xFFFFFFE0]  }
0x341: {  	v8 =	vld [tilespmem:s25+$0xFFFFFFD0]  }
0x342: {  	v9 =	vld [tilespmem:s23+$0xFFFFFFF0]  }
0x343: {  	v10 =	vld [tilespmem:s25+$0xFFFFFFE0]  }
0x344: {  	v11 =	vld [tilespmem:s23+$0x0]  }
0x345: {  	v3 =	vld [tilespmem:s24+$0xFFFFFFD0]  }
0x346: {  	v13 =	vld [tilespmem:s23+$0x10];
	v5 =	vadd.f32 $9.999999960e-13, v5;
	v6 =	vadd.f32 $9.999999960e-13, v6  }
0x347: {  	v12 =	vld [tilespmem:s25+$0xFFFFFFF0];
	v7 =	vadd.f32 $9.999999960e-13, v7;
	v9 =	vadd.f32 $9.999999960e-13, v9  }
0x348: {  	v14 =	vld [tilespmem:s25+$0x0];
	v4 =	vsub.f32 v5, v4;
	v8 =	vsub.f32 v6, v8  }
0x349: {  	v15 =	vld [tilespmem:s23+$0x20];
	v11 =	vadd.f32 $9.999999960e-13, v11;
	v10 =	vsub.f32 v7, v10  }
0x34a: {  	v16 =	vld [tilespmem:s25+$0x10];
	v2 =	vsub.f32 v5, v2;
	v4 =	vmul.f32 v4, v4;
	v8 =	vmul.f32 v8, v8  }
0x34b: {  	v5 =	vadd.f32 $9.999999960e-13, v13;
	v13 =	vld [tilespmem:s25+$0x20];
	v1 =	vsub.f32 v7, v1  }
0x34c: {  	v7 =	vld [tilespmem:s24+$0x10];
	v4 =	vadd.f32 v8, v4;
	v8 =	vmul.f32 v10, v10;
	v10 =	vsub.f32 v9, v12  }
0x34d: {  	v3 =	vsub.f32 v6, v3;
	v12 =	vld [tilespmem:s23+$0x30]  }
0x34e: {  	v14 =	vsub.f32 v11, v14;
	v4 =	vadd.f32 v8, v4;
	v8 =	vld [tilespmem:s24+$0xFFFFFFF0];
	v10 =	vmul.f32 v10, v10  }
0x34f: {  	v6 =	vadd.f32 $9.999999960e-13, v15;
	v15 =	vld [tilespmem:s25+$0x30];
	v2 =	vmul.f32 v2, v2;
	v3 =	vmul.f32 v3, v3  }
0x350: {  	v14 =	vmul.f32 v14, v14;
	v16 =	vsub.f32 v5, v16;
	v4 =	vadd.f32 v10, v4;
	v10 =	vld [tilespmem:s24+$0x0]  }
0x351: {  	v57 =	vld [tilespmem:s24+$0x20];
	s2 =	sadd.s32 $0x80, s23;
	v2 =	vadd.f32 v3, v2;
	v13 =	vsub.f32 v6, v13  }
0x352: {  	s0 =	sadd.s32 $0x80, s25;
	v58 =	vld [tilespmem:s2+$0x20];
	v12 =	vadd.f32 $9.999999960e-13, v12;
	v4 =	vadd.f32 v14, v4;
	v14 =	vmul.f32 v16, v16  }
0x353: {  	v1 =	vmul.f32 v1, v1;
	v5 =	vsub.f32 v5, v7;
	v7 =	vld [tilespmem:s0+$0xFFFFFFC0];
	v3 =	vsub.f32 v9, v8  }
0x354: {  	s11 =	sadd.s32 $0x80, s24;
	v13 =	vmul.f32 v13, v13;
	v8 =	vld [tilespmem:s24+$0x30];
	v4 =	vadd.f32 v14, v4;
	v14 =	vsub.f32 v12, v15  }
0x355: {  	v1 =	vadd.f32 v1, v2;
	v15 =	vld [tilespmem:s11+$0xFFFFFFC0];
	v2 =	vmul.f32 v3, v3;
	v3 =	vsub.f32 v11, v10  }
0x356: {  	v10 =	vld [tilespmem:s11+$0xFFFFFFD0];
	v4 =	vadd.f32 v13, v4;
	v11 =	vmul.f32 v14, v14  }
0x357: {  	v1 =	vadd.f32 v2, v1;
	v2 =	vmul.f32 v3, v3;
	v3 =	vld [tilespmem:s2+$0xFFFFFFC0]  }
0x358: {  	v4 =	vadd.f32 v11, v4;
	v11 =	vld [tilespmem:s2+$0xFFFFFFD0]  }
0x359: {  	v6 =	vsub.f32 v6, v57;
	v5 =	vmul.f32 v5, v5;
	v1 =	vadd.f32 v2, v1;
	v2 =	vld [tilespmem:s2+$0xFFFFFFE0]  }
0x35a: {  	(xrf2) =	vadd.scan.msk.f32 $0xffff, v4;
	v4 =	vsub.f32 v12, v8;
	v8 =	vld [tilespmem:s0+$0xFFFFFFD0]  }
0x35b: {  	v6 =	vmul.f32 v6, v6;
	v1 =	vadd.f32 v5, v1;
	v5 =	vld [tilespmem:s2+$0xFFFFFFF0]  }
0x35c: {  	v12 =	vld [tilespmem:s0+$0xFFFFFFE0];
	v3 =	vadd.f32 $9.999999960e-13, v3  }
0x35d: {  	v1 =	vadd.f32 v6, v1;
	v6 =	vadd.f32 $9.999999960e-13, v11;
	v11 =	vld [tilespmem:s2+$0x0]  }
0x35e: {  	v4 =	vmul.f32 v4, v4;
	v13 =	vadd.f32 $9.999999960e-13, v2;
	v2 =	vld [tilespmem:s0+$0xFFFFFFF0];
	v7 =	vsub.f32 v3, v7  }
0x35f: {  	v14 =	vld [tilespmem:s2+$0x10];
	v3 =	vsub.f32 v3, v15;
	v8 =	vsub.f32 v6, v8  }
0x360: {  	v17 =	vmov s20;
	v15 =	vld [tilespmem:s0+$0x0];
	v4 =	vadd.f32 v4, v1;
	v5 =	vadd.f32 $9.999999960e-13, v5  }
0x361: {  	v9 =	vld [tilespmem:s11+$0xFFFFFFE0];
	v7 =	vmul.f32 v7, v7;
	v12 =	vsub.f32 v13, v12;
	v8 =	vmul.f32 v8, v8  }
0x362: {  	vm0 =	veq.s32 v17, v0;
	v6 =	vsub.f32 v6, v10;
	v10 =	vadd.f32 $9.999999960e-13, v11;
	v11 =	vld [tilespmem:s0+$0x10]  }
0x363: {  	v7 =	vadd.f32 v8, v7;
	v8 =	vmul.f32 v12, v12;
	v2 =	vsub.f32 v5, v2;
	v12 =	vld [tilespmem:s2+$0x30]  }
0x364: {  	v19 =	vld [tilespmem:s0+$0x20];
	v16 =	vadd.f32 $9.999999960e-13, v58;
	v14 =	vadd.f32 $9.999999960e-13, v14;
	v1 =	vimm.f32 $0.0e+00  }
0x365: {  	v18, _, _ =	vpop (xrf2);
	(xrf2) =	vadd.scan.msk.f32 $0xffff, v4;
	v15 =	vsub.f32 v10, v15;
	v4 =	vadd.f32 v8, v7;
	v7 =	vld [tilespmem:s11+$0xFFFFFFF0];
	v8 =	vmul.f32 v2, v2  }
0x366: {  	v60 =	vld [tilespmem:s0+$0x30];
	v3 =	vmul.f32 v3, v3;
	v9 =	vsub.f32 v13, v9;
	v6 =	vmul.f32 v6, v6  }
0x367: {  	v15 =	vmul.f32 v15, v15;
	v4 =	vadd.f32 v8, v4;
	v8 =	vld [tilespmem:s11+$0x0];
	v11 =	vsub.f32 v14, v11  }
0x368: {  	v13 =	vld [tilespmem:s11+$0x10];
	v9 =	vmul.f32 v9, v9;
	v6 =	vadd.f32 v6, v3;
	v61 =	vadd.f32 $9.999999960e-13, v12  }
0x369: {  	v12 =	vld [tilespmem:s11+$0x20];
	v4 =	vadd.f32 v15, v4;
	v11 =	vmul.f32 v11, v11;
	v15 =	vsub.f32 v16, v19  }
0x36a: {  	v62 =	vld [tilespmem:s11+$0x30];
	s31 =	sadd.s32 $0x80, s11;
	v59 =	vbroadcast v18, $0xF;
	v6 =	vadd.f32 v9, v6;
	v7 =	vsub.f32 v5, v7  }
0x36b: {  	v3 =	vld [tilespmem:s31+$0xFFFFFFE0];
	v18 =	vsub.f32 v61, v60;
	v11 =	vadd.f32 v11, v4;
	v15 =	vmul.f32 v15, v15  }
0x36c: {  	v2 =	vsel vm0, v59, v1;
	v5 =	vld [tilespmem:s31+$0xFFFFFFC0];
	v7 =	vmul.f32 v7, v7;
	v9 =	vsub.f32 v10, v8  }
0x36d: {  	s0 =	sadd.s32 $0x80, s0;
	v4 =	vld [tilespmem:s31+$0xFFFFFFD0];
	v10 =	vsub.f32 v14, v13;
	v13 =	vmul.f32 v18, v18;
	v11 =	vadd.f32 v15, v11  }
0x36e: {  	s2 =	sadd.s32 $0x80, s2;
	v8 =	vld [tilespmem:s0+$0xFFFFFFC0];
	v16 =	vsub.f32 v16, v12;
	v6 =	vadd.f32 v7, v6;
	v15 =	vmul.f32 v9, v9  }
0x36f: {  	v14 =	vld [tilespmem:s2+$0xFFFFFFD0];
	v63, _, _ =	vpop (xrf2);
	v10 =	vmul.f32 v10, v10;
	v9 =	vsub.f32 v61, v62;
	v7 =	vadd.f32 v13, v11  }
0x370: {  	s30 =	simm.s32 $0x1;
	s29 =	simm.s32 $0x2;
	s11 =	simm.s32 $0x3;
	v12 =	vld [tilespmem:s2+$0xFFFFFFC0];
	v11 =	vmul.f32 v16, v16;
	v13 =	vadd.f32 v15, v6;
	v6 =	vbroadcast v63, $0xF  }
.LBB2_27:
0x371: {  	p0 =	sne.s32 s11, $0xF;
	v15 =	vld [tilespmem:s2+$0xFFFFFFE0];
	v9 =	vmul.f32 v9, v9;
	(xrf2) =	vadd.scan.msk.f32 $0xffff, v7  }
0x372: {  	v7 =	vld [tilespmem:s0+$0xFFFFFFD0];
	v10 =	vadd.f32 v10, v13;
	v1 =	vsel vm0, v6, v1  }
0x373: {  	v6 =	vld [tilespmem:s2+$0xFFFFFFF0]  }
0x374: {  	v13 =	vld [tilespmem:s0+$0xFFFFFFE0];
	v10 =	vadd.f32 v11, v10  }
0x375: {  	v11 =	vadd.f32 $9.999999960e-13, v12;
	v12 =	vadd.f32 $9.999999960e-13, v14;
	v14 =	vld [tilespmem:s2+$0x0]  }
0x376: {  	v15 =	vadd.f32 $9.999999960e-13, v15;
	v16 =	vld [tilespmem:s0+$0xFFFFFFF0];
	v9 =	vadd.f32 v9, v10  }
0x377: {  	v8 =	vsub.f32 v11, v8;
	v7 =	vsub.f32 v12, v7;
	v10 =	vld [tilespmem:s2+$0x10]  }
0x378: {  	v5 =	vsub.f32 v11, v5;
	v6 =	vadd.f32 $9.999999960e-13, v6;
	v11 =	vld [tilespmem:s0+$0x0];
	(xrf2) =	vadd.scan.msk.f32 $0xffff, v9  }
0x379: {  	v8 =	vmul.f32 v8, v8;
	v7 =	vmul.f32 v7, v7;
	v9 =	vsub.f32 v15, v13;
	v13 =	vld [tilespmem:s2+$0x20]  }
0x37a: {  	v17 =	vmov s30;
	s30 =	smov.u32 s29;
	s29 =	smov.u32 s11;
	v4 =	vsub.f32 v12, v4;
	v12 =	vadd.f32 $9.999999960e-13, v14;
	v14 =	vld [tilespmem:s0+$0x10]  }
0x37b: {  	v7 =	vadd.f32 v7, v8;
	v8 =	vmul.f32 v9, v9;
	v9 =	vsub.f32 v6, v16;
	v16 =	vld [tilespmem:s2+$0x30];
	v18, _, _ =	vpop (xrf2)  }
0x37c: {  	vm0 =	veq.s32 v17, v0;
	v10 =	vadd.f32 $9.999999960e-13, v10;
	v19 =	vld [tilespmem:s0+$0x20];
	v17 =	vbroadcast v18, $0xF  }
0x37d: {  	v7 =	vadd.f32 v8, v7;
	v8 =	vld [tilespmem:s31+$0xFFFFFFF0];
	v9 =	vmul.f32 v9, v9;
	v11 =	vsub.f32 v12, v11  }
0x37e: {  	v5 =	vmul.f32 v5, v5;
	v13 =	vadd.f32 $9.999999960e-13, v13;
	v18 =	vld [tilespmem:s0+$0x30];
	v2 =	vsel vm0, v17, v2  }
0x37f: {  	v7 =	vadd.f32 v9, v7;
	v9 =	vld [tilespmem:s31+$0x0];
	v11 =	vmul.f32 v11, v11;
	v14 =	vsub.f32 v10, v14  }
0x380: {  	v3 =	vsub.f32 v15, v3;
	v4 =	vmul.f32 v4, v4;
	v15 =	vld [tilespmem:s31+$0x10];
	v16 =	vadd.f32 $9.999999960e-13, v16  }
0x381: {  	v7 =	vadd.f32 v11, v7;
	v11 =	vmul.f32 v14, v14;
	v14 =	vld [tilespmem:s31+$0x20];
	v17 =	vsub.f32 v13, v19  }
0x382: {  	v4 =	vadd.f32 v4, v5;
	v19 =	vmul.f32 v3, v3;
	v6 =	vsub.f32 v6, v8;
	v20 =	vld [tilespmem:s31+$0x30];
	s31 =	sadd.s32 $0x80, s31;
	v21, _, _ =	vpop (xrf2)  }
0x383: {  	v3 =	vld [tilespmem:s31+$0xFFFFFFE0];
	v7 =	vadd.f32 v11, v7;
	v8 =	vmul.f32 v17, v17;
	v11 =	vsub.f32 v16, v18  }
.Ltmp12:
0x384: {  	v17 =	vadd.f32 v19, v4;
	v5 =	vld [tilespmem:s31+$0xFFFFFFC0];
	v6 =	vmul.f32 v6, v6;
	v9 =	vsub.f32 v12, v9;
	(pc) =	sbr.rel @p0 .LBB2_27-.Ltmp12, $4  }
0x385: {  	s0 =	sadd.s32 $0x80, s0;
	v4 =	vld [tilespmem:s31+$0xFFFFFFD0];
	v10 =	vsub.f32 v10, v15;
	v7 =	vadd.f32 v8, v7;
	v11 =	vmul.f32 v11, v11  }
0x386: {  	s2 =	sadd.s32 $0x80, s2;
	v8 =	vld [tilespmem:s0+$0xFFFFFFC0];
	v6 =	vadd.f32 v6, v17;
	v15 =	vmul.f32 v9, v9;
	v17 =	vsub.f32 v13, v14  }
0x387: {  	v12 =	vld [tilespmem:s2+$0xFFFFFFC0];
	v10 =	vmul.f32 v10, v10;
	v9 =	vsub.f32 v16, v20;
	v7 =	vadd.f32 v11, v7  }
0x388: {  	s11 =	sadd.s32 $0x1, s11;
	v14 =	vld [tilespmem:s2+$0xFFFFFFD0];
	v13 =	vadd.f32 v15, v6;
	v11 =	vmul.f32 v17, v17;
	v6 =	vbroadcast v21, $0xF  }
0x389: {  	v15 =	vld [tilespmem:s2+$0xFFFFFFE0]  }
0x38a: {  	v16 =	vld [tilespmem:s0+$0xFFFFFFD0]  }
0x38b: {  	v17 =	vld [tilespmem:s2+$0xFFFFFFF0]  }
0x38c: {  	v20 =	vld [tilespmem:s2+$0x0];
	v10 =	vadd.f32 v10, v13  }
0x38d: {  	v21 =	vld [tilespmem:s2+$0x10]  }
0x38e: {  	v18 =	vld [tilespmem:s0+$0xFFFFFFE0];
	v12 =	vadd.f32 $9.999999960e-13, v12;
	v10 =	vadd.f32 v11, v10  }
0x38f: {  	v19 =	vld [tilespmem:s0+$0xFFFFFFF0];
	v14 =	vadd.f32 $9.999999960e-13, v14;
	v15 =	vadd.f32 $9.999999960e-13, v15  }
0x390: {  	v39 =	vld [tilespmem:s31+$0xFFFFFFF0];
	v8 =	vsub.f32 v12, v8;
	v17 =	vadd.f32 $9.999999960e-13, v17  }
0x391: {  	v22 =	vld [tilespmem:s0+$0x0];
	v5 =	vsub.f32 v12, v5;
	v44 =	vadd.f32 $9.999999960e-13, v20  }
0x392: {  	v42 =	vld [tilespmem:s31+$0x0];
	v9 =	vmul.f32 v9, v9;
	v46 =	vadd.f32 $9.999999960e-13, v21;
	v16 =	vsub.f32 v14, v16  }
0x393: {  	v40 =	vld [tilespmem:s0+$0x10];
	v4 =	vsub.f32 v14, v4;
	v8 =	vmul.f32 v8, v8;
	v18 =	vsub.f32 v15, v18  }
0x394: {  	v43 =	vld [tilespmem:s31+$0x10];
	v19 =	vsub.f32 v17, v19;
	v5 =	vmul.f32 v5, v5;
	v16 =	vmul.f32 v16, v16  }
0x395: {  	v38 =	vld [tilespmem:s2+$0x20];
	v3 =	vsub.f32 v15, v3;
	v12 =	vsub.f32 v17, v39;
	v4 =	vmul.f32 v4, v4  }
0x396: {  	v45 =	vld [tilespmem:s2+$0x30];
	v48 =	vsub.f32 v44, v22;
	v18 =	vmul.f32 v18, v18;
	v8 =	vadd.f32 v16, v8  }
0x397: {  	v47 =	vld [tilespmem:s0+$0x20];
	v14 =	vsub.f32 v44, v42;
	v3 =	vmul.f32 v3, v3;
	v4 =	vadd.f32 v4, v5  }
0x398: {  	v49 =	vld [tilespmem:s31+$0x20];
	v13 =	vsub.f32 v46, v40;
	v41 =	vmul.f32 v19, v19;
	v8 =	vadd.f32 v18, v8  }
0x399: {  	v50 =	vld [tilespmem:s0+$0x30];
	v11 =	vsub.f32 v46, v43;
	v12 =	vmul.f32 v12, v12;
	v3 =	vadd.f32 v3, v4  }
0x39a: {  	v51 =	vld [tilespmem:s31+$0x30];
	v19 =	vmul.f32 v48, v48;
	v16 =	vadd.f32 $9.999999960e-13, v38;
	v8 =	vadd.f32 v41, v8  }
0x39b: {  	v52 =	vmul.f32 v14, v14;
	v5 =	vadd.f32 $9.999999960e-13, v45;
	v3 =	vadd.f32 v12, v3  }
0x39c: {  	v13 =	vmul.f32 v13, v13;
	v53 =	vsub.f32 v16, v47;
	v8 =	vadd.f32 v19, v8  }
0x39d: {  	v11 =	vmul.f32 v11, v11;
	v4 =	vsub.f32 v16, v49;
	v3 =	vadd.f32 v52, v3  }
0x39e: {  	v55 =	vsub.f32 v5, v50;
	v54 =	vmul.f32 v53, v53;
	v8 =	vadd.f32 v13, v8  }
0x39f: {  	v5 =	vsub.f32 v5, v51;
	v4 =	vmul.f32 v4, v4;
	v3 =	vadd.f32 v11, v3  }
0x3a0: {  	v56 =	vmul.f32 v55, v55;
	v8 =	vadd.f32 v54, v8  }
0x3a1: {  	v9 =	vadd.f32 v9, v10;
	v5 =	vmul.f32 v5, v5;
	v3 =	vadd.f32 v4, v3  }
0x3a2: {  	(xrf2) =	vadd.scan.msk.f32 $0xffff, v7;
	v57 =	vadd.f32 v56, v8  }
0x3a3: {  	(xrf2) =	vadd.scan.msk.f32 $0xffff, v9;
	v3 =	vadd.f32 v5, v3  }
0x3a4: {  	(xrf2) =	vadd.scan.msk.f32 $0xffff, v57  }
0x3a5: {  	(xrf2) =	vadd.scan.msk.f32 $0xffff, v3;
	_ =	sdelay $0x6  }
0x3a6: {  	v3, _, _ =	vpop (xrf2)  }
0x3a7: {  	v59 =	vmov s30;
	s31 =	sshll.u32 s28, $0x4;
	s28 =	sadd.s32 $0x1, s28;
	v58, _, _ =	vpop (xrf2)  }
0x3a8: {  	v62 =	vmov s29;
	v1 =	vsel vm0, v6, v1;
	p0 =	sne.s32 s28, $0x8;
	v3 =	vbroadcast v3, $0xF;
	v60, _, _ =	vpop (xrf2)  }
.Ltmp13:
0x3a9: {  	vm15 =	veq.s32 v59, v0;
	v4 =	vbroadcast v58, $0xF;
	v61, _, _ =	vpop (xrf2);
	v63 =	vbroadcast v60, $0xF;
	(pc) =	sbr.rel @p0 .LBB2_26-.Ltmp13, $4  }
0x3aa: {  	vm1 =	veq.s32 v62, v0;
	v2 =	vsel vm15, v3, v2;
	v5 =	vbroadcast v61, $0xF  }
0x3ab: {  	v1 =	vsel vm15, v4, v1;
	v2 =	vsel vm1, v63, v2  }
0x3ac: {  	v1 =	vsel vm1, v5, v1;
	[tilespmem:s31+$0x19300] =	vst v2  }
0x3ad: {  	s23 =	sadd.s32 $0x800, s23;
	s24 =	sadd.s32 $0x800, s24;
	s25 =	sadd.s32 $0x800, s25;
	[tilespmem:s31+$0x18F00] =	vst v1  }
0x3ae: {  	_ =	swait.ge [sflag:s26], $0x4000  }
0x3af: {  	[sflag:s26] =	ssyncset.done $0x0  }
0x3b0: {  	[sflag:s26] =	ssyncadd.s32 $0xFFFFC000  }
0x3b1: {  	_ =	swait.ge [sflag:s26], $0x4000  }
0x3b2: {  	[sflag:s26] =	ssyncset.done $0x0  }
0x3b3: {  	[sflag:s26] =	ssyncadd.s32 $0xFFFFC000  }
0x3b4: {  	s20 =	simm.s32 $0x0;
	_ =	swait.ge [sflag:s26], $0x4000  }
0x3b5: {  	s23 =	simm.s32 $0xCC40;
	s24 =	simm.s32 $0x10C40;
	[sflag:s26] =	ssyncset.done $0x0  }
0x3b6: {  	s25 =	simm.s32 $0x14C40;
	s28 =	simm.s32 $0x0;
	[sflag:s26] =	ssyncadd.s32 $0xFFFFC000  }
.LBB2_30:
0x3b7: {  	v1 =	vld [tilespmem:s24+$0xFFFFFFE0]  }
0x3b8: {  	v2 =	vld [tilespmem:s24+$0xFFFFFFC0]  }
0x3b9: {  	v4 =	vld [tilespmem:s25+$0xFFFFFFC0]  }
0x3ba: {  	v5 =	vld [tilespmem:s23+$0xFFFFFFC0]  }
0x3bb: {  	v6 =	vld [tilespmem:s23+$0xFFFFFFD0]  }
0x3bc: {  	v7 =	vld [tilespmem:s23+$0xFFFFFFE0]  }
0x3bd: {  	v8 =	vld [tilespmem:s25+$0xFFFFFFD0]  }
0x3be: {  	v9 =	vld [tilespmem:s23+$0xFFFFFFF0]  }
0x3bf: {  	v10 =	vld [tilespmem:s25+$0xFFFFFFE0]  }
0x3c0: {  	v11 =	vld [tilespmem:s23+$0x0]  }
0x3c1: {  	v3 =	vld [tilespmem:s24+$0xFFFFFFD0]  }
0x3c2: {  	v13 =	vld [tilespmem:s23+$0x10];
	v5 =	vadd.f32 $9.999999960e-13, v5;
	v6 =	vadd.f32 $9.999999960e-13, v6  }
0x3c3: {  	v12 =	vld [tilespmem:s25+$0xFFFFFFF0];
	v7 =	vadd.f32 $9.999999960e-13, v7;
	v9 =	vadd.f32 $9.999999960e-13, v9  }
0x3c4: {  	v14 =	vld [tilespmem:s25+$0x0];
	v4 =	vsub.f32 v5, v4;
	v8 =	vsub.f32 v6, v8  }
0x3c5: {  	v15 =	vld [tilespmem:s23+$0x20];
	v11 =	vadd.f32 $9.999999960e-13, v11;
	v10 =	vsub.f32 v7, v10  }
0x3c6: {  	v16 =	vld [tilespmem:s25+$0x10];
	v2 =	vsub.f32 v5, v2;
	v4 =	vmul.f32 v4, v4;
	v8 =	vmul.f32 v8, v8  }
0x3c7: {  	v5 =	vadd.f32 $9.999999960e-13, v13;
	v13 =	vld [tilespmem:s25+$0x20];
	v1 =	vsub.f32 v7, v1  }
0x3c8: {  	v7 =	vld [tilespmem:s24+$0x10];
	v4 =	vadd.f32 v8, v4;
	v8 =	vmul.f32 v10, v10;
	v10 =	vsub.f32 v9, v12  }
0x3c9: {  	v3 =	vsub.f32 v6, v3;
	v12 =	vld [tilespmem:s23+$0x30]  }
0x3ca: {  	v14 =	vsub.f32 v11, v14;
	v4 =	vadd.f32 v8, v4;
	v8 =	vld [tilespmem:s24+$0xFFFFFFF0];
	v10 =	vmul.f32 v10, v10  }
0x3cb: {  	v6 =	vadd.f32 $9.999999960e-13, v15;
	v15 =	vld [tilespmem:s25+$0x30];
	v2 =	vmul.f32 v2, v2;
	v3 =	vmul.f32 v3, v3  }
0x3cc: {  	v14 =	vmul.f32 v14, v14;
	v16 =	vsub.f32 v5, v16;
	v4 =	vadd.f32 v10, v4;
	v10 =	vld [tilespmem:s24+$0x0]  }
0x3cd: {  	v57 =	vld [tilespmem:s24+$0x20];
	s2 =	sadd.s32 $0x80, s23;
	v2 =	vadd.f32 v3, v2;
	v13 =	vsub.f32 v6, v13  }
0x3ce: {  	s0 =	sadd.s32 $0x80, s25;
	v58 =	vld [tilespmem:s2+$0x20];
	v12 =	vadd.f32 $9.999999960e-13, v12;
	v4 =	vadd.f32 v14, v4;
	v14 =	vmul.f32 v16, v16  }
0x3cf: {  	v1 =	vmul.f32 v1, v1;
	v5 =	vsub.f32 v5, v7;
	v7 =	vld [tilespmem:s0+$0xFFFFFFC0];
	v3 =	vsub.f32 v9, v8  }
0x3d0: {  	s11 =	sadd.s32 $0x80, s24;
	v13 =	vmul.f32 v13, v13;
	v8 =	vld [tilespmem:s24+$0x30];
	v4 =	vadd.f32 v14, v4;
	v14 =	vsub.f32 v12, v15  }
0x3d1: {  	v1 =	vadd.f32 v1, v2;
	v15 =	vld [tilespmem:s11+$0xFFFFFFC0];
	v2 =	vmul.f32 v3, v3;
	v3 =	vsub.f32 v11, v10  }
0x3d2: {  	v10 =	vld [tilespmem:s11+$0xFFFFFFD0];
	v4 =	vadd.f32 v13, v4;
	v11 =	vmul.f32 v14, v14  }
0x3d3: {  	v1 =	vadd.f32 v2, v1;
	v2 =	vmul.f32 v3, v3;
	v3 =	vld [tilespmem:s2+$0xFFFFFFC0]  }
0x3d4: {  	v4 =	vadd.f32 v11, v4;
	v11 =	vld [tilespmem:s2+$0xFFFFFFD0]  }
0x3d5: {  	v6 =	vsub.f32 v6, v57;
	v5 =	vmul.f32 v5, v5;
	v1 =	vadd.f32 v2, v1;
	v2 =	vld [tilespmem:s2+$0xFFFFFFE0]  }
0x3d6: {  	(xrf2) =	vadd.scan.msk.f32 $0xffff, v4;
	v4 =	vsub.f32 v12, v8;
	v8 =	vld [tilespmem:s0+$0xFFFFFFD0]  }
0x3d7: {  	v6 =	vmul.f32 v6, v6;
	v1 =	vadd.f32 v5, v1;
	v5 =	vld [tilespmem:s2+$0xFFFFFFF0]  }
0x3d8: {  	v12 =	vld [tilespmem:s0+$0xFFFFFFE0];
	v3 =	vadd.f32 $9.999999960e-13, v3  }
0x3d9: {  	v1 =	vadd.f32 v6, v1;
	v6 =	vadd.f32 $9.999999960e-13, v11;
	v11 =	vld [tilespmem:s2+$0x0]  }
0x3da: {  	v4 =	vmul.f32 v4, v4;
	v13 =	vadd.f32 $9.999999960e-13, v2;
	v2 =	vld [tilespmem:s0+$0xFFFFFFF0];
	v7 =	vsub.f32 v3, v7  }
0x3db: {  	v14 =	vld [tilespmem:s2+$0x10];
	v3 =	vsub.f32 v3, v15;
	v8 =	vsub.f32 v6, v8  }
0x3dc: {  	v17 =	vmov s20;
	v15 =	vld [tilespmem:s0+$0x0];
	v4 =	vadd.f32 v4, v1;
	v5 =	vadd.f32 $9.999999960e-13, v5  }
0x3dd: {  	v9 =	vld [tilespmem:s11+$0xFFFFFFE0];
	v7 =	vmul.f32 v7, v7;
	v12 =	vsub.f32 v13, v12;
	v8 =	vmul.f32 v8, v8  }
0x3de: {  	vm0 =	veq.s32 v17, v0;
	v6 =	vsub.f32 v6, v10;
	v10 =	vadd.f32 $9.999999960e-13, v11;
	v11 =	vld [tilespmem:s0+$0x10]  }
0x3df: {  	v7 =	vadd.f32 v8, v7;
	v8 =	vmul.f32 v12, v12;
	v2 =	vsub.f32 v5, v2;
	v12 =	vld [tilespmem:s2+$0x30]  }
0x3e0: {  	v19 =	vld [tilespmem:s0+$0x20];
	v16 =	vadd.f32 $9.999999960e-13, v58;
	v14 =	vadd.f32 $9.999999960e-13, v14;
	v1 =	vimm.f32 $0.0e+00  }
0x3e1: {  	v18, _, _ =	vpop (xrf2);
	(xrf2) =	vadd.scan.msk.f32 $0xffff, v4;
	v15 =	vsub.f32 v10, v15;
	v4 =	vadd.f32 v8, v7;
	v7 =	vld [tilespmem:s11+$0xFFFFFFF0];
	v8 =	vmul.f32 v2, v2  }
0x3e2: {  	v60 =	vld [tilespmem:s0+$0x30];
	v3 =	vmul.f32 v3, v3;
	v9 =	vsub.f32 v13, v9;
	v6 =	vmul.f32 v6, v6  }
0x3e3: {  	v15 =	vmul.f32 v15, v15;
	v4 =	vadd.f32 v8, v4;
	v8 =	vld [tilespmem:s11+$0x0];
	v11 =	vsub.f32 v14, v11  }
0x3e4: {  	v13 =	vld [tilespmem:s11+$0x10];
	v9 =	vmul.f32 v9, v9;
	v6 =	vadd.f32 v6, v3;
	v61 =	vadd.f32 $9.999999960e-13, v12  }
0x3e5: {  	v12 =	vld [tilespmem:s11+$0x20];
	v4 =	vadd.f32 v15, v4;
	v11 =	vmul.f32 v11, v11;
	v15 =	vsub.f32 v16, v19  }
0x3e6: {  	v62 =	vld [tilespmem:s11+$0x30];
	s31 =	sadd.s32 $0x80, s11;
	v59 =	vbroadcast v18, $0xF;
	v6 =	vadd.f32 v9, v6;
	v7 =	vsub.f32 v5, v7  }
0x3e7: {  	v3 =	vld [tilespmem:s31+$0xFFFFFFE0];
	v18 =	vsub.f32 v61, v60;
	v11 =	vadd.f32 v11, v4;
	v15 =	vmul.f32 v15, v15  }
0x3e8: {  	v2 =	vsel vm0, v59, v1;
	v5 =	vld [tilespmem:s31+$0xFFFFFFC0];
	v7 =	vmul.f32 v7, v7;
	v9 =	vsub.f32 v10, v8  }
0x3e9: {  	s0 =	sadd.s32 $0x80, s0;
	v4 =	vld [tilespmem:s31+$0xFFFFFFD0];
	v10 =	vsub.f32 v14, v13;
	v13 =	vmul.f32 v18, v18;
	v11 =	vadd.f32 v15, v11  }
0x3ea: {  	s2 =	sadd.s32 $0x80, s2;
	v8 =	vld [tilespmem:s0+$0xFFFFFFC0];
	v16 =	vsub.f32 v16, v12;
	v6 =	vadd.f32 v7, v6;
	v15 =	vmul.f32 v9, v9  }
0x3eb: {  	v14 =	vld [tilespmem:s2+$0xFFFFFFD0];
	v63, _, _ =	vpop (xrf2);
	v10 =	vmul.f32 v10, v10;
	v9 =	vsub.f32 v61, v62;
	v7 =	vadd.f32 v13, v11  }
0x3ec: {  	s30 =	simm.s32 $0x1;
	s29 =	simm.s32 $0x2;
	s11 =	simm.s32 $0x3;
	v12 =	vld [tilespmem:s2+$0xFFFFFFC0];
	v11 =	vmul.f32 v16, v16;
	v13 =	vadd.f32 v15, v6;
	v6 =	vbroadcast v63, $0xF  }
.LBB2_31:
0x3ed: {  	p0 =	sne.s32 s11, $0xF;
	v15 =	vld [tilespmem:s2+$0xFFFFFFE0];
	v9 =	vmul.f32 v9, v9;
	(xrf2) =	vadd.scan.msk.f32 $0xffff, v7  }
0x3ee: {  	v7 =	vld [tilespmem:s0+$0xFFFFFFD0];
	v10 =	vadd.f32 v10, v13;
	v1 =	vsel vm0, v6, v1  }
0x3ef: {  	v6 =	vld [tilespmem:s2+$0xFFFFFFF0]  }
0x3f0: {  	v13 =	vld [tilespmem:s0+$0xFFFFFFE0];
	v10 =	vadd.f32 v11, v10  }
0x3f1: {  	v11 =	vadd.f32 $9.999999960e-13, v12;
	v12 =	vadd.f32 $9.999999960e-13, v14;
	v14 =	vld [tilespmem:s2+$0x0]  }
0x3f2: {  	v15 =	vadd.f32 $9.999999960e-13, v15;
	v16 =	vld [tilespmem:s0+$0xFFFFFFF0];
	v9 =	vadd.f32 v9, v10  }
0x3f3: {  	v8 =	vsub.f32 v11, v8;
	v7 =	vsub.f32 v12, v7;
	v10 =	vld [tilespmem:s2+$0x10]  }
0x3f4: {  	v5 =	vsub.f32 v11, v5;
	v6 =	vadd.f32 $9.999999960e-13, v6;
	v11 =	vld [tilespmem:s0+$0x0];
	(xrf2) =	vadd.scan.msk.f32 $0xffff, v9  }
0x3f5: {  	v8 =	vmul.f32 v8, v8;
	v7 =	vmul.f32 v7, v7;
	v9 =	vsub.f32 v15, v13;
	v13 =	vld [tilespmem:s2+$0x20]  }
0x3f6: {  	v17 =	vmov s30;
	s30 =	smov.u32 s29;
	s29 =	smov.u32 s11;
	v4 =	vsub.f32 v12, v4;
	v12 =	vadd.f32 $9.999999960e-13, v14;
	v14 =	vld [tilespmem:s0+$0x10]  }
0x3f7: {  	v7 =	vadd.f32 v7, v8;
	v8 =	vmul.f32 v9, v9;
	v9 =	vsub.f32 v6, v16;
	v16 =	vld [tilespmem:s2+$0x30];
	v18, _, _ =	vpop (xrf2)  }
0x3f8: {  	vm0 =	veq.s32 v17, v0;
	v10 =	vadd.f32 $9.999999960e-13, v10;
	v19 =	vld [tilespmem:s0+$0x20];
	v17 =	vbroadcast v18, $0xF  }
0x3f9: {  	v7 =	vadd.f32 v8, v7;
	v8 =	vld [tilespmem:s31+$0xFFFFFFF0];
	v9 =	vmul.f32 v9, v9;
	v11 =	vsub.f32 v12, v11  }
0x3fa: {  	v5 =	vmul.f32 v5, v5;
	v13 =	vadd.f32 $9.999999960e-13, v13;
	v18 =	vld [tilespmem:s0+$0x30];
	v2 =	vsel vm0, v17, v2  }
0x3fb: {  	v7 =	vadd.f32 v9, v7;
	v9 =	vld [tilespmem:s31+$0x0];
	v11 =	vmul.f32 v11, v11;
	v14 =	vsub.f32 v10, v14  }
0x3fc: {  	v3 =	vsub.f32 v15, v3;
	v4 =	vmul.f32 v4, v4;
	v15 =	vld [tilespmem:s31+$0x10];
	v16 =	vadd.f32 $9.999999960e-13, v16  }
0x3fd: {  	v7 =	vadd.f32 v11, v7;
	v11 =	vmul.f32 v14, v14;
	v14 =	vld [tilespmem:s31+$0x20];
	v17 =	vsub.f32 v13, v19  }
0x3fe: {  	v4 =	vadd.f32 v4, v5;
	v19 =	vmul.f32 v3, v3;
	v6 =	vsub.f32 v6, v8;
	v20 =	vld [tilespmem:s31+$0x30];
	s31 =	sadd.s32 $0x80, s31;
	v21, _, _ =	vpop (xrf2)  }
0x3ff: {  	v3 =	vld [tilespmem:s31+$0xFFFFFFE0];
	v7 =	vadd.f32 v11, v7;
	v8 =	vmul.f32 v17, v17;
	v11 =	vsub.f32 v16, v18  }
.Ltmp14:
0x400: {  	v17 =	vadd.f32 v19, v4;
	v5 =	vld [tilespmem:s31+$0xFFFFFFC0];
	v6 =	vmul.f32 v6, v6;
	v9 =	vsub.f32 v12, v9;
	(pc) =	sbr.rel @p0 .LBB2_31-.Ltmp14, $4  }
0x401: {  	s0 =	sadd.s32 $0x80, s0;
	v4 =	vld [tilespmem:s31+$0xFFFFFFD0];
	v10 =	vsub.f32 v10, v15;
	v7 =	vadd.f32 v8, v7;
	v11 =	vmul.f32 v11, v11  }
0x402: {  	s2 =	sadd.s32 $0x80, s2;
	v8 =	vld [tilespmem:s0+$0xFFFFFFC0];
	v6 =	vadd.f32 v6, v17;
	v15 =	vmul.f32 v9, v9;
	v17 =	vsub.f32 v13, v14  }
0x403: {  	v12 =	vld [tilespmem:s2+$0xFFFFFFC0];
	v10 =	vmul.f32 v10, v10;
	v9 =	vsub.f32 v16, v20;
	v7 =	vadd.f32 v11, v7  }
0x404: {  	s11 =	sadd.s32 $0x1, s11;
	v14 =	vld [tilespmem:s2+$0xFFFFFFD0];
	v13 =	vadd.f32 v15, v6;
	v11 =	vmul.f32 v17, v17;
	v6 =	vbroadcast v21, $0xF  }
0x405: {  	v15 =	vld [tilespmem:s2+$0xFFFFFFE0]  }
0x406: {  	v16 =	vld [tilespmem:s0+$0xFFFFFFD0]  }
0x407: {  	v17 =	vld [tilespmem:s2+$0xFFFFFFF0]  }
0x408: {  	v20 =	vld [tilespmem:s2+$0x0];
	v10 =	vadd.f32 v10, v13  }
0x409: {  	v21 =	vld [tilespmem:s2+$0x10]  }
0x40a: {  	v18 =	vld [tilespmem:s0+$0xFFFFFFE0];
	v12 =	vadd.f32 $9.999999960e-13, v12;
	v10 =	vadd.f32 v11, v10  }
0x40b: {  	v19 =	vld [tilespmem:s0+$0xFFFFFFF0];
	v14 =	vadd.f32 $9.999999960e-13, v14;
	v15 =	vadd.f32 $9.999999960e-13, v15  }
0x40c: {  	v39 =	vld [tilespmem:s31+$0xFFFFFFF0];
	v8 =	vsub.f32 v12, v8;
	v17 =	vadd.f32 $9.999999960e-13, v17  }
0x40d: {  	v22 =	vld [tilespmem:s0+$0x0];
	v5 =	vsub.f32 v12, v5;
	v44 =	vadd.f32 $9.999999960e-13, v20  }
0x40e: {  	v42 =	vld [tilespmem:s31+$0x0];
	v9 =	vmul.f32 v9, v9;
	v46 =	vadd.f32 $9.999999960e-13, v21;
	v16 =	vsub.f32 v14, v16  }
0x40f: {  	v40 =	vld [tilespmem:s0+$0x10];
	v4 =	vsub.f32 v14, v4;
	v8 =	vmul.f32 v8, v8;
	v18 =	vsub.f32 v15, v18  }
0x410: {  	v43 =	vld [tilespmem:s31+$0x10];
	v19 =	vsub.f32 v17, v19;
	v5 =	vmul.f32 v5, v5;
	v16 =	vmul.f32 v16, v16  }
0x411: {  	v38 =	vld [tilespmem:s2+$0x20];
	v3 =	vsub.f32 v15, v3;
	v12 =	vsub.f32 v17, v39;
	v4 =	vmul.f32 v4, v4  }
0x412: {  	v45 =	vld [tilespmem:s2+$0x30];
	v48 =	vsub.f32 v44, v22;
	v18 =	vmul.f32 v18, v18;
	v8 =	vadd.f32 v16, v8  }
0x413: {  	v47 =	vld [tilespmem:s0+$0x20];
	v14 =	vsub.f32 v44, v42;
	v3 =	vmul.f32 v3, v3;
	v4 =	vadd.f32 v4, v5  }
0x414: {  	v49 =	vld [tilespmem:s31+$0x20];
	v13 =	vsub.f32 v46, v40;
	v41 =	vmul.f32 v19, v19;
	v8 =	vadd.f32 v18, v8  }
0x415: {  	v50 =	vld [tilespmem:s0+$0x30];
	v11 =	vsub.f32 v46, v43;
	v12 =	vmul.f32 v12, v12;
	v3 =	vadd.f32 v3, v4  }
0x416: {  	v51 =	vld [tilespmem:s31+$0x30];
	v19 =	vmul.f32 v48, v48;
	v16 =	vadd.f32 $9.999999960e-13, v38;
	v8 =	vadd.f32 v41, v8  }
0x417: {  	v52 =	vmul.f32 v14, v14;
	v5 =	vadd.f32 $9.999999960e-13, v45;
	v3 =	vadd.f32 v12, v3  }
0x418: {  	v13 =	vmul.f32 v13, v13;
	v53 =	vsub.f32 v16, v47;
	v8 =	vadd.f32 v19, v8  }
0x419: {  	v11 =	vmul.f32 v11, v11;
	v4 =	vsub.f32 v16, v49;
	v3 =	vadd.f32 v52, v3  }
0x41a: {  	v55 =	vsub.f32 v5, v50;
	v54 =	vmul.f32 v53, v53;
	v8 =	vadd.f32 v13, v8  }
0x41b: {  	v5 =	vsub.f32 v5, v51;
	v4 =	vmul.f32 v4, v4;
	v3 =	vadd.f32 v11, v3  }
0x41c: {  	v56 =	vmul.f32 v55, v55;
	v8 =	vadd.f32 v54, v8  }
0x41d: {  	v9 =	vadd.f32 v9, v10;
	v5 =	vmul.f32 v5, v5;
	v3 =	vadd.f32 v4, v3  }
0x41e: {  	(xrf2) =	vadd.scan.msk.f32 $0xffff, v7;
	v57 =	vadd.f32 v56, v8  }
0x41f: {  	(xrf2) =	vadd.scan.msk.f32 $0xffff, v9;
	v3 =	vadd.f32 v5, v3  }
0x420: {  	(xrf2) =	vadd.scan.msk.f32 $0xffff, v57  }
0x421: {  	(xrf2) =	vadd.scan.msk.f32 $0xffff, v3;
	_ =	sdelay $0x6  }
0x422: {  	v3, _, _ =	vpop (xrf2)  }
0x423: {  	v59 =	vmov s30;
	s31 =	sshll.u32 s28, $0x4;
	s28 =	sadd.s32 $0x1, s28;
	v58, _, _ =	vpop (xrf2)  }
0x424: {  	v62 =	vmov s29;
	v1 =	vsel vm0, v6, v1;
	p0 =	sne.s32 s28, $0x8;
	v3 =	vbroadcast v3, $0xF;
	v60, _, _ =	vpop (xrf2)  }
.Ltmp15:
0x425: {  	vm15 =	veq.s32 v59, v0;
	v4 =	vbroadcast v58, $0xF;
	v61, _, _ =	vpop (xrf2);
	v63 =	vbroadcast v60, $0xF;
	(pc) =	sbr.rel @p0 .LBB2_30-.Ltmp15, $4  }
0x426: {  	vm1 =	veq.s32 v62, v0;
	v2 =	vsel vm15, v3, v2;
	v5 =	vbroadcast v61, $0xF  }
0x427: {  	v1 =	vsel vm15, v4, v1;
	v2 =	vsel vm1, v63, v2  }
0x428: {  	v1 =	vsel vm1, v5, v1;
	[tilespmem:s31+$0x19380] =	vst v2  }
0x429: {  	s23 =	sadd.s32 $0x800, s23;
	s24 =	sadd.s32 $0x800, s24;
	s25 =	sadd.s32 $0x800, s25;
	[tilespmem:s31+$0x18F80] =	vst v1  }
0x42a: {  	s0 =	simm.s32 $0x18C00  }
0x42b: {  	[hbm4b:s7+s3] =	stream.linear.scatter [tilespmem:s0], [sflag:$0x3], $0x400, $0x38;
	[tilespmem:$0x19400] =	vst v63  }
0x42c: {  	s18 =	sadd.s32 $0x1, s18;
	_ =	swait.ge [sflag:s10], $0x400  }
0x42d: {  	p0 =	sne.s32 s18, s9;
	[sflag:s10] =	ssyncset.done $0x0  }
.Ltmp16:
0x42e: {  	s31 =	simm.s32 $0x19000;
	[sflag:s10] =	ssyncadd.s32 $0xFFFFFC00;
	(pc) =	sbr.rel @p0 .LBB2_1-.Ltmp16, $4  }
0x42f: {  	[hbm4b:s8+s3] =	stream.linear.scatter [tilespmem:s31], [sflag:$0x3], $0x400, $0x38;
	[tilespmem:$0x19400] =	vst v63  }
0x430: {  	_ =	swait.ge [sflag:s10], $0x400  }
0x431: {  	[sflag:s10] =	ssyncset.done $0x0  }
0x432: {  	[sflag:s10] =	ssyncadd.s32 $0xFFFFFC00  }
0x433: {  	_ =	sfence.sel $0x180000  }
0x434: {  	[bflag:$0x0] =	sbarrier.arrive $0xFFFF  }
0x435: {  	_ =	strace $0x90000047  }
0x436: {  	s0 =	stileid.u32;
	[bflag:$0x2] =	sbarrier.arrive $0xFFFF  }
0x437: {  	p0 =	sne.s32 s0, $0x0;
	s0 =	rddreg [dreg:$0x4]  }
0x438: {  	s0 =	sadd.s32 @!p0 $0x100000, s0  }
0x439: {  	[sflag:s0] =	ssyncadd.tile.s32 @!p0 $0x1;
	_ =	shalt  }
.Lfunc_end2:
_tile_overlayer_lowered:
.L_overlay_start_2:
0x43a: {  	(tag) =	ssettag $0x2  }
0x43b: {  	s0 =	rddreg [dreg:$0x0];
	s2 =	stileid.u32  }
0x43c: {  	s1 =	rddreg [dreg:$0x1];
	p0 =	sne.s32 s2, $0x0  }
0x43d: {  	s3 =	rddreg [dreg:$0x2];
	[bflag:$0x3] =	sbarrier.arrive $0xFFFF;
	s2 =	simm.s32 @!p0 $0x1C03  }
0x43e: {  	[timem:s3], [sflag:s2] =	dma.local @!p0 [hbm:s0], s1  }
0x43f: {  	s0 =	simm.s32 @!p0 $0x3  }
0x440: {  	_ =	swait.ge @!p0 [sflag:s0], s1  }
0x441: {  	s1 =	ssub.s32 @!p0 $0x0, s1;
	[sflag:s0] =	ssyncset.done @!p0 $0x0  }
0x442: {  	[sflag:s0] =	ssyncadd.s32 @!p0 s1  }
0x443: {  	[bflag:$0x3] =	sbarrier.arrive $0xFFFF  }
0x444: {  	_ =	shalt  }

</sc_bundles>
